<compile_context>
chip_gen: v7x
topology: tpu7x:2x2x1
jax: 0.10.2.dev20260603
libtpu: 0.0.44.dev20260713+nightly
codegen_flags: <defaults>
</compile_context>

<pallas_src>
import functools

import jax
import jax.numpy as jnp
from jax import lax
from jax.experimental import pallas as pl
from jax.experimental.pallas import tpu as pltpu
from jax.experimental.pallas import tpu_sc as plsc

B = 16384
NUM_NUMERIC = 13
NUM_CAT = 26
VOCAB = 1000
EMB_DIM = 4
ROW_OUT = NUM_CAT * EMB_DIM + NUM_NUMERIC
ROW_PAD = 120
OUT_WORDS = (ROW_PAD // 8) * B * 8

HALF = B // 2
QUARTER = B // 4
UNROLL = 8


def _ilv(pos):
  return pos + (pos >> 7) * 896


def _sc_embed(x_cols, tbl_f):
  mesh = plsc.VectorSubcoreMesh(core_axis_name="c", subcore_axis_name="s")

  @functools.partial(
      pl.kernel,
      out_type=jax.ShapeDtypeStruct((OUT_WORDS,), jnp.float32),
      mesh=mesh,
      scratch_types=[
          pltpu.VMEM((8 * HALF,), jnp.float32),
          pltpu.VMEM((HALF,), jnp.float32),
          pltpu.VMEM((HALF,), jnp.float32),
          pltpu.VMEM((2 * EMB_DIM * VOCAB,), jnp.float32),
          pltpu.SemaphoreType.DMA,
          pltpu.SemaphoreType.DMA,
          pltpu.SemaphoreType.DMA,
      ],
      compiler_params=pltpu.CompilerParams(needs_layout_passes=False),
  )
  def k(x_hbm, tbl_hbm, out_hbm, emb_v, ids0_v, ids1_v, tbl_v, sem_in,
        sem_in2, sem_out):
    wid = lax.axis_index("s") * 2 + lax.axis_index("c")
    role = wid // 2
    h = wid % 2

    @pl.when(wid < NUM_CAT)
    def _field_pair():
      f0 = role * 2
      quarter = HALF // 2
      first, second = [], []
      first.append(pltpu.async_copy(
          tbl_hbm.at[pl.ds(f0 * (EMB_DIM * VOCAB), 2 * EMB_DIM * VOCAB)],
          tbl_v, sem_in))
      for c, ids_v in ((f0, ids0_v), (f0 + 1, ids1_v)):
        first.append(pltpu.async_copy(
            x_hbm.at[NUM_NUMERIC + c, pl.ds(h * HALF, quarter)],
            ids_v.at[pl.ds(0, quarter)], sem_in))
        second.append(pltpu.async_copy(
            x_hbm.at[NUM_NUMERIC + c, pl.ds(h * HALF + quarter, quarter)],
            ids_v.at[pl.ds(quarter, quarter)], sem_in2))
      out_base = (role * 2 + h) * 8 * HALF
      outs = []
      for q in range(2):
        for d_i in (first if q == 0 else second):
          d_i.wait()

        @plsc.parallel_loop(q * quarter, (q + 1) * quarter, step=16,
                            unroll=UNROLL)
        def _body(pos):
          lb = _ilv(pos)
          ids0 = ids0_v[pl.ds(pos, 16)].astype(jnp.int32)
          for d in range(EMB_DIM):
            v = plsc.load_gather(tbl_v, [ids0 + d * VOCAB])
            emb_v[pl.ds(lb + d * 128, 16)] = v
          ids1 = ids1_v[pl.ds(pos, 16)].astype(jnp.int32)
          for d in range(EMB_DIM):
            v = plsc.load_gather(tbl_v, [ids1 + (EMB_DIM + d) * VOCAB])
            emb_v[pl.ds(lb + (EMB_DIM + d) * 128, 16)] = v

        outs.append(pltpu.async_copy(
            emb_v.at[pl.ds(q * 4 * HALF, 4 * HALF)],
            out_hbm.at[pl.ds(out_base + q * 4 * HALF, 4 * HALF)], sem_out))
      for d_o in outs:
        d_o.wait()

    def _numeric(base_col, ncols, rbase, nrows, out_off):
      bufs = (ids0_v, ids1_v)
      sems = (sem_in, sem_in2)
      pend = pltpu.async_copy(
          x_hbm.at[base_col, pl.ds(rbase, nrows)],
          bufs[0].at[pl.ds(0, nrows)], sems[0])
      for j in range(ncols):
        nxt = None
        if j + 1 < ncols:
          nxt = pltpu.async_copy(
              x_hbm.at[base_col + j + 1, pl.ds(rbase, nrows)],
              bufs[(j + 1) % 2].at[pl.ds(0, nrows)], sems[(j + 1) % 2])
        pend.wait()
        pend = nxt
        buf = bufs[j % 2]

        @plsc.parallel_loop(0, nrows, step=16, unroll=UNROLL)
        def _copy(pos, j=j, buf=buf):
          emb_v[pl.ds(_ilv(pos) + j * 128, 16)] = buf[pl.ds(pos, 16)]

      pltpu.sync_copy(emb_v.at[pl.ds(0, 8 * nrows)],
                      out_hbm.at[pl.ds(out_off, 8 * nrows)])

    for q in range(4):

      @pl.when(wid == NUM_CAT + q)
      def _numeric_a(q=q):
        _numeric(0, 8, q * QUARTER, QUARTER,
                 13 * (8 * B) + q * 8 * QUARTER)

    for h2 in range(2):

      @pl.when(wid == NUM_CAT + 4 + h2)
      def _numeric_b(h2=h2):
        _numeric(8, 5, h2 * HALF, HALF, 14 * (8 * B) + h2 * 8 * HALF)

  return k(x_cols, tbl_f)


def kernel(x, tables):
  x_cols = x.T
  tbl_f = tables.transpose(0, 2, 1).reshape(-1)
  out_phys = _sc_embed(x_cols, tbl_f)
  out = (out_phys.reshape(ROW_PAD // 8, B // 128, 8, 128)
         .transpose(1, 3, 0, 2)
         .reshape(B, ROW_PAD)[:, :ROW_OUT])
  return out

# --- scband reference (transcript-rebuilt; emitter-appended) ---
"""Pipeline reference for scband-base-survival-class-39204461478237 (READ-ONLY COPY).

The authoritative reference and input builder live on the scoring server;
editing this copy changes nothing except your own understanding.
"""

import jax, jax.numpy as jnp
import numpy as np

B = 16384
NUM_NUMERIC = 13
NUM_CAT = 26
VOCAB = 1000
EMB_DIM = 4

def setup_inputs(seed: int = 0) -> dict:
    key = jax.random.key(seed)
    kx, kt = jax.random.split(key)
    # x layout follows features = numeric_cols + categorical_cols:
    # columns [0:13] numeric, columns [13:39] categorical ids (stored as float32)
    x_int = jax.random.randint(kx, (B, NUM_NUMERIC + NUM_CAT), 0, VOCAB)
    x = x_int.astype(jnp.float32)
    # 26 embedding tables of shape [VOCAB, EMB_DIM], stacked
    tables = jax.random.normal(kt, (NUM_CAT, VOCAB, EMB_DIM), dtype=jnp.float32)
    return {"x": x, "tables": tables}

def reference(x, tables):
    # embed(): per-categorical-column embedding lookup, then concat with numeric cols
    cat_idx = x[:, NUM_NUMERIC:].astype(jnp.int32)  # [B, 26]
    # per-field gather: tables[f][cat_idx[:, f]] for each field f
    embedded = jax.vmap(lambda t, idx: jnp.take(t, idx, axis=0), in_axes=(0, 1), out_axes=1)(tables, cat_idx)  # [B, 26, 4]
    embedded = embedded.reshape(x.shape[0], NUM_CAT * EMB_DIM)  # [B, 104]
    numerical = x[:, :NUM_NUMERIC].astype(jnp.float32)  # [B, 13]
    out = jnp.concatenate([embedded, numerical], axis=1)  # [B, 117]
    return out

if __name__ == "__main__":
    import jax
    _d = setup_inputs()
    print(jax.jit(kernel)(*tuple(_d.values())))

</pallas_src>

<mosaic_0001>
#map = affine_map<(d0, d1) -> (0, 0)>
#map1 = affine_map<(d0, d1) -> (0)>
module attributes {stable_mosaic.version = 14 : i64} {
  func.func @k(%arg0: i32, %arg1: i32, %arg2: memref<39x16384xf32, #tpu.memory_space<hbm>>, %arg3: memref<104000xf32, #tpu.memory_space<hbm>>, %arg4: memref<1966080xf32, #tpu.memory_space<hbm>>, %arg5: memref<65536xf32, #tpu.memory_space<vmem>>, %arg6: memref<8192xf32, #tpu.memory_space<vmem>>, %arg7: memref<8192xf32, #tpu.memory_space<vmem>>, %arg8: memref<8000xf32, #tpu.memory_space<vmem>>, %arg9: memref<!tpu.dma_semaphore, #tpu.memory_space<semaphore_mem>>, %arg10: memref<!tpu.dma_semaphore, #tpu.memory_space<semaphore_mem>>, %arg11: memref<!tpu.dma_semaphore, #tpu.memory_space<semaphore_mem>>) attributes {dimension_semantics = [#tpu.dimension_semantics<core_parallel>, #tpu.dimension_semantics<subcore_parallel>], iteration_bounds = array<i64: 2, 16>, scalar_prefetch = 0 : i64, scratch_operands = 7 : i64, tpu.core_type = #tpu.core_type<sc_vector_subcore>, window_params = [{transform_indices = #map}, {transform_indices = #map1}, {transform_indices = #map1}]} {
    %mul3A = arith.constant 2 : i32
    %mul3A_0 = arith.muli %arg1, %mul3A : i32
    %add3A = arith.addi %mul3A_0, %arg0 : i32
    %jit3A = arith.constant 2 : i32
    %div3A = arith.divsi %add3A, %jit3A : i32
    %sign3A = arith.constant 0 : i32
    %sign3A_1 = arith.cmpi sgt, %add3A, %sign3A : i32
    %sign3A_2 = arith.extui %sign3A_1 : i1 to i32
    %sign3A_3 = arith.constant 0 : i32
    %sign3A_4 = arith.cmpi slt, %add3A, %sign3A_3 : i32
    %sign3A_5 = arith.extui %sign3A_4 : i1 to i32
    %sign3A_6 = arith.subi %sign3A_2, %sign3A_5 : i32
    %sign3A_7 = arith.constant 0 : i32
    %sign3A_8 = arith.cmpi sgt, %jit3A, %sign3A_7 : i32
    %sign3A_9 = arith.extui %sign3A_8 : i1 to i32
    %sign3A_10 = arith.constant 0 : i32
    %sign3A_11 = arith.cmpi slt, %jit3A, %sign3A_10 : i32
    %sign3A_12 = arith.extui %sign3A_11 : i1 to i32
    %sign3A_13 = arith.subi %sign3A_9, %sign3A_12 : i32
    %ne3A = arith.cmpi ne, %sign3A_6, %sign3A_13 : i32
    %rem3A = arith.remsi %add3A, %jit3A : i32
    %ne3A_14 = arith.constant 0 : i32
    %ne3A_15 = arith.cmpi ne, %rem3A, %ne3A_14 : i32
    %and3A = arith.andi %ne3A, %ne3A_15 : i1
    %sub3A = arith.constant 1 : i32
    %sub3A_16 = arith.subi %div3A, %sub3A : i32
    %select_n3A = arith.select %and3A, %sub3A_16, %div3A : i32
    %jit3A_17 = arith.constant 2 : i32
    %eq3A = arith.constant 0 : i32
    %eq3A_18 = arith.cmpi eq, %jit3A_17, %eq3A : i32
    %jit3A_19 = arith.constant 1 : i32
    %select_n3A_20 = arith.select %eq3A_18, %jit3A_19, %jit3A_17 : i32
    %rem3A_21 = arith.remsi %add3A, %select_n3A_20 : i32
    %ne3A_22 = arith.constant 0 : i32
    %ne3A_23 = arith.cmpi ne, %rem3A_21, %ne3A_22 : i32
    %lt3A = arith.constant 0 : i32
    %lt3A_24 = arith.cmpi slt, %rem3A_21, %lt3A : i32
    %lt3A_25 = arith.constant 0 : i32
    %lt3A_26 = arith.cmpi slt, %select_n3A_20, %lt3A_25 : i32
    %ne3A_27 = arith.xori %lt3A_24, %lt3A_26 : i1
    %and3A_28 = arith.andi %ne3A_27, %ne3A_23 : i1
    %add3A_29 = arith.addi %rem3A_21, %select_n3A_20 : i32
    %select_n3A_30 = arith.select %and3A_28, %add3A_29, %rem3A_21 : i32
    %lt3A_31 = arith.constant 26 : i32
    %lt3A_32 = arith.cmpi slt, %add3A, %lt3A_31 : i32
    %convert_element_type3A = arith.extui %lt3A_32 : i1 to i32
    %cond3A = arith.constant 0 : i32
    %cond3A_33 = arith.cmpi ne, %convert_element_type3A, %cond3A : i32
    scf.if %cond3A_33 {
      %mul3A_64 = arith.constant 2 : i32
      %mul3A_65 = arith.muli %select_n3A, %mul3A_64 : i32
      %mul3A_66 = arith.constant 4000 : i32
      %mul3A_67 = arith.muli %mul3A_65, %mul3A_66 : i32
      %dma_start3A = tpu.memref_slice %arg3[%mul3A_67] : memref<104000xf32, #tpu.memory_space<hbm>> -> memref<8000xf32, #tpu.memory_space<hbm>>
      %dma_start3A_68 = tpu.memref_slice %arg3[%mul3A_67] : memref<104000xf32, #tpu.memory_space<hbm>> -> memref<8000xf32, #tpu.memory_space<hbm>>
      tpu.enqueue_dma source(%dma_start3A_68 : memref<8000xf32, #tpu.memory_space<hbm>>) target(%arg8 : memref<8000xf32, #tpu.memory_space<vmem>>) target_semaphore(%arg9 : memref<!tpu.dma_semaphore, #tpu.memory_space<semaphore_mem>>)
      %add3A_69 = arith.constant 1 : i32
      %add3A_70 = arith.addi %mul3A_65, %add3A_69 : i32
      %add3A_71 = arith.constant 13 : i32
      %add3A_72 = arith.addi %add3A_71, %mul3A_65 : i32
      %mul3A_73 = arith.constant 8192 : i32
      %mul3A_74 = arith.muli %select_n3A_30, %mul3A_73 : i32
      %dma_start3A_75 = arith.constant 0 : i32
      %dma_start3A_76 = tpu.memref_slice %arg6[%dma_start3A_75] : memref<8192xf32, #tpu.memory_space<vmem>> -> memref<4096xf32, #tpu.memory_space<vmem>>
      %dma_start3A_77 = tpu.memref_slice %arg2[%add3A_72, %mul3A_74] : memref<39x16384xf32, #tpu.memory_space<hbm>> -> memref<1x4096xf32, #tpu.memory_space<hbm>>
      %dma_start3A_78 = tpu.memref_squeeze %dma_start3A_77 : memref<1x4096xf32, #tpu.memory_space<hbm>> -> memref<4096xf32, #tpu.memory_space<hbm>>
      %dma_start3A_79 = arith.constant 0 : i32
      %dma_start3A_80 = tpu.memref_slice %arg6[%dma_start3A_79] : memref<8192xf32, #tpu.memory_space<vmem>> -> memref<4096xf32, #tpu.memory_space<vmem>>
      %dma_start3A_81 = tpu.memref_slice %arg2[%add3A_72, %mul3A_74] : memref<39x16384xf32, #tpu.memory_space<hbm>> -> memref<1x4096xf32, #tpu.memory_space<hbm>>
      %dma_start3A_82 = tpu.memref_squeeze %dma_start3A_81 : memref<1x4096xf32, #tpu.memory_space<hbm>> -> memref<4096xf32, #tpu.memory_space<hbm>>
      tpu.enqueue_dma source(%dma_start3A_82 : memref<4096xf32, #tpu.memory_space<hbm>>) target(%dma_start3A_80 : memref<4096xf32, #tpu.memory_space<vmem>>) target_semaphore(%arg9 : memref<!tpu.dma_semaphore, #tpu.memory_space<semaphore_mem>>)
      %add3A_83 = arith.constant 13 : i32
      %add3A_84 = arith.addi %add3A_83, %mul3A_65 : i32
      %mul3A_85 = arith.constant 8192 : i32
      %mul3A_86 = arith.muli %select_n3A_30, %mul3A_85 : i32
      %add3A_87 = arith.constant 4096 : i32
      %add3A_88 = arith.addi %mul3A_86, %add3A_87 : i32
      %dma_start3A_89 = arith.constant 4096 : i32
      %dma_start3A_90 = tpu.memref_slice %arg6[%dma_start3A_89] : memref<8192xf32, #tpu.memory_space<vmem>> -> memref<4096xf32, #tpu.memory_space<vmem>>
      %dma_start3A_91 = tpu.memref_slice %arg2[%add3A_84, %add3A_88] : memref<39x16384xf32, #tpu.memory_space<hbm>> -> memref<1x4096xf32, #tpu.memory_space<hbm>>
      %dma_start3A_92 = tpu.memref_squeeze %dma_start3A_91 : memref<1x4096xf32, #tpu.memory_space<hbm>> -> memref<4096xf32, #tpu.memory_space<hbm>>
      %dma_start3A_93 = arith.constant 4096 : i32
      %dma_start3A_94 = tpu.memref_slice %arg6[%dma_start3A_93] : memref<8192xf32, #tpu.memory_space<vmem>> -> memref<4096xf32, #tpu.memory_space<vmem>>
      %dma_start3A_95 = tpu.memref_slice %arg2[%add3A_84, %add3A_88] : memref<39x16384xf32, #tpu.memory_space<hbm>> -> memref<1x4096xf32, #tpu.memory_space<hbm>>
      %dma_start3A_96 = tpu.memref_squeeze %dma_start3A_95 : memref<1x4096xf32, #tpu.memory_space<hbm>> -> memref<4096xf32, #tpu.memory_space<hbm>>
      tpu.enqueue_dma source(%dma_start3A_96 : memref<4096xf32, #tpu.memory_space<hbm>>) target(%dma_start3A_94 : memref<4096xf32, #tpu.memory_space<vmem>>) target_semaphore(%arg10 : memref<!tpu.dma_semaphore, #tpu.memory_space<semaphore_mem>>)
      %add3A_97 = arith.constant 13 : i32
      %add3A_98 = arith.addi %add3A_97, %add3A_70 : i32
      %mul3A_99 = arith.constant 8192 : i32
      %mul3A_100 = arith.muli %select_n3A_30, %mul3A_99 : i32
      %dma_start3A_101 = arith.constant 0 : i32
      %dma_start3A_102 = tpu.memref_slice %arg7[%dma_start3A_101] : memref<8192xf32, #tpu.memory_space<vmem>> -> memref<4096xf32, #tpu.memory_space<vmem>>
      %dma_start3A_103 = tpu.memref_slice %arg2[%add3A_98, %mul3A_100] : memref<39x16384xf32, #tpu.memory_space<hbm>> -> memref<1x4096xf32, #tpu.memory_space<hbm>>
      %dma_start3A_104 = tpu.memref_squeeze %dma_start3A_103 : memref<1x4096xf32, #tpu.memory_space<hbm>> -> memref<4096xf32, #tpu.memory_space<hbm>>
      %dma_start3A_105 = arith.constant 0 : i32
      %dma_start3A_106 = tpu.memref_slice %arg7[%dma_start3A_105] : memref<8192xf32, #tpu.memory_space<vmem>> -> memref<4096xf32, #tpu.memory_space<vmem>>
      %dma_start3A_107 = tpu.memref_slice %arg2[%add3A_98, %mul3A_100] : memref<39x16384xf32, #tpu.memory_space<hbm>> -> memref<1x4096xf32, #tpu.memory_space<hbm>>
      %dma_start3A_108 = tpu.memref_squeeze %dma_start3A_107 : memref<1x4096xf32, #tpu.memory_space<hbm>> -> memref<4096xf32, #tpu.memory_space<hbm>>
      tpu.enqueue_dma source(%dma_start3A_108 : memref<4096xf32, #tpu.memory_space<hbm>>) target(%dma_start3A_106 : memref<4096xf32, #tpu.memory_space<vmem>>) target_semaphore(%arg9 : memref<!tpu.dma_semaphore, #tpu.memory_space<semaphore_mem>>)
      %add3A_109 = arith.constant 13 : i32
      %add3A_110 = arith.addi %add3A_109, %add3A_70 : i32
      %mul3A_111 = arith.constant 8192 : i32
      %mul3A_112 = arith.muli %select_n3A_30, %mul3A_111 : i32
      %add3A_113 = arith.constant 4096 : i32
      %add3A_114 = arith.addi %mul3A_112, %add3A_113 : i32
      %dma_start3A_115 = arith.constant 4096 : i32
      %dma_start3A_116 = tpu.memref_slice %arg7[%dma_start3A_115] : memref<8192xf32, #tpu.memory_space<vmem>> -> memref<4096xf32, #tpu.memory_space<vmem>>
      %dma_start3A_117 = tpu.memref_slice %arg2[%add3A_110, %add3A_114] : memref<39x16384xf32, #tpu.memory_space<hbm>> -> memref<1x4096xf32, #tpu.memory_space<hbm>>
      %dma_start3A_118 = tpu.memref_squeeze %dma_start3A_117 : memref<1x4096xf32, #tpu.memory_space<hbm>> -> memref<4096xf32, #tpu.memory_space<hbm>>
      %dma_start3A_119 = arith.constant 4096 : i32
      %dma_start3A_120 = tpu.memref_slice %arg7[%dma_start3A_119] : memref<8192xf32, #tpu.memory_space<vmem>> -> memref<4096xf32, #tpu.memory_space<vmem>>
      %dma_start3A_121 = tpu.memref_slice %arg2[%add3A_110, %add3A_114] : memref<39x16384xf32, #tpu.memory_space<hbm>> -> memref<1x4096xf32, #tpu.memory_space<hbm>>
      %dma_start3A_122 = tpu.memref_squeeze %dma_start3A_121 : memref<1x4096xf32, #tpu.memory_space<hbm>> -> memref<4096xf32, #tpu.memory_space<hbm>>
      tpu.enqueue_dma source(%dma_start3A_122 : memref<4096xf32, #tpu.memory_space<hbm>>) target(%dma_start3A_120 : memref<4096xf32, #tpu.memory_space<vmem>>) target_semaphore(%arg10 : memref<!tpu.dma_semaphore, #tpu.memory_space<semaphore_mem>>)
      %mul3A_123 = arith.constant 2 : i32
      %mul3A_124 = arith.muli %select_n3A, %mul3A_123 : i32
      %add3A_125 = arith.addi %mul3A_124, %select_n3A_30 : i32
      %mul3A_126 = arith.constant 8 : i32
      %mul3A_127 = arith.muli %add3A_125, %mul3A_126 : i32
      %mul3A_128 = arith.constant 8192 : i32
      %mul3A_129 = arith.muli %mul3A_127, %mul3A_128 : i32
      %dma_wait3A = tpu.memref_slice %arg3[%mul3A_67] : memref<104000xf32, #tpu.memory_space<hbm>> -> memref<8000xf32, #tpu.memory_space<hbm>>
      %dma_wait3A_130 = tpu.memref_slice %arg3[%mul3A_67] : memref<104000xf32, #tpu.memory_space<hbm>> -> memref<8000xf32, #tpu.memory_space<hbm>>
      tpu.wait_dma2 semaphore(%arg9 : memref<!tpu.dma_semaphore, #tpu.memory_space<semaphore_mem>>) src(%dma_wait3A_130 : memref<8000xf32, #tpu.memory_space<hbm>>) dst(%arg8 : memref<8000xf32, #tpu.memory_space<vmem>>)
      %dma_wait3A_131 = arith.constant 0 : i32
      %dma_wait3A_132 = tpu.memref_slice %arg6[%dma_wait3A_131] : memref<8192xf32, #tpu.memory_space<vmem>> -> memref<4096xf32, #tpu.memory_space<vmem>>
      %dma_wait3A_133 = tpu.memref_slice %arg2[%add3A_72, %mul3A_74] : memref<39x16384xf32, #tpu.memory_space<hbm>> -> memref<1x4096xf32, #tpu.memory_space<hbm>>
      %dma_wait3A_134 = tpu.memref_squeeze %dma_wait3A_133 : memref<1x4096xf32, #tpu.memory_space<hbm>> -> memref<4096xf32, #tpu.memory_space<hbm>>
      %dma_wait3A_135 = arith.constant 0 : i32
      %dma_wait3A_136 = tpu.memref_slice %arg6[%dma_wait3A_135] : memref<8192xf32, #tpu.memory_space<vmem>> -> memref<4096xf32, #tpu.memory_space<vmem>>
      %dma_wait3A_137 = tpu.memref_slice %arg2[%add3A_72, %mul3A_74] : memref<39x16384xf32, #tpu.memory_space<hbm>> -> memref<1x4096xf32, #tpu.memory_space<hbm>>
      %dma_wait3A_138 = tpu.memref_squeeze %dma_wait3A_137 : memref<1x4096xf32, #tpu.memory_space<hbm>> -> memref<4096xf32, #tpu.memory_space<hbm>>
      tpu.wait_dma2 semaphore(%arg9 : memref<!tpu.dma_semaphore, #tpu.memory_space<semaphore_mem>>) src(%dma_wait3A_138 : memref<4096xf32, #tpu.memory_space<hbm>>) dst(%dma_wait3A_136 : memref<4096xf32, #tpu.memory_space<vmem>>)
      %dma_wait3A_139 = arith.constant 0 : i32
      %dma_wait3A_140 = tpu.memref_slice %arg7[%dma_wait3A_139] : memref<8192xf32, #tpu.memory_space<vmem>> -> memref<4096xf32, #tpu.memory_space<vmem>>
      %dma_wait3A_141 = tpu.memref_slice %arg2[%add3A_98, %mul3A_100] : memref<39x16384xf32, #tpu.memory_space<hbm>> -> memref<1x4096xf32, #tpu.memory_space<hbm>>
      %dma_wait3A_142 = tpu.memref_squeeze %dma_wait3A_141 : memref<1x4096xf32, #tpu.memory_space<hbm>> -> memref<4096xf32, #tpu.memory_space<hbm>>
      %dma_wait3A_143 = arith.constant 0 : i32
      %dma_wait3A_144 = tpu.memref_slice %arg7[%dma_wait3A_143] : memref<8192xf32, #tpu.memory_space<vmem>> -> memref<4096xf32, #tpu.memory_space<vmem>>
      %dma_wait3A_145 = tpu.memref_slice %arg2[%add3A_98, %mul3A_100] : memref<39x16384xf32, #tpu.memory_space<hbm>> -> memref<1x4096xf32, #tpu.memory_space<hbm>>
      %dma_wait3A_146 = tpu.memref_squeeze %dma_wait3A_145 : memref<1x4096xf32, #tpu.memory_space<hbm>> -> memref<4096xf32, #tpu.memory_space<hbm>>
      tpu.wait_dma2 semaphore(%arg9 : memref<!tpu.dma_semaphore, #tpu.memory_space<semaphore_mem>>) src(%dma_wait3A_146 : memref<4096xf32, #tpu.memory_space<hbm>>) dst(%dma_wait3A_144 : memref<4096xf32, #tpu.memory_space<vmem>>)
      %parallel_loop3A = arith.constant 0 : i32
      %parallel_loop3A_147 = arith.constant 4096 : i32
      %parallel_loop3A_148 = arith.constant 16 : i32
      scf.for %parallel_loop3A_196 = %parallel_loop3A to %parallel_loop3A_147 step %parallel_loop3A_148  : i32 {
        %parallel_loop3A_197 = arith.constant 7 : i32
        %parallel_loop3A_198 = arith.shrsi %parallel_loop3A_196, %parallel_loop3A_197 : i32
        %parallel_loop3A_199 = arith.constant 896 : i32
        %parallel_loop3A_200 = arith.muli %parallel_loop3A_198, %parallel_loop3A_199 : i32
        %parallel_loop3A_201 = arith.addi %parallel_loop3A_196, %parallel_loop3A_200 : i32
        %parallel_loop3A_202 = arith.index_cast %parallel_loop3A_196 : i32 to index
        %parallel_loop3A_203 = tpu.vector_load %arg6[%parallel_loop3A_202] {strides = array<i32>} : memref<8192xf32, #tpu.memory_space<vmem>>, vector<16xf32>,
        %parallel_loop3A_204 = arith.fptosi %parallel_loop3A_203 : vector<16xf32> to vector<16xi32>
        %parallel_loop3A_205 = arith.constant 0 : i32
        %parallel_loop3A_206 = vector.broadcast %parallel_loop3A_205 : i32 to vector<16xi32>
        %parallel_loop3A_207 = arith.addi %parallel_loop3A_204, %parallel_loop3A_206 : vector<16xi32>
        %parallel_loop3A_208 = tpu.vector_load_idx %arg8[%parallel_loop3A_207] : memref<8000xf32, #tpu.memory_space<vmem>>[vector<16xi32>], vector<16xf32>,
        %parallel_loop3A_209 = arith.constant 0 : i32
        %parallel_loop3A_210 = arith.addi %parallel_loop3A_201, %parallel_loop3A_209 : i32
        %parallel_loop3A_211 = arith.index_cast %parallel_loop3A_210 : i32 to index
        %parallel_loop3A_212 = tpu.vector_load %arg5[%parallel_loop3A_211] {strides = array<i32>} : memref<65536xf32, #tpu.memory_space<vmem>>, vector<16xf32>,
        tpu.vector_store %arg5[%parallel_loop3A_211], %parallel_loop3A_208 {strides = array<i32>} : memref<65536xf32, #tpu.memory_space<vmem>>, vector<16xf32>,
        %parallel_loop3A_213 = arith.constant 1000 : i32
        %parallel_loop3A_214 = vector.broadcast %parallel_loop3A_213 : i32 to vector<16xi32>
        %parallel_loop3A_215 = arith.addi %parallel_loop3A_204, %parallel_loop3A_214 : vector<16xi32>
        %parallel_loop3A_216 = tpu.vector_load_idx %arg8[%parallel_loop3A_215] : memref<8000xf32, #tpu.memory_space<vmem>>[vector<16xi32>], vector<16xf32>,
        %parallel_loop3A_217 = arith.constant 128 : i32
        %parallel_loop3A_218 = arith.addi %parallel_loop3A_201, %parallel_loop3A_217 : i32
        %parallel_loop3A_219 = arith.index_cast %parallel_loop3A_218 : i32 to index
        %parallel_loop3A_220 = tpu.vector_load %arg5[%parallel_loop3A_219] {strides = array<i32>} : memref<65536xf32, #tpu.memory_space<vmem>>, vector<16xf32>,
        tpu.vector_store %arg5[%parallel_loop3A_219], %parallel_loop3A_216 {strides = array<i32>} : memref<65536xf32, #tpu.memory_space<vmem>>, vector<16xf32>,
        %parallel_loop3A_221 = arith.constant 2000 : i32
        %parallel_loop3A_222 = vector.broadcast %parallel_loop3A_221 : i32 to vector<16xi32>
        %parallel_loop3A_223 = arith.addi %parallel_loop3A_204, %parallel_loop3A_222 : vector<16xi32>
        %parallel_loop3A_224 = tpu.vector_load_idx %arg8[%parallel_loop3A_223] : memref<8000xf32, #tpu.memory_space<vmem>>[vector<16xi32>], vector<16xf32>,
        %parallel_loop3A_225 = arith.constant 256 : i32
        %parallel_loop3A_226 = arith.addi %parallel_loop3A_201, %parallel_loop3A_225 : i32
        %parallel_loop3A_227 = arith.index_cast %parallel_loop3A_226 : i32 to index
        %parallel_loop3A_228 = tpu.vector_load %arg5[%parallel_loop3A_227] {strides = array<i32>} : memref<65536xf32, #tpu.memory_space<vmem>>, vector<16xf32>,
        tpu.vector_store %arg5[%parallel_loop3A_227], %parallel_loop3A_224 {strides = array<i32>} : memref<65536xf32, #tpu.memory_space<vmem>>, vector<16xf32>,
        %parallel_loop3A_229 = arith.constant 3000 : i32
        %parallel_loop3A_230 = vector.broadcast %parallel_loop3A_229 : i32 to vector<16xi32>
        %parallel_loop3A_231 = arith.addi %parallel_loop3A_204, %parallel_loop3A_230 : vector<16xi32>
        %parallel_loop3A_232 = tpu.vector_load_idx %arg8[%parallel_loop3A_231] : memref<8000xf32, #tpu.memory_space<vmem>>[vector<16xi32>], vector<16xf32>,
        %parallel_loop3A_233 = arith.constant 384 : i32
        %parallel_loop3A_234 = arith.addi %parallel_loop3A_201, %parallel_loop3A_233 : i32
        %parallel_loop3A_235 = arith.index_cast %parallel_loop3A_234 : i32 to index
        %parallel_loop3A_236 = tpu.vector_load %arg5[%parallel_loop3A_235] {strides = array<i32>} : memref<65536xf32, #tpu.memory_space<vmem>>, vector<16xf32>,
        tpu.vector_store %arg5[%parallel_loop3A_235], %parallel_loop3A_232 {strides = array<i32>} : memref<65536xf32, #tpu.memory_space<vmem>>, vector<16xf32>,
        %parallel_loop3A_237 = arith.index_cast %parallel_loop3A_196 : i32 to index
        %parallel_loop3A_238 = tpu.vector_load %arg7[%parallel_loop3A_237] {strides = array<i32>} : memref<8192xf32, #tpu.memory_space<vmem>>, vector<16xf32>,
        %parallel_loop3A_239 = arith.fptosi %parallel_loop3A_238 : vector<16xf32> to vector<16xi32>
        %parallel_loop3A_240 = arith.constant 4000 : i32
        %parallel_loop3A_241 = vector.broadcast %parallel_loop3A_240 : i32 to vector<16xi32>
        %parallel_loop3A_242 = arith.addi %parallel_loop3A_239, %parallel_loop3A_241 : vector<16xi32>
        %parallel_loop3A_243 = tpu.vector_load_idx %arg8[%parallel_loop3A_242] : memref<8000xf32, #tpu.memory_space<vmem>>[vector<16xi32>], vector<16xf32>,
        %parallel_loop3A_244 = arith.constant 512 : i32
        %parallel_loop3A_245 = arith.addi %parallel_loop3A_201, %parallel_loop3A_244 : i32
        %parallel_loop3A_246 = arith.index_cast %parallel_loop3A_245 : i32 to index
        %parallel_loop3A_247 = tpu.vector_load %arg5[%parallel_loop3A_246] {strides = array<i32>} : memref<65536xf32, #tpu.memory_space<vmem>>, vector<16xf32>,
        tpu.vector_store %arg5[%parallel_loop3A_246], %parallel_loop3A_243 {strides = array<i32>} : memref<65536xf32, #tpu.memory_space<vmem>>, vector<16xf32>,
        %parallel_loop3A_248 = arith.constant 5000 : i32
        %parallel_loop3A_249 = vector.broadcast %parallel_loop3A_248 : i32 to vector<16xi32>
        %parallel_loop3A_250 = arith.addi %parallel_loop3A_239, %parallel_loop3A_249 : vector<16xi32>
        %parallel_loop3A_251 = tpu.vector_load_idx %arg8[%parallel_loop3A_250] : memref<8000xf32, #tpu.memory_space<vmem>>[vector<16xi32>], vector<16xf32>,
        %parallel_loop3A_252 = arith.constant 640 : i32
        %parallel_loop3A_253 = arith.addi %parallel_loop3A_201, %parallel_loop3A_252 : i32
        %parallel_loop3A_254 = arith.index_cast %parallel_loop3A_253 : i32 to index
        %parallel_loop3A_255 = tpu.vector_load %arg5[%parallel_loop3A_254] {strides = array<i32>} : memref<65536xf32, #tpu.memory_space<vmem>>, vector<16xf32>,
        tpu.vector_store %arg5[%parallel_loop3A_254], %parallel_loop3A_251 {strides = array<i32>} : memref<65536xf32, #tpu.memory_space<vmem>>, vector<16xf32>,
        %parallel_loop3A_256 = arith.constant 6000 : i32
        %parallel_loop3A_257 = vector.broadcast %parallel_loop3A_256 : i32 to vector<16xi32>
        %parallel_loop3A_258 = arith.addi %parallel_loop3A_239, %parallel_loop3A_257 : vector<16xi32>
        %parallel_loop3A_259 = tpu.vector_load_idx %arg8[%parallel_loop3A_258] : memref<8000xf32, #tpu.memory_space<vmem>>[vector<16xi32>], vector<16xf32>,
        %parallel_loop3A_260 = arith.constant 768 : i32
        %parallel_loop3A_261 = arith.addi %parallel_loop3A_201, %parallel_loop3A_260 : i32
        %parallel_loop3A_262 = arith.index_cast %parallel_loop3A_261 : i32 to index
        %parallel_loop3A_263 = tpu.vector_load %arg5[%parallel_loop3A_262] {strides = array<i32>} : memref<65536xf32, #tpu.memory_space<vmem>>, vector<16xf32>,
        tpu.vector_store %arg5[%parallel_loop3A_262], %parallel_loop3A_259 {strides = array<i32>} : memref<65536xf32, #tpu.memory_space<vmem>>, vector<16xf32>,
        %parallel_loop3A_264 = arith.constant 7000 : i32
        %parallel_loop3A_265 = vector.broadcast %parallel_loop3A_264 : i32 to vector<16xi32>
        %parallel_loop3A_266 = arith.addi %parallel_loop3A_239, %parallel_loop3A_265 : vector<16xi32>
        %parallel_loop3A_267 = tpu.vector_load_idx %arg8[%parallel_loop3A_266] : memref<8000xf32, #tpu.memory_space<vmem>>[vector<16xi32>], vector<16xf32>,
        %parallel_loop3A_268 = arith.constant 896 : i32
        %parallel_loop3A_269 = arith.addi %parallel_loop3A_201, %parallel_loop3A_268 : i32
        %parallel_loop3A_270 = arith.index_cast %parallel_loop3A_269 : i32 to index
        %parallel_loop3A_271 = tpu.vector_load %arg5[%parallel_loop3A_270] {strides = array<i32>} : memref<65536xf32, #tpu.memory_space<vmem>>, vector<16xf32>,
        tpu.vector_store %arg5[%parallel_loop3A_270], %parallel_loop3A_267 {strides = array<i32>} : memref<65536xf32, #tpu.memory_space<vmem>>, vector<16xf32>,
      } {sc.loop_unroll_factor = 8 : i64, sc.parallel_access}
      %add3A_149 = arith.constant 0 : i32
      %add3A_150 = arith.addi %mul3A_129, %add3A_149 : i32
      %dma_start3A_151 = arith.constant 0 : i32
      %dma_start3A_152 = tpu.memref_slice %arg5[%dma_start3A_151] : memref<65536xf32, #tpu.memory_space<vmem>> -> memref<32768xf32, #tpu.memory_space<vmem>>
      %dma_start3A_153 = tpu.memref_slice %arg4[%add3A_150] : memref<1966080xf32, #tpu.memory_space<hbm>> -> memref<32768xf32, #tpu.memory_space<hbm>>
      %dma_start3A_154 = tpu.memref_slice %arg4[%add3A_150] : memref<1966080xf32, #tpu.memory_space<hbm>> -> memref<32768xf32, #tpu.memory_space<hbm>>
      %dma_start3A_155 = arith.constant 0 : i32
      %dma_start3A_156 = tpu.memref_slice %arg5[%dma_start3A_155] : memref<65536xf32, #tpu.memory_space<vmem>> -> memref<32768xf32, #tpu.memory_space<vmem>>
      tpu.enqueue_dma source(%dma_start3A_156 : memref<32768xf32, #tpu.memory_space<vmem>>) target(%dma_start3A_154 : memref<32768xf32, #tpu.memory_space<hbm>>) target_semaphore(%arg11 : memref<!tpu.dma_semaphore, #tpu.memory_space<semaphore_mem>>)
      %dma_wait3A_157 = arith.constant 4096 : i32
      %dma_wait3A_158 = tpu.memref_slice %arg6[%dma_wait3A_157] : memref<8192xf32, #tpu.memory_space<vmem>> -> memref<4096xf32, #tpu.memory_space<vmem>>
      %dma_wait3A_159 = tpu.memref_slice %arg2[%add3A_84, %add3A_88] : memref<39x16384xf32, #tpu.memory_space<hbm>> -> memref<1x4096xf32, #tpu.memory_space<hbm>>
      %dma_wait3A_160 = tpu.memref_squeeze %dma_wait3A_159 : memref<1x4096xf32, #tpu.memory_space<hbm>> -> memref<4096xf32, #tpu.memory_space<hbm>>
      %dma_wait3A_161 = arith.constant 4096 : i32
      %dma_wait3A_162 = tpu.memref_slice %arg6[%dma_wait3A_161] : memref<8192xf32, #tpu.memory_space<vmem>> -> memref<4096xf32, #tpu.memory_space<vmem>>
      %dma_wait3A_163 = tpu.memref_slice %arg2[%add3A_84, %add3A_88] : memref<39x16384xf32, #tpu.memory_space<hbm>> -> memref<1x4096xf32, #tpu.memory_space<hbm>>
      %dma_wait3A_164 = tpu.memref_squeeze %dma_wait3A_163 : memref<1x4096xf32, #tpu.memory_space<hbm>> -> memref<4096xf32, #tpu.memory_space<hbm>>
      tpu.wait_dma2 semaphore(%arg10 : memref<!tpu.dma_semaphore, #tpu.memory_space<semaphore_mem>>) src(%dma_wait3A_164 : memref<4096xf32, #tpu.memory_space<hbm>>) dst(%dma_wait3A_162 : memref<4096xf32, #tpu.memory_space<vmem>>)
      %dma_wait3A_165 = arith.constant 4096 : i32
      %dma_wait3A_166 = tpu.memref_slice %arg7[%dma_wait3A_165] : memref<8192xf32, #tpu.memory_space<vmem>> -> memref<4096xf32, #tpu.memory_space<vmem>>
      %dma_wait3A_167 = tpu.memref_slice %arg2[%add3A_110, %add3A_114] : memref<39x16384xf32, #tpu.memory_space<hbm>> -> memref<1x4096xf32, #tpu.memory_space<hbm>>
      %dma_wait3A_168 = tpu.memref_squeeze %dma_wait3A_167 : memref<1x4096xf32, #tpu.memory_space<hbm>> -> memref<4096xf32, #tpu.memory_space<hbm>>
      %dma_wait3A_169 = arith.constant 4096 : i32
      %dma_wait3A_170 = tpu.memref_slice %arg7[%dma_wait3A_169] : memref<8192xf32, #tpu.memory_space<vmem>> -> memref<4096xf32, #tpu.memory_space<vmem>>
      %dma_wait3A_171 = tpu.memref_slice %arg2[%add3A_110, %add3A_114] : memref<39x16384xf32, #tpu.memory_space<hbm>> -> memref<1x4096xf32, #tpu.memory_space<hbm>>
      %dma_wait3A_172 = tpu.memref_squeeze %dma_wait3A_171 : memref<1x4096xf32, #tpu.memory_space<hbm>> -> memref<4096xf32, #tpu.memory_space<hbm>>
      tpu.wait_dma2 semaphore(%arg10 : memref<!tpu.dma_semaphore, #tpu.memory_space<semaphore_mem>>) src(%dma_wait3A_172 : memref<4096xf32, #tpu.memory_space<hbm>>) dst(%dma_wait3A_170 : memref<4096xf32, #tpu.memory_space<vmem>>)
      %parallel_loop3A_173 = arith.constant 4096 : i32
      %parallel_loop3A_174 = arith.constant 8192 : i32
      %parallel_loop3A_175 = arith.constant 16 : i32
      scf.for %parallel_loop3A_196 = %parallel_loop3A_173 to %parallel_loop3A_174 step %parallel_loop3A_175  : i32 {
        %parallel_loop3A_197 = arith.constant 7 : i32
        %parallel_loop3A_198 = arith.shrsi %parallel_loop3A_196, %parallel_loop3A_197 : i32
        %parallel_loop3A_199 = arith.constant 896 : i32
        %parallel_loop3A_200 = arith.muli %parallel_loop3A_198, %parallel_loop3A_199 : i32
        %parallel_loop3A_201 = arith.addi %parallel_loop3A_196, %parallel_loop3A_200 : i32
        %parallel_loop3A_202 = arith.index_cast %parallel_loop3A_196 : i32 to index
        %parallel_loop3A_203 = tpu.vector_load %arg6[%parallel_loop3A_202] {strides = array<i32>} : memref<8192xf32, #tpu.memory_space<vmem>>, vector<16xf32>,
        %parallel_loop3A_204 = arith.fptosi %parallel_loop3A_203 : vector<16xf32> to vector<16xi32>
        %parallel_loop3A_205 = arith.constant 0 : i32
        %parallel_loop3A_206 = vector.broadcast %parallel_loop3A_205 : i32 to vector<16xi32>
        %parallel_loop3A_207 = arith.addi %parallel_loop3A_204, %parallel_loop3A_206 : vector<16xi32>
        %parallel_loop3A_208 = tpu.vector_load_idx %arg8[%parallel_loop3A_207] : memref<8000xf32, #tpu.memory_space<vmem>>[vector<16xi32>], vector<16xf32>,
        %parallel_loop3A_209 = arith.constant 0 : i32
        %parallel_loop3A_210 = arith.addi %parallel_loop3A_201, %parallel_loop3A_209 : i32
        %parallel_loop3A_211 = arith.index_cast %parallel_loop3A_210 : i32 to index
        %parallel_loop3A_212 = tpu.vector_load %arg5[%parallel_loop3A_211] {strides = array<i32>} : memref<65536xf32, #tpu.memory_space<vmem>>, vector<16xf32>,
        tpu.vector_store %arg5[%parallel_loop3A_211], %parallel_loop3A_208 {strides = array<i32>} : memref<65536xf32, #tpu.memory_space<vmem>>, vector<16xf32>,
        %parallel_loop3A_213 = arith.constant 1000 : i32
        %parallel_loop3A_214 = vector.broadcast %parallel_loop3A_213 : i32 to vector<16xi32>
        %parallel_loop3A_215 = arith.addi %parallel_loop3A_204, %parallel_loop3A_214 : vector<16xi32>
        %parallel_loop3A_216 = tpu.vector_load_idx %arg8[%parallel_loop3A_215] : memref<8000xf32, #tpu.memory_space<vmem>>[vector<16xi32>], vector<16xf32>,
        %parallel_loop3A_217 = arith.constant 128 : i32
        %parallel_loop3A_218 = arith.addi %parallel_loop3A_201, %parallel_loop3A_217 : i32
        %parallel_loop3A_219 = arith.index_cast %parallel_loop3A_218 : i32 to index
        %parallel_loop3A_220 = tpu.vector_load %arg5[%parallel_loop3A_219] {strides = array<i32>} : memref<65536xf32, #tpu.memory_space<vmem>>, vector<16xf32>,
        tpu.vector_store %arg5[%parallel_loop3A_219], %parallel_loop3A_216 {strides = array<i32>} : memref<65536xf32, #tpu.memory_space<vmem>>, vector<16xf32>,
        %parallel_loop3A_221 = arith.constant 2000 : i32
        %parallel_loop3A_222 = vector.broadcast %parallel_loop3A_221 : i32 to vector<16xi32>
        %parallel_loop3A_223 = arith.addi %parallel_loop3A_204, %parallel_loop3A_222 : vector<16xi32>
        %parallel_loop3A_224 = tpu.vector_load_idx %arg8[%parallel_loop3A_223] : memref<8000xf32, #tpu.memory_space<vmem>>[vector<16xi32>], vector<16xf32>,
        %parallel_loop3A_225 = arith.constant 256 : i32
        %parallel_loop3A_226 = arith.addi %parallel_loop3A_201, %parallel_loop3A_225 : i32
        %parallel_loop3A_227 = arith.index_cast %parallel_loop3A_226 : i32 to index
        %parallel_loop3A_228 = tpu.vector_load %arg5[%parallel_loop3A_227] {strides = array<i32>} : memref<65536xf32, #tpu.memory_space<vmem>>, vector<16xf32>,
        tpu.vector_store %arg5[%parallel_loop3A_227], %parallel_loop3A_224 {strides = array<i32>} : memref<65536xf32, #tpu.memory_space<vmem>>, vector<16xf32>,
        %parallel_loop3A_229 = arith.constant 3000 : i32
        %parallel_loop3A_230 = vector.broadcast %parallel_loop3A_229 : i32 to vector<16xi32>
        %parallel_loop3A_231 = arith.addi %parallel_loop3A_204, %parallel_loop3A_230 : vector<16xi32>
        %parallel_loop3A_232 = tpu.vector_load_idx %arg8[%parallel_loop3A_231] : memref<8000xf32, #tpu.memory_space<vmem>>[vector<16xi32>], vector<16xf32>,
        %parallel_loop3A_233 = arith.constant 384 : i32
        %parallel_loop3A_234 = arith.addi %parallel_loop3A_201, %parallel_loop3A_233 : i32
        %parallel_loop3A_235 = arith.index_cast %parallel_loop3A_234 : i32 to index
        %parallel_loop3A_236 = tpu.vector_load %arg5[%parallel_loop3A_235] {strides = array<i32>} : memref<65536xf32, #tpu.memory_space<vmem>>, vector<16xf32>,
        tpu.vector_store %arg5[%parallel_loop3A_235], %parallel_loop3A_232 {strides = array<i32>} : memref<65536xf32, #tpu.memory_space<vmem>>, vector<16xf32>,
        %parallel_loop3A_237 = arith.index_cast %parallel_loop3A_196 : i32 to index
        %parallel_loop3A_238 = tpu.vector_load %arg7[%parallel_loop3A_237] {strides = array<i32>} : memref<8192xf32, #tpu.memory_space<vmem>>, vector<16xf32>,
        %parallel_loop3A_239 = arith.fptosi %parallel_loop3A_238 : vector<16xf32> to vector<16xi32>
        %parallel_loop3A_240 = arith.constant 4000 : i32
        %parallel_loop3A_241 = vector.broadcast %parallel_loop3A_240 : i32 to vector<16xi32>
        %parallel_loop3A_242 = arith.addi %parallel_loop3A_239, %parallel_loop3A_241 : vector<16xi32>
        %parallel_loop3A_243 = tpu.vector_load_idx %arg8[%parallel_loop3A_242] : memref<8000xf32, #tpu.memory_space<vmem>>[vector<16xi32>], vector<16xf32>,
        %parallel_loop3A_244 = arith.constant 512 : i32
        %parallel_loop3A_245 = arith.addi %parallel_loop3A_201, %parallel_loop3A_244 : i32
        %parallel_loop3A_246 = arith.index_cast %parallel_loop3A_245 : i32 to index
        %parallel_loop3A_247 = tpu.vector_load %arg5[%parallel_loop3A_246] {strides = array<i32>} : memref<65536xf32, #tpu.memory_space<vmem>>, vector<16xf32>,
        tpu.vector_store %arg5[%parallel_loop3A_246], %parallel_loop3A_243 {strides = array<i32>} : memref<65536xf32, #tpu.memory_space<vmem>>, vector<16xf32>,
        %parallel_loop3A_248 = arith.constant 5000 : i32
        %parallel_loop3A_249 = vector.broadcast %parallel_loop3A_248 : i32 to vector<16xi32>
        %parallel_loop3A_250 = arith.addi %parallel_loop3A_239, %parallel_loop3A_249 : vector<16xi32>
        %parallel_loop3A_251 = tpu.vector_load_idx %arg8[%parallel_loop3A_250] : memref<8000xf32, #tpu.memory_space<vmem>>[vector<16xi32>], vector<16xf32>,
        %parallel_loop3A_252 = arith.constant 640 : i32
        %parallel_loop3A_253 = arith.addi %parallel_loop3A_201, %parallel_loop3A_252 : i32
        %parallel_loop3A_254 = arith.index_cast %parallel_loop3A_253 : i32 to index
        %parallel_loop3A_255 = tpu.vector_load %arg5[%parallel_loop3A_254] {strides = array<i32>} : memref<65536xf32, #tpu.memory_space<vmem>>, vector<16xf32>,
        tpu.vector_store %arg5[%parallel_loop3A_254], %parallel_loop3A_251 {strides = array<i32>} : memref<65536xf32, #tpu.memory_space<vmem>>, vector<16xf32>,
        %parallel_loop3A_256 = arith.constant 6000 : i32
        %parallel_loop3A_257 = vector.broadcast %parallel_loop3A_256 : i32 to vector<16xi32>
        %parallel_loop3A_258 = arith.addi %parallel_loop3A_239, %parallel_loop3A_257 : vector<16xi32>
        %parallel_loop3A_259 = tpu.vector_load_idx %arg8[%parallel_loop3A_258] : memref<8000xf32, #tpu.memory_space<vmem>>[vector<16xi32>], vector<16xf32>,
        %parallel_loop3A_260 = arith.constant 768 : i32
        %parallel_loop3A_261 = arith.addi %parallel_loop3A_201, %parallel_loop3A_260 : i32
        %parallel_loop3A_262 = arith.index_cast %parallel_loop3A_261 : i32 to index
        %parallel_loop3A_263 = tpu.vector_load %arg5[%parallel_loop3A_262] {strides = array<i32>} : memref<65536xf32, #tpu.memory_space<vmem>>, vector<16xf32>,
        tpu.vector_store %arg5[%parallel_loop3A_262], %parallel_loop3A_259 {strides = array<i32>} : memref<65536xf32, #tpu.memory_space<vmem>>, vector<16xf32>,
        %parallel_loop3A_264 = arith.constant 7000 : i32
        %parallel_loop3A_265 = vector.broadcast %parallel_loop3A_264 : i32 to vector<16xi32>
        %parallel_loop3A_266 = arith.addi %parallel_loop3A_239, %parallel_loop3A_265 : vector<16xi32>
        %parallel_loop3A_267 = tpu.vector_load_idx %arg8[%parallel_loop3A_266] : memref<8000xf32, #tpu.memory_space<vmem>>[vector<16xi32>], vector<16xf32>,
        %parallel_loop3A_268 = arith.constant 896 : i32
        %parallel_loop3A_269 = arith.addi %parallel_loop3A_201, %parallel_loop3A_268 : i32
        %parallel_loop3A_270 = arith.index_cast %parallel_loop3A_269 : i32 to index
        %parallel_loop3A_271 = tpu.vector_load %arg5[%parallel_loop3A_270] {strides = array<i32>} : memref<65536xf32, #tpu.memory_space<vmem>>, vector<16xf32>,
        tpu.vector_store %arg5[%parallel_loop3A_270], %parallel_loop3A_267 {strides = array<i32>} : memref<65536xf32, #tpu.memory_space<vmem>>, vector<16xf32>,
      } {sc.loop_unroll_factor = 8 : i64, sc.parallel_access}
      %add3A_176 = arith.constant 32768 : i32
      %add3A_177 = arith.addi %mul3A_129, %add3A_176 : i32
      %dma_start3A_178 = arith.constant 32768 : i32
      %dma_start3A_179 = tpu.memref_slice %arg5[%dma_start3A_178] : memref<65536xf32, #tpu.memory_space<vmem>> -> memref<32768xf32, #tpu.memory_space<vmem>>
      %dma_start3A_180 = tpu.memref_slice %arg4[%add3A_177] : memref<1966080xf32, #tpu.memory_space<hbm>> -> memref<32768xf32, #tpu.memory_space<hbm>>
      %dma_start3A_181 = tpu.memref_slice %arg4[%add3A_177] : memref<1966080xf32, #tpu.memory_space<hbm>> -> memref<32768xf32, #tpu.memory_space<hbm>>
      %dma_start3A_182 = arith.constant 32768 : i32
      %dma_start3A_183 = tpu.memref_slice %arg5[%dma_start3A_182] : memref<65536xf32, #tpu.memory_space<vmem>> -> memref<32768xf32, #tpu.memory_space<vmem>>
      tpu.enqueue_dma source(%dma_start3A_183 : memref<32768xf32, #tpu.memory_space<vmem>>) target(%dma_start3A_181 : memref<32768xf32, #tpu.memory_space<hbm>>) target_semaphore(%arg11 : memref<!tpu.dma_semaphore, #tpu.memory_space<semaphore_mem>>)
      %dma_wait3A_184 = arith.constant 0 : i32
      %dma_wait3A_185 = tpu.memref_slice %arg5[%dma_wait3A_184] : memref<65536xf32, #tpu.memory_space<vmem>> -> memref<32768xf32, #tpu.memory_space<vmem>>
      %dma_wait3A_186 = tpu.memref_slice %arg4[%add3A_150] : memref<1966080xf32, #tpu.memory_space<hbm>> -> memref<32768xf32, #tpu.memory_space<hbm>>
      %dma_wait3A_187 = tpu.memref_slice %arg4[%add3A_150] : memref<1966080xf32, #tpu.memory_space<hbm>> -> memref<32768xf32, #tpu.memory_space<hbm>>
      %dma_wait3A_188 = arith.constant 0 : i32
      %dma_wait3A_189 = tpu.memref_slice %arg5[%dma_wait3A_188] : memref<65536xf32, #tpu.memory_space<vmem>> -> memref<32768xf32, #tpu.memory_space<vmem>>
      tpu.wait_dma2 semaphore(%arg11 : memref<!tpu.dma_semaphore, #tpu.memory_space<semaphore_mem>>) src(%dma_wait3A_189 : memref<32768xf32, #tpu.memory_space<vmem>>) dst(%dma_wait3A_187 : memref<32768xf32, #tpu.memory_space<hbm>>)
      %dma_wait3A_190 = arith.constant 32768 : i32
      %dma_wait3A_191 = tpu.memref_slice %arg5[%dma_wait3A_190] : memref<65536xf32, #tpu.memory_space<vmem>> -> memref<32768xf32, #tpu.memory_space<vmem>>
      %dma_wait3A_192 = tpu.memref_slice %arg4[%add3A_177] : memref<1966080xf32, #tpu.memory_space<hbm>> -> memref<32768xf32, #tpu.memory_space<hbm>>
      %dma_wait3A_193 = tpu.memref_slice %arg4[%add3A_177] : memref<1966080xf32, #tpu.memory_space<hbm>> -> memref<32768xf32, #tpu.memory_space<hbm>>
      %dma_wait3A_194 = arith.constant 32768 : i32
      %dma_wait3A_195 = tpu.memref_slice %arg5[%dma_wait3A_194] : memref<65536xf32, #tpu.memory_space<vmem>> -> memref<32768xf32, #tpu.memory_space<vmem>>
      tpu.wait_dma2 semaphore(%arg11 : memref<!tpu.dma_semaphore, #tpu.memory_space<semaphore_mem>>) src(%dma_wait3A_195 : memref<32768xf32, #tpu.memory_space<vmem>>) dst(%dma_wait3A_193 : memref<32768xf32, #tpu.memory_space<hbm>>)
    } else {
    }
    %eq3A_34 = arith.constant 26 : i32
    %eq3A_35 = arith.cmpi eq, %add3A, %eq3A_34 : i32
    %convert_element_type3A_36 = arith.extui %eq3A_35 : i1 to i32
    %cond3A_37 = arith.constant 0 : i32
    %cond3A_38 = arith.cmpi ne, %convert_element_type3A_36, %cond3A_37 : i32
    scf.if %cond3A_38 {
      %dma_start3A = arith.constant 0 : i32
      %dma_start3A_64 = arith.constant 0 : i32
      %dma_start3A_65 = tpu.memref_slice %arg6[%dma_start3A_64] : memref<8192xf32, #tpu.memory_space<vmem>> -> memref<4096xf32, #tpu.memory_space<vmem>>
      %dma_start3A_66 = arith.constant 0 : i32
      %dma_start3A_67 = tpu.memref_slice %arg2[%dma_start3A, %dma_start3A_66] : memref<39x16384xf32, #tpu.memory_space<hbm>> -> memref<1x4096xf32, #tpu.memory_space<hbm>>
      %dma_start3A_68 = tpu.memref_squeeze %dma_start3A_67 : memref<1x4096xf32, #tpu.memory_space<hbm>> -> memref<4096xf32, #tpu.memory_space<hbm>>
      %dma_start3A_69 = arith.constant 0 : i32
      %dma_start3A_70 = tpu.memref_slice %arg6[%dma_start3A_69] : memref<8192xf32, #tpu.memory_space<vmem>> -> memref<4096xf32, #tpu.memory_space<vmem>>
      %dma_start3A_71 = arith.constant 0 : i32
      %dma_start3A_72 = tpu.memref_slice %arg2[%dma_start3A, %dma_start3A_71] : memref<39x16384xf32, #tpu.memory_space<hbm>> -> memref<1x4096xf32, #tpu.memory_space<hbm>>
      %dma_start3A_73 = tpu.memref_squeeze %dma_start3A_72 : memref<1x4096xf32, #tpu.memory_space<hbm>> -> memref<4096xf32, #tpu.memory_space<hbm>>
      tpu.enqueue_dma source(%dma_start3A_73 : memref<4096xf32, #tpu.memory_space<hbm>>) target(%dma_start3A_70 : memref<4096xf32, #tpu.memory_space<vmem>>) target_semaphore(%arg9 : memref<!tpu.dma_semaphore, #tpu.memory_space<semaphore_mem>>)
      %dma_start3A_74 = arith.constant 1 : i32
      %dma_start3A_75 = arith.constant 0 : i32
      %dma_start3A_76 = tpu.memref_slice %arg7[%dma_start3A_75] : memref<8192xf32, #tpu.memory_space<vmem>> -> memref<4096xf32, #tpu.memory_space<vmem>>
      %dma_start3A_77 = arith.constant 0 : i32
      %dma_start3A_78 = tpu.memref_slice %arg2[%dma_start3A_74, %dma_start3A_77] : memref<39x16384xf32, #tpu.memory_space<hbm>> -> memref<1x4096xf32, #tpu.memory_space<hbm>>
      %dma_start3A_79 = tpu.memref_squeeze %dma_start3A_78 : memref<1x4096xf32, #tpu.memory_space<hbm>> -> memref<4096xf32, #tpu.memory_space<hbm>>
      %dma_start3A_80 = arith.constant 0 : i32
      %dma_start3A_81 = tpu.memref_slice %arg7[%dma_start3A_80] : memref<8192xf32, #tpu.memory_space<vmem>> -> memref<4096xf32, #tpu.memory_space<vmem>>
      %dma_start3A_82 = arith.constant 0 : i32
      %dma_start3A_83 = tpu.memref_slice %arg2[%dma_start3A_74, %dma_start3A_82] : memref<39x16384xf32, #tpu.memory_space<hbm>> -> memref<1x4096xf32, #tpu.memory_space<hbm>>
      %dma_start3A_84 = tpu.memref_squeeze %dma_start3A_83 : memref<1x4096xf32, #tpu.memory_space<hbm>> -> memref<4096xf32, #tpu.memory_space<hbm>>
      tpu.enqueue_dma source(%dma_start3A_84 : memref<4096xf32, #tpu.memory_space<hbm>>) target(%dma_start3A_81 : memref<4096xf32, #tpu.memory_space<vmem>>) target_semaphore(%arg10 : memref<!tpu.dma_semaphore, #tpu.memory_space<semaphore_mem>>)
      %dma_wait3A = arith.constant 0 : i32
      %dma_wait3A_85 = arith.constant 0 : i32
      %dma_wait3A_86 = tpu.memref_slice %arg6[%dma_wait3A_85] : memref<8192xf32, #tpu.memory_space<vmem>> -> memref<4096xf32, #tpu.memory_space<vmem>>
      %dma_wait3A_87 = arith.constant 0 : i32
      %dma_wait3A_88 = tpu.memref_slice %arg2[%dma_wait3A, %dma_wait3A_87] : memref<39x16384xf32, #tpu.memory_space<hbm>> -> memref<1x4096xf32, #tpu.memory_space<hbm>>
      %dma_wait3A_89 = tpu.memref_squeeze %dma_wait3A_88 : memref<1x4096xf32, #tpu.memory_space<hbm>> -> memref<4096xf32, #tpu.memory_space<hbm>>
      %dma_wait3A_90 = arith.constant 0 : i32
      %dma_wait3A_91 = tpu.memref_slice %arg6[%dma_wait3A_90] : memref<8192xf32, #tpu.memory_space<vmem>> -> memref<4096xf32, #tpu.memory_space<vmem>>
      %dma_wait3A_92 = arith.constant 0 : i32
      %dma_wait3A_93 = tpu.memref_slice %arg2[%dma_wait3A, %dma_wait3A_92] : memref<39x16384xf32, #tpu.memory_space<hbm>> -> memref<1x4096xf32, #tpu.memory_space<hbm>>
      %dma_wait3A_94 = tpu.memref_squeeze %dma_wait3A_93 : memref<1x4096xf32, #tpu.memory_space<hbm>> -> memref<4096xf32, #tpu.memory_space<hbm>>
      tpu.wait_dma2 semaphore(%arg9 : memref<!tpu.dma_semaphore, #tpu.memory_space<semaphore_mem>>) src(%dma_wait3A_94 : memref<4096xf32, #tpu.memory_space<hbm>>) dst(%dma_wait3A_91 : memref<4096xf32, #tpu.memory_space<vmem>>)
      %parallel_loop3A = arith.constant 0 : i32
      %parallel_loop3A_95 = arith.constant 4096 : i32
      %parallel_loop3A_96 = arith.constant 16 : i32
      scf.for %parallel_loop3A_261 = %parallel_loop3A to %parallel_loop3A_95 step %parallel_loop3A_96  : i32 {
        %parallel_loop3A_262 = arith.index_cast %parallel_loop3A_261 : i32 to index
        %parallel_loop3A_263 = tpu.vector_load %arg6[%parallel_loop3A_262] {strides = array<i32>} : memref<8192xf32, #tpu.memory_space<vmem>>, vector<16xf32>,
        %parallel_loop3A_264 = arith.constant 7 : i32
        %parallel_loop3A_265 = arith.shrsi %parallel_loop3A_261, %parallel_loop3A_264 : i32
        %parallel_loop3A_266 = arith.constant 896 : i32
        %parallel_loop3A_267 = arith.muli %parallel_loop3A_265, %parallel_loop3A_266 : i32
        %parallel_loop3A_268 = arith.addi %parallel_loop3A_261, %parallel_loop3A_267 : i32
        %parallel_loop3A_269 = arith.constant 0 : i32
        %parallel_loop3A_270 = arith.addi %parallel_loop3A_268, %parallel_loop3A_269 : i32
        %parallel_loop3A_271 = arith.index_cast %parallel_loop3A_270 : i32 to index
        %parallel_loop3A_272 = tpu.vector_load %arg5[%parallel_loop3A_271] {strides = array<i32>} : memref<65536xf32, #tpu.memory_space<vmem>>, vector<16xf32>,
        tpu.vector_store %arg5[%parallel_loop3A_271], %parallel_loop3A_263 {strides = array<i32>} : memref<65536xf32, #tpu.memory_space<vmem>>, vector<16xf32>,
      } {sc.loop_unroll_factor = 8 : i64, sc.parallel_access}
      %dma_start3A_97 = arith.constant 2 : i32
      %dma_start3A_98 = arith.constant 0 : i32
      %dma_start3A_99 = tpu.memref_slice %arg6[%dma_start3A_98] : memref<8192xf32, #tpu.memory_space<vmem>> -> memref<4096xf32, #tpu.memory_space<vmem>>
      %dma_start3A_100 = arith.constant 0 : i32
      %dma_start3A_101 = tpu.memref_slice %arg2[%dma_start3A_97, %dma_start3A_100] : memref<39x16384xf32, #tpu.memory_space<hbm>> -> memref<1x4096xf32, #tpu.memory_space<hbm>>
      %dma_start3A_102 = tpu.memref_squeeze %dma_start3A_101 : memref<1x4096xf32, #tpu.memory_space<hbm>> -> memref<4096xf32, #tpu.memory_space<hbm>>
      %dma_start3A_103 = arith.constant 0 : i32
      %dma_start3A_104 = tpu.memref_slice %arg6[%dma_start3A_103] : memref<8192xf32, #tpu.memory_space<vmem>> -> memref<4096xf32, #tpu.memory_space<vmem>>
      %dma_start3A_105 = arith.constant 0 : i32
      %dma_start3A_106 = tpu.memref_slice %arg2[%dma_start3A_97, %dma_start3A_105] : memref<39x16384xf32, #tpu.memory_space<hbm>> -> memref<1x4096xf32, #tpu.memory_space<hbm>>
      %dma_start3A_107 = tpu.memref_squeeze %dma_start3A_106 : memref<1x4096xf32, #tpu.memory_space<hbm>> -> memref<4096xf32, #tpu.memory_space<hbm>>
      tpu.enqueue_dma source(%dma_start3A_107 : memref<4096xf32, #tpu.memory_space<hbm>>) target(%dma_start3A_104 : memref<4096xf32, #tpu.memory_space<vmem>>) target_semaphore(%arg9 : memref<!tpu.dma_semaphore, #tpu.memory_space<semaphore_mem>>)
      %dma_wait3A_108 = arith.constant 1 : i32
      %dma_wait3A_109 = arith.constant 0 : i32
      %dma_wait3A_110 = tpu.memref_slice %arg7[%dma_wait3A_109] : memref<8192xf32, #tpu.memory_space<vmem>> -> memref<4096xf32, #tpu.memory_space<vmem>>
      %dma_wait3A_111 = arith.constant 0 : i32
      %dma_wait3A_112 = tpu.memref_slice %arg2[%dma_wait3A_108, %dma_wait3A_111] : memref<39x16384xf32, #tpu.memory_space<hbm>> -> memref<1x4096xf32, #tpu.memory_space<hbm>>
      %dma_wait3A_113 = tpu.memref_squeeze %dma_wait3A_112 : memref<1x4096xf32, #tpu.memory_space<hbm>> -> memref<4096xf32, #tpu.memory_space<hbm>>
      %dma_wait3A_114 = arith.constant 0 : i32
      %dma_wait3A_115 = tpu.memref_slice %arg7[%dma_wait3A_114] : memref<8192xf32, #tpu.memory_space<vmem>> -> memref<4096xf32, #tpu.memory_space<vmem>>
      %dma_wait3A_116 = arith.constant 0 : i32
      %dma_wait3A_117 = tpu.memref_slice %arg2[%dma_wait3A_108, %dma_wait3A_116] : memref<39x16384xf32, #tpu.memory_space<hbm>> -> memref<1x4096xf32, #tpu.memory_space<hbm>>
      %dma_wait3A_118 = tpu.memref_squeeze %dma_wait3A_117 : memref<1x4096xf32, #tpu.memory_space<hbm>> -> memref<4096xf32, #tpu.memory_space<hbm>>
      tpu.wait_dma2 semaphore(%arg10 : memref<!tpu.dma_semaphore, #tpu.memory_space<semaphore_mem>>) src(%dma_wait3A_118 : memref<4096xf32, #tpu.memory_space<hbm>>) dst(%dma_wait3A_115 : memref<4096xf32, #tpu.memory_space<vmem>>)
      %parallel_loop3A_119 = arith.constant 0 : i32
      %parallel_loop3A_120 = arith.constant 4096 : i32
      %parallel_loop3A_121 = arith.constant 16 : i32
      scf.for %parallel_loop3A_261 = %parallel_loop3A_119 to %parallel_loop3A_120 step %parallel_loop3A_121  : i32 {
        %parallel_loop3A_262 = arith.index_cast %parallel_loop3A_261 : i32 to index
        %parallel_loop3A_263 = tpu.vector_load %arg7[%parallel_loop3A_262] {strides = array<i32>} : memref<8192xf32, #tpu.memory_space<vmem>>, vector<16xf32>,
        %parallel_loop3A_264 = arith.constant 7 : i32
        %parallel_loop3A_265 = arith.shrsi %parallel_loop3A_261, %parallel_loop3A_264 : i32
        %parallel_loop3A_266 = arith.constant 896 : i32
        %parallel_loop3A_267 = arith.muli %parallel_loop3A_265, %parallel_loop3A_266 : i32
        %parallel_loop3A_268 = arith.addi %parallel_loop3A_261, %parallel_loop3A_267 : i32
        %parallel_loop3A_269 = arith.constant 128 : i32
        %parallel_loop3A_270 = arith.addi %parallel_loop3A_268, %parallel_loop3A_269 : i32
        %parallel_loop3A_271 = arith.index_cast %parallel_loop3A_270 : i32 to index
        %parallel_loop3A_272 = tpu.vector_load %arg5[%parallel_loop3A_271] {strides = array<i32>} : memref<65536xf32, #tpu.memory_space<vmem>>, vector<16xf32>,
        tpu.vector_store %arg5[%parallel_loop3A_271], %parallel_loop3A_263 {strides = array<i32>} : memref<65536xf32, #tpu.memory_space<vmem>>, vector<16xf32>,
      } {sc.loop_unroll_factor = 8 : i64, sc.parallel_access}
      %dma_start3A_122 = arith.constant 3 : i32
      %dma_start3A_123 = arith.constant 0 : i32
      %dma_start3A_124 = tpu.memref_slice %arg7[%dma_start3A_123] : memref<8192xf32, #tpu.memory_space<vmem>> -> memref<4096xf32, #tpu.memory_space<vmem>>
      %dma_start3A_125 = arith.constant 0 : i32
      %dma_start3A_126 = tpu.memref_slice %arg2[%dma_start3A_122, %dma_start3A_125] : memref<39x16384xf32, #tpu.memory_space<hbm>> -> memref<1x4096xf32, #tpu.memory_space<hbm>>
      %dma_start3A_127 = tpu.memref_squeeze %dma_start3A_126 : memref<1x4096xf32, #tpu.memory_space<hbm>> -> memref<4096xf32, #tpu.memory_space<hbm>>
      %dma_start3A_128 = arith.constant 0 : i32
      %dma_start3A_129 = tpu.memref_slice %arg7[%dma_start3A_128] : memref<8192xf32, #tpu.memory_space<vmem>> -> memref<4096xf32, #tpu.memory_space<vmem>>
      %dma_start3A_130 = arith.constant 0 : i32
      %dma_start3A_131 = tpu.memref_slice %arg2[%dma_start3A_122, %dma_start3A_130] : memref<39x16384xf32, #tpu.memory_space<hbm>> -> memref<1x4096xf32, #tpu.memory_space<hbm>>
      %dma_start3A_132 = tpu.memref_squeeze %dma_start3A_131 : memref<1x4096xf32, #tpu.memory_space<hbm>> -> memref<4096xf32, #tpu.memory_space<hbm>>
      tpu.enqueue_dma source(%dma_start3A_132 : memref<4096xf32, #tpu.memory_space<hbm>>) target(%dma_start3A_129 : memref<4096xf32, #tpu.memory_space<vmem>>) target_semaphore(%arg10 : memref<!tpu.dma_semaphore, #tpu.memory_space<semaphore_mem>>)
      %dma_wait3A_133 = arith.constant 2 : i32
      %dma_wait3A_134 = arith.constant 0 : i32
      %dma_wait3A_135 = tpu.memref_slice %arg6[%dma_wait3A_134] : memref<8192xf32, #tpu.memory_space<vmem>> -> memref<4096xf32, #tpu.memory_space<vmem>>
      %dma_wait3A_136 = arith.constant 0 : i32
      %dma_wait3A_137 = tpu.memref_slice %arg2[%dma_wait3A_133, %dma_wait3A_136] : memref<39x16384xf32, #tpu.memory_space<hbm>> -> memref<1x4096xf32, #tpu.memory_space<hbm>>
      %dma_wait3A_138 = tpu.memref_squeeze %dma_wait3A_137 : memref<1x4096xf32, #tpu.memory_space<hbm>> -> memref<4096xf32, #tpu.memory_space<hbm>>
      %dma_wait3A_139 = arith.constant 0 : i32
      %dma_wait3A_140 = tpu.memref_slice %arg6[%dma_wait3A_139] : memref<8192xf32, #tpu.memory_space<vmem>> -> memref<4096xf32, #tpu.memory_space<vmem>>
      %dma_wait3A_141 = arith.constant 0 : i32
      %dma_wait3A_142 = tpu.memref_slice %arg2[%dma_wait3A_133, %dma_wait3A_141] : memref<39x16384xf32, #tpu.memory_space<hbm>> -> memref<1x4096xf32, #tpu.memory_space<hbm>>
      %dma_wait3A_143 = tpu.memref_squeeze %dma_wait3A_142 : memref<1x4096xf32, #tpu.memory_space<hbm>> -> memref<4096xf32, #tpu.memory_space<hbm>>
      tpu.wait_dma2 semaphore(%arg9 : memref<!tpu.dma_semaphore, #tpu.memory_space<semaphore_mem>>) src(%dma_wait3A_143 : memref<4096xf32, #tpu.memory_space<hbm>>) dst(%dma_wait3A_140 : memref<4096xf32, #tpu.memory_space<vmem>>)
      %parallel_loop3A_144 = arith.constant 0 : i32
      %parallel_loop3A_145 = arith.constant 4096 : i32
      %parallel_loop3A_146 = arith.constant 16 : i32
      scf.for %parallel_loop3A_261 = %parallel_loop3A_144 to %parallel_loop3A_145 step %parallel_loop3A_146  : i32 {
        %parallel_loop3A_262 = arith.index_cast %parallel_loop3A_261 : i32 to index
        %parallel_loop3A_263 = tpu.vector_load %arg6[%parallel_loop3A_262] {strides = array<i32>} : memref<8192xf32, #tpu.memory_space<vmem>>, vector<16xf32>,
        %parallel_loop3A_264 = arith.constant 7 : i32
        %parallel_loop3A_265 = arith.shrsi %parallel_loop3A_261, %parallel_loop3A_264 : i32
        %parallel_loop3A_266 = arith.constant 896 : i32
        %parallel_loop3A_267 = arith.muli %parallel_loop3A_265, %parallel_loop3A_266 : i32
        %parallel_loop3A_268 = arith.addi %parallel_loop3A_261, %parallel_loop3A_267 : i32
        %parallel_loop3A_269 = arith.constant 256 : i32
        %parallel_loop3A_270 = arith.addi %parallel_loop3A_268, %parallel_loop3A_269 : i32
        %parallel_loop3A_271 = arith.index_cast %parallel_loop3A_270 : i32 to index
        %parallel_loop3A_272 = tpu.vector_load %arg5[%parallel_loop3A_271] {strides = array<i32>} : memref<65536xf32, #tpu.memory_space<vmem>>, vector<16xf32>,
        tpu.vector_store %arg5[%parallel_loop3A_271], %parallel_loop3A_263 {strides = array<i32>} : memref<65536xf32, #tpu.memory_space<vmem>>, vector<16xf32>,
      } {sc.loop_unroll_factor = 8 : i64, sc.parallel_access}
      %dma_start3A_147 = arith.constant 4 : i32
      %dma_start3A_148 = arith.constant 0 : i32
      %dma_start3A_149 = tpu.memref_slice %arg6[%dma_start3A_148] : memref<8192xf32, #tpu.memory_space<vmem>> -> memref<4096xf32, #tpu.memory_space<vmem>>
      %dma_start3A_150 = arith.constant 0 : i32
      %dma_start3A_151 = tpu.memref_slice %arg2[%dma_start3A_147, %dma_start3A_150] : memref<39x16384xf32, #tpu.memory_space<hbm>> -> memref<1x4096xf32, #tpu.memory_space<hbm>>
      %dma_start3A_152 = tpu.memref_squeeze %dma_start3A_151 : memref<1x4096xf32, #tpu.memory_space<hbm>> -> memref<4096xf32, #tpu.memory_space<hbm>>
      %dma_start3A_153 = arith.constant 0 : i32
      %dma_start3A_154 = tpu.memref_slice %arg6[%dma_start3A_153] : memref<8192xf32, #tpu.memory_space<vmem>> -> memref<4096xf32, #tpu.memory_space<vmem>>
      %dma_start3A_155 = arith.constant 0 : i32
      %dma_start3A_156 = tpu.memref_slice %arg2[%dma_start3A_147, %dma_start3A_155] : memref<39x16384xf32, #tpu.memory_space<hbm>> -> memref<1x4096xf32, #tpu.memory_space<hbm>>
      %dma_start3A_157 = tpu.memref_squeeze %dma_start3A_156 : memref<1x4096xf32, #tpu.memory_space<hbm>> -> memref<4096xf32, #tpu.memory_space<hbm>>
      tpu.enqueue_dma source(%dma_start3A_157 : memref<4096xf32, #tpu.memory_space<hbm>>) target(%dma_start3A_154 : memref<4096xf32, #tpu.memory_space<vmem>>) target_semaphore(%arg9 : memref<!tpu.dma_semaphore, #tpu.memory_space<semaphore_mem>>)
      %dma_wait3A_158 = arith.constant 3 : i32
      %dma_wait3A_159 = arith.constant 0 : i32
      %dma_wait3A_160 = tpu.memref_slice %arg7[%dma_wait3A_159] : memref<8192xf32, #tpu.memory_space<vmem>> -> memref<4096xf32, #tpu.memory_space<vmem>>
      %dma_wait3A_161 = arith.constant 0 : i32
      %dma_wait3A_162 = tpu.memref_slice %arg2[%dma_wait3A_158, %dma_wait3A_161] : memref<39x16384xf32, #tpu.memory_space<hbm>> -> memref<1x4096xf32, #tpu.memory_space<hbm>>
      %dma_wait3A_163 = tpu.memref_squeeze %dma_wait3A_162 : memref<1x4096xf32, #tpu.memory_space<hbm>> -> memref<4096xf32, #tpu.memory_space<hbm>>
      %dma_wait3A_164 = arith.constant 0 : i32
      %dma_wait3A_165 = tpu.memref_slice %arg7[%dma_wait3A_164] : memref<8192xf32, #tpu.memory_space<vmem>> -> memref<4096xf32, #tpu.memory_space<vmem>>
      %dma_wait3A_166 = arith.constant 0 : i32
      %dma_wait3A_167 = tpu.memref_slice %arg2[%dma_wait3A_158, %dma_wait3A_166] : memref<39x16384xf32, #tpu.memory_space<hbm>> -> memref<1x4096xf32, #tpu.memory_space<hbm>>
      %dma_wait3A_168 = tpu.memref_squeeze %dma_wait3A_167 : memref<1x4096xf32, #tpu.memory_space<hbm>> -> memref<4096xf32, #tpu.memory_space<hbm>>
      tpu.wait_dma2 semaphore(%arg10 : memref<!tpu.dma_semaphore, #tpu.memory_space<semaphore_mem>>) src(%dma_wait3A_168 : memref<4096xf32, #tpu.memory_space<hbm>>) dst(%dma_wait3A_165 : memref<4096xf32, #tpu.memory_space<vmem>>)
      %parallel_loop3A_169 = arith.constant 0 : i32
      %parallel_loop3A_170 = arith.constant 4096 : i32
      %parallel_loop3A_171 = arith.constant 16 : i32
      scf.for %parallel_loop3A_261 = %parallel_loop3A_169 to %parallel_loop3A_170 step %parallel_loop3A_171  : i32 {
        %parallel_loop3A_262 = arith.index_cast %parallel_loop3A_261 : i32 to index
        %parallel_loop3A_263 = tpu.vector_load %arg7[%parallel_loop3A_262] {strides = array<i32>} : memref<8192xf32, #tpu.memory_space<vmem>>, vector<16xf32>,
        %parallel_loop3A_264 = arith.constant 7 : i32
        %parallel_loop3A_265 = arith.shrsi %parallel_loop3A_261, %parallel_loop3A_264 : i32
        %parallel_loop3A_266 = arith.constant 896 : i32
        %parallel_loop3A_267 = arith.muli %parallel_loop3A_265, %parallel_loop3A_266 : i32
        %parallel_loop3A_268 = arith.addi %parallel_loop3A_261, %parallel_loop3A_267 : i32
        %parallel_loop3A_269 = arith.constant 384 : i32
        %parallel_loop3A_270 = arith.addi %parallel_loop3A_268, %parallel_loop3A_269 : i32
        %parallel_loop3A_271 = arith.index_cast %parallel_loop3A_270 : i32 to index
        %parallel_loop3A_272 = tpu.vector_load %arg5[%parallel_loop3A_271] {strides = array<i32>} : memref<65536xf32, #tpu.memory_space<vmem>>, vector<16xf32>,
        tpu.vector_store %arg5[%parallel_loop3A_271], %parallel_loop3A_263 {strides = array<i32>} : memref<65536xf32, #tpu.memory_space<vmem>>, vector<16xf32>,
      } {sc.loop_unroll_factor = 8 : i64, sc.parallel_access}
      %dma_start3A_172 = arith.constant 5 : i32
      %dma_start3A_173 = arith.constant 0 : i32
      %dma_start3A_174 = tpu.memref_slice %arg7[%dma_start3A_173] : memref<8192xf32, #tpu.memory_space<vmem>> -> memref<4096xf32, #tpu.memory_space<vmem>>
      %dma_start3A_175 = arith.constant 0 : i32
      %dma_start3A_176 = tpu.memref_slice %arg2[%dma_start3A_172, %dma_start3A_175] : memref<39x16384xf32, #tpu.memory_space<hbm>> -> memref<1x4096xf32, #tpu.memory_space<hbm>>
      %dma_start3A_177 = tpu.memref_squeeze %dma_start3A_176 : memref<1x4096xf32, #tpu.memory_space<hbm>> -> memref<4096xf32, #tpu.memory_space<hbm>>
      %dma_start3A_178 = arith.constant 0 : i32
      %dma_start3A_179 = tpu.memref_slice %arg7[%dma_start3A_178] : memref<8192xf32, #tpu.memory_space<vmem>> -> memref<4096xf32, #tpu.memory_space<vmem>>
      %dma_start3A_180 = arith.constant 0 : i32
      %dma_start3A_181 = tpu.memref_slice %arg2[%dma_start3A_172, %dma_start3A_180] : memref<39x16384xf32, #tpu.memory_space<hbm>> -> memref<1x4096xf32, #tpu.memory_space<hbm>>
      %dma_start3A_182 = tpu.memref_squeeze %dma_start3A_181 : memref<1x4096xf32, #tpu.memory_space<hbm>> -> memref<4096xf32, #tpu.memory_space<hbm>>
      tpu.enqueue_dma source(%dma_start3A_182 : memref<4096xf32, #tpu.memory_space<hbm>>) target(%dma_start3A_179 : memref<4096xf32, #tpu.memory_space<vmem>>) target_semaphore(%arg10 : memref<!tpu.dma_semaphore, #tpu.memory_space<semaphore_mem>>)
      %dma_wait3A_183 = arith.constant 4 : i32
      %dma_wait3A_184 = arith.constant 0 : i32
      %dma_wait3A_185 = tpu.memref_slice %arg6[%dma_wait3A_184] : memref<8192xf32, #tpu.memory_space<vmem>> -> memref<4096xf32, #tpu.memory_space<vmem>>
      %dma_wait3A_186 = arith.constant 0 : i32
      %dma_wait3A_187 = tpu.memref_slice %arg2[%dma_wait3A_183, %dma_wait3A_186] : memref<39x16384xf32, #tpu.memory_space<hbm>> -> memref<1x4096xf32, #tpu.memory_space<hbm>>
      %dma_wait3A_188 = tpu.memref_squeeze %dma_wait3A_187 : memref<1x4096xf32, #tpu.memory_space<hbm>> -> memref<4096xf32, #tpu.memory_space<hbm>>
      %dma_wait3A_189 = arith.constant 0 : i32
      %dma_wait3A_190 = tpu.memref_slice %arg6[%dma_wait3A_189] : memref<8192xf32, #tpu.memory_space<vmem>> -> memref<4096xf32, #tpu.memory_space<vmem>>
      %dma_wait3A_191 = arith.constant 0 : i32
      %dma_wait3A_192 = tpu.memref_slice %arg2[%dma_wait3A_183, %dma_wait3A_191] : memref<39x16384xf32, #tpu.memory_space<hbm>> -> memref<1x4096xf32, #tpu.memory_space<hbm>>
      %dma_wait3A_193 = tpu.memref_squeeze %dma_wait3A_192 : memref<1x4096xf32, #tpu.memory_space<hbm>> -> memref<4096xf32, #tpu.memory_space<hbm>>
      tpu.wait_dma2 semaphore(%arg9 : memref<!tpu.dma_semaphore, #tpu.memory_space<semaphore_mem>>) src(%dma_wait3A_193 : memref<4096xf32, #tpu.memory_space<hbm>>) dst(%dma_wait3A_190 : memref<4096xf32, #tpu.memory_space<vmem>>)
      %parallel_loop3A_194 = arith.constant 0 : i32
      %parallel_loop3A_195 = arith.constant 4096 : i32
      %parallel_loop3A_196 = arith.constant 16 : i32
      scf.for %parallel_loop3A_261 = %parallel_loop3A_194 to %parallel_loop3A_195 step %parallel_loop3A_196  : i32 {
        %parallel_loop3A_262 = arith.index_cast %parallel_loop3A_261 : i32 to index
        %parallel_loop3A_263 = tpu.vector_load %arg6[%parallel_loop3A_262] {strides = array<i32>} : memref<8192xf32, #tpu.memory_space<vmem>>, vector<16xf32>,
        %parallel_loop3A_264 = arith.constant 7 : i32
        %parallel_loop3A_265 = arith.shrsi %parallel_loop3A_261, %parallel_loop3A_264 : i32
        %parallel_loop3A_266 = arith.constant 896 : i32
        %parallel_loop3A_267 = arith.muli %parallel_loop3A_265, %parallel_loop3A_266 : i32
        %parallel_loop3A_268 = arith.addi %parallel_loop3A_261, %parallel_loop3A_267 : i32
        %parallel_loop3A_269 = arith.constant 512 : i32
        %parallel_loop3A_270 = arith.addi %parallel_loop3A_268, %parallel_loop3A_269 : i32
        %parallel_loop3A_271 = arith.index_cast %parallel_loop3A_270 : i32 to index
        %parallel_loop3A_272 = tpu.vector_load %arg5[%parallel_loop3A_271] {strides = array<i32>} : memref<65536xf32, #tpu.memory_space<vmem>>, vector<16xf32>,
        tpu.vector_store %arg5[%parallel_loop3A_271], %parallel_loop3A_263 {strides = array<i32>} : memref<65536xf32, #tpu.memory_space<vmem>>, vector<16xf32>,
      } {sc.loop_unroll_factor = 8 : i64, sc.parallel_access}
      %dma_start3A_197 = arith.constant 6 : i32
      %dma_start3A_198 = arith.constant 0 : i32
      %dma_start3A_199 = tpu.memref_slice %arg6[%dma_start3A_198] : memref<8192xf32, #tpu.memory_space<vmem>> -> memref<4096xf32, #tpu.memory_space<vmem>>
      %dma_start3A_200 = arith.constant 0 : i32
      %dma_start3A_201 = tpu.memref_slice %arg2[%dma_start3A_197, %dma_start3A_200] : memref<39x16384xf32, #tpu.memory_space<hbm>> -> memref<1x4096xf32, #tpu.memory_space<hbm>>
      %dma_start3A_202 = tpu.memref_squeeze %dma_start3A_201 : memref<1x4096xf32, #tpu.memory_space<hbm>> -> memref<4096xf32, #tpu.memory_space<hbm>>
      %dma_start3A_203 = arith.constant 0 : i32
      %dma_start3A_204 = tpu.memref_slice %arg6[%dma_start3A_203] : memref<8192xf32, #tpu.memory_space<vmem>> -> memref<4096xf32, #tpu.memory_space<vmem>>
      %dma_start3A_205 = arith.constant 0 : i32
      %dma_start3A_206 = tpu.memref_slice %arg2[%dma_start3A_197, %dma_start3A_205] : memref<39x16384xf32, #tpu.memory_space<hbm>> -> memref<1x4096xf32, #tpu.memory_space<hbm>>
      %dma_start3A_207 = tpu.memref_squeeze %dma_start3A_206 : memref<1x4096xf32, #tpu.memory_space<hbm>> -> memref<4096xf32, #tpu.memory_space<hbm>>
      tpu.enqueue_dma source(%dma_start3A_207 : memref<4096xf32, #tpu.memory_space<hbm>>) target(%dma_start3A_204 : memref<4096xf32, #tpu.memory_space<vmem>>) target_semaphore(%arg9 : memref<!tpu.dma_semaphore, #tpu.memory_space<semaphore_mem>>)
      %dma_wait3A_208 = arith.constant 5 : i32
      %dma_wait3A_209 = arith.constant 0 : i32
      %dma_wait3A_210 = tpu.memref_slice %arg7[%dma_wait3A_209] : memref<8192xf32, #tpu.memory_space<vmem>> -> memref<4096xf32, #tpu.memory_space<vmem>>
      %dma_wait3A_211 = arith.constant 0 : i32
      %dma_wait3A_212 = tpu.memref_slice %arg2[%dma_wait3A_208, %dma_wait3A_211] : memref<39x16384xf32, #tpu.memory_space<hbm>> -> memref<1x4096xf32, #tpu.memory_space<hbm>>
      %dma_wait3A_213 = tpu.memref_squeeze %dma_wait3A_212 : memref<1x4096xf32, #tpu.memory_space<hbm>> -> memref<4096xf32, #tpu.memory_space<hbm>>
      %dma_wait3A_214 = arith.constant 0 : i32
      %dma_wait3A_215 = tpu.memref_slice %arg7[%dma_wait3A_214] : memref<8192xf32, #tpu.memory_space<vmem>> -> memref<4096xf32, #tpu.memory_space<vmem>>
      %dma_wait3A_216 = arith.constant 0 : i32
      %dma_wait3A_217 = tpu.memref_slice %arg2[%dma_wait3A_208, %dma_wait3A_216] : memref<39x16384xf32, #tpu.memory_space<hbm>> -> memref<1x4096xf32, #tpu.memory_space<hbm>>
      %dma_wait3A_218 = tpu.memref_squeeze %dma_wait3A_217 : memref<1x4096xf32, #tpu.memory_space<hbm>> -> memref<4096xf32, #tpu.memory_space<hbm>>
      tpu.wait_dma2 semaphore(%arg10 : memref<!tpu.dma_semaphore, #tpu.memory_space<semaphore_mem>>) src(%dma_wait3A_218 : memref<4096xf32, #tpu.memory_space<hbm>>) dst(%dma_wait3A_215 : memref<4096xf32, #tpu.memory_space<vmem>>)
      %parallel_loop3A_219 = arith.constant 0 : i32
      %parallel_loop3A_220 = arith.constant 4096 : i32
      %parallel_loop3A_221 = arith.constant 16 : i32
      scf.for %parallel_loop3A_261 = %parallel_loop3A_219 to %parallel_loop3A_220 step %parallel_loop3A_221  : i32 {
        %parallel_loop3A_262 = arith.index_cast %parallel_loop3A_261 : i32 to index
        %parallel_loop3A_263 = tpu.vector_load %arg7[%parallel_loop3A_262] {strides = array<i32>} : memref<8192xf32, #tpu.memory_space<vmem>>, vector<16xf32>,
        %parallel_loop3A_264 = arith.constant 7 : i32
        %parallel_loop3A_265 = arith.shrsi %parallel_loop3A_261, %parallel_loop3A_264 : i32
        %parallel_loop3A_266 = arith.constant 896 : i32
        %parallel_loop3A_267 = arith.muli %parallel_loop3A_265, %parallel_loop3A_266 : i32
        %parallel_loop3A_268 = arith.addi %parallel_loop3A_261, %parallel_loop3A_267 : i32
        %parallel_loop3A_269 = arith.constant 640 : i32
        %parallel_loop3A_270 = arith.addi %parallel_loop3A_268, %parallel_loop3A_269 : i32
        %parallel_loop3A_271 = arith.index_cast %parallel_loop3A_270 : i32 to index
        %parallel_loop3A_272 = tpu.vector_load %arg5[%parallel_loop3A_271] {strides = array<i32>} : memref<65536xf32, #tpu.memory_space<vmem>>, vector<16xf32>,
        tpu.vector_store %arg5[%parallel_loop3A_271], %parallel_loop3A_263 {strides = array<i32>} : memref<65536xf32, #tpu.memory_space<vmem>>, vector<16xf32>,
      } {sc.loop_unroll_factor = 8 : i64, sc.parallel_access}
      %dma_start3A_222 = arith.constant 7 : i32
      %dma_start3A_223 = arith.constant 0 : i32
      %dma_start3A_224 = tpu.memref_slice %arg7[%dma_start3A_223] : memref<8192xf32, #tpu.memory_space<vmem>> -> memref<4096xf32, #tpu.memory_space<vmem>>
      %dma_start3A_225 = arith.constant 0 : i32
      %dma_start3A_226 = tpu.memref_slice %arg2[%dma_start3A_222, %dma_start3A_225] : memref<39x16384xf32, #tpu.memory_space<hbm>> -> memref<1x4096xf32, #tpu.memory_space<hbm>>
      %dma_start3A_227 = tpu.memref_squeeze %dma_start3A_226 : memref<1x4096xf32, #tpu.memory_space<hbm>> -> memref<4096xf32, #tpu.memory_space<hbm>>
      %dma_start3A_228 = arith.constant 0 : i32
      %dma_start3A_229 = tpu.memref_slice %arg7[%dma_start3A_228] : memref<8192xf32, #tpu.memory_space<vmem>> -> memref<4096xf32, #tpu.memory_space<vmem>>
      %dma_start3A_230 = arith.constant 0 : i32
      %dma_start3A_231 = tpu.memref_slice %arg2[%dma_start3A_222, %dma_start3A_230] : memref<39x16384xf32, #tpu.memory_space<hbm>> -> memref<1x4096xf32, #tpu.memory_space<hbm>>
      %dma_start3A_232 = tpu.memref_squeeze %dma_start3A_231 : memref<1x4096xf32, #tpu.memory_space<hbm>> -> memref<4096xf32, #tpu.memory_space<hbm>>
      tpu.enqueue_dma source(%dma_start3A_232 : memref<4096xf32, #tpu.memory_space<hbm>>) target(%dma_start3A_229 : memref<4096xf32, #tpu.memory_space<vmem>>) target_semaphore(%arg10 : memref<!tpu.dma_semaphore, #tpu.memory_space<semaphore_mem>>)
      %dma_wait3A_233 = arith.constant 6 : i32
      %dma_wait3A_234 = arith.constant 0 : i32
      %dma_wait3A_235 = tpu.memref_slice %arg6[%dma_wait3A_234] : memref<8192xf32, #tpu.memory_space<vmem>> -> memref<4096xf32, #tpu.memory_space<vmem>>
      %dma_wait3A_236 = arith.constant 0 : i32
      %dma_wait3A_237 = tpu.memref_slice %arg2[%dma_wait3A_233, %dma_wait3A_236] : memref<39x16384xf32, #tpu.memory_space<hbm>> -> memref<1x4096xf32, #tpu.memory_space<hbm>>
      %dma_wait3A_238 = tpu.memref_squeeze %dma_wait3A_237 : memref<1x4096xf32, #tpu.memory_space<hbm>> -> memref<4096xf32, #tpu.memory_space<hbm>>
      %dma_wait3A_239 = arith.constant 0 : i32
      %dma_wait3A_240 = tpu.memref_slice %arg6[%dma_wait3A_239] : memref<8192xf32, #tpu.memory_space<vmem>> -> memref<4096xf32, #tpu.memory_space<vmem>>
      %dma_wait3A_241 = arith.constant 0 : i32
      %dma_wait3A_242 = tpu.memref_slice %arg2[%dma_wait3A_233, %dma_wait3A_241] : memref<39x16384xf32, #tpu.memory_space<hbm>> -> memref<1x4096xf32, #tpu.memory_space<hbm>>
      %dma_wait3A_243 = tpu.memref_squeeze %dma_wait3A_242 : memref<1x4096xf32, #tpu.memory_space<hbm>> -> memref<4096xf32, #tpu.memory_space<hbm>>
      tpu.wait_dma2 semaphore(%arg9 : memref<!tpu.dma_semaphore, #tpu.memory_space<semaphore_mem>>) src(%dma_wait3A_243 : memref<4096xf32, #tpu.memory_space<hbm>>) dst(%dma_wait3A_240 : memref<4096xf32, #tpu.memory_space<vmem>>)
      %parallel_loop3A_244 = arith.constant 0 : i32
      %parallel_loop3A_245 = arith.constant 4096 : i32
      %parallel_loop3A_246 = arith.constant 16 : i32
      scf.for %parallel_loop3A_261 = %parallel_loop3A_244 to %parallel_loop3A_245 step %parallel_loop3A_246  : i32 {
        %parallel_loop3A_262 = arith.index_cast %parallel_loop3A_261 : i32 to index
        %parallel_loop3A_263 = tpu.vector_load %arg6[%parallel_loop3A_262] {strides = array<i32>} : memref<8192xf32, #tpu.memory_space<vmem>>, vector<16xf32>,
        %parallel_loop3A_264 = arith.constant 7 : i32
        %parallel_loop3A_265 = arith.shrsi %parallel_loop3A_261, %parallel_loop3A_264 : i32
        %parallel_loop3A_266 = arith.constant 896 : i32
        %parallel_loop3A_267 = arith.muli %parallel_loop3A_265, %parallel_loop3A_266 : i32
        %parallel_loop3A_268 = arith.addi %parallel_loop3A_261, %parallel_loop3A_267 : i32
        %parallel_loop3A_269 = arith.constant 768 : i32
        %parallel_loop3A_270 = arith.addi %parallel_loop3A_268, %parallel_loop3A_269 : i32
        %parallel_loop3A_271 = arith.index_cast %parallel_loop3A_270 : i32 to index
        %parallel_loop3A_272 = tpu.vector_load %arg5[%parallel_loop3A_271] {strides = array<i32>} : memref<65536xf32, #tpu.memory_space<vmem>>, vector<16xf32>,
        tpu.vector_store %arg5[%parallel_loop3A_271], %parallel_loop3A_263 {strides = array<i32>} : memref<65536xf32, #tpu.memory_space<vmem>>, vector<16xf32>,
      } {sc.loop_unroll_factor = 8 : i64, sc.parallel_access}
      %dma_wait3A_247 = arith.constant 7 : i32
      %dma_wait3A_248 = arith.constant 0 : i32
      %dma_wait3A_249 = tpu.memref_slice %arg7[%dma_wait3A_248] : memref<8192xf32, #tpu.memory_space<vmem>> -> memref<4096xf32, #tpu.memory_space<vmem>>
      %dma_wait3A_250 = arith.constant 0 : i32
      %dma_wait3A_251 = tpu.memref_slice %arg2[%dma_wait3A_247, %dma_wait3A_250] : memref<39x16384xf32, #tpu.memory_space<hbm>> -> memref<1x4096xf32, #tpu.memory_space<hbm>>
      %dma_wait3A_252 = tpu.memref_squeeze %dma_wait3A_251 : memref<1x4096xf32, #tpu.memory_space<hbm>> -> memref<4096xf32, #tpu.memory_space<hbm>>
      %dma_wait3A_253 = arith.constant 0 : i32
      %dma_wait3A_254 = tpu.memref_slice %arg7[%dma_wait3A_253] : memref<8192xf32, #tpu.memory_space<vmem>> -> memref<4096xf32, #tpu.memory_space<vmem>>
      %dma_wait3A_255 = arith.constant 0 : i32
      %dma_wait3A_256 = tpu.memref_slice %arg2[%dma_wait3A_247, %dma_wait3A_255] : memref<39x16384xf32, #tpu.memory_space<hbm>> -> memref<1x4096xf32, #tpu.memory_space<hbm>>
      %dma_wait3A_257 = tpu.memref_squeeze %dma_wait3A_256 : memref<1x4096xf32, #tpu.memory_space<hbm>> -> memref<4096xf32, #tpu.memory_space<hbm>>
      tpu.wait_dma2 semaphore(%arg10 : memref<!tpu.dma_semaphore, #tpu.memory_space<semaphore_mem>>) src(%dma_wait3A_257 : memref<4096xf32, #tpu.memory_space<hbm>>) dst(%dma_wait3A_254 : memref<4096xf32, #tpu.memory_space<vmem>>)
      %parallel_loop3A_258 = arith.constant 0 : i32
      %parallel_loop3A_259 = arith.constant 4096 : i32
      %parallel_loop3A_260 = arith.constant 16 : i32
      scf.for %parallel_loop3A_261 = %parallel_loop3A_258 to %parallel_loop3A_259 step %parallel_loop3A_260  : i32 {
        %parallel_loop3A_262 = arith.index_cast %parallel_loop3A_261 : i32 to index
        %parallel_loop3A_263 = tpu.vector_load %arg7[%parallel_loop3A_262] {strides = array<i32>} : memref<8192xf32, #tpu.memory_space<vmem>>, vector<16xf32>,
        %parallel_loop3A_264 = arith.constant 7 : i32
        %parallel_loop3A_265 = arith.shrsi %parallel_loop3A_261, %parallel_loop3A_264 : i32
        %parallel_loop3A_266 = arith.constant 896 : i32
        %parallel_loop3A_267 = arith.muli %parallel_loop3A_265, %parallel_loop3A_266 : i32
        %parallel_loop3A_268 = arith.addi %parallel_loop3A_261, %parallel_loop3A_267 : i32
        %parallel_loop3A_269 = arith.constant 896 : i32
        %parallel_loop3A_270 = arith.addi %parallel_loop3A_268, %parallel_loop3A_269 : i32
        %parallel_loop3A_271 = arith.index_cast %parallel_loop3A_270 : i32 to index
        %parallel_loop3A_272 = tpu.vector_load %arg5[%parallel_loop3A_271] {strides = array<i32>} : memref<65536xf32, #tpu.memory_space<vmem>>, vector<16xf32>,
        tpu.vector_store %arg5[%parallel_loop3A_271], %parallel_loop3A_263 {strides = array<i32>} : memref<65536xf32, #tpu.memory_space<vmem>>, vector<16xf32>,
      } {sc.loop_unroll_factor = 8 : i64, sc.parallel_access}
      "tpu.region"() ({
        %run_scoped3A = tpu.sem_alloc : memref<!tpu.dma_semaphore, #tpu.memory_space<semaphore_mem>>
        %dma_start3A_261 = arith.constant 0 : i32
        %dma_start3A_262 = tpu.memref_slice %arg5[%dma_start3A_261] : memref<65536xf32, #tpu.memory_space<vmem>> -> memref<32768xf32, #tpu.memory_space<vmem>>
        %dma_start3A_263 = arith.constant 1703936 : i32
        %dma_start3A_264 = tpu.memref_slice %arg4[%dma_start3A_263] : memref<1966080xf32, #tpu.memory_space<hbm>> -> memref<32768xf32, #tpu.memory_space<hbm>>
        %dma_start3A_265 = arith.constant 1703936 : i32
        %dma_start3A_266 = tpu.memref_slice %arg4[%dma_start3A_265] : memref<1966080xf32, #tpu.memory_space<hbm>> -> memref<32768xf32, #tpu.memory_space<hbm>>
        %dma_start3A_267 = arith.constant 0 : i32
        %dma_start3A_268 = tpu.memref_slice %arg5[%dma_start3A_267] : memref<65536xf32, #tpu.memory_space<vmem>> -> memref<32768xf32, #tpu.memory_space<vmem>>
        tpu.enqueue_dma source(%dma_start3A_268 : memref<32768xf32, #tpu.memory_space<vmem>>) target(%dma_start3A_266 : memref<32768xf32, #tpu.memory_space<hbm>>) target_semaphore(%run_scoped3A : memref<!tpu.dma_semaphore, #tpu.memory_space<semaphore_mem>>)
        %dma_wait3A_269 = arith.constant 0 : i32
        %dma_wait3A_270 = tpu.memref_slice %arg5[%dma_wait3A_269] : memref<65536xf32, #tpu.memory_space<vmem>> -> memref<32768xf32, #tpu.memory_space<vmem>>
        %dma_wait3A_271 = arith.constant 1703936 : i32
        %dma_wait3A_272 = tpu.memref_slice %arg4[%dma_wait3A_271] : memref<1966080xf32, #tpu.memory_space<hbm>> -> memref<32768xf32, #tpu.memory_space<hbm>>
        %dma_wait3A_273 = arith.constant 1703936 : i32
        %dma_wait3A_274 = tpu.memref_slice %arg4[%dma_wait3A_273] : memref<1966080xf32, #tpu.memory_space<hbm>> -> memref<32768xf32, #tpu.memory_space<hbm>>
        %dma_wait3A_275 = arith.constant 0 : i32
        %dma_wait3A_276 = tpu.memref_slice %arg5[%dma_wait3A_275] : memref<65536xf32, #tpu.memory_space<vmem>> -> memref<32768xf32, #tpu.memory_space<vmem>>
        tpu.wait_dma2 semaphore(%run_scoped3A : memref<!tpu.dma_semaphore, #tpu.memory_space<semaphore_mem>>) src(%dma_wait3A_276 : memref<32768xf32, #tpu.memory_space<vmem>>) dst(%dma_wait3A_274 : memref<32768xf32, #tpu.memory_space<hbm>>)
        tpu.yield
      }) : () -> ()
    } else {
    }
    %eq3A_39 = arith.constant 27 : i32
    %eq3A_40 = arith.cmpi eq, %add3A, %eq3A_39 : i32
    %convert_element_type3A_41 = arith.extui %eq3A_40 : i1 to i32
    %cond3A_42 = arith.constant 0 : i32
    %cond3A_43 = arith.cmpi ne, %convert_element_type3A_41, %cond3A_42 : i32
    scf.if %cond3A_43 {
      %dma_start3A = arith.constant 0 : i32
      %dma_start3A_64 = arith.constant 0 : i32
      %dma_start3A_65 = tpu.memref_slice %arg6[%dma_start3A_64] : memref<8192xf32, #tpu.memory_space<vmem>> -> memref<4096xf32, #tpu.memory_space<vmem>>
      %dma_start3A_66 = arith.constant 4096 : i32
      %dma_start3A_67 = tpu.memref_slice %arg2[%dma_start3A, %dma_start3A_66] : memref<39x16384xf32, #tpu.memory_space<hbm>> -> memref<1x4096xf32, #tpu.memory_space<hbm>>
      %dma_start3A_68 = tpu.memref_squeeze %dma_start3A_67 : memref<1x4096xf32, #tpu.memory_space<hbm>> -> memref<4096xf32, #tpu.memory_space<hbm>>
      %dma_start3A_69 = arith.constant 0 : i32
      %dma_start3A_70 = tpu.memref_slice %arg6[%dma_start3A_69] : memref<8192xf32, #tpu.memory_space<vmem>> -> memref<4096xf32, #tpu.memory_space<vmem>>
      %dma_start3A_71 = arith.constant 4096 : i32
      %dma_start3A_72 = tpu.memref_slice %arg2[%dma_start3A, %dma_start3A_71] : memref<39x16384xf32, #tpu.memory_space<hbm>> -> memref<1x4096xf32, #tpu.memory_space<hbm>>
      %dma_start3A_73 = tpu.memref_squeeze %dma_start3A_72 : memref<1x4096xf32, #tpu.memory_space<hbm>> -> memref<4096xf32, #tpu.memory_space<hbm>>
      tpu.enqueue_dma source(%dma_start3A_73 : memref<4096xf32, #tpu.memory_space<hbm>>) target(%dma_start3A_70 : memref<4096xf32, #tpu.memory_space<vmem>>) target_semaphore(%arg9 : memref<!tpu.dma_semaphore, #tpu.memory_space<semaphore_mem>>)
      %dma_start3A_74 = arith.constant 1 : i32
      %dma_start3A_75 = arith.constant 0 : i32
      %dma_start3A_76 = tpu.memref_slice %arg7[%dma_start3A_75] : memref<8192xf32, #tpu.memory_space<vmem>> -> memref<4096xf32, #tpu.memory_space<vmem>>
      %dma_start3A_77 = arith.constant 4096 : i32
      %dma_start3A_78 = tpu.memref_slice %arg2[%dma_start3A_74, %dma_start3A_77] : memref<39x16384xf32, #tpu.memory_space<hbm>> -> memref<1x4096xf32, #tpu.memory_space<hbm>>
      %dma_start3A_79 = tpu.memref_squeeze %dma_start3A_78 : memref<1x4096xf32, #tpu.memory_space<hbm>> -> memref<4096xf32, #tpu.memory_space<hbm>>
      %dma_start3A_80 = arith.constant 0 : i32
      %dma_start3A_81 = tpu.memref_slice %arg7[%dma_start3A_80] : memref<8192xf32, #tpu.memory_space<vmem>> -> memref<4096xf32, #tpu.memory_space<vmem>>
      %dma_start3A_82 = arith.constant 4096 : i32
      %dma_start3A_83 = tpu.memref_slice %arg2[%dma_start3A_74, %dma_start3A_82] : memref<39x16384xf32, #tpu.memory_space<hbm>> -> memref<1x4096xf32, #tpu.memory_space<hbm>>
      %dma_start3A_84 = tpu.memref_squeeze %dma_start3A_83 : memref<1x4096xf32, #tpu.memory_space<hbm>> -> memref<4096xf32, #tpu.memory_space<hbm>>
      tpu.enqueue_dma source(%dma_start3A_84 : memref<4096xf32, #tpu.memory_space<hbm>>) target(%dma_start3A_81 : memref<4096xf32, #tpu.memory_space<vmem>>) target_semaphore(%arg10 : memref<!tpu.dma_semaphore, #tpu.memory_space<semaphore_mem>>)
      %dma_wait3A = arith.constant 0 : i32
      %dma_wait3A_85 = arith.constant 0 : i32
      %dma_wait3A_86 = tpu.memref_slice %arg6[%dma_wait3A_85] : memref<8192xf32, #tpu.memory_space<vmem>> -> memref<4096xf32, #tpu.memory_space<vmem>>
      %dma_wait3A_87 = arith.constant 4096 : i32
      %dma_wait3A_88 = tpu.memref_slice %arg2[%dma_wait3A, %dma_wait3A_87] : memref<39x16384xf32, #tpu.memory_space<hbm>> -> memref<1x4096xf32, #tpu.memory_space<hbm>>
      %dma_wait3A_89 = tpu.memref_squeeze %dma_wait3A_88 : memref<1x4096xf32, #tpu.memory_space<hbm>> -> memref<4096xf32, #tpu.memory_space<hbm>>
      %dma_wait3A_90 = arith.constant 0 : i32
      %dma_wait3A_91 = tpu.memref_slice %arg6[%dma_wait3A_90] : memref<8192xf32, #tpu.memory_space<vmem>> -> memref<4096xf32, #tpu.memory_space<vmem>>
      %dma_wait3A_92 = arith.constant 4096 : i32
      %dma_wait3A_93 = tpu.memref_slice %arg2[%dma_wait3A, %dma_wait3A_92] : memref<39x16384xf32, #tpu.memory_space<hbm>> -> memref<1x4096xf32, #tpu.memory_space<hbm>>
      %dma_wait3A_94 = tpu.memref_squeeze %dma_wait3A_93 : memref<1x4096xf32, #tpu.memory_space<hbm>> -> memref<4096xf32, #tpu.memory_space<hbm>>
      tpu.wait_dma2 semaphore(%arg9 : memref<!tpu.dma_semaphore, #tpu.memory_space<semaphore_mem>>) src(%dma_wait3A_94 : memref<4096xf32, #tpu.memory_space<hbm>>) dst(%dma_wait3A_91 : memref<4096xf32, #tpu.memory_space<vmem>>)
      %parallel_loop3A = arith.constant 0 : i32
      %parallel_loop3A_95 = arith.constant 4096 : i32
      %parallel_loop3A_96 = arith.constant 16 : i32
      scf.for %parallel_loop3A_261 = %parallel_loop3A to %parallel_loop3A_95 step %parallel_loop3A_96  : i32 {
        %parallel_loop3A_262 = arith.index_cast %parallel_loop3A_261 : i32 to index
        %parallel_loop3A_263 = tpu.vector_load %arg6[%parallel_loop3A_262] {strides = array<i32>} : memref<8192xf32, #tpu.memory_space<vmem>>, vector<16xf32>,
        %parallel_loop3A_264 = arith.constant 7 : i32
        %parallel_loop3A_265 = arith.shrsi %parallel_loop3A_261, %parallel_loop3A_264 : i32
        %parallel_loop3A_266 = arith.constant 896 : i32
        %parallel_loop3A_267 = arith.muli %parallel_loop3A_265, %parallel_loop3A_266 : i32
        %parallel_loop3A_268 = arith.addi %parallel_loop3A_261, %parallel_loop3A_267 : i32
        %parallel_loop3A_269 = arith.constant 0 : i32
        %parallel_loop3A_270 = arith.addi %parallel_loop3A_268, %parallel_loop3A_269 : i32
        %parallel_loop3A_271 = arith.index_cast %parallel_loop3A_270 : i32 to index
        %parallel_loop3A_272 = tpu.vector_load %arg5[%parallel_loop3A_271] {strides = array<i32>} : memref<65536xf32, #tpu.memory_space<vmem>>, vector<16xf32>,
        tpu.vector_store %arg5[%parallel_loop3A_271], %parallel_loop3A_263 {strides = array<i32>} : memref<65536xf32, #tpu.memory_space<vmem>>, vector<16xf32>,
      } {sc.loop_unroll_factor = 8 : i64, sc.parallel_access}
      %dma_start3A_97 = arith.constant 2 : i32
      %dma_start3A_98 = arith.constant 0 : i32
      %dma_start3A_99 = tpu.memref_slice %arg6[%dma_start3A_98] : memref<8192xf32, #tpu.memory_space<vmem>> -> memref<4096xf32, #tpu.memory_space<vmem>>
      %dma_start3A_100 = arith.constant 4096 : i32
      %dma_start3A_101 = tpu.memref_slice %arg2[%dma_start3A_97, %dma_start3A_100] : memref<39x16384xf32, #tpu.memory_space<hbm>> -> memref<1x4096xf32, #tpu.memory_space<hbm>>
      %dma_start3A_102 = tpu.memref_squeeze %dma_start3A_101 : memref<1x4096xf32, #tpu.memory_space<hbm>> -> memref<4096xf32, #tpu.memory_space<hbm>>
      %dma_start3A_103 = arith.constant 0 : i32
      %dma_start3A_104 = tpu.memref_slice %arg6[%dma_start3A_103] : memref<8192xf32, #tpu.memory_space<vmem>> -> memref<4096xf32, #tpu.memory_space<vmem>>
      %dma_start3A_105 = arith.constant 4096 : i32
      %dma_start3A_106 = tpu.memref_slice %arg2[%dma_start3A_97, %dma_start3A_105] : memref<39x16384xf32, #tpu.memory_space<hbm>> -> memref<1x4096xf32, #tpu.memory_space<hbm>>
      %dma_start3A_107 = tpu.memref_squeeze %dma_start3A_106 : memref<1x4096xf32, #tpu.memory_space<hbm>> -> memref<4096xf32, #tpu.memory_space<hbm>>
      tpu.enqueue_dma source(%dma_start3A_107 : memref<4096xf32, #tpu.memory_space<hbm>>) target(%dma_start3A_104 : memref<4096xf32, #tpu.memory_space<vmem>>) target_semaphore(%arg9 : memref<!tpu.dma_semaphore, #tpu.memory_space<semaphore_mem>>)
      %dma_wait3A_108 = arith.constant 1 : i32
      %dma_wait3A_109 = arith.constant 0 : i32
      %dma_wait3A_110 = tpu.memref_slice %arg7[%dma_wait3A_109] : memref<8192xf32, #tpu.memory_space<vmem>> -> memref<4096xf32, #tpu.memory_space<vmem>>
      %dma_wait3A_111 = arith.constant 4096 : i32
      %dma_wait3A_112 = tpu.memref_slice %arg2[%dma_wait3A_108, %dma_wait3A_111] : memref<39x16384xf32, #tpu.memory_space<hbm>> -> memref<1x4096xf32, #tpu.memory_space<hbm>>
      %dma_wait3A_113 = tpu.memref_squeeze %dma_wait3A_112 : memref<1x4096xf32, #tpu.memory_space<hbm>> -> memref<4096xf32, #tpu.memory_space<hbm>>
      %dma_wait3A_114 = arith.constant 0 : i32
      %dma_wait3A_115 = tpu.memref_slice %arg7[%dma_wait3A_114] : memref<8192xf32, #tpu.memory_space<vmem>> -> memref<4096xf32, #tpu.memory_space<vmem>>
      %dma_wait3A_116 = arith.constant 4096 : i32
      %dma_wait3A_117 = tpu.memref_slice %arg2[%dma_wait3A_108, %dma_wait3A_116] : memref<39x16384xf32, #tpu.memory_space<hbm>> -> memref<1x4096xf32, #tpu.memory_space<hbm>>
      %dma_wait3A_118 = tpu.memref_squeeze %dma_wait3A_117 : memref<1x4096xf32, #tpu.memory_space<hbm>> -> memref<4096xf32, #tpu.memory_space<hbm>>
      tpu.wait_dma2 semaphore(%arg10 : memref<!tpu.dma_semaphore, #tpu.memory_space<semaphore_mem>>) src(%dma_wait3A_118 : memref<4096xf32, #tpu.memory_space<hbm>>) dst(%dma_wait3A_115 : memref<4096xf32, #tpu.memory_space<vmem>>)
      %parallel_loop3A_119 = arith.constant 0 : i32
      %parallel_loop3A_120 = arith.constant 4096 : i32
      %parallel_loop3A_121 = arith.constant 16 : i32
      scf.for %parallel_loop3A_261 = %parallel_loop3A_119 to %parallel_loop3A_120 step %parallel_loop3A_121  : i32 {
        %parallel_loop3A_262 = arith.index_cast %parallel_loop3A_261 : i32 to index
        %parallel_loop3A_263 = tpu.vector_load %arg7[%parallel_loop3A_262] {strides = array<i32>} : memref<8192xf32, #tpu.memory_space<vmem>>, vector<16xf32>,
        %parallel_loop3A_264 = arith.constant 7 : i32
        %parallel_loop3A_265 = arith.shrsi %parallel_loop3A_261, %parallel_loop3A_264 : i32
        %parallel_loop3A_266 = arith.constant 896 : i32
        %parallel_loop3A_267 = arith.muli %parallel_loop3A_265, %parallel_loop3A_266 : i32
        %parallel_loop3A_268 = arith.addi %parallel_loop3A_261, %parallel_loop3A_267 : i32
        %parallel_loop3A_269 = arith.constant 128 : i32
        %parallel_loop3A_270 = arith.addi %parallel_loop3A_268, %parallel_loop3A_269 : i32
        %parallel_loop3A_271 = arith.index_cast %parallel_loop3A_270 : i32 to index
        %parallel_loop3A_272 = tpu.vector_load %arg5[%parallel_loop3A_271] {strides = array<i32>} : memref<65536xf32, #tpu.memory_space<vmem>>, vector<16xf32>,
        tpu.vector_store %arg5[%parallel_loop3A_271], %parallel_loop3A_263 {strides = array<i32>} : memref<65536xf32, #tpu.memory_space<vmem>>, vector<16xf32>,
      } {sc.loop_unroll_factor = 8 : i64, sc.parallel_access}
      %dma_start3A_122 = arith.constant 3 : i32
      %dma_start3A_123 = arith.constant 0 : i32
      %dma_start3A_124 = tpu.memref_slice %arg7[%dma_start3A_123] : memref<8192xf32, #tpu.memory_space<vmem>> -> memref<4096xf32, #tpu.memory_space<vmem>>
      %dma_start3A_125 = arith.constant 4096 : i32
      %dma_start3A_126 = tpu.memref_slice %arg2[%dma_start3A_122, %dma_start3A_125] : memref<39x16384xf32, #tpu.memory_space<hbm>> -> memref<1x4096xf32, #tpu.memory_space<hbm>>
      %dma_start3A_127 = tpu.memref_squeeze %dma_start3A_126 : memref<1x4096xf32, #tpu.memory_space<hbm>> -> memref<4096xf32, #tpu.memory_space<hbm>>
      %dma_start3A_128 = arith.constant 0 : i32
      %dma_start3A_129 = tpu.memref_slice %arg7[%dma_start3A_128] : memref<8192xf32, #tpu.memory_space<vmem>> -> memref<4096xf32, #tpu.memory_space<vmem>>
      %dma_start3A_130 = arith.constant 4096 : i32
      %dma_start3A_131 = tpu.memref_slice %arg2[%dma_start3A_122, %dma_start3A_130] : memref<39x16384xf32, #tpu.memory_space<hbm>> -> memref<1x4096xf32, #tpu.memory_space<hbm>>
      %dma_start3A_132 = tpu.memref_squeeze %dma_start3A_131 : memref<1x4096xf32, #tpu.memory_space<hbm>> -> memref<4096xf32, #tpu.memory_space<hbm>>
      tpu.enqueue_dma source(%dma_start3A_132 : memref<4096xf32, #tpu.memory_space<hbm>>) target(%dma_start3A_129 : memref<4096xf32, #tpu.memory_space<vmem>>) target_semaphore(%arg10 : memref<!tpu.dma_semaphore, #tpu.memory_space<semaphore_mem>>)
      %dma_wait3A_133 = arith.constant 2 : i32
      %dma_wait3A_134 = arith.constant 0 : i32
      %dma_wait3A_135 = tpu.memref_slice %arg6[%dma_wait3A_134] : memref<8192xf32, #tpu.memory_space<vmem>> -> memref<4096xf32, #tpu.memory_space<vmem>>
      %dma_wait3A_136 = arith.constant 4096 : i32
      %dma_wait3A_137 = tpu.memref_slice %arg2[%dma_wait3A_133, %dma_wait3A_136] : memref<39x16384xf32, #tpu.memory_space<hbm>> -> memref<1x4096xf32, #tpu.memory_space<hbm>>
      %dma_wait3A_138 = tpu.memref_squeeze %dma_wait3A_137 : memref<1x4096xf32, #tpu.memory_space<hbm>> -> memref<4096xf32, #tpu.memory_space<hbm>>
      %dma_wait3A_139 = arith.constant 0 : i32
      %dma_wait3A_140 = tpu.memref_slice %arg6[%dma_wait3A_139] : memref<8192xf32, #tpu.memory_space<vmem>> -> memref<4096xf32, #tpu.memory_space<vmem>>
      %dma_wait3A_141 = arith.constant 4096 : i32
      %dma_wait3A_142 = tpu.memref_slice %arg2[%dma_wait3A_133, %dma_wait3A_141] : memref<39x16384xf32, #tpu.memory_space<hbm>> -> memref<1x4096xf32, #tpu.memory_space<hbm>>
      %dma_wait3A_143 = tpu.memref_squeeze %dma_wait3A_142 : memref<1x4096xf32, #tpu.memory_space<hbm>> -> memref<4096xf32, #tpu.memory_space<hbm>>
      tpu.wait_dma2 semaphore(%arg9 : memref<!tpu.dma_semaphore, #tpu.memory_space<semaphore_mem>>) src(%dma_wait3A_143 : memref<4096xf32, #tpu.memory_space<hbm>>) dst(%dma_wait3A_140 : memref<4096xf32, #tpu.memory_space<vmem>>)
      %parallel_loop3A_144 = arith.constant 0 : i32
      %parallel_loop3A_145 = arith.constant 4096 : i32
      %parallel_loop3A_146 = arith.constant 16 : i32
      scf.for %parallel_loop3A_261 = %parallel_loop3A_144 to %parallel_loop3A_145 step %parallel_loop3A_146  : i32 {
        %parallel_loop3A_262 = arith.index_cast %parallel_loop3A_261 : i32 to index
        %parallel_loop3A_263 = tpu.vector_load %arg6[%parallel_loop3A_262] {strides = array<i32>} : memref<8192xf32, #tpu.memory_space<vmem>>, vector<16xf32>,
        %parallel_loop3A_264 = arith.constant 7 : i32
        %parallel_loop3A_265 = arith.shrsi %parallel_loop3A_261, %parallel_loop3A_264 : i32
        %parallel_loop3A_266 = arith.constant 896 : i32
        %parallel_loop3A_267 = arith.muli %parallel_loop3A_265, %parallel_loop3A_266 : i32
        %parallel_loop3A_268 = arith.addi %parallel_loop3A_261, %parallel_loop3A_267 : i32
        %parallel_loop3A_269 = arith.constant 256 : i32
        %parallel_loop3A_270 = arith.addi %parallel_loop3A_268, %parallel_loop3A_269 : i32
        %parallel_loop3A_271 = arith.index_cast %parallel_loop3A_270 : i32 to index
        %parallel_loop3A_272 = tpu.vector_load %arg5[%parallel_loop3A_271] {strides = array<i32>} : memref<65536xf32, #tpu.memory_space<vmem>>, vector<16xf32>,
        tpu.vector_store %arg5[%parallel_loop3A_271], %parallel_loop3A_263 {strides = array<i32>} : memref<65536xf32, #tpu.memory_space<vmem>>, vector<16xf32>,
      } {sc.loop_unroll_factor = 8 : i64, sc.parallel_access}
      %dma_start3A_147 = arith.constant 4 : i32
      %dma_start3A_148 = arith.constant 0 : i32
      %dma_start3A_149 = tpu.memref_slice %arg6[%dma_start3A_148] : memref<8192xf32, #tpu.memory_space<vmem>> -> memref<4096xf32, #tpu.memory_space<vmem>>
      %dma_start3A_150 = arith.constant 4096 : i32
      %dma_start3A_151 = tpu.memref_slice %arg2[%dma_start3A_147, %dma_start3A_150] : memref<39x16384xf32, #tpu.memory_space<hbm>> -> memref<1x4096xf32, #tpu.memory_space<hbm>>
      %dma_start3A_152 = tpu.memref_squeeze %dma_start3A_151 : memref<1x4096xf32, #tpu.memory_space<hbm>> -> memref<4096xf32, #tpu.memory_space<hbm>>
      %dma_start3A_153 = arith.constant 0 : i32
      %dma_start3A_154 = tpu.memref_slice %arg6[%dma_start3A_153] : memref<8192xf32, #tpu.memory_space<vmem>> -> memref<4096xf32, #tpu.memory_space<vmem>>
      %dma_start3A_155 = arith.constant 4096 : i32
      %dma_start3A_156 = tpu.memref_slice %arg2[%dma_start3A_147, %dma_start3A_155] : memref<39x16384xf32, #tpu.memory_space<hbm>> -> memref<1x4096xf32, #tpu.memory_space<hbm>>
      %dma_start3A_157 = tpu.memref_squeeze %dma_start3A_156 : memref<1x4096xf32, #tpu.memory_space<hbm>> -> memref<4096xf32, #tpu.memory_space<hbm>>
      tpu.enqueue_dma source(%dma_start3A_157 : memref<4096xf32, #tpu.memory_space<hbm>>) target(%dma_start3A_154 : memref<4096xf32, #tpu.memory_space<vmem>>) target_semaphore(%arg9 : memref<!tpu.dma_semaphore, #tpu.memory_space<semaphore_mem>>)
      %dma_wait3A_158 = arith.constant 3 : i32
      %dma_wait3A_159 = arith.constant 0 : i32
      %dma_wait3A_160 = tpu.memref_slice %arg7[%dma_wait3A_159] : memref<8192xf32, #tpu.memory_space<vmem>> -> memref<4096xf32, #tpu.memory_space<vmem>>
      %dma_wait3A_161 = arith.constant 4096 : i32
      %dma_wait3A_162 = tpu.memref_slice %arg2[%dma_wait3A_158, %dma_wait3A_161] : memref<39x16384xf32, #tpu.memory_space<hbm>> -> memref<1x4096xf32, #tpu.memory_space<hbm>>
      %dma_wait3A_163 = tpu.memref_squeeze %dma_wait3A_162 : memref<1x4096xf32, #tpu.memory_space<hbm>> -> memref<4096xf32, #tpu.memory_space<hbm>>
      %dma_wait3A_164 = arith.constant 0 : i32
      %dma_wait3A_165 = tpu.memref_slice %arg7[%dma_wait3A_164] : memref<8192xf32, #tpu.memory_space<vmem>> -> memref<4096xf32, #tpu.memory_space<vmem>>
      %dma_wait3A_166 = arith.constant 4096 : i32
      %dma_wait3A_167 = tpu.memref_slice %arg2[%dma_wait3A_158, %dma_wait3A_166] : memref<39x16384xf32, #tpu.memory_space<hbm>> -> memref<1x4096xf32, #tpu.memory_space<hbm>>
      %dma_wait3A_168 = tpu.memref_squeeze %dma_wait3A_167 : memref<1x4096xf32, #tpu.memory_space<hbm>> -> memref<4096xf32, #tpu.memory_space<hbm>>
      tpu.wait_dma2 semaphore(%arg10 : memref<!tpu.dma_semaphore, #tpu.memory_space<semaphore_mem>>) src(%dma_wait3A_168 : memref<4096xf32, #tpu.memory_space<hbm>>) dst(%dma_wait3A_165 : memref<4096xf32, #tpu.memory_space<vmem>>)
      %parallel_loop3A_169 = arith.constant 0 : i32
      %parallel_loop3A_170 = arith.constant 4096 : i32
      %parallel_loop3A_171 = arith.constant 16 : i32
      scf.for %parallel_loop3A_261 = %parallel_loop3A_169 to %parallel_loop3A_170 step %parallel_loop3A_171  : i32 {
        %parallel_loop3A_262 = arith.index_cast %parallel_loop3A_261 : i32 to index
        %parallel_loop3A_263 = tpu.vector_load %arg7[%parallel_loop3A_262] {strides = array<i32>} : memref<8192xf32, #tpu.memory_space<vmem>>, vector<16xf32>,
        %parallel_loop3A_264 = arith.constant 7 : i32
        %parallel_loop3A_265 = arith.shrsi %parallel_loop3A_261, %parallel_loop3A_264 : i32
        %parallel_loop3A_266 = arith.constant 896 : i32
        %parallel_loop3A_267 = arith.muli %parallel_loop3A_265, %parallel_loop3A_266 : i32
        %parallel_loop3A_268 = arith.addi %parallel_loop3A_261, %parallel_loop3A_267 : i32
        %parallel_loop3A_269 = arith.constant 384 : i32
        %parallel_loop3A_270 = arith.addi %parallel_loop3A_268, %parallel_loop3A_269 : i32
        %parallel_loop3A_271 = arith.index_cast %parallel_loop3A_270 : i32 to index
        %parallel_loop3A_272 = tpu.vector_load %arg5[%parallel_loop3A_271] {strides = array<i32>} : memref<65536xf32, #tpu.memory_space<vmem>>, vector<16xf32>,
        tpu.vector_store %arg5[%parallel_loop3A_271], %parallel_loop3A_263 {strides = array<i32>} : memref<65536xf32, #tpu.memory_space<vmem>>, vector<16xf32>,
      } {sc.loop_unroll_factor = 8 : i64, sc.parallel_access}
      %dma_start3A_172 = arith.constant 5 : i32
      %dma_start3A_173 = arith.constant 0 : i32
      %dma_start3A_174 = tpu.memref_slice %arg7[%dma_start3A_173] : memref<8192xf32, #tpu.memory_space<vmem>> -> memref<4096xf32, #tpu.memory_space<vmem>>
      %dma_start3A_175 = arith.constant 4096 : i32
      %dma_start3A_176 = tpu.memref_slice %arg2[%dma_start3A_172, %dma_start3A_175] : memref<39x16384xf32, #tpu.memory_space<hbm>> -> memref<1x4096xf32, #tpu.memory_space<hbm>>
      %dma_start3A_177 = tpu.memref_squeeze %dma_start3A_176 : memref<1x4096xf32, #tpu.memory_space<hbm>> -> memref<4096xf32, #tpu.memory_space<hbm>>
      %dma_start3A_178 = arith.constant 0 : i32
      %dma_start3A_179 = tpu.memref_slice %arg7[%dma_start3A_178] : memref<8192xf32, #tpu.memory_space<vmem>> -> memref<4096xf32, #tpu.memory_space<vmem>>
      %dma_start3A_180 = arith.constant 4096 : i32
      %dma_start3A_181 = tpu.memref_slice %arg2[%dma_start3A_172, %dma_start3A_180] : memref<39x16384xf32, #tpu.memory_space<hbm>> -> memref<1x4096xf32, #tpu.memory_space<hbm>>
      %dma_start3A_182 = tpu.memref_squeeze %dma_start3A_181 : memref<1x4096xf32, #tpu.memory_space<hbm>> -> memref<4096xf32, #tpu.memory_space<hbm>>
      tpu.enqueue_dma source(%dma_start3A_182 : memref<4096xf32, #tpu.memory_space<hbm>>) target(%dma_start3A_179 : memref<4096xf32, #tpu.memory_space<vmem>>) target_semaphore(%arg10 : memref<!tpu.dma_semaphore, #tpu.memory_space<semaphore_mem>>)
      %dma_wait3A_183 = arith.constant 4 : i32
      %dma_wait3A_184 = arith.constant 0 : i32
      %dma_wait3A_185 = tpu.memref_slice %arg6[%dma_wait3A_184] : memref<8192xf32, #tpu.memory_space<vmem>> -> memref<4096xf32, #tpu.memory_space<vmem>>
      %dma_wait3A_186 = arith.constant 4096 : i32
      %dma_wait3A_187 = tpu.memref_slice %arg2[%dma_wait3A_183, %dma_wait3A_186] : memref<39x16384xf32, #tpu.memory_space<hbm>> -> memref<1x4096xf32, #tpu.memory_space<hbm>>
      %dma_wait3A_188 = tpu.memref_squeeze %dma_wait3A_187 : memref<1x4096xf32, #tpu.memory_space<hbm>> -> memref<4096xf32, #tpu.memory_space<hbm>>
      %dma_wait3A_189 = arith.constant 0 : i32
      %dma_wait3A_190 = tpu.memref_slice %arg6[%dma_wait3A_189] : memref<8192xf32, #tpu.memory_space<vmem>> -> memref<4096xf32, #tpu.memory_space<vmem>>
      %dma_wait3A_191 = arith.constant 4096 : i32
      %dma_wait3A_192 = tpu.memref_slice %arg2[%dma_wait3A_183, %dma_wait3A_191] : memref<39x16384xf32, #tpu.memory_space<hbm>> -> memref<1x4096xf32, #tpu.memory_space<hbm>>
      %dma_wait3A_193 = tpu.memref_squeeze %dma_wait3A_192 : memref<1x4096xf32, #tpu.memory_space<hbm>> -> memref<4096xf32, #tpu.memory_space<hbm>>
      tpu.wait_dma2 semaphore(%arg9 : memref<!tpu.dma_semaphore, #tpu.memory_space<semaphore_mem>>) src(%dma_wait3A_193 : memref<4096xf32, #tpu.memory_space<hbm>>) dst(%dma_wait3A_190 : memref<4096xf32, #tpu.memory_space<vmem>>)
      %parallel_loop3A_194 = arith.constant 0 : i32
      %parallel_loop3A_195 = arith.constant 4096 : i32
      %parallel_loop3A_196 = arith.constant 16 : i32
      scf.for %parallel_loop3A_261 = %parallel_loop3A_194 to %parallel_loop3A_195 step %parallel_loop3A_196  : i32 {
        %parallel_loop3A_262 = arith.index_cast %parallel_loop3A_261 : i32 to index
        %parallel_loop3A_263 = tpu.vector_load %arg6[%parallel_loop3A_262] {strides = array<i32>} : memref<8192xf32, #tpu.memory_space<vmem>>, vector<16xf32>,
        %parallel_loop3A_264 = arith.constant 7 : i32
        %parallel_loop3A_265 = arith.shrsi %parallel_loop3A_261, %parallel_loop3A_264 : i32
        %parallel_loop3A_266 = arith.constant 896 : i32
        %parallel_loop3A_267 = arith.muli %parallel_loop3A_265, %parallel_loop3A_266 : i32
        %parallel_loop3A_268 = arith.addi %parallel_loop3A_261, %parallel_loop3A_267 : i32
        %parallel_loop3A_269 = arith.constant 512 : i32
        %parallel_loop3A_270 = arith.addi %parallel_loop3A_268, %parallel_loop3A_269 : i32
        %parallel_loop3A_271 = arith.index_cast %parallel_loop3A_270 : i32 to index
        %parallel_loop3A_272 = tpu.vector_load %arg5[%parallel_loop3A_271] {strides = array<i32>} : memref<65536xf32, #tpu.memory_space<vmem>>, vector<16xf32>,
        tpu.vector_store %arg5[%parallel_loop3A_271], %parallel_loop3A_263 {strides = array<i32>} : memref<65536xf32, #tpu.memory_space<vmem>>, vector<16xf32>,
      } {sc.loop_unroll_factor = 8 : i64, sc.parallel_access}
      %dma_start3A_197 = arith.constant 6 : i32
      %dma_start3A_198 = arith.constant 0 : i32
      %dma_start3A_199 = tpu.memref_slice %arg6[%dma_start3A_198] : memref<8192xf32, #tpu.memory_space<vmem>> -> memref<4096xf32, #tpu.memory_space<vmem>>
      %dma_start3A_200 = arith.constant 4096 : i32
      %dma_start3A_201 = tpu.memref_slice %arg2[%dma_start3A_197, %dma_start3A_200] : memref<39x16384xf32, #tpu.memory_space<hbm>> -> memref<1x4096xf32, #tpu.memory_space<hbm>>
      %dma_start3A_202 = tpu.memref_squeeze %dma_start3A_201 : memref<1x4096xf32, #tpu.memory_space<hbm>> -> memref<4096xf32, #tpu.memory_space<hbm>>
      %dma_start3A_203 = arith.constant 0 : i32
      %dma_start3A_204 = tpu.memref_slice %arg6[%dma_start3A_203] : memref<8192xf32, #tpu.memory_space<vmem>> -> memref<4096xf32, #tpu.memory_space<vmem>>
      %dma_start3A_205 = arith.constant 4096 : i32
      %dma_start3A_206 = tpu.memref_slice %arg2[%dma_start3A_197, %dma_start3A_205] : memref<39x16384xf32, #tpu.memory_space<hbm>> -> memref<1x4096xf32, #tpu.memory_space<hbm>>
      %dma_start3A_207 = tpu.memref_squeeze %dma_start3A_206 : memref<1x4096xf32, #tpu.memory_space<hbm>> -> memref<4096xf32, #tpu.memory_space<hbm>>
      tpu.enqueue_dma source(%dma_start3A_207 : memref<4096xf32, #tpu.memory_space<hbm>>) target(%dma_start3A_204 : memref<4096xf32, #tpu.memory_space<vmem>>) target_semaphore(%arg9 : memref<!tpu.dma_semaphore, #tpu.memory_space<semaphore_mem>>)
      %dma_wait3A_208 = arith.constant 5 : i32
      %dma_wait3A_209 = arith.constant 0 : i32
      %dma_wait3A_210 = tpu.memref_slice %arg7[%dma_wait3A_209] : memref<8192xf32, #tpu.memory_space<vmem>> -> memref<4096xf32, #tpu.memory_space<vmem>>
      %dma_wait3A_211 = arith.constant 4096 : i32
      %dma_wait3A_212 = tpu.memref_slice %arg2[%dma_wait3A_208, %dma_wait3A_211] : memref<39x16384xf32, #tpu.memory_space<hbm>> -> memref<1x4096xf32, #tpu.memory_space<hbm>>
      %dma_wait3A_213 = tpu.memref_squeeze %dma_wait3A_212 : memref<1x4096xf32, #tpu.memory_space<hbm>> -> memref<4096xf32, #tpu.memory_space<hbm>>
      %dma_wait3A_214 = arith.constant 0 : i32
      %dma_wait3A_215 = tpu.memref_slice %arg7[%dma_wait3A_214] : memref<8192xf32, #tpu.memory_space<vmem>> -> memref<4096xf32, #tpu.memory_space<vmem>>
      %dma_wait3A_216 = arith.constant 4096 : i32
      %dma_wait3A_217 = tpu.memref_slice %arg2[%dma_wait3A_208, %dma_wait3A_216] : memref<39x16384xf32, #tpu.memory_space<hbm>> -> memref<1x4096xf32, #tpu.memory_space<hbm>>
      %dma_wait3A_218 = tpu.memref_squeeze %dma_wait3A_217 : memref<1x4096xf32, #tpu.memory_space<hbm>> -> memref<4096xf32, #tpu.memory_space<hbm>>
      tpu.wait_dma2 semaphore(%arg10 : memref<!tpu.dma_semaphore, #tpu.memory_space<semaphore_mem>>) src(%dma_wait3A_218 : memref<4096xf32, #tpu.memory_space<hbm>>) dst(%dma_wait3A_215 : memref<4096xf32, #tpu.memory_space<vmem>>)
      %parallel_loop3A_219 = arith.constant 0 : i32
      %parallel_loop3A_220 = arith.constant 4096 : i32
      %parallel_loop3A_221 = arith.constant 16 : i32
      scf.for %parallel_loop3A_261 = %parallel_loop3A_219 to %parallel_loop3A_220 step %parallel_loop3A_221  : i32 {
        %parallel_loop3A_262 = arith.index_cast %parallel_loop3A_261 : i32 to index
        %parallel_loop3A_263 = tpu.vector_load %arg7[%parallel_loop3A_262] {strides = array<i32>} : memref<8192xf32, #tpu.memory_space<vmem>>, vector<16xf32>,
        %parallel_loop3A_264 = arith.constant 7 : i32
        %parallel_loop3A_265 = arith.shrsi %parallel_loop3A_261, %parallel_loop3A_264 : i32
        %parallel_loop3A_266 = arith.constant 896 : i32
        %parallel_loop3A_267 = arith.muli %parallel_loop3A_265, %parallel_loop3A_266 : i32
        %parallel_loop3A_268 = arith.addi %parallel_loop3A_261, %parallel_loop3A_267 : i32
        %parallel_loop3A_269 = arith.constant 640 : i32
        %parallel_loop3A_270 = arith.addi %parallel_loop3A_268, %parallel_loop3A_269 : i32
        %parallel_loop3A_271 = arith.index_cast %parallel_loop3A_270 : i32 to index
        %parallel_loop3A_272 = tpu.vector_load %arg5[%parallel_loop3A_271] {strides = array<i32>} : memref<65536xf32, #tpu.memory_space<vmem>>, vector<16xf32>,
        tpu.vector_store %arg5[%parallel_loop3A_271], %parallel_loop3A_263 {strides = array<i32>} : memref<65536xf32, #tpu.memory_space<vmem>>, vector<16xf32>,
      } {sc.loop_unroll_factor = 8 : i64, sc.parallel_access}
      %dma_start3A_222 = arith.constant 7 : i32
      %dma_start3A_223 = arith.constant 0 : i32
      %dma_start3A_224 = tpu.memref_slice %arg7[%dma_start3A_223] : memref<8192xf32, #tpu.memory_space<vmem>> -> memref<4096xf32, #tpu.memory_space<vmem>>
      %dma_start3A_225 = arith.constant 4096 : i32
      %dma_start3A_226 = tpu.memref_slice %arg2[%dma_start3A_222, %dma_start3A_225] : memref<39x16384xf32, #tpu.memory_space<hbm>> -> memref<1x4096xf32, #tpu.memory_space<hbm>>
      %dma_start3A_227 = tpu.memref_squeeze %dma_start3A_226 : memref<1x4096xf32, #tpu.memory_space<hbm>> -> memref<4096xf32, #tpu.memory_space<hbm>>
      %dma_start3A_228 = arith.constant 0 : i32
      %dma_start3A_229 = tpu.memref_slice %arg7[%dma_start3A_228] : memref<8192xf32, #tpu.memory_space<vmem>> -> memref<4096xf32, #tpu.memory_space<vmem>>
      %dma_start3A_230 = arith.constant 4096 : i32
      %dma_start3A_231 = tpu.memref_slice %arg2[%dma_start3A_222, %dma_start3A_230] : memref<39x16384xf32, #tpu.memory_space<hbm>> -> memref<1x4096xf32, #tpu.memory_space<hbm>>
      %dma_start3A_232 = tpu.memref_squeeze %dma_start3A_231 : memref<1x4096xf32, #tpu.memory_space<hbm>> -> memref<4096xf32, #tpu.memory_space<hbm>>
      tpu.enqueue_dma source(%dma_start3A_232 : memref<4096xf32, #tpu.memory_space<hbm>>) target(%dma_start3A_229 : memref<4096xf32, #tpu.memory_space<vmem>>) target_semaphore(%arg10 : memref<!tpu.dma_semaphore, #tpu.memory_space<semaphore_mem>>)
      %dma_wait3A_233 = arith.constant 6 : i32
      %dma_wait3A_234 = arith.constant 0 : i32
      %dma_wait3A_235 = tpu.memref_slice %arg6[%dma_wait3A_234] : memref<8192xf32, #tpu.memory_space<vmem>> -> memref<4096xf32, #tpu.memory_space<vmem>>
      %dma_wait3A_236 = arith.constant 4096 : i32
      %dma_wait3A_237 = tpu.memref_slice %arg2[%dma_wait3A_233, %dma_wait3A_236] : memref<39x16384xf32, #tpu.memory_space<hbm>> -> memref<1x4096xf32, #tpu.memory_space<hbm>>
      %dma_wait3A_238 = tpu.memref_squeeze %dma_wait3A_237 : memref<1x4096xf32, #tpu.memory_space<hbm>> -> memref<4096xf32, #tpu.memory_space<hbm>>
      %dma_wait3A_239 = arith.constant 0 : i32
      %dma_wait3A_240 = tpu.memref_slice %arg6[%dma_wait3A_239] : memref<8192xf32, #tpu.memory_space<vmem>> -> memref<4096xf32, #tpu.memory_space<vmem>>
      %dma_wait3A_241 = arith.constant 4096 : i32
      %dma_wait3A_242 = tpu.memref_slice %arg2[%dma_wait3A_233, %dma_wait3A_241] : memref<39x16384xf32, #tpu.memory_space<hbm>> -> memref<1x4096xf32, #tpu.memory_space<hbm>>
      %dma_wait3A_243 = tpu.memref_squeeze %dma_wait3A_242 : memref<1x4096xf32, #tpu.memory_space<hbm>> -> memref<4096xf32, #tpu.memory_space<hbm>>
      tpu.wait_dma2 semaphore(%arg9 : memref<!tpu.dma_semaphore, #tpu.memory_space<semaphore_mem>>) src(%dma_wait3A_243 : memref<4096xf32, #tpu.memory_space<hbm>>) dst(%dma_wait3A_240 : memref<4096xf32, #tpu.memory_space<vmem>>)
      %parallel_loop3A_244 = arith.constant 0 : i32
      %parallel_loop3A_245 = arith.constant 4096 : i32
      %parallel_loop3A_246 = arith.constant 16 : i32
      scf.for %parallel_loop3A_261 = %parallel_loop3A_244 to %parallel_loop3A_245 step %parallel_loop3A_246  : i32 {
        %parallel_loop3A_262 = arith.index_cast %parallel_loop3A_261 : i32 to index
        %parallel_loop3A_263 = tpu.vector_load %arg6[%parallel_loop3A_262] {strides = array<i32>} : memref<8192xf32, #tpu.memory_space<vmem>>, vector<16xf32>,
        %parallel_loop3A_264 = arith.constant 7 : i32
        %parallel_loop3A_265 = arith.shrsi %parallel_loop3A_261, %parallel_loop3A_264 : i32
        %parallel_loop3A_266 = arith.constant 896 : i32
        %parallel_loop3A_267 = arith.muli %parallel_loop3A_265, %parallel_loop3A_266 : i32
        %parallel_loop3A_268 = arith.addi %parallel_loop3A_261, %parallel_loop3A_267 : i32
        %parallel_loop3A_269 = arith.constant 768 : i32
        %parallel_loop3A_270 = arith.addi %parallel_loop3A_268, %parallel_loop3A_269 : i32
        %parallel_loop3A_271 = arith.index_cast %parallel_loop3A_270 : i32 to index
        %parallel_loop3A_272 = tpu.vector_load %arg5[%parallel_loop3A_271] {strides = array<i32>} : memref<65536xf32, #tpu.memory_space<vmem>>, vector<16xf32>,
        tpu.vector_store %arg5[%parallel_loop3A_271], %parallel_loop3A_263 {strides = array<i32>} : memref<65536xf32, #tpu.memory_space<vmem>>, vector<16xf32>,
      } {sc.loop_unroll_factor = 8 : i64, sc.parallel_access}
      %dma_wait3A_247 = arith.constant 7 : i32
      %dma_wait3A_248 = arith.constant 0 : i32
      %dma_wait3A_249 = tpu.memref_slice %arg7[%dma_wait3A_248] : memref<8192xf32, #tpu.memory_space<vmem>> -> memref<4096xf32, #tpu.memory_space<vmem>>
      %dma_wait3A_250 = arith.constant 4096 : i32
      %dma_wait3A_251 = tpu.memref_slice %arg2[%dma_wait3A_247, %dma_wait3A_250] : memref<39x16384xf32, #tpu.memory_space<hbm>> -> memref<1x4096xf32, #tpu.memory_space<hbm>>
      %dma_wait3A_252 = tpu.memref_squeeze %dma_wait3A_251 : memref<1x4096xf32, #tpu.memory_space<hbm>> -> memref<4096xf32, #tpu.memory_space<hbm>>
      %dma_wait3A_253 = arith.constant 0 : i32
      %dma_wait3A_254 = tpu.memref_slice %arg7[%dma_wait3A_253] : memref<8192xf32, #tpu.memory_space<vmem>> -> memref<4096xf32, #tpu.memory_space<vmem>>
      %dma_wait3A_255 = arith.constant 4096 : i32
      %dma_wait3A_256 = tpu.memref_slice %arg2[%dma_wait3A_247, %dma_wait3A_255] : memref<39x16384xf32, #tpu.memory_space<hbm>> -> memref<1x4096xf32, #tpu.memory_space<hbm>>
      %dma_wait3A_257 = tpu.memref_squeeze %dma_wait3A_256 : memref<1x4096xf32, #tpu.memory_space<hbm>> -> memref<4096xf32, #tpu.memory_space<hbm>>
      tpu.wait_dma2 semaphore(%arg10 : memref<!tpu.dma_semaphore, #tpu.memory_space<semaphore_mem>>) src(%dma_wait3A_257 : memref<4096xf32, #tpu.memory_space<hbm>>) dst(%dma_wait3A_254 : memref<4096xf32, #tpu.memory_space<vmem>>)
      %parallel_loop3A_258 = arith.constant 0 : i32
      %parallel_loop3A_259 = arith.constant 4096 : i32
      %parallel_loop3A_260 = arith.constant 16 : i32
      scf.for %parallel_loop3A_261 = %parallel_loop3A_258 to %parallel_loop3A_259 step %parallel_loop3A_260  : i32 {
        %parallel_loop3A_262 = arith.index_cast %parallel_loop3A_261 : i32 to index
        %parallel_loop3A_263 = tpu.vector_load %arg7[%parallel_loop3A_262] {strides = array<i32>} : memref<8192xf32, #tpu.memory_space<vmem>>, vector<16xf32>,
        %parallel_loop3A_264 = arith.constant 7 : i32
        %parallel_loop3A_265 = arith.shrsi %parallel_loop3A_261, %parallel_loop3A_264 : i32
        %parallel_loop3A_266 = arith.constant 896 : i32
        %parallel_loop3A_267 = arith.muli %parallel_loop3A_265, %parallel_loop3A_266 : i32
        %parallel_loop3A_268 = arith.addi %parallel_loop3A_261, %parallel_loop3A_267 : i32
        %parallel_loop3A_269 = arith.constant 896 : i32
        %parallel_loop3A_270 = arith.addi %parallel_loop3A_268, %parallel_loop3A_269 : i32
        %parallel_loop3A_271 = arith.index_cast %parallel_loop3A_270 : i32 to index
        %parallel_loop3A_272 = tpu.vector_load %arg5[%parallel_loop3A_271] {strides = array<i32>} : memref<65536xf32, #tpu.memory_space<vmem>>, vector<16xf32>,
        tpu.vector_store %arg5[%parallel_loop3A_271], %parallel_loop3A_263 {strides = array<i32>} : memref<65536xf32, #tpu.memory_space<vmem>>, vector<16xf32>,
      } {sc.loop_unroll_factor = 8 : i64, sc.parallel_access}
      "tpu.region"() ({
        %run_scoped3A = tpu.sem_alloc : memref<!tpu.dma_semaphore, #tpu.memory_space<semaphore_mem>>
        %dma_start3A_261 = arith.constant 0 : i32
        %dma_start3A_262 = tpu.memref_slice %arg5[%dma_start3A_261] : memref<65536xf32, #tpu.memory_space<vmem>> -> memref<32768xf32, #tpu.memory_space<vmem>>
        %dma_start3A_263 = arith.constant 1736704 : i32
        %dma_start3A_264 = tpu.memref_slice %arg4[%dma_start3A_263] : memref<1966080xf32, #tpu.memory_space<hbm>> -> memref<32768xf32, #tpu.memory_space<hbm>>
        %dma_start3A_265 = arith.constant 1736704 : i32
        %dma_start3A_266 = tpu.memref_slice %arg4[%dma_start3A_265] : memref<1966080xf32, #tpu.memory_space<hbm>> -> memref<32768xf32, #tpu.memory_space<hbm>>
        %dma_start3A_267 = arith.constant 0 : i32
        %dma_start3A_268 = tpu.memref_slice %arg5[%dma_start3A_267] : memref<65536xf32, #tpu.memory_space<vmem>> -> memref<32768xf32, #tpu.memory_space<vmem>>
        tpu.enqueue_dma source(%dma_start3A_268 : memref<32768xf32, #tpu.memory_space<vmem>>) target(%dma_start3A_266 : memref<32768xf32, #tpu.memory_space<hbm>>) target_semaphore(%run_scoped3A : memref<!tpu.dma_semaphore, #tpu.memory_space<semaphore_mem>>)
        %dma_wait3A_269 = arith.constant 0 : i32
        %dma_wait3A_270 = tpu.memref_slice %arg5[%dma_wait3A_269] : memref<65536xf32, #tpu.memory_space<vmem>> -> memref<32768xf32, #tpu.memory_space<vmem>>
        %dma_wait3A_271 = arith.constant 1736704 : i32
        %dma_wait3A_272 = tpu.memref_slice %arg4[%dma_wait3A_271] : memref<1966080xf32, #tpu.memory_space<hbm>> -> memref<32768xf32, #tpu.memory_space<hbm>>
        %dma_wait3A_273 = arith.constant 1736704 : i32
        %dma_wait3A_274 = tpu.memref_slice %arg4[%dma_wait3A_273] : memref<1966080xf32, #tpu.memory_space<hbm>> -> memref<32768xf32, #tpu.memory_space<hbm>>
        %dma_wait3A_275 = arith.constant 0 : i32
        %dma_wait3A_276 = tpu.memref_slice %arg5[%dma_wait3A_275] : memref<65536xf32, #tpu.memory_space<vmem>> -> memref<32768xf32, #tpu.memory_space<vmem>>
        tpu.wait_dma2 semaphore(%run_scoped3A : memref<!tpu.dma_semaphore, #tpu.memory_space<semaphore_mem>>) src(%dma_wait3A_276 : memref<32768xf32, #tpu.memory_space<vmem>>) dst(%dma_wait3A_274 : memref<32768xf32, #tpu.memory_space<hbm>>)
        tpu.yield
      }) : () -> ()
    } else {
    }
    %eq3A_44 = arith.constant 28 : i32
    %eq3A_45 = arith.cmpi eq, %add3A, %eq3A_44 : i32
    %convert_element_type3A_46 = arith.extui %eq3A_45 : i1 to i32
    %cond3A_47 = arith.constant 0 : i32
    %cond3A_48 = arith.cmpi ne, %convert_element_type3A_46, %cond3A_47 : i32
    scf.if %cond3A_48 {
      %dma_start3A = arith.constant 0 : i32
      %dma_start3A_64 = arith.constant 0 : i32
      %dma_start3A_65 = tpu.memref_slice %arg6[%dma_start3A_64] : memref<8192xf32, #tpu.memory_space<vmem>> -> memref<4096xf32, #tpu.memory_space<vmem>>
      %dma_start3A_66 = arith.constant 8192 : i32
      %dma_start3A_67 = tpu.memref_slice %arg2[%dma_start3A, %dma_start3A_66] : memref<39x16384xf32, #tpu.memory_space<hbm>> -> memref<1x4096xf32, #tpu.memory_space<hbm>>
      %dma_start3A_68 = tpu.memref_squeeze %dma_start3A_67 : memref<1x4096xf32, #tpu.memory_space<hbm>> -> memref<4096xf32, #tpu.memory_space<hbm>>
      %dma_start3A_69 = arith.constant 0 : i32
      %dma_start3A_70 = tpu.memref_slice %arg6[%dma_start3A_69] : memref<8192xf32, #tpu.memory_space<vmem>> -> memref<4096xf32, #tpu.memory_space<vmem>>
      %dma_start3A_71 = arith.constant 8192 : i32
      %dma_start3A_72 = tpu.memref_slice %arg2[%dma_start3A, %dma_start3A_71] : memref<39x16384xf32, #tpu.memory_space<hbm>> -> memref<1x4096xf32, #tpu.memory_space<hbm>>
      %dma_start3A_73 = tpu.memref_squeeze %dma_start3A_72 : memref<1x4096xf32, #tpu.memory_space<hbm>> -> memref<4096xf32, #tpu.memory_space<hbm>>
      tpu.enqueue_dma source(%dma_start3A_73 : memref<4096xf32, #tpu.memory_space<hbm>>) target(%dma_start3A_70 : memref<4096xf32, #tpu.memory_space<vmem>>) target_semaphore(%arg9 : memref<!tpu.dma_semaphore, #tpu.memory_space<semaphore_mem>>)
      %dma_start3A_74 = arith.constant 1 : i32
      %dma_start3A_75 = arith.constant 0 : i32
      %dma_start3A_76 = tpu.memref_slice %arg7[%dma_start3A_75] : memref<8192xf32, #tpu.memory_space<vmem>> -> memref<4096xf32, #tpu.memory_space<vmem>>
      %dma_start3A_77 = arith.constant 8192 : i32
      %dma_start3A_78 = tpu.memref_slice %arg2[%dma_start3A_74, %dma_start3A_77] : memref<39x16384xf32, #tpu.memory_space<hbm>> -> memref<1x4096xf32, #tpu.memory_space<hbm>>
      %dma_start3A_79 = tpu.memref_squeeze %dma_start3A_78 : memref<1x4096xf32, #tpu.memory_space<hbm>> -> memref<4096xf32, #tpu.memory_space<hbm>>
      %dma_start3A_80 = arith.constant 0 : i32
      %dma_start3A_81 = tpu.memref_slice %arg7[%dma_start3A_80] : memref<8192xf32, #tpu.memory_space<vmem>> -> memref<4096xf32, #tpu.memory_space<vmem>>
      %dma_start3A_82 = arith.constant 8192 : i32
      %dma_start3A_83 = tpu.memref_slice %arg2[%dma_start3A_74, %dma_start3A_82] : memref<39x16384xf32, #tpu.memory_space<hbm>> -> memref<1x4096xf32, #tpu.memory_space<hbm>>
      %dma_start3A_84 = tpu.memref_squeeze %dma_start3A_83 : memref<1x4096xf32, #tpu.memory_space<hbm>> -> memref<4096xf32, #tpu.memory_space<hbm>>
      tpu.enqueue_dma source(%dma_start3A_84 : memref<4096xf32, #tpu.memory_space<hbm>>) target(%dma_start3A_81 : memref<4096xf32, #tpu.memory_space<vmem>>) target_semaphore(%arg10 : memref<!tpu.dma_semaphore, #tpu.memory_space<semaphore_mem>>)
      %dma_wait3A = arith.constant 0 : i32
      %dma_wait3A_85 = arith.constant 0 : i32
      %dma_wait3A_86 = tpu.memref_slice %arg6[%dma_wait3A_85] : memref<8192xf32, #tpu.memory_space<vmem>> -> memref<4096xf32, #tpu.memory_space<vmem>>
      %dma_wait3A_87 = arith.constant 8192 : i32
      %dma_wait3A_88 = tpu.memref_slice %arg2[%dma_wait3A, %dma_wait3A_87] : memref<39x16384xf32, #tpu.memory_space<hbm>> -> memref<1x4096xf32, #tpu.memory_space<hbm>>
      %dma_wait3A_89 = tpu.memref_squeeze %dma_wait3A_88 : memref<1x4096xf32, #tpu.memory_space<hbm>> -> memref<4096xf32, #tpu.memory_space<hbm>>
      %dma_wait3A_90 = arith.constant 0 : i32
      %dma_wait3A_91 = tpu.memref_slice %arg6[%dma_wait3A_90] : memref<8192xf32, #tpu.memory_space<vmem>> -> memref<4096xf32, #tpu.memory_space<vmem>>
      %dma_wait3A_92 = arith.constant 8192 : i32
      %dma_wait3A_93 = tpu.memref_slice %arg2[%dma_wait3A, %dma_wait3A_92] : memref<39x16384xf32, #tpu.memory_space<hbm>> -> memref<1x4096xf32, #tpu.memory_space<hbm>>
      %dma_wait3A_94 = tpu.memref_squeeze %dma_wait3A_93 : memref<1x4096xf32, #tpu.memory_space<hbm>> -> memref<4096xf32, #tpu.memory_space<hbm>>
      tpu.wait_dma2 semaphore(%arg9 : memref<!tpu.dma_semaphore, #tpu.memory_space<semaphore_mem>>) src(%dma_wait3A_94 : memref<4096xf32, #tpu.memory_space<hbm>>) dst(%dma_wait3A_91 : memref<4096xf32, #tpu.memory_space<vmem>>)
      %parallel_loop3A = arith.constant 0 : i32
      %parallel_loop3A_95 = arith.constant 4096 : i32
      %parallel_loop3A_96 = arith.constant 16 : i32
      scf.for %parallel_loop3A_261 = %parallel_loop3A to %parallel_loop3A_95 step %parallel_loop3A_96  : i32 {
        %parallel_loop3A_262 = arith.index_cast %parallel_loop3A_261 : i32 to index
        %parallel_loop3A_263 = tpu.vector_load %arg6[%parallel_loop3A_262] {strides = array<i32>} : memref<8192xf32, #tpu.memory_space<vmem>>, vector<16xf32>,
        %parallel_loop3A_264 = arith.constant 7 : i32
        %parallel_loop3A_265 = arith.shrsi %parallel_loop3A_261, %parallel_loop3A_264 : i32
        %parallel_loop3A_266 = arith.constant 896 : i32
        %parallel_loop3A_267 = arith.muli %parallel_loop3A_265, %parallel_loop3A_266 : i32
        %parallel_loop3A_268 = arith.addi %parallel_loop3A_261, %parallel_loop3A_267 : i32
        %parallel_loop3A_269 = arith.constant 0 : i32
        %parallel_loop3A_270 = arith.addi %parallel_loop3A_268, %parallel_loop3A_269 : i32
        %parallel_loop3A_271 = arith.index_cast %parallel_loop3A_270 : i32 to index
        %parallel_loop3A_272 = tpu.vector_load %arg5[%parallel_loop3A_271] {strides = array<i32>} : memref<65536xf32, #tpu.memory_space<vmem>>, vector<16xf32>,
        tpu.vector_store %arg5[%parallel_loop3A_271], %parallel_loop3A_263 {strides = array<i32>} : memref<65536xf32, #tpu.memory_space<vmem>>, vector<16xf32>,
      } {sc.loop_unroll_factor = 8 : i64, sc.parallel_access}
      %dma_start3A_97 = arith.constant 2 : i32
      %dma_start3A_98 = arith.constant 0 : i32
      %dma_start3A_99 = tpu.memref_slice %arg6[%dma_start3A_98] : memref<8192xf32, #tpu.memory_space<vmem>> -> memref<4096xf32, #tpu.memory_space<vmem>>
      %dma_start3A_100 = arith.constant 8192 : i32
      %dma_start3A_101 = tpu.memref_slice %arg2[%dma_start3A_97, %dma_start3A_100] : memref<39x16384xf32, #tpu.memory_space<hbm>> -> memref<1x4096xf32, #tpu.memory_space<hbm>>
      %dma_start3A_102 = tpu.memref_squeeze %dma_start3A_101 : memref<1x4096xf32, #tpu.memory_space<hbm>> -> memref<4096xf32, #tpu.memory_space<hbm>>
      %dma_start3A_103 = arith.constant 0 : i32
      %dma_start3A_104 = tpu.memref_slice %arg6[%dma_start3A_103] : memref<8192xf32, #tpu.memory_space<vmem>> -> memref<4096xf32, #tpu.memory_space<vmem>>
      %dma_start3A_105 = arith.constant 8192 : i32
      %dma_start3A_106 = tpu.memref_slice %arg2[%dma_start3A_97, %dma_start3A_105] : memref<39x16384xf32, #tpu.memory_space<hbm>> -> memref<1x4096xf32, #tpu.memory_space<hbm>>
      %dma_start3A_107 = tpu.memref_squeeze %dma_start3A_106 : memref<1x4096xf32, #tpu.memory_space<hbm>> -> memref<4096xf32, #tpu.memory_space<hbm>>
      tpu.enqueue_dma source(%dma_start3A_107 : memref<4096xf32, #tpu.memory_space<hbm>>) target(%dma_start3A_104 : memref<4096xf32, #tpu.memory_space<vmem>>) target_semaphore(%arg9 : memref<!tpu.dma_semaphore, #tpu.memory_space<semaphore_mem>>)
      %dma_wait3A_108 = arith.constant 1 : i32
      %dma_wait3A_109 = arith.constant 0 : i32
      %dma_wait3A_110 = tpu.memref_slice %arg7[%dma_wait3A_109] : memref<8192xf32, #tpu.memory_space<vmem>> -> memref<4096xf32, #tpu.memory_space<vmem>>
      %dma_wait3A_111 = arith.constant 8192 : i32
      %dma_wait3A_112 = tpu.memref_slice %arg2[%dma_wait3A_108, %dma_wait3A_111] : memref<39x16384xf32, #tpu.memory_space<hbm>> -> memref<1x4096xf32, #tpu.memory_space<hbm>>
      %dma_wait3A_113 = tpu.memref_squeeze %dma_wait3A_112 : memref<1x4096xf32, #tpu.memory_space<hbm>> -> memref<4096xf32, #tpu.memory_space<hbm>>
      %dma_wait3A_114 = arith.constant 0 : i32
      %dma_wait3A_115 = tpu.memref_slice %arg7[%dma_wait3A_114] : memref<8192xf32, #tpu.memory_space<vmem>> -> memref<4096xf32, #tpu.memory_space<vmem>>
      %dma_wait3A_116 = arith.constant 8192 : i32
      %dma_wait3A_117 = tpu.memref_slice %arg2[%dma_wait3A_108, %dma_wait3A_116] : memref<39x16384xf32, #tpu.memory_space<hbm>> -> memref<1x4096xf32, #tpu.memory_space<hbm>>
      %dma_wait3A_118 = tpu.memref_squeeze %dma_wait3A_117 : memref<1x4096xf32, #tpu.memory_space<hbm>> -> memref<4096xf32, #tpu.memory_space<hbm>>
      tpu.wait_dma2 semaphore(%arg10 : memref<!tpu.dma_semaphore, #tpu.memory_space<semaphore_mem>>) src(%dma_wait3A_118 : memref<4096xf32, #tpu.memory_space<hbm>>) dst(%dma_wait3A_115 : memref<4096xf32, #tpu.memory_space<vmem>>)
      %parallel_loop3A_119 = arith.constant 0 : i32
      %parallel_loop3A_120 = arith.constant 4096 : i32
      %parallel_loop3A_121 = arith.constant 16 : i32
      scf.for %parallel_loop3A_261 = %parallel_loop3A_119 to %parallel_loop3A_120 step %parallel_loop3A_121  : i32 {
        %parallel_loop3A_262 = arith.index_cast %parallel_loop3A_261 : i32 to index
        %parallel_loop3A_263 = tpu.vector_load %arg7[%parallel_loop3A_262] {strides = array<i32>} : memref<8192xf32, #tpu.memory_space<vmem>>, vector<16xf32>,
        %parallel_loop3A_264 = arith.constant 7 : i32
        %parallel_loop3A_265 = arith.shrsi %parallel_loop3A_261, %parallel_loop3A_264 : i32
        %parallel_loop3A_266 = arith.constant 896 : i32
        %parallel_loop3A_267 = arith.muli %parallel_loop3A_265, %parallel_loop3A_266 : i32
        %parallel_loop3A_268 = arith.addi %parallel_loop3A_261, %parallel_loop3A_267 : i32
        %parallel_loop3A_269 = arith.constant 128 : i32
        %parallel_loop3A_270 = arith.addi %parallel_loop3A_268, %parallel_loop3A_269 : i32
        %parallel_loop3A_271 = arith.index_cast %parallel_loop3A_270 : i32 to index
        %parallel_loop3A_272 = tpu.vector_load %arg5[%parallel_loop3A_271] {strides = array<i32>} : memref<65536xf32, #tpu.memory_space<vmem>>, vector<16xf32>,
        tpu.vector_store %arg5[%parallel_loop3A_271], %parallel_loop3A_263 {strides = array<i32>} : memref<65536xf32, #tpu.memory_space<vmem>>, vector<16xf32>,
      } {sc.loop_unroll_factor = 8 : i64, sc.parallel_access}
      %dma_start3A_122 = arith.constant 3 : i32
      %dma_start3A_123 = arith.constant 0 : i32
      %dma_start3A_124 = tpu.memref_slice %arg7[%dma_start3A_123] : memref<8192xf32, #tpu.memory_space<vmem>> -> memref<4096xf32, #tpu.memory_space<vmem>>
      %dma_start3A_125 = arith.constant 8192 : i32
      %dma_start3A_126 = tpu.memref_slice %arg2[%dma_start3A_122, %dma_start3A_125] : memref<39x16384xf32, #tpu.memory_space<hbm>> -> memref<1x4096xf32, #tpu.memory_space<hbm>>
      %dma_start3A_127 = tpu.memref_squeeze %dma_start3A_126 : memref<1x4096xf32, #tpu.memory_space<hbm>> -> memref<4096xf32, #tpu.memory_space<hbm>>
      %dma_start3A_128 = arith.constant 0 : i32
      %dma_start3A_129 = tpu.memref_slice %arg7[%dma_start3A_128] : memref<8192xf32, #tpu.memory_space<vmem>> -> memref<4096xf32, #tpu.memory_space<vmem>>
      %dma_start3A_130 = arith.constant 8192 : i32
      %dma_start3A_131 = tpu.memref_slice %arg2[%dma_start3A_122, %dma_start3A_130] : memref<39x16384xf32, #tpu.memory_space<hbm>> -> memref<1x4096xf32, #tpu.memory_space<hbm>>
      %dma_start3A_132 = tpu.memref_squeeze %dma_start3A_131 : memref<1x4096xf32, #tpu.memory_space<hbm>> -> memref<4096xf32, #tpu.memory_space<hbm>>
      tpu.enqueue_dma source(%dma_start3A_132 : memref<4096xf32, #tpu.memory_space<hbm>>) target(%dma_start3A_129 : memref<4096xf32, #tpu.memory_space<vmem>>) target_semaphore(%arg10 : memref<!tpu.dma_semaphore, #tpu.memory_space<semaphore_mem>>)
      %dma_wait3A_133 = arith.constant 2 : i32
      %dma_wait3A_134 = arith.constant 0 : i32
      %dma_wait3A_135 = tpu.memref_slice %arg6[%dma_wait3A_134] : memref<8192xf32, #tpu.memory_space<vmem>> -> memref<4096xf32, #tpu.memory_space<vmem>>
      %dma_wait3A_136 = arith.constant 8192 : i32
      %dma_wait3A_137 = tpu.memref_slice %arg2[%dma_wait3A_133, %dma_wait3A_136] : memref<39x16384xf32, #tpu.memory_space<hbm>> -> memref<1x4096xf32, #tpu.memory_space<hbm>>
      %dma_wait3A_138 = tpu.memref_squeeze %dma_wait3A_137 : memref<1x4096xf32, #tpu.memory_space<hbm>> -> memref<4096xf32, #tpu.memory_space<hbm>>
      %dma_wait3A_139 = arith.constant 0 : i32
      %dma_wait3A_140 = tpu.memref_slice %arg6[%dma_wait3A_139] : memref<8192xf32, #tpu.memory_space<vmem>> -> memref<4096xf32, #tpu.memory_space<vmem>>
      %dma_wait3A_141 = arith.constant 8192 : i32
      %dma_wait3A_142 = tpu.memref_slice %arg2[%dma_wait3A_133, %dma_wait3A_141] : memref<39x16384xf32, #tpu.memory_space<hbm>> -> memref<1x4096xf32, #tpu.memory_space<hbm>>
      %dma_wait3A_143 = tpu.memref_squeeze %dma_wait3A_142 : memref<1x4096xf32, #tpu.memory_space<hbm>> -> memref<4096xf32, #tpu.memory_space<hbm>>
      tpu.wait_dma2 semaphore(%arg9 : memref<!tpu.dma_semaphore, #tpu.memory_space<semaphore_mem>>) src(%dma_wait3A_143 : memref<4096xf32, #tpu.memory_space<hbm>>) dst(%dma_wait3A_140 : memref<4096xf32, #tpu.memory_space<vmem>>)
      %parallel_loop3A_144 = arith.constant 0 : i32
      %parallel_loop3A_145 = arith.constant 4096 : i32
      %parallel_loop3A_146 = arith.constant 16 : i32
      scf.for %parallel_loop3A_261 = %parallel_loop3A_144 to %parallel_loop3A_145 step %parallel_loop3A_146  : i32 {
        %parallel_loop3A_262 = arith.index_cast %parallel_loop3A_261 : i32 to index
        %parallel_loop3A_263 = tpu.vector_load %arg6[%parallel_loop3A_262] {strides = array<i32>} : memref<8192xf32, #tpu.memory_space<vmem>>, vector<16xf32>,
        %parallel_loop3A_264 = arith.constant 7 : i32
        %parallel_loop3A_265 = arith.shrsi %parallel_loop3A_261, %parallel_loop3A_264 : i32
        %parallel_loop3A_266 = arith.constant 896 : i32
        %parallel_loop3A_267 = arith.muli %parallel_loop3A_265, %parallel_loop3A_266 : i32
        %parallel_loop3A_268 = arith.addi %parallel_loop3A_261, %parallel_loop3A_267 : i32
        %parallel_loop3A_269 = arith.constant 256 : i32
        %parallel_loop3A_270 = arith.addi %parallel_loop3A_268, %parallel_loop3A_269 : i32
        %parallel_loop3A_271 = arith.index_cast %parallel_loop3A_270 : i32 to index
        %parallel_loop3A_272 = tpu.vector_load %arg5[%parallel_loop3A_271] {strides = array<i32>} : memref<65536xf32, #tpu.memory_space<vmem>>, vector<16xf32>,
        tpu.vector_store %arg5[%parallel_loop3A_271], %parallel_loop3A_263 {strides = array<i32>} : memref<65536xf32, #tpu.memory_space<vmem>>, vector<16xf32>,
      } {sc.loop_unroll_factor = 8 : i64, sc.parallel_access}
      %dma_start3A_147 = arith.constant 4 : i32
      %dma_start3A_148 = arith.constant 0 : i32
      %dma_start3A_149 = tpu.memref_slice %arg6[%dma_start3A_148] : memref<8192xf32, #tpu.memory_space<vmem>> -> memref<4096xf32, #tpu.memory_space<vmem>>
      %dma_start3A_150 = arith.constant 8192 : i32
      %dma_start3A_151 = tpu.memref_slice %arg2[%dma_start3A_147, %dma_start3A_150] : memref<39x16384xf32, #tpu.memory_space<hbm>> -> memref<1x4096xf32, #tpu.memory_space<hbm>>
      %dma_start3A_152 = tpu.memref_squeeze %dma_start3A_151 : memref<1x4096xf32, #tpu.memory_space<hbm>> -> memref<4096xf32, #tpu.memory_space<hbm>>
      %dma_start3A_153 = arith.constant 0 : i32
      %dma_start3A_154 = tpu.memref_slice %arg6[%dma_start3A_153] : memref<8192xf32, #tpu.memory_space<vmem>> -> memref<4096xf32, #tpu.memory_space<vmem>>
      %dma_start3A_155 = arith.constant 8192 : i32
      %dma_start3A_156 = tpu.memref_slice %arg2[%dma_start3A_147, %dma_start3A_155] : memref<39x16384xf32, #tpu.memory_space<hbm>> -> memref<1x4096xf32, #tpu.memory_space<hbm>>
      %dma_start3A_157 = tpu.memref_squeeze %dma_start3A_156 : memref<1x4096xf32, #tpu.memory_space<hbm>> -> memref<4096xf32, #tpu.memory_space<hbm>>
      tpu.enqueue_dma source(%dma_start3A_157 : memref<4096xf32, #tpu.memory_space<hbm>>) target(%dma_start3A_154 : memref<4096xf32, #tpu.memory_space<vmem>>) target_semaphore(%arg9 : memref<!tpu.dma_semaphore, #tpu.memory_space<semaphore_mem>>)
      %dma_wait3A_158 = arith.constant 3 : i32
      %dma_wait3A_159 = arith.constant 0 : i32
      %dma_wait3A_160 = tpu.memref_slice %arg7[%dma_wait3A_159] : memref<8192xf32, #tpu.memory_space<vmem>> -> memref<4096xf32, #tpu.memory_space<vmem>>
      %dma_wait3A_161 = arith.constant 8192 : i32
      %dma_wait3A_162 = tpu.memref_slice %arg2[%dma_wait3A_158, %dma_wait3A_161] : memref<39x16384xf32, #tpu.memory_space<hbm>> -> memref<1x4096xf32, #tpu.memory_space<hbm>>
      %dma_wait3A_163 = tpu.memref_squeeze %dma_wait3A_162 : memref<1x4096xf32, #tpu.memory_space<hbm>> -> memref<4096xf32, #tpu.memory_space<hbm>>
      %dma_wait3A_164 = arith.constant 0 : i32
      %dma_wait3A_165 = tpu.memref_slice %arg7[%dma_wait3A_164] : memref<8192xf32, #tpu.memory_space<vmem>> -> memref<4096xf32, #tpu.memory_space<vmem>>
      %dma_wait3A_166 = arith.constant 8192 : i32
      %dma_wait3A_167 = tpu.memref_slice %arg2[%dma_wait3A_158, %dma_wait3A_166] : memref<39x16384xf32, #tpu.memory_space<hbm>> -> memref<1x4096xf32, #tpu.memory_space<hbm>>
      %dma_wait3A_168 = tpu.memref_squeeze %dma_wait3A_167 : memref<1x4096xf32, #tpu.memory_space<hbm>> -> memref<4096xf32, #tpu.memory_space<hbm>>
      tpu.wait_dma2 semaphore(%arg10 : memref<!tpu.dma_semaphore, #tpu.memory_space<semaphore_mem>>) src(%dma_wait3A_168 : memref<4096xf32, #tpu.memory_space<hbm>>) dst(%dma_wait3A_165 : memref<4096xf32, #tpu.memory_space<vmem>>)
      %parallel_loop3A_169 = arith.constant 0 : i32
      %parallel_loop3A_170 = arith.constant 4096 : i32
      %parallel_loop3A_171 = arith.constant 16 : i32
      scf.for %parallel_loop3A_261 = %parallel_loop3A_169 to %parallel_loop3A_170 step %parallel_loop3A_171  : i32 {
        %parallel_loop3A_262 = arith.index_cast %parallel_loop3A_261 : i32 to index
        %parallel_loop3A_263 = tpu.vector_load %arg7[%parallel_loop3A_262] {strides = array<i32>} : memref<8192xf32, #tpu.memory_space<vmem>>, vector<16xf32>,
        %parallel_loop3A_264 = arith.constant 7 : i32
        %parallel_loop3A_265 = arith.shrsi %parallel_loop3A_261, %parallel_loop3A_264 : i32
        %parallel_loop3A_266 = arith.constant 896 : i32
        %parallel_loop3A_267 = arith.muli %parallel_loop3A_265, %parallel_loop3A_266 : i32
        %parallel_loop3A_268 = arith.addi %parallel_loop3A_261, %parallel_loop3A_267 : i32
        %parallel_loop3A_269 = arith.constant 384 : i32
        %parallel_loop3A_270 = arith.addi %parallel_loop3A_268, %parallel_loop3A_269 : i32
        %parallel_loop3A_271 = arith.index_cast %parallel_loop3A_270 : i32 to index
        %parallel_loop3A_272 = tpu.vector_load %arg5[%parallel_loop3A_271] {strides = array<i32>} : memref<65536xf32, #tpu.memory_space<vmem>>, vector<16xf32>,
        tpu.vector_store %arg5[%parallel_loop3A_271], %parallel_loop3A_263 {strides = array<i32>} : memref<65536xf32, #tpu.memory_space<vmem>>, vector<16xf32>,
      } {sc.loop_unroll_factor = 8 : i64, sc.parallel_access}
      %dma_start3A_172 = arith.constant 5 : i32
      %dma_start3A_173 = arith.constant 0 : i32
      %dma_start3A_174 = tpu.memref_slice %arg7[%dma_start3A_173] : memref<8192xf32, #tpu.memory_space<vmem>> -> memref<4096xf32, #tpu.memory_space<vmem>>
      %dma_start3A_175 = arith.constant 8192 : i32
      %dma_start3A_176 = tpu.memref_slice %arg2[%dma_start3A_172, %dma_start3A_175] : memref<39x16384xf32, #tpu.memory_space<hbm>> -> memref<1x4096xf32, #tpu.memory_space<hbm>>
      %dma_start3A_177 = tpu.memref_squeeze %dma_start3A_176 : memref<1x4096xf32, #tpu.memory_space<hbm>> -> memref<4096xf32, #tpu.memory_space<hbm>>
      %dma_start3A_178 = arith.constant 0 : i32
      %dma_start3A_179 = tpu.memref_slice %arg7[%dma_start3A_178] : memref<8192xf32, #tpu.memory_space<vmem>> -> memref<4096xf32, #tpu.memory_space<vmem>>
      %dma_start3A_180 = arith.constant 8192 : i32
      %dma_start3A_181 = tpu.memref_slice %arg2[%dma_start3A_172, %dma_start3A_180] : memref<39x16384xf32, #tpu.memory_space<hbm>> -> memref<1x4096xf32, #tpu.memory_space<hbm>>
      %dma_start3A_182 = tpu.memref_squeeze %dma_start3A_181 : memref<1x4096xf32, #tpu.memory_space<hbm>> -> memref<4096xf32, #tpu.memory_space<hbm>>
      tpu.enqueue_dma source(%dma_start3A_182 : memref<4096xf32, #tpu.memory_space<hbm>>) target(%dma_start3A_179 : memref<4096xf32, #tpu.memory_space<vmem>>) target_semaphore(%arg10 : memref<!tpu.dma_semaphore, #tpu.memory_space<semaphore_mem>>)
      %dma_wait3A_183 = arith.constant 4 : i32
      %dma_wait3A_184 = arith.constant 0 : i32
      %dma_wait3A_185 = tpu.memref_slice %arg6[%dma_wait3A_184] : memref<8192xf32, #tpu.memory_space<vmem>> -> memref<4096xf32, #tpu.memory_space<vmem>>
      %dma_wait3A_186 = arith.constant 8192 : i32
      %dma_wait3A_187 = tpu.memref_slice %arg2[%dma_wait3A_183, %dma_wait3A_186] : memref<39x16384xf32, #tpu.memory_space<hbm>> -> memref<1x4096xf32, #tpu.memory_space<hbm>>
      %dma_wait3A_188 = tpu.memref_squeeze %dma_wait3A_187 : memref<1x4096xf32, #tpu.memory_space<hbm>> -> memref<4096xf32, #tpu.memory_space<hbm>>
      %dma_wait3A_189 = arith.constant 0 : i32
      %dma_wait3A_190 = tpu.memref_slice %arg6[%dma_wait3A_189] : memref<8192xf32, #tpu.memory_space<vmem>> -> memref<4096xf32, #tpu.memory_space<vmem>>
      %dma_wait3A_191 = arith.constant 8192 : i32
      %dma_wait3A_192 = tpu.memref_slice %arg2[%dma_wait3A_183, %dma_wait3A_191] : memref<39x16384xf32, #tpu.memory_space<hbm>> -> memref<1x4096xf32, #tpu.memory_space<hbm>>
      %dma_wait3A_193 = tpu.memref_squeeze %dma_wait3A_192 : memref<1x4096xf32, #tpu.memory_space<hbm>> -> memref<4096xf32, #tpu.memory_space<hbm>>
      tpu.wait_dma2 semaphore(%arg9 : memref<!tpu.dma_semaphore, #tpu.memory_space<semaphore_mem>>) src(%dma_wait3A_193 : memref<4096xf32, #tpu.memory_space<hbm>>) dst(%dma_wait3A_190 : memref<4096xf32, #tpu.memory_space<vmem>>)
      %parallel_loop3A_194 = arith.constant 0 : i32
      %parallel_loop3A_195 = arith.constant 4096 : i32
      %parallel_loop3A_196 = arith.constant 16 : i32
      scf.for %parallel_loop3A_261 = %parallel_loop3A_194 to %parallel_loop3A_195 step %parallel_loop3A_196  : i32 {
        %parallel_loop3A_262 = arith.index_cast %parallel_loop3A_261 : i32 to index
        %parallel_loop3A_263 = tpu.vector_load %arg6[%parallel_loop3A_262] {strides = array<i32>} : memref<8192xf32, #tpu.memory_space<vmem>>, vector<16xf32>,
        %parallel_loop3A_264 = arith.constant 7 : i32
        %parallel_loop3A_265 = arith.shrsi %parallel_loop3A_261, %parallel_loop3A_264 : i32
        %parallel_loop3A_266 = arith.constant 896 : i32
        %parallel_loop3A_267 = arith.muli %parallel_loop3A_265, %parallel_loop3A_266 : i32
        %parallel_loop3A_268 = arith.addi %parallel_loop3A_261, %parallel_loop3A_267 : i32
        %parallel_loop3A_269 = arith.constant 512 : i32
        %parallel_loop3A_270 = arith.addi %parallel_loop3A_268, %parallel_loop3A_269 : i32
        %parallel_loop3A_271 = arith.index_cast %parallel_loop3A_270 : i32 to index
        %parallel_loop3A_272 = tpu.vector_load %arg5[%parallel_loop3A_271] {strides = array<i32>} : memref<65536xf32, #tpu.memory_space<vmem>>, vector<16xf32>,
        tpu.vector_store %arg5[%parallel_loop3A_271], %parallel_loop3A_263 {strides = array<i32>} : memref<65536xf32, #tpu.memory_space<vmem>>, vector<16xf32>,
      } {sc.loop_unroll_factor = 8 : i64, sc.parallel_access}
      %dma_start3A_197 = arith.constant 6 : i32
      %dma_start3A_198 = arith.constant 0 : i32
      %dma_start3A_199 = tpu.memref_slice %arg6[%dma_start3A_198] : memref<8192xf32, #tpu.memory_space<vmem>> -> memref<4096xf32, #tpu.memory_space<vmem>>
      %dma_start3A_200 = arith.constant 8192 : i32
      %dma_start3A_201 = tpu.memref_slice %arg2[%dma_start3A_197, %dma_start3A_200] : memref<39x16384xf32, #tpu.memory_space<hbm>> -> memref<1x4096xf32, #tpu.memory_space<hbm>>
      %dma_start3A_202 = tpu.memref_squeeze %dma_start3A_201 : memref<1x4096xf32, #tpu.memory_space<hbm>> -> memref<4096xf32, #tpu.memory_space<hbm>>
      %dma_start3A_203 = arith.constant 0 : i32
      %dma_start3A_204 = tpu.memref_slice %arg6[%dma_start3A_203] : memref<8192xf32, #tpu.memory_space<vmem>> -> memref<4096xf32, #tpu.memory_space<vmem>>
      %dma_start3A_205 = arith.constant 8192 : i32
      %dma_start3A_206 = tpu.memref_slice %arg2[%dma_start3A_197, %dma_start3A_205] : memref<39x16384xf32, #tpu.memory_space<hbm>> -> memref<1x4096xf32, #tpu.memory_space<hbm>>
      %dma_start3A_207 = tpu.memref_squeeze %dma_start3A_206 : memref<1x4096xf32, #tpu.memory_space<hbm>> -> memref<4096xf32, #tpu.memory_space<hbm>>
      tpu.enqueue_dma source(%dma_start3A_207 : memref<4096xf32, #tpu.memory_space<hbm>>) target(%dma_start3A_204 : memref<4096xf32, #tpu.memory_space<vmem>>) target_semaphore(%arg9 : memref<!tpu.dma_semaphore, #tpu.memory_space<semaphore_mem>>)
      %dma_wait3A_208 = arith.constant 5 : i32
      %dma_wait3A_209 = arith.constant 0 : i32
      %dma_wait3A_210 = tpu.memref_slice %arg7[%dma_wait3A_209] : memref<8192xf32, #tpu.memory_space<vmem>> -> memref<4096xf32, #tpu.memory_space<vmem>>
      %dma_wait3A_211 = arith.constant 8192 : i32
      %dma_wait3A_212 = tpu.memref_slice %arg2[%dma_wait3A_208, %dma_wait3A_211] : memref<39x16384xf32, #tpu.memory_space<hbm>> -> memref<1x4096xf32, #tpu.memory_space<hbm>>
      %dma_wait3A_213 = tpu.memref_squeeze %dma_wait3A_212 : memref<1x4096xf32, #tpu.memory_space<hbm>> -> memref<4096xf32, #tpu.memory_space<hbm>>
      %dma_wait3A_214 = arith.constant 0 : i32
      %dma_wait3A_215 = tpu.memref_slice %arg7[%dma_wait3A_214] : memref<8192xf32, #tpu.memory_space<vmem>> -> memref<4096xf32, #tpu.memory_space<vmem>>
      %dma_wait3A_216 = arith.constant 8192 : i32
      %dma_wait3A_217 = tpu.memref_slice %arg2[%dma_wait3A_208, %dma_wait3A_216] : memref<39x16384xf32, #tpu.memory_space<hbm>> -> memref<1x4096xf32, #tpu.memory_space<hbm>>
      %dma_wait3A_218 = tpu.memref_squeeze %dma_wait3A_217 : memref<1x4096xf32, #tpu.memory_space<hbm>> -> memref<4096xf32, #tpu.memory_space<hbm>>
      tpu.wait_dma2 semaphore(%arg10 : memref<!tpu.dma_semaphore, #tpu.memory_space<semaphore_mem>>) src(%dma_wait3A_218 : memref<4096xf32, #tpu.memory_space<hbm>>) dst(%dma_wait3A_215 : memref<4096xf32, #tpu.memory_space<vmem>>)
      %parallel_loop3A_219 = arith.constant 0 : i32
      %parallel_loop3A_220 = arith.constant 4096 : i32
      %parallel_loop3A_221 = arith.constant 16 : i32
      scf.for %parallel_loop3A_261 = %parallel_loop3A_219 to %parallel_loop3A_220 step %parallel_loop3A_221  : i32 {
        %parallel_loop3A_262 = arith.index_cast %parallel_loop3A_261 : i32 to index
        %parallel_loop3A_263 = tpu.vector_load %arg7[%parallel_loop3A_262] {strides = array<i32>} : memref<8192xf32, #tpu.memory_space<vmem>>, vector<16xf32>,
        %parallel_loop3A_264 = arith.constant 7 : i32
        %parallel_loop3A_265 = arith.shrsi %parallel_loop3A_261, %parallel_loop3A_264 : i32
        %parallel_loop3A_266 = arith.constant 896 : i32
        %parallel_loop3A_267 = arith.muli %parallel_loop3A_265, %parallel_loop3A_266 : i32
        %parallel_loop3A_268 = arith.addi %parallel_loop3A_261, %parallel_loop3A_267 : i32
        %parallel_loop3A_269 = arith.constant 640 : i32
        %parallel_loop3A_270 = arith.addi %parallel_loop3A_268, %parallel_loop3A_269 : i32
        %parallel_loop3A_271 = arith.index_cast %parallel_loop3A_270 : i32 to index
        %parallel_loop3A_272 = tpu.vector_load %arg5[%parallel_loop3A_271] {strides = array<i32>} : memref<65536xf32, #tpu.memory_space<vmem>>, vector<16xf32>,
        tpu.vector_store %arg5[%parallel_loop3A_271], %parallel_loop3A_263 {strides = array<i32>} : memref<65536xf32, #tpu.memory_space<vmem>>, vector<16xf32>,
      } {sc.loop_unroll_factor = 8 : i64, sc.parallel_access}
      %dma_start3A_222 = arith.constant 7 : i32
      %dma_start3A_223 = arith.constant 0 : i32
      %dma_start3A_224 = tpu.memref_slice %arg7[%dma_start3A_223] : memref<8192xf32, #tpu.memory_space<vmem>> -> memref<4096xf32, #tpu.memory_space<vmem>>
      %dma_start3A_225 = arith.constant 8192 : i32
      %dma_start3A_226 = tpu.memref_slice %arg2[%dma_start3A_222, %dma_start3A_225] : memref<39x16384xf32, #tpu.memory_space<hbm>> -> memref<1x4096xf32, #tpu.memory_space<hbm>>
      %dma_start3A_227 = tpu.memref_squeeze %dma_start3A_226 : memref<1x4096xf32, #tpu.memory_space<hbm>> -> memref<4096xf32, #tpu.memory_space<hbm>>
      %dma_start3A_228 = arith.constant 0 : i32
      %dma_start3A_229 = tpu.memref_slice %arg7[%dma_start3A_228] : memref<8192xf32, #tpu.memory_space<vmem>> -> memref<4096xf32, #tpu.memory_space<vmem>>
      %dma_start3A_230 = arith.constant 8192 : i32
      %dma_start3A_231 = tpu.memref_slice %arg2[%dma_start3A_222, %dma_start3A_230] : memref<39x16384xf32, #tpu.memory_space<hbm>> -> memref<1x4096xf32, #tpu.memory_space<hbm>>
      %dma_start3A_232 = tpu.memref_squeeze %dma_start3A_231 : memref<1x4096xf32, #tpu.memory_space<hbm>> -> memref<4096xf32, #tpu.memory_space<hbm>>
      tpu.enqueue_dma source(%dma_start3A_232 : memref<4096xf32, #tpu.memory_space<hbm>>) target(%dma_start3A_229 : memref<4096xf32, #tpu.memory_space<vmem>>) target_semaphore(%arg10 : memref<!tpu.dma_semaphore, #tpu.memory_space<semaphore_mem>>)
      %dma_wait3A_233 = arith.constant 6 : i32
      %dma_wait3A_234 = arith.constant 0 : i32
      %dma_wait3A_235 = tpu.memref_slice %arg6[%dma_wait3A_234] : memref<8192xf32, #tpu.memory_space<vmem>> -> memref<4096xf32, #tpu.memory_space<vmem>>
      %dma_wait3A_236 = arith.constant 8192 : i32
      %dma_wait3A_237 = tpu.memref_slice %arg2[%dma_wait3A_233, %dma_wait3A_236] : memref<39x16384xf32, #tpu.memory_space<hbm>> -> memref<1x4096xf32, #tpu.memory_space<hbm>>
      %dma_wait3A_238 = tpu.memref_squeeze %dma_wait3A_237 : memref<1x4096xf32, #tpu.memory_space<hbm>> -> memref<4096xf32, #tpu.memory_space<hbm>>
      %dma_wait3A_239 = arith.constant 0 : i32
      %dma_wait3A_240 = tpu.memref_slice %arg6[%dma_wait3A_239] : memref<8192xf32, #tpu.memory_space<vmem>> -> memref<4096xf32, #tpu.memory_space<vmem>>
      %dma_wait3A_241 = arith.constant 8192 : i32
      %dma_wait3A_242 = tpu.memref_slice %arg2[%dma_wait3A_233, %dma_wait3A_241] : memref<39x16384xf32, #tpu.memory_space<hbm>> -> memref<1x4096xf32, #tpu.memory_space<hbm>>
      %dma_wait3A_243 = tpu.memref_squeeze %dma_wait3A_242 : memref<1x4096xf32, #tpu.memory_space<hbm>> -> memref<4096xf32, #tpu.memory_space<hbm>>
      tpu.wait_dma2 semaphore(%arg9 : memref<!tpu.dma_semaphore, #tpu.memory_space<semaphore_mem>>) src(%dma_wait3A_243 : memref<4096xf32, #tpu.memory_space<hbm>>) dst(%dma_wait3A_240 : memref<4096xf32, #tpu.memory_space<vmem>>)
      %parallel_loop3A_244 = arith.constant 0 : i32
      %parallel_loop3A_245 = arith.constant 4096 : i32
      %parallel_loop3A_246 = arith.constant 16 : i32
      scf.for %parallel_loop3A_261 = %parallel_loop3A_244 to %parallel_loop3A_245 step %parallel_loop3A_246  : i32 {
        %parallel_loop3A_262 = arith.index_cast %parallel_loop3A_261 : i32 to index
        %parallel_loop3A_263 = tpu.vector_load %arg6[%parallel_loop3A_262] {strides = array<i32>} : memref<8192xf32, #tpu.memory_space<vmem>>, vector<16xf32>,
        %parallel_loop3A_264 = arith.constant 7 : i32
        %parallel_loop3A_265 = arith.shrsi %parallel_loop3A_261, %parallel_loop3A_264 : i32
        %parallel_loop3A_266 = arith.constant 896 : i32
        %parallel_loop3A_267 = arith.muli %parallel_loop3A_265, %parallel_loop3A_266 : i32
        %parallel_loop3A_268 = arith.addi %parallel_loop3A_261, %parallel_loop3A_267 : i32
        %parallel_loop3A_269 = arith.constant 768 : i32
        %parallel_loop3A_270 = arith.addi %parallel_loop3A_268, %parallel_loop3A_269 : i32
        %parallel_loop3A_271 = arith.index_cast %parallel_loop3A_270 : i32 to index
        %parallel_loop3A_272 = tpu.vector_load %arg5[%parallel_loop3A_271] {strides = array<i32>} : memref<65536xf32, #tpu.memory_space<vmem>>, vector<16xf32>,
        tpu.vector_store %arg5[%parallel_loop3A_271], %parallel_loop3A_263 {strides = array<i32>} : memref<65536xf32, #tpu.memory_space<vmem>>, vector<16xf32>,
      } {sc.loop_unroll_factor = 8 : i64, sc.parallel_access}
      %dma_wait3A_247 = arith.constant 7 : i32
      %dma_wait3A_248 = arith.constant 0 : i32
      %dma_wait3A_249 = tpu.memref_slice %arg7[%dma_wait3A_248] : memref<8192xf32, #tpu.memory_space<vmem>> -> memref<4096xf32, #tpu.memory_space<vmem>>
      %dma_wait3A_250 = arith.constant 8192 : i32
      %dma_wait3A_251 = tpu.memref_slice %arg2[%dma_wait3A_247, %dma_wait3A_250] : memref<39x16384xf32, #tpu.memory_space<hbm>> -> memref<1x4096xf32, #tpu.memory_space<hbm>>
      %dma_wait3A_252 = tpu.memref_squeeze %dma_wait3A_251 : memref<1x4096xf32, #tpu.memory_space<hbm>> -> memref<4096xf32, #tpu.memory_space<hbm>>
      %dma_wait3A_253 = arith.constant 0 : i32
      %dma_wait3A_254 = tpu.memref_slice %arg7[%dma_wait3A_253] : memref<8192xf32, #tpu.memory_space<vmem>> -> memref<4096xf32, #tpu.memory_space<vmem>>
      %dma_wait3A_255 = arith.constant 8192 : i32
      %dma_wait3A_256 = tpu.memref_slice %arg2[%dma_wait3A_247, %dma_wait3A_255] : memref<39x16384xf32, #tpu.memory_space<hbm>> -> memref<1x4096xf32, #tpu.memory_space<hbm>>
      %dma_wait3A_257 = tpu.memref_squeeze %dma_wait3A_256 : memref<1x4096xf32, #tpu.memory_space<hbm>> -> memref<4096xf32, #tpu.memory_space<hbm>>
      tpu.wait_dma2 semaphore(%arg10 : memref<!tpu.dma_semaphore, #tpu.memory_space<semaphore_mem>>) src(%dma_wait3A_257 : memref<4096xf32, #tpu.memory_space<hbm>>) dst(%dma_wait3A_254 : memref<4096xf32, #tpu.memory_space<vmem>>)
      %parallel_loop3A_258 = arith.constant 0 : i32
      %parallel_loop3A_259 = arith.constant 4096 : i32
      %parallel_loop3A_260 = arith.constant 16 : i32
      scf.for %parallel_loop3A_261 = %parallel_loop3A_258 to %parallel_loop3A_259 step %parallel_loop3A_260  : i32 {
        %parallel_loop3A_262 = arith.index_cast %parallel_loop3A_261 : i32 to index
        %parallel_loop3A_263 = tpu.vector_load %arg7[%parallel_loop3A_262] {strides = array<i32>} : memref<8192xf32, #tpu.memory_space<vmem>>, vector<16xf32>,
        %parallel_loop3A_264 = arith.constant 7 : i32
        %parallel_loop3A_265 = arith.shrsi %parallel_loop3A_261, %parallel_loop3A_264 : i32
        %parallel_loop3A_266 = arith.constant 896 : i32
        %parallel_loop3A_267 = arith.muli %parallel_loop3A_265, %parallel_loop3A_266 : i32
        %parallel_loop3A_268 = arith.addi %parallel_loop3A_261, %parallel_loop3A_267 : i32
        %parallel_loop3A_269 = arith.constant 896 : i32
        %parallel_loop3A_270 = arith.addi %parallel_loop3A_268, %parallel_loop3A_269 : i32
        %parallel_loop3A_271 = arith.index_cast %parallel_loop3A_270 : i32 to index
        %parallel_loop3A_272 = tpu.vector_load %arg5[%parallel_loop3A_271] {strides = array<i32>} : memref<65536xf32, #tpu.memory_space<vmem>>, vector<16xf32>,
        tpu.vector_store %arg5[%parallel_loop3A_271], %parallel_loop3A_263 {strides = array<i32>} : memref<65536xf32, #tpu.memory_space<vmem>>, vector<16xf32>,
      } {sc.loop_unroll_factor = 8 : i64, sc.parallel_access}
      "tpu.region"() ({
        %run_scoped3A = tpu.sem_alloc : memref<!tpu.dma_semaphore, #tpu.memory_space<semaphore_mem>>
        %dma_start3A_261 = arith.constant 0 : i32
        %dma_start3A_262 = tpu.memref_slice %arg5[%dma_start3A_261] : memref<65536xf32, #tpu.memory_space<vmem>> -> memref<32768xf32, #tpu.memory_space<vmem>>
        %dma_start3A_263 = arith.constant 1769472 : i32
        %dma_start3A_264 = tpu.memref_slice %arg4[%dma_start3A_263] : memref<1966080xf32, #tpu.memory_space<hbm>> -> memref<32768xf32, #tpu.memory_space<hbm>>
        %dma_start3A_265 = arith.constant 1769472 : i32
        %dma_start3A_266 = tpu.memref_slice %arg4[%dma_start3A_265] : memref<1966080xf32, #tpu.memory_space<hbm>> -> memref<32768xf32, #tpu.memory_space<hbm>>
        %dma_start3A_267 = arith.constant 0 : i32
        %dma_start3A_268 = tpu.memref_slice %arg5[%dma_start3A_267] : memref<65536xf32, #tpu.memory_space<vmem>> -> memref<32768xf32, #tpu.memory_space<vmem>>
        tpu.enqueue_dma source(%dma_start3A_268 : memref<32768xf32, #tpu.memory_space<vmem>>) target(%dma_start3A_266 : memref<32768xf32, #tpu.memory_space<hbm>>) target_semaphore(%run_scoped3A : memref<!tpu.dma_semaphore, #tpu.memory_space<semaphore_mem>>)
        %dma_wait3A_269 = arith.constant 0 : i32
        %dma_wait3A_270 = tpu.memref_slice %arg5[%dma_wait3A_269] : memref<65536xf32, #tpu.memory_space<vmem>> -> memref<32768xf32, #tpu.memory_space<vmem>>
        %dma_wait3A_271 = arith.constant 1769472 : i32
        %dma_wait3A_272 = tpu.memref_slice %arg4[%dma_wait3A_271] : memref<1966080xf32, #tpu.memory_space<hbm>> -> memref<32768xf32, #tpu.memory_space<hbm>>
        %dma_wait3A_273 = arith.constant 1769472 : i32
        %dma_wait3A_274 = tpu.memref_slice %arg4[%dma_wait3A_273] : memref<1966080xf32, #tpu.memory_space<hbm>> -> memref<32768xf32, #tpu.memory_space<hbm>>
        %dma_wait3A_275 = arith.constant 0 : i32
        %dma_wait3A_276 = tpu.memref_slice %arg5[%dma_wait3A_275] : memref<65536xf32, #tpu.memory_space<vmem>> -> memref<32768xf32, #tpu.memory_space<vmem>>
        tpu.wait_dma2 semaphore(%run_scoped3A : memref<!tpu.dma_semaphore, #tpu.memory_space<semaphore_mem>>) src(%dma_wait3A_276 : memref<32768xf32, #tpu.memory_space<vmem>>) dst(%dma_wait3A_274 : memref<32768xf32, #tpu.memory_space<hbm>>)
        tpu.yield
      }) : () -> ()
    } else {
    }
    %eq3A_49 = arith.constant 29 : i32
    %eq3A_50 = arith.cmpi eq, %add3A, %eq3A_49 : i32
    %convert_element_type3A_51 = arith.extui %eq3A_50 : i1 to i32
    %cond3A_52 = arith.constant 0 : i32
    %cond3A_53 = arith.cmpi ne, %convert_element_type3A_51, %cond3A_52 : i32
    scf.if %cond3A_53 {
      %dma_start3A = arith.constant 0 : i32
      %dma_start3A_64 = arith.constant 0 : i32
      %dma_start3A_65 = tpu.memref_slice %arg6[%dma_start3A_64] : memref<8192xf32, #tpu.memory_space<vmem>> -> memref<4096xf32, #tpu.memory_space<vmem>>
      %dma_start3A_66 = arith.constant 12288 : i32
      %dma_start3A_67 = tpu.memref_slice %arg2[%dma_start3A, %dma_start3A_66] : memref<39x16384xf32, #tpu.memory_space<hbm>> -> memref<1x4096xf32, #tpu.memory_space<hbm>>
      %dma_start3A_68 = tpu.memref_squeeze %dma_start3A_67 : memref<1x4096xf32, #tpu.memory_space<hbm>> -> memref<4096xf32, #tpu.memory_space<hbm>>
      %dma_start3A_69 = arith.constant 0 : i32
      %dma_start3A_70 = tpu.memref_slice %arg6[%dma_start3A_69] : memref<8192xf32, #tpu.memory_space<vmem>> -> memref<4096xf32, #tpu.memory_space<vmem>>
      %dma_start3A_71 = arith.constant 12288 : i32
      %dma_start3A_72 = tpu.memref_slice %arg2[%dma_start3A, %dma_start3A_71] : memref<39x16384xf32, #tpu.memory_space<hbm>> -> memref<1x4096xf32, #tpu.memory_space<hbm>>
      %dma_start3A_73 = tpu.memref_squeeze %dma_start3A_72 : memref<1x4096xf32, #tpu.memory_space<hbm>> -> memref<4096xf32, #tpu.memory_space<hbm>>
      tpu.enqueue_dma source(%dma_start3A_73 : memref<4096xf32, #tpu.memory_space<hbm>>) target(%dma_start3A_70 : memref<4096xf32, #tpu.memory_space<vmem>>) target_semaphore(%arg9 : memref<!tpu.dma_semaphore, #tpu.memory_space<semaphore_mem>>)
      %dma_start3A_74 = arith.constant 1 : i32
      %dma_start3A_75 = arith.constant 0 : i32
      %dma_start3A_76 = tpu.memref_slice %arg7[%dma_start3A_75] : memref<8192xf32, #tpu.memory_space<vmem>> -> memref<4096xf32, #tpu.memory_space<vmem>>
      %dma_start3A_77 = arith.constant 12288 : i32
      %dma_start3A_78 = tpu.memref_slice %arg2[%dma_start3A_74, %dma_start3A_77] : memref<39x16384xf32, #tpu.memory_space<hbm>> -> memref<1x4096xf32, #tpu.memory_space<hbm>>
      %dma_start3A_79 = tpu.memref_squeeze %dma_start3A_78 : memref<1x4096xf32, #tpu.memory_space<hbm>> -> memref<4096xf32, #tpu.memory_space<hbm>>
      %dma_start3A_80 = arith.constant 0 : i32
      %dma_start3A_81 = tpu.memref_slice %arg7[%dma_start3A_80] : memref<8192xf32, #tpu.memory_space<vmem>> -> memref<4096xf32, #tpu.memory_space<vmem>>
      %dma_start3A_82 = arith.constant 12288 : i32
      %dma_start3A_83 = tpu.memref_slice %arg2[%dma_start3A_74, %dma_start3A_82] : memref<39x16384xf32, #tpu.memory_space<hbm>> -> memref<1x4096xf32, #tpu.memory_space<hbm>>
      %dma_start3A_84 = tpu.memref_squeeze %dma_start3A_83 : memref<1x4096xf32, #tpu.memory_space<hbm>> -> memref<4096xf32, #tpu.memory_space<hbm>>
      tpu.enqueue_dma source(%dma_start3A_84 : memref<4096xf32, #tpu.memory_space<hbm>>) target(%dma_start3A_81 : memref<4096xf32, #tpu.memory_space<vmem>>) target_semaphore(%arg10 : memref<!tpu.dma_semaphore, #tpu.memory_space<semaphore_mem>>)
      %dma_wait3A = arith.constant 0 : i32
      %dma_wait3A_85 = arith.constant 0 : i32
      %dma_wait3A_86 = tpu.memref_slice %arg6[%dma_wait3A_85] : memref<8192xf32, #tpu.memory_space<vmem>> -> memref<4096xf32, #tpu.memory_space<vmem>>
      %dma_wait3A_87 = arith.constant 12288 : i32
      %dma_wait3A_88 = tpu.memref_slice %arg2[%dma_wait3A, %dma_wait3A_87] : memref<39x16384xf32, #tpu.memory_space<hbm>> -> memref<1x4096xf32, #tpu.memory_space<hbm>>
      %dma_wait3A_89 = tpu.memref_squeeze %dma_wait3A_88 : memref<1x4096xf32, #tpu.memory_space<hbm>> -> memref<4096xf32, #tpu.memory_space<hbm>>
      %dma_wait3A_90 = arith.constant 0 : i32
      %dma_wait3A_91 = tpu.memref_slice %arg6[%dma_wait3A_90] : memref<8192xf32, #tpu.memory_space<vmem>> -> memref<4096xf32, #tpu.memory_space<vmem>>
      %dma_wait3A_92 = arith.constant 12288 : i32
      %dma_wait3A_93 = tpu.memref_slice %arg2[%dma_wait3A, %dma_wait3A_92] : memref<39x16384xf32, #tpu.memory_space<hbm>> -> memref<1x4096xf32, #tpu.memory_space<hbm>>
      %dma_wait3A_94 = tpu.memref_squeeze %dma_wait3A_93 : memref<1x4096xf32, #tpu.memory_space<hbm>> -> memref<4096xf32, #tpu.memory_space<hbm>>
      tpu.wait_dma2 semaphore(%arg9 : memref<!tpu.dma_semaphore, #tpu.memory_space<semaphore_mem>>) src(%dma_wait3A_94 : memref<4096xf32, #tpu.memory_space<hbm>>) dst(%dma_wait3A_91 : memref<4096xf32, #tpu.memory_space<vmem>>)
      %parallel_loop3A = arith.constant 0 : i32
      %parallel_loop3A_95 = arith.constant 4096 : i32
      %parallel_loop3A_96 = arith.constant 16 : i32
      scf.for %parallel_loop3A_261 = %parallel_loop3A to %parallel_loop3A_95 step %parallel_loop3A_96  : i32 {
        %parallel_loop3A_262 = arith.index_cast %parallel_loop3A_261 : i32 to index
        %parallel_loop3A_263 = tpu.vector_load %arg6[%parallel_loop3A_262] {strides = array<i32>} : memref<8192xf32, #tpu.memory_space<vmem>>, vector<16xf32>,
        %parallel_loop3A_264 = arith.constant 7 : i32
        %parallel_loop3A_265 = arith.shrsi %parallel_loop3A_261, %parallel_loop3A_264 : i32
        %parallel_loop3A_266 = arith.constant 896 : i32
        %parallel_loop3A_267 = arith.muli %parallel_loop3A_265, %parallel_loop3A_266 : i32
        %parallel_loop3A_268 = arith.addi %parallel_loop3A_261, %parallel_loop3A_267 : i32
        %parallel_loop3A_269 = arith.constant 0 : i32
        %parallel_loop3A_270 = arith.addi %parallel_loop3A_268, %parallel_loop3A_269 : i32
        %parallel_loop3A_271 = arith.index_cast %parallel_loop3A_270 : i32 to index
        %parallel_loop3A_272 = tpu.vector_load %arg5[%parallel_loop3A_271] {strides = array<i32>} : memref<65536xf32, #tpu.memory_space<vmem>>, vector<16xf32>,
        tpu.vector_store %arg5[%parallel_loop3A_271], %parallel_loop3A_263 {strides = array<i32>} : memref<65536xf32, #tpu.memory_space<vmem>>, vector<16xf32>,
      } {sc.loop_unroll_factor = 8 : i64, sc.parallel_access}
      %dma_start3A_97 = arith.constant 2 : i32
      %dma_start3A_98 = arith.constant 0 : i32
      %dma_start3A_99 = tpu.memref_slice %arg6[%dma_start3A_98] : memref<8192xf32, #tpu.memory_space<vmem>> -> memref<4096xf32, #tpu.memory_space<vmem>>
      %dma_start3A_100 = arith.constant 12288 : i32
      %dma_start3A_101 = tpu.memref_slice %arg2[%dma_start3A_97, %dma_start3A_100] : memref<39x16384xf32, #tpu.memory_space<hbm>> -> memref<1x4096xf32, #tpu.memory_space<hbm>>
      %dma_start3A_102 = tpu.memref_squeeze %dma_start3A_101 : memref<1x4096xf32, #tpu.memory_space<hbm>> -> memref<4096xf32, #tpu.memory_space<hbm>>
      %dma_start3A_103 = arith.constant 0 : i32
      %dma_start3A_104 = tpu.memref_slice %arg6[%dma_start3A_103] : memref<8192xf32, #tpu.memory_space<vmem>> -> memref<4096xf32, #tpu.memory_space<vmem>>
      %dma_start3A_105 = arith.constant 12288 : i32
      %dma_start3A_106 = tpu.memref_slice %arg2[%dma_start3A_97, %dma_start3A_105] : memref<39x16384xf32, #tpu.memory_space<hbm>> -> memref<1x4096xf32, #tpu.memory_space<hbm>>
      %dma_start3A_107 = tpu.memref_squeeze %dma_start3A_106 : memref<1x4096xf32, #tpu.memory_space<hbm>> -> memref<4096xf32, #tpu.memory_space<hbm>>
      tpu.enqueue_dma source(%dma_start3A_107 : memref<4096xf32, #tpu.memory_space<hbm>>) target(%dma_start3A_104 : memref<4096xf32, #tpu.memory_space<vmem>>) target_semaphore(%arg9 : memref<!tpu.dma_semaphore, #tpu.memory_space<semaphore_mem>>)
      %dma_wait3A_108 = arith.constant 1 : i32
      %dma_wait3A_109 = arith.constant 0 : i32
      %dma_wait3A_110 = tpu.memref_slice %arg7[%dma_wait3A_109] : memref<8192xf32, #tpu.memory_space<vmem>> -> memref<4096xf32, #tpu.memory_space<vmem>>
      %dma_wait3A_111 = arith.constant 12288 : i32
      %dma_wait3A_112 = tpu.memref_slice %arg2[%dma_wait3A_108, %dma_wait3A_111] : memref<39x16384xf32, #tpu.memory_space<hbm>> -> memref<1x4096xf32, #tpu.memory_space<hbm>>
      %dma_wait3A_113 = tpu.memref_squeeze %dma_wait3A_112 : memref<1x4096xf32, #tpu.memory_space<hbm>> -> memref<4096xf32, #tpu.memory_space<hbm>>
      %dma_wait3A_114 = arith.constant 0 : i32
      %dma_wait3A_115 = tpu.memref_slice %arg7[%dma_wait3A_114] : memref<8192xf32, #tpu.memory_space<vmem>> -> memref<4096xf32, #tpu.memory_space<vmem>>
      %dma_wait3A_116 = arith.constant 12288 : i32
      %dma_wait3A_117 = tpu.memref_slice %arg2[%dma_wait3A_108, %dma_wait3A_116] : memref<39x16384xf32, #tpu.memory_space<hbm>> -> memref<1x4096xf32, #tpu.memory_space<hbm>>
      %dma_wait3A_118 = tpu.memref_squeeze %dma_wait3A_117 : memref<1x4096xf32, #tpu.memory_space<hbm>> -> memref<4096xf32, #tpu.memory_space<hbm>>
      tpu.wait_dma2 semaphore(%arg10 : memref<!tpu.dma_semaphore, #tpu.memory_space<semaphore_mem>>) src(%dma_wait3A_118 : memref<4096xf32, #tpu.memory_space<hbm>>) dst(%dma_wait3A_115 : memref<4096xf32, #tpu.memory_space<vmem>>)
      %parallel_loop3A_119 = arith.constant 0 : i32
      %parallel_loop3A_120 = arith.constant 4096 : i32
      %parallel_loop3A_121 = arith.constant 16 : i32
      scf.for %parallel_loop3A_261 = %parallel_loop3A_119 to %parallel_loop3A_120 step %parallel_loop3A_121  : i32 {
        %parallel_loop3A_262 = arith.index_cast %parallel_loop3A_261 : i32 to index
        %parallel_loop3A_263 = tpu.vector_load %arg7[%parallel_loop3A_262] {strides = array<i32>} : memref<8192xf32, #tpu.memory_space<vmem>>, vector<16xf32>,
        %parallel_loop3A_264 = arith.constant 7 : i32
        %parallel_loop3A_265 = arith.shrsi %parallel_loop3A_261, %parallel_loop3A_264 : i32
        %parallel_loop3A_266 = arith.constant 896 : i32
        %parallel_loop3A_267 = arith.muli %parallel_loop3A_265, %parallel_loop3A_266 : i32
        %parallel_loop3A_268 = arith.addi %parallel_loop3A_261, %parallel_loop3A_267 : i32
        %parallel_loop3A_269 = arith.constant 128 : i32
        %parallel_loop3A_270 = arith.addi %parallel_loop3A_268, %parallel_loop3A_269 : i32
        %parallel_loop3A_271 = arith.index_cast %parallel_loop3A_270 : i32 to index
        %parallel_loop3A_272 = tpu.vector_load %arg5[%parallel_loop3A_271] {strides = array<i32>} : memref<65536xf32, #tpu.memory_space<vmem>>, vector<16xf32>,
        tpu.vector_store %arg5[%parallel_loop3A_271], %parallel_loop3A_263 {strides = array<i32>} : memref<65536xf32, #tpu.memory_space<vmem>>, vector<16xf32>,
      } {sc.loop_unroll_factor = 8 : i64, sc.parallel_access}
      %dma_start3A_122 = arith.constant 3 : i32
      %dma_start3A_123 = arith.constant 0 : i32
      %dma_start3A_124 = tpu.memref_slice %arg7[%dma_start3A_123] : memref<8192xf32, #tpu.memory_space<vmem>> -> memref<4096xf32, #tpu.memory_space<vmem>>
      %dma_start3A_125 = arith.constant 12288 : i32
      %dma_start3A_126 = tpu.memref_slice %arg2[%dma_start3A_122, %dma_start3A_125] : memref<39x16384xf32, #tpu.memory_space<hbm>> -> memref<1x4096xf32, #tpu.memory_space<hbm>>
      %dma_start3A_127 = tpu.memref_squeeze %dma_start3A_126 : memref<1x4096xf32, #tpu.memory_space<hbm>> -> memref<4096xf32, #tpu.memory_space<hbm>>
      %dma_start3A_128 = arith.constant 0 : i32
      %dma_start3A_129 = tpu.memref_slice %arg7[%dma_start3A_128] : memref<8192xf32, #tpu.memory_space<vmem>> -> memref<4096xf32, #tpu.memory_space<vmem>>
      %dma_start3A_130 = arith.constant 12288 : i32
      %dma_start3A_131 = tpu.memref_slice %arg2[%dma_start3A_122, %dma_start3A_130] : memref<39x16384xf32, #tpu.memory_space<hbm>> -> memref<1x4096xf32, #tpu.memory_space<hbm>>
      %dma_start3A_132 = tpu.memref_squeeze %dma_start3A_131 : memref<1x4096xf32, #tpu.memory_space<hbm>> -> memref<4096xf32, #tpu.memory_space<hbm>>
      tpu.enqueue_dma source(%dma_start3A_132 : memref<4096xf32, #tpu.memory_space<hbm>>) target(%dma_start3A_129 : memref<4096xf32, #tpu.memory_space<vmem>>) target_semaphore(%arg10 : memref<!tpu.dma_semaphore, #tpu.memory_space<semaphore_mem>>)
      %dma_wait3A_133 = arith.constant 2 : i32
      %dma_wait3A_134 = arith.constant 0 : i32
      %dma_wait3A_135 = tpu.memref_slice %arg6[%dma_wait3A_134] : memref<8192xf32, #tpu.memory_space<vmem>> -> memref<4096xf32, #tpu.memory_space<vmem>>
      %dma_wait3A_136 = arith.constant 12288 : i32
      %dma_wait3A_137 = tpu.memref_slice %arg2[%dma_wait3A_133, %dma_wait3A_136] : memref<39x16384xf32, #tpu.memory_space<hbm>> -> memref<1x4096xf32, #tpu.memory_space<hbm>>
      %dma_wait3A_138 = tpu.memref_squeeze %dma_wait3A_137 : memref<1x4096xf32, #tpu.memory_space<hbm>> -> memref<4096xf32, #tpu.memory_space<hbm>>
      %dma_wait3A_139 = arith.constant 0 : i32
      %dma_wait3A_140 = tpu.memref_slice %arg6[%dma_wait3A_139] : memref<8192xf32, #tpu.memory_space<vmem>> -> memref<4096xf32, #tpu.memory_space<vmem>>
      %dma_wait3A_141 = arith.constant 12288 : i32
      %dma_wait3A_142 = tpu.memref_slice %arg2[%dma_wait3A_133, %dma_wait3A_141] : memref<39x16384xf32, #tpu.memory_space<hbm>> -> memref<1x4096xf32, #tpu.memory_space<hbm>>
      %dma_wait3A_143 = tpu.memref_squeeze %dma_wait3A_142 : memref<1x4096xf32, #tpu.memory_space<hbm>> -> memref<4096xf32, #tpu.memory_space<hbm>>
      tpu.wait_dma2 semaphore(%arg9 : memref<!tpu.dma_semaphore, #tpu.memory_space<semaphore_mem>>) src(%dma_wait3A_143 : memref<4096xf32, #tpu.memory_space<hbm>>) dst(%dma_wait3A_140 : memref<4096xf32, #tpu.memory_space<vmem>>)
      %parallel_loop3A_144 = arith.constant 0 : i32
      %parallel_loop3A_145 = arith.constant 4096 : i32
      %parallel_loop3A_146 = arith.constant 16 : i32
      scf.for %parallel_loop3A_261 = %parallel_loop3A_144 to %parallel_loop3A_145 step %parallel_loop3A_146  : i32 {
        %parallel_loop3A_262 = arith.index_cast %parallel_loop3A_261 : i32 to index
        %parallel_loop3A_263 = tpu.vector_load %arg6[%parallel_loop3A_262] {strides = array<i32>} : memref<8192xf32, #tpu.memory_space<vmem>>, vector<16xf32>,
        %parallel_loop3A_264 = arith.constant 7 : i32
        %parallel_loop3A_265 = arith.shrsi %parallel_loop3A_261, %parallel_loop3A_264 : i32
        %parallel_loop3A_266 = arith.constant 896 : i32
        %parallel_loop3A_267 = arith.muli %parallel_loop3A_265, %parallel_loop3A_266 : i32
        %parallel_loop3A_268 = arith.addi %parallel_loop3A_261, %parallel_loop3A_267 : i32
        %parallel_loop3A_269 = arith.constant 256 : i32
        %parallel_loop3A_270 = arith.addi %parallel_loop3A_268, %parallel_loop3A_269 : i32
        %parallel_loop3A_271 = arith.index_cast %parallel_loop3A_270 : i32 to index
        %parallel_loop3A_272 = tpu.vector_load %arg5[%parallel_loop3A_271] {strides = array<i32>} : memref<65536xf32, #tpu.memory_space<vmem>>, vector<16xf32>,
        tpu.vector_store %arg5[%parallel_loop3A_271], %parallel_loop3A_263 {strides = array<i32>} : memref<65536xf32, #tpu.memory_space<vmem>>, vector<16xf32>,
      } {sc.loop_unroll_factor = 8 : i64, sc.parallel_access}
      %dma_start3A_147 = arith.constant 4 : i32
      %dma_start3A_148 = arith.constant 0 : i32
      %dma_start3A_149 = tpu.memref_slice %arg6[%dma_start3A_148] : memref<8192xf32, #tpu.memory_space<vmem>> -> memref<4096xf32, #tpu.memory_space<vmem>>
      %dma_start3A_150 = arith.constant 12288 : i32
      %dma_start3A_151 = tpu.memref_slice %arg2[%dma_start3A_147, %dma_start3A_150] : memref<39x16384xf32, #tpu.memory_space<hbm>> -> memref<1x4096xf32, #tpu.memory_space<hbm>>
      %dma_start3A_152 = tpu.memref_squeeze %dma_start3A_151 : memref<1x4096xf32, #tpu.memory_space<hbm>> -> memref<4096xf32, #tpu.memory_space<hbm>>
      %dma_start3A_153 = arith.constant 0 : i32
      %dma_start3A_154 = tpu.memref_slice %arg6[%dma_start3A_153] : memref<8192xf32, #tpu.memory_space<vmem>> -> memref<4096xf32, #tpu.memory_space<vmem>>
      %dma_start3A_155 = arith.constant 12288 : i32
      %dma_start3A_156 = tpu.memref_slice %arg2[%dma_start3A_147, %dma_start3A_155] : memref<39x16384xf32, #tpu.memory_space<hbm>> -> memref<1x4096xf32, #tpu.memory_space<hbm>>
      %dma_start3A_157 = tpu.memref_squeeze %dma_start3A_156 : memref<1x4096xf32, #tpu.memory_space<hbm>> -> memref<4096xf32, #tpu.memory_space<hbm>>
      tpu.enqueue_dma source(%dma_start3A_157 : memref<4096xf32, #tpu.memory_space<hbm>>) target(%dma_start3A_154 : memref<4096xf32, #tpu.memory_space<vmem>>) target_semaphore(%arg9 : memref<!tpu.dma_semaphore, #tpu.memory_space<semaphore_mem>>)
      %dma_wait3A_158 = arith.constant 3 : i32
      %dma_wait3A_159 = arith.constant 0 : i32
      %dma_wait3A_160 = tpu.memref_slice %arg7[%dma_wait3A_159] : memref<8192xf32, #tpu.memory_space<vmem>> -> memref<4096xf32, #tpu.memory_space<vmem>>
      %dma_wait3A_161 = arith.constant 12288 : i32
      %dma_wait3A_162 = tpu.memref_slice %arg2[%dma_wait3A_158, %dma_wait3A_161] : memref<39x16384xf32, #tpu.memory_space<hbm>> -> memref<1x4096xf32, #tpu.memory_space<hbm>>
      %dma_wait3A_163 = tpu.memref_squeeze %dma_wait3A_162 : memref<1x4096xf32, #tpu.memory_space<hbm>> -> memref<4096xf32, #tpu.memory_space<hbm>>
      %dma_wait3A_164 = arith.constant 0 : i32
      %dma_wait3A_165 = tpu.memref_slice %arg7[%dma_wait3A_164] : memref<8192xf32, #tpu.memory_space<vmem>> -> memref<4096xf32, #tpu.memory_space<vmem>>
      %dma_wait3A_166 = arith.constant 12288 : i32
      %dma_wait3A_167 = tpu.memref_slice %arg2[%dma_wait3A_158, %dma_wait3A_166] : memref<39x16384xf32, #tpu.memory_space<hbm>> -> memref<1x4096xf32, #tpu.memory_space<hbm>>
      %dma_wait3A_168 = tpu.memref_squeeze %dma_wait3A_167 : memref<1x4096xf32, #tpu.memory_space<hbm>> -> memref<4096xf32, #tpu.memory_space<hbm>>
      tpu.wait_dma2 semaphore(%arg10 : memref<!tpu.dma_semaphore, #tpu.memory_space<semaphore_mem>>) src(%dma_wait3A_168 : memref<4096xf32, #tpu.memory_space<hbm>>) dst(%dma_wait3A_165 : memref<4096xf32, #tpu.memory_space<vmem>>)
      %parallel_loop3A_169 = arith.constant 0 : i32
      %parallel_loop3A_170 = arith.constant 4096 : i32
      %parallel_loop3A_171 = arith.constant 16 : i32
      scf.for %parallel_loop3A_261 = %parallel_loop3A_169 to %parallel_loop3A_170 step %parallel_loop3A_171  : i32 {
        %parallel_loop3A_262 = arith.index_cast %parallel_loop3A_261 : i32 to index
        %parallel_loop3A_263 = tpu.vector_load %arg7[%parallel_loop3A_262] {strides = array<i32>} : memref<8192xf32, #tpu.memory_space<vmem>>, vector<16xf32>,
        %parallel_loop3A_264 = arith.constant 7 : i32
        %parallel_loop3A_265 = arith.shrsi %parallel_loop3A_261, %parallel_loop3A_264 : i32
        %parallel_loop3A_266 = arith.constant 896 : i32
        %parallel_loop3A_267 = arith.muli %parallel_loop3A_265, %parallel_loop3A_266 : i32
        %parallel_loop3A_268 = arith.addi %parallel_loop3A_261, %parallel_loop3A_267 : i32
        %parallel_loop3A_269 = arith.constant 384 : i32
        %parallel_loop3A_270 = arith.addi %parallel_loop3A_268, %parallel_loop3A_269 : i32
        %parallel_loop3A_271 = arith.index_cast %parallel_loop3A_270 : i32 to index
        %parallel_loop3A_272 = tpu.vector_load %arg5[%parallel_loop3A_271] {strides = array<i32>} : memref<65536xf32, #tpu.memory_space<vmem>>, vector<16xf32>,
        tpu.vector_store %arg5[%parallel_loop3A_271], %parallel_loop3A_263 {strides = array<i32>} : memref<65536xf32, #tpu.memory_space<vmem>>, vector<16xf32>,
      } {sc.loop_unroll_factor = 8 : i64, sc.parallel_access}
      %dma_start3A_172 = arith.constant 5 : i32
      %dma_start3A_173 = arith.constant 0 : i32
      %dma_start3A_174 = tpu.memref_slice %arg7[%dma_start3A_173] : memref<8192xf32, #tpu.memory_space<vmem>> -> memref<4096xf32, #tpu.memory_space<vmem>>
      %dma_start3A_175 = arith.constant 12288 : i32
      %dma_start3A_176 = tpu.memref_slice %arg2[%dma_start3A_172, %dma_start3A_175] : memref<39x16384xf32, #tpu.memory_space<hbm>> -> memref<1x4096xf32, #tpu.memory_space<hbm>>
      %dma_start3A_177 = tpu.memref_squeeze %dma_start3A_176 : memref<1x4096xf32, #tpu.memory_space<hbm>> -> memref<4096xf32, #tpu.memory_space<hbm>>
      %dma_start3A_178 = arith.constant 0 : i32
      %dma_start3A_179 = tpu.memref_slice %arg7[%dma_start3A_178] : memref<8192xf32, #tpu.memory_space<vmem>> -> memref<4096xf32, #tpu.memory_space<vmem>>
      %dma_start3A_180 = arith.constant 12288 : i32
      %dma_start3A_181 = tpu.memref_slice %arg2[%dma_start3A_172, %dma_start3A_180] : memref<39x16384xf32, #tpu.memory_space<hbm>> -> memref<1x4096xf32, #tpu.memory_space<hbm>>
      %dma_start3A_182 = tpu.memref_squeeze %dma_start3A_181 : memref<1x4096xf32, #tpu.memory_space<hbm>> -> memref<4096xf32, #tpu.memory_space<hbm>>
      tpu.enqueue_dma source(%dma_start3A_182 : memref<4096xf32, #tpu.memory_space<hbm>>) target(%dma_start3A_179 : memref<4096xf32, #tpu.memory_space<vmem>>) target_semaphore(%arg10 : memref<!tpu.dma_semaphore, #tpu.memory_space<semaphore_mem>>)
      %dma_wait3A_183 = arith.constant 4 : i32
      %dma_wait3A_184 = arith.constant 0 : i32
      %dma_wait3A_185 = tpu.memref_slice %arg6[%dma_wait3A_184] : memref<8192xf32, #tpu.memory_space<vmem>> -> memref<4096xf32, #tpu.memory_space<vmem>>
      %dma_wait3A_186 = arith.constant 12288 : i32
      %dma_wait3A_187 = tpu.memref_slice %arg2[%dma_wait3A_183, %dma_wait3A_186] : memref<39x16384xf32, #tpu.memory_space<hbm>> -> memref<1x4096xf32, #tpu.memory_space<hbm>>
      %dma_wait3A_188 = tpu.memref_squeeze %dma_wait3A_187 : memref<1x4096xf32, #tpu.memory_space<hbm>> -> memref<4096xf32, #tpu.memory_space<hbm>>
      %dma_wait3A_189 = arith.constant 0 : i32
      %dma_wait3A_190 = tpu.memref_slice %arg6[%dma_wait3A_189] : memref<8192xf32, #tpu.memory_space<vmem>> -> memref<4096xf32, #tpu.memory_space<vmem>>
      %dma_wait3A_191 = arith.constant 12288 : i32
      %dma_wait3A_192 = tpu.memref_slice %arg2[%dma_wait3A_183, %dma_wait3A_191] : memref<39x16384xf32, #tpu.memory_space<hbm>> -> memref<1x4096xf32, #tpu.memory_space<hbm>>
      %dma_wait3A_193 = tpu.memref_squeeze %dma_wait3A_192 : memref<1x4096xf32, #tpu.memory_space<hbm>> -> memref<4096xf32, #tpu.memory_space<hbm>>
      tpu.wait_dma2 semaphore(%arg9 : memref<!tpu.dma_semaphore, #tpu.memory_space<semaphore_mem>>) src(%dma_wait3A_193 : memref<4096xf32, #tpu.memory_space<hbm>>) dst(%dma_wait3A_190 : memref<4096xf32, #tpu.memory_space<vmem>>)
      %parallel_loop3A_194 = arith.constant 0 : i32
      %parallel_loop3A_195 = arith.constant 4096 : i32
      %parallel_loop3A_196 = arith.constant 16 : i32
      scf.for %parallel_loop3A_261 = %parallel_loop3A_194 to %parallel_loop3A_195 step %parallel_loop3A_196  : i32 {
        %parallel_loop3A_262 = arith.index_cast %parallel_loop3A_261 : i32 to index
        %parallel_loop3A_263 = tpu.vector_load %arg6[%parallel_loop3A_262] {strides = array<i32>} : memref<8192xf32, #tpu.memory_space<vmem>>, vector<16xf32>,
        %parallel_loop3A_264 = arith.constant 7 : i32
        %parallel_loop3A_265 = arith.shrsi %parallel_loop3A_261, %parallel_loop3A_264 : i32
        %parallel_loop3A_266 = arith.constant 896 : i32
        %parallel_loop3A_267 = arith.muli %parallel_loop3A_265, %parallel_loop3A_266 : i32
        %parallel_loop3A_268 = arith.addi %parallel_loop3A_261, %parallel_loop3A_267 : i32
        %parallel_loop3A_269 = arith.constant 512 : i32
        %parallel_loop3A_270 = arith.addi %parallel_loop3A_268, %parallel_loop3A_269 : i32
        %parallel_loop3A_271 = arith.index_cast %parallel_loop3A_270 : i32 to index
        %parallel_loop3A_272 = tpu.vector_load %arg5[%parallel_loop3A_271] {strides = array<i32>} : memref<65536xf32, #tpu.memory_space<vmem>>, vector<16xf32>,
        tpu.vector_store %arg5[%parallel_loop3A_271], %parallel_loop3A_263 {strides = array<i32>} : memref<65536xf32, #tpu.memory_space<vmem>>, vector<16xf32>,
      } {sc.loop_unroll_factor = 8 : i64, sc.parallel_access}
      %dma_start3A_197 = arith.constant 6 : i32
      %dma_start3A_198 = arith.constant 0 : i32
      %dma_start3A_199 = tpu.memref_slice %arg6[%dma_start3A_198] : memref<8192xf32, #tpu.memory_space<vmem>> -> memref<4096xf32, #tpu.memory_space<vmem>>
      %dma_start3A_200 = arith.constant 12288 : i32
      %dma_start3A_201 = tpu.memref_slice %arg2[%dma_start3A_197, %dma_start3A_200] : memref<39x16384xf32, #tpu.memory_space<hbm>> -> memref<1x4096xf32, #tpu.memory_space<hbm>>
      %dma_start3A_202 = tpu.memref_squeeze %dma_start3A_201 : memref<1x4096xf32, #tpu.memory_space<hbm>> -> memref<4096xf32, #tpu.memory_space<hbm>>
      %dma_start3A_203 = arith.constant 0 : i32
      %dma_start3A_204 = tpu.memref_slice %arg6[%dma_start3A_203] : memref<8192xf32, #tpu.memory_space<vmem>> -> memref<4096xf32, #tpu.memory_space<vmem>>
      %dma_start3A_205 = arith.constant 12288 : i32
      %dma_start3A_206 = tpu.memref_slice %arg2[%dma_start3A_197, %dma_start3A_205] : memref<39x16384xf32, #tpu.memory_space<hbm>> -> memref<1x4096xf32, #tpu.memory_space<hbm>>
      %dma_start3A_207 = tpu.memref_squeeze %dma_start3A_206 : memref<1x4096xf32, #tpu.memory_space<hbm>> -> memref<4096xf32, #tpu.memory_space<hbm>>
      tpu.enqueue_dma source(%dma_start3A_207 : memref<4096xf32, #tpu.memory_space<hbm>>) target(%dma_start3A_204 : memref<4096xf32, #tpu.memory_space<vmem>>) target_semaphore(%arg9 : memref<!tpu.dma_semaphore, #tpu.memory_space<semaphore_mem>>)
      %dma_wait3A_208 = arith.constant 5 : i32
      %dma_wait3A_209 = arith.constant 0 : i32
      %dma_wait3A_210 = tpu.memref_slice %arg7[%dma_wait3A_209] : memref<8192xf32, #tpu.memory_space<vmem>> -> memref<4096xf32, #tpu.memory_space<vmem>>
      %dma_wait3A_211 = arith.constant 12288 : i32
      %dma_wait3A_212 = tpu.memref_slice %arg2[%dma_wait3A_208, %dma_wait3A_211] : memref<39x16384xf32, #tpu.memory_space<hbm>> -> memref<1x4096xf32, #tpu.memory_space<hbm>>
      %dma_wait3A_213 = tpu.memref_squeeze %dma_wait3A_212 : memref<1x4096xf32, #tpu.memory_space<hbm>> -> memref<4096xf32, #tpu.memory_space<hbm>>
      %dma_wait3A_214 = arith.constant 0 : i32
      %dma_wait3A_215 = tpu.memref_slice %arg7[%dma_wait3A_214] : memref<8192xf32, #tpu.memory_space<vmem>> -> memref<4096xf32, #tpu.memory_space<vmem>>
      %dma_wait3A_216 = arith.constant 12288 : i32
      %dma_wait3A_217 = tpu.memref_slice %arg2[%dma_wait3A_208, %dma_wait3A_216] : memref<39x16384xf32, #tpu.memory_space<hbm>> -> memref<1x4096xf32, #tpu.memory_space<hbm>>
      %dma_wait3A_218 = tpu.memref_squeeze %dma_wait3A_217 : memref<1x4096xf32, #tpu.memory_space<hbm>> -> memref<4096xf32, #tpu.memory_space<hbm>>
      tpu.wait_dma2 semaphore(%arg10 : memref<!tpu.dma_semaphore, #tpu.memory_space<semaphore_mem>>) src(%dma_wait3A_218 : memref<4096xf32, #tpu.memory_space<hbm>>) dst(%dma_wait3A_215 : memref<4096xf32, #tpu.memory_space<vmem>>)
      %parallel_loop3A_219 = arith.constant 0 : i32
      %parallel_loop3A_220 = arith.constant 4096 : i32
      %parallel_loop3A_221 = arith.constant 16 : i32
      scf.for %parallel_loop3A_261 = %parallel_loop3A_219 to %parallel_loop3A_220 step %parallel_loop3A_221  : i32 {
        %parallel_loop3A_262 = arith.index_cast %parallel_loop3A_261 : i32 to index
        %parallel_loop3A_263 = tpu.vector_load %arg7[%parallel_loop3A_262] {strides = array<i32>} : memref<8192xf32, #tpu.memory_space<vmem>>, vector<16xf32>,
        %parallel_loop3A_264 = arith.constant 7 : i32
        %parallel_loop3A_265 = arith.shrsi %parallel_loop3A_261, %parallel_loop3A_264 : i32
        %parallel_loop3A_266 = arith.constant 896 : i32
        %parallel_loop3A_267 = arith.muli %parallel_loop3A_265, %parallel_loop3A_266 : i32
        %parallel_loop3A_268 = arith.addi %parallel_loop3A_261, %parallel_loop3A_267 : i32
        %parallel_loop3A_269 = arith.constant 640 : i32
        %parallel_loop3A_270 = arith.addi %parallel_loop3A_268, %parallel_loop3A_269 : i32
        %parallel_loop3A_271 = arith.index_cast %parallel_loop3A_270 : i32 to index
        %parallel_loop3A_272 = tpu.vector_load %arg5[%parallel_loop3A_271] {strides = array<i32>} : memref<65536xf32, #tpu.memory_space<vmem>>, vector<16xf32>,
        tpu.vector_store %arg5[%parallel_loop3A_271], %parallel_loop3A_263 {strides = array<i32>} : memref<65536xf32, #tpu.memory_space<vmem>>, vector<16xf32>,
      } {sc.loop_unroll_factor = 8 : i64, sc.parallel_access}
      %dma_start3A_222 = arith.constant 7 : i32
      %dma_start3A_223 = arith.constant 0 : i32
      %dma_start3A_224 = tpu.memref_slice %arg7[%dma_start3A_223] : memref<8192xf32, #tpu.memory_space<vmem>> -> memref<4096xf32, #tpu.memory_space<vmem>>
      %dma_start3A_225 = arith.constant 12288 : i32
      %dma_start3A_226 = tpu.memref_slice %arg2[%dma_start3A_222, %dma_start3A_225] : memref<39x16384xf32, #tpu.memory_space<hbm>> -> memref<1x4096xf32, #tpu.memory_space<hbm>>
      %dma_start3A_227 = tpu.memref_squeeze %dma_start3A_226 : memref<1x4096xf32, #tpu.memory_space<hbm>> -> memref<4096xf32, #tpu.memory_space<hbm>>
      %dma_start3A_228 = arith.constant 0 : i32
      %dma_start3A_229 = tpu.memref_slice %arg7[%dma_start3A_228] : memref<8192xf32, #tpu.memory_space<vmem>> -> memref<4096xf32, #tpu.memory_space<vmem>>
      %dma_start3A_230 = arith.constant 12288 : i32
      %dma_start3A_231 = tpu.memref_slice %arg2[%dma_start3A_222, %dma_start3A_230] : memref<39x16384xf32, #tpu.memory_space<hbm>> -> memref<1x4096xf32, #tpu.memory_space<hbm>>
      %dma_start3A_232 = tpu.memref_squeeze %dma_start3A_231 : memref<1x4096xf32, #tpu.memory_space<hbm>> -> memref<4096xf32, #tpu.memory_space<hbm>>
      tpu.enqueue_dma source(%dma_start3A_232 : memref<4096xf32, #tpu.memory_space<hbm>>) target(%dma_start3A_229 : memref<4096xf32, #tpu.memory_space<vmem>>) target_semaphore(%arg10 : memref<!tpu.dma_semaphore, #tpu.memory_space<semaphore_mem>>)
      %dma_wait3A_233 = arith.constant 6 : i32
      %dma_wait3A_234 = arith.constant 0 : i32
      %dma_wait3A_235 = tpu.memref_slice %arg6[%dma_wait3A_234] : memref<8192xf32, #tpu.memory_space<vmem>> -> memref<4096xf32, #tpu.memory_space<vmem>>
      %dma_wait3A_236 = arith.constant 12288 : i32
      %dma_wait3A_237 = tpu.memref_slice %arg2[%dma_wait3A_233, %dma_wait3A_236] : memref<39x16384xf32, #tpu.memory_space<hbm>> -> memref<1x4096xf32, #tpu.memory_space<hbm>>
      %dma_wait3A_238 = tpu.memref_squeeze %dma_wait3A_237 : memref<1x4096xf32, #tpu.memory_space<hbm>> -> memref<4096xf32, #tpu.memory_space<hbm>>
      %dma_wait3A_239 = arith.constant 0 : i32
      %dma_wait3A_240 = tpu.memref_slice %arg6[%dma_wait3A_239] : memref<8192xf32, #tpu.memory_space<vmem>> -> memref<4096xf32, #tpu.memory_space<vmem>>
      %dma_wait3A_241 = arith.constant 12288 : i32
      %dma_wait3A_242 = tpu.memref_slice %arg2[%dma_wait3A_233, %dma_wait3A_241] : memref<39x16384xf32, #tpu.memory_space<hbm>> -> memref<1x4096xf32, #tpu.memory_space<hbm>>
      %dma_wait3A_243 = tpu.memref_squeeze %dma_wait3A_242 : memref<1x4096xf32, #tpu.memory_space<hbm>> -> memref<4096xf32, #tpu.memory_space<hbm>>
      tpu.wait_dma2 semaphore(%arg9 : memref<!tpu.dma_semaphore, #tpu.memory_space<semaphore_mem>>) src(%dma_wait3A_243 : memref<4096xf32, #tpu.memory_space<hbm>>) dst(%dma_wait3A_240 : memref<4096xf32, #tpu.memory_space<vmem>>)
      %parallel_loop3A_244 = arith.constant 0 : i32
      %parallel_loop3A_245 = arith.constant 4096 : i32
      %parallel_loop3A_246 = arith.constant 16 : i32
      scf.for %parallel_loop3A_261 = %parallel_loop3A_244 to %parallel_loop3A_245 step %parallel_loop3A_246  : i32 {
        %parallel_loop3A_262 = arith.index_cast %parallel_loop3A_261 : i32 to index
        %parallel_loop3A_263 = tpu.vector_load %arg6[%parallel_loop3A_262] {strides = array<i32>} : memref<8192xf32, #tpu.memory_space<vmem>>, vector<16xf32>,
        %parallel_loop3A_264 = arith.constant 7 : i32
        %parallel_loop3A_265 = arith.shrsi %parallel_loop3A_261, %parallel_loop3A_264 : i32
        %parallel_loop3A_266 = arith.constant 896 : i32
        %parallel_loop3A_267 = arith.muli %parallel_loop3A_265, %parallel_loop3A_266 : i32
        %parallel_loop3A_268 = arith.addi %parallel_loop3A_261, %parallel_loop3A_267 : i32
        %parallel_loop3A_269 = arith.constant 768 : i32
        %parallel_loop3A_270 = arith.addi %parallel_loop3A_268, %parallel_loop3A_269 : i32
        %parallel_loop3A_271 = arith.index_cast %parallel_loop3A_270 : i32 to index
        %parallel_loop3A_272 = tpu.vector_load %arg5[%parallel_loop3A_271] {strides = array<i32>} : memref<65536xf32, #tpu.memory_space<vmem>>, vector<16xf32>,
        tpu.vector_store %arg5[%parallel_loop3A_271], %parallel_loop3A_263 {strides = array<i32>} : memref<65536xf32, #tpu.memory_space<vmem>>, vector<16xf32>,
      } {sc.loop_unroll_factor = 8 : i64, sc.parallel_access}
      %dma_wait3A_247 = arith.constant 7 : i32
      %dma_wait3A_248 = arith.constant 0 : i32
      %dma_wait3A_249 = tpu.memref_slice %arg7[%dma_wait3A_248] : memref<8192xf32, #tpu.memory_space<vmem>> -> memref<4096xf32, #tpu.memory_space<vmem>>
      %dma_wait3A_250 = arith.constant 12288 : i32
      %dma_wait3A_251 = tpu.memref_slice %arg2[%dma_wait3A_247, %dma_wait3A_250] : memref<39x16384xf32, #tpu.memory_space<hbm>> -> memref<1x4096xf32, #tpu.memory_space<hbm>>
      %dma_wait3A_252 = tpu.memref_squeeze %dma_wait3A_251 : memref<1x4096xf32, #tpu.memory_space<hbm>> -> memref<4096xf32, #tpu.memory_space<hbm>>
      %dma_wait3A_253 = arith.constant 0 : i32
      %dma_wait3A_254 = tpu.memref_slice %arg7[%dma_wait3A_253] : memref<8192xf32, #tpu.memory_space<vmem>> -> memref<4096xf32, #tpu.memory_space<vmem>>
      %dma_wait3A_255 = arith.constant 12288 : i32
      %dma_wait3A_256 = tpu.memref_slice %arg2[%dma_wait3A_247, %dma_wait3A_255] : memref<39x16384xf32, #tpu.memory_space<hbm>> -> memref<1x4096xf32, #tpu.memory_space<hbm>>
      %dma_wait3A_257 = tpu.memref_squeeze %dma_wait3A_256 : memref<1x4096xf32, #tpu.memory_space<hbm>> -> memref<4096xf32, #tpu.memory_space<hbm>>
      tpu.wait_dma2 semaphore(%arg10 : memref<!tpu.dma_semaphore, #tpu.memory_space<semaphore_mem>>) src(%dma_wait3A_257 : memref<4096xf32, #tpu.memory_space<hbm>>) dst(%dma_wait3A_254 : memref<4096xf32, #tpu.memory_space<vmem>>)
      %parallel_loop3A_258 = arith.constant 0 : i32
      %parallel_loop3A_259 = arith.constant 4096 : i32
      %parallel_loop3A_260 = arith.constant 16 : i32
      scf.for %parallel_loop3A_261 = %parallel_loop3A_258 to %parallel_loop3A_259 step %parallel_loop3A_260  : i32 {
        %parallel_loop3A_262 = arith.index_cast %parallel_loop3A_261 : i32 to index
        %parallel_loop3A_263 = tpu.vector_load %arg7[%parallel_loop3A_262] {strides = array<i32>} : memref<8192xf32, #tpu.memory_space<vmem>>, vector<16xf32>,
        %parallel_loop3A_264 = arith.constant 7 : i32
        %parallel_loop3A_265 = arith.shrsi %parallel_loop3A_261, %parallel_loop3A_264 : i32
        %parallel_loop3A_266 = arith.constant 896 : i32
        %parallel_loop3A_267 = arith.muli %parallel_loop3A_265, %parallel_loop3A_266 : i32
        %parallel_loop3A_268 = arith.addi %parallel_loop3A_261, %parallel_loop3A_267 : i32
        %parallel_loop3A_269 = arith.constant 896 : i32
        %parallel_loop3A_270 = arith.addi %parallel_loop3A_268, %parallel_loop3A_269 : i32
        %parallel_loop3A_271 = arith.index_cast %parallel_loop3A_270 : i32 to index
        %parallel_loop3A_272 = tpu.vector_load %arg5[%parallel_loop3A_271] {strides = array<i32>} : memref<65536xf32, #tpu.memory_space<vmem>>, vector<16xf32>,
        tpu.vector_store %arg5[%parallel_loop3A_271], %parallel_loop3A_263 {strides = array<i32>} : memref<65536xf32, #tpu.memory_space<vmem>>, vector<16xf32>,
      } {sc.loop_unroll_factor = 8 : i64, sc.parallel_access}
      "tpu.region"() ({
        %run_scoped3A = tpu.sem_alloc : memref<!tpu.dma_semaphore, #tpu.memory_space<semaphore_mem>>
        %dma_start3A_261 = arith.constant 0 : i32
        %dma_start3A_262 = tpu.memref_slice %arg5[%dma_start3A_261] : memref<65536xf32, #tpu.memory_space<vmem>> -> memref<32768xf32, #tpu.memory_space<vmem>>
        %dma_start3A_263 = arith.constant 1802240 : i32
        %dma_start3A_264 = tpu.memref_slice %arg4[%dma_start3A_263] : memref<1966080xf32, #tpu.memory_space<hbm>> -> memref<32768xf32, #tpu.memory_space<hbm>>
        %dma_start3A_265 = arith.constant 1802240 : i32
        %dma_start3A_266 = tpu.memref_slice %arg4[%dma_start3A_265] : memref<1966080xf32, #tpu.memory_space<hbm>> -> memref<32768xf32, #tpu.memory_space<hbm>>
        %dma_start3A_267 = arith.constant 0 : i32
        %dma_start3A_268 = tpu.memref_slice %arg5[%dma_start3A_267] : memref<65536xf32, #tpu.memory_space<vmem>> -> memref<32768xf32, #tpu.memory_space<vmem>>
        tpu.enqueue_dma source(%dma_start3A_268 : memref<32768xf32, #tpu.memory_space<vmem>>) target(%dma_start3A_266 : memref<32768xf32, #tpu.memory_space<hbm>>) target_semaphore(%run_scoped3A : memref<!tpu.dma_semaphore, #tpu.memory_space<semaphore_mem>>)
        %dma_wait3A_269 = arith.constant 0 : i32
        %dma_wait3A_270 = tpu.memref_slice %arg5[%dma_wait3A_269] : memref<65536xf32, #tpu.memory_space<vmem>> -> memref<32768xf32, #tpu.memory_space<vmem>>
        %dma_wait3A_271 = arith.constant 1802240 : i32
        %dma_wait3A_272 = tpu.memref_slice %arg4[%dma_wait3A_271] : memref<1966080xf32, #tpu.memory_space<hbm>> -> memref<32768xf32, #tpu.memory_space<hbm>>
        %dma_wait3A_273 = arith.constant 1802240 : i32
        %dma_wait3A_274 = tpu.memref_slice %arg4[%dma_wait3A_273] : memref<1966080xf32, #tpu.memory_space<hbm>> -> memref<32768xf32, #tpu.memory_space<hbm>>
        %dma_wait3A_275 = arith.constant 0 : i32
        %dma_wait3A_276 = tpu.memref_slice %arg5[%dma_wait3A_275] : memref<65536xf32, #tpu.memory_space<vmem>> -> memref<32768xf32, #tpu.memory_space<vmem>>
        tpu.wait_dma2 semaphore(%run_scoped3A : memref<!tpu.dma_semaphore, #tpu.memory_space<semaphore_mem>>) src(%dma_wait3A_276 : memref<32768xf32, #tpu.memory_space<vmem>>) dst(%dma_wait3A_274 : memref<32768xf32, #tpu.memory_space<hbm>>)
        tpu.yield
      }) : () -> ()
    } else {
    }
    %eq3A_54 = arith.constant 30 : i32
    %eq3A_55 = arith.cmpi eq, %add3A, %eq3A_54 : i32
    %convert_element_type3A_56 = arith.extui %eq3A_55 : i1 to i32
    %cond3A_57 = arith.constant 0 : i32
    %cond3A_58 = arith.cmpi ne, %convert_element_type3A_56, %cond3A_57 : i32
    scf.if %cond3A_58 {
      %dma_start3A = arith.constant 8 : i32
      %dma_start3A_64 = arith.constant 0 : i32
      %dma_start3A_65 = tpu.memref_slice %arg6[%dma_start3A_64] : memref<8192xf32, #tpu.memory_space<vmem>> -> memref<8192xf32, #tpu.memory_space<vmem>>
      %dma_start3A_66 = arith.constant 0 : i32
      %dma_start3A_67 = tpu.memref_slice %arg2[%dma_start3A, %dma_start3A_66] : memref<39x16384xf32, #tpu.memory_space<hbm>> -> memref<1x8192xf32, #tpu.memory_space<hbm>>
      %dma_start3A_68 = tpu.memref_squeeze %dma_start3A_67 : memref<1x8192xf32, #tpu.memory_space<hbm>> -> memref<8192xf32, #tpu.memory_space<hbm>>
      %dma_start3A_69 = arith.constant 0 : i32
      %dma_start3A_70 = tpu.memref_slice %arg6[%dma_start3A_69] : memref<8192xf32, #tpu.memory_space<vmem>> -> memref<8192xf32, #tpu.memory_space<vmem>>
      %dma_start3A_71 = arith.constant 0 : i32
      %dma_start3A_72 = tpu.memref_slice %arg2[%dma_start3A, %dma_start3A_71] : memref<39x16384xf32, #tpu.memory_space<hbm>> -> memref<1x8192xf32, #tpu.memory_space<hbm>>
      %dma_start3A_73 = tpu.memref_squeeze %dma_start3A_72 : memref<1x8192xf32, #tpu.memory_space<hbm>> -> memref<8192xf32, #tpu.memory_space<hbm>>
      tpu.enqueue_dma source(%dma_start3A_73 : memref<8192xf32, #tpu.memory_space<hbm>>) target(%dma_start3A_70 : memref<8192xf32, #tpu.memory_space<vmem>>) target_semaphore(%arg9 : memref<!tpu.dma_semaphore, #tpu.memory_space<semaphore_mem>>)
      %dma_start3A_74 = arith.constant 9 : i32
      %dma_start3A_75 = arith.constant 0 : i32
      %dma_start3A_76 = tpu.memref_slice %arg7[%dma_start3A_75] : memref<8192xf32, #tpu.memory_space<vmem>> -> memref<8192xf32, #tpu.memory_space<vmem>>
      %dma_start3A_77 = arith.constant 0 : i32
      %dma_start3A_78 = tpu.memref_slice %arg2[%dma_start3A_74, %dma_start3A_77] : memref<39x16384xf32, #tpu.memory_space<hbm>> -> memref<1x8192xf32, #tpu.memory_space<hbm>>
      %dma_start3A_79 = tpu.memref_squeeze %dma_start3A_78 : memref<1x8192xf32, #tpu.memory_space<hbm>> -> memref<8192xf32, #tpu.memory_space<hbm>>
      %dma_start3A_80 = arith.constant 0 : i32
      %dma_start3A_81 = tpu.memref_slice %arg7[%dma_start3A_80] : memref<8192xf32, #tpu.memory_space<vmem>> -> memref<8192xf32, #tpu.memory_space<vmem>>
      %dma_start3A_82 = arith.constant 0 : i32
      %dma_start3A_83 = tpu.memref_slice %arg2[%dma_start3A_74, %dma_start3A_82] : memref<39x16384xf32, #tpu.memory_space<hbm>> -> memref<1x8192xf32, #tpu.memory_space<hbm>>
      %dma_start3A_84 = tpu.memref_squeeze %dma_start3A_83 : memref<1x8192xf32, #tpu.memory_space<hbm>> -> memref<8192xf32, #tpu.memory_space<hbm>>
      tpu.enqueue_dma source(%dma_start3A_84 : memref<8192xf32, #tpu.memory_space<hbm>>) target(%dma_start3A_81 : memref<8192xf32, #tpu.memory_space<vmem>>) target_semaphore(%arg10 : memref<!tpu.dma_semaphore, #tpu.memory_space<semaphore_mem>>)
      %dma_wait3A = arith.constant 8 : i32
      %dma_wait3A_85 = arith.constant 0 : i32
      %dma_wait3A_86 = tpu.memref_slice %arg6[%dma_wait3A_85] : memref<8192xf32, #tpu.memory_space<vmem>> -> memref<8192xf32, #tpu.memory_space<vmem>>
      %dma_wait3A_87 = arith.constant 0 : i32
      %dma_wait3A_88 = tpu.memref_slice %arg2[%dma_wait3A, %dma_wait3A_87] : memref<39x16384xf32, #tpu.memory_space<hbm>> -> memref<1x8192xf32, #tpu.memory_space<hbm>>
      %dma_wait3A_89 = tpu.memref_squeeze %dma_wait3A_88 : memref<1x8192xf32, #tpu.memory_space<hbm>> -> memref<8192xf32, #tpu.memory_space<hbm>>
      %dma_wait3A_90 = arith.constant 0 : i32
      %dma_wait3A_91 = tpu.memref_slice %arg6[%dma_wait3A_90] : memref<8192xf32, #tpu.memory_space<vmem>> -> memref<8192xf32, #tpu.memory_space<vmem>>
      %dma_wait3A_92 = arith.constant 0 : i32
      %dma_wait3A_93 = tpu.memref_slice %arg2[%dma_wait3A, %dma_wait3A_92] : memref<39x16384xf32, #tpu.memory_space<hbm>> -> memref<1x8192xf32, #tpu.memory_space<hbm>>
      %dma_wait3A_94 = tpu.memref_squeeze %dma_wait3A_93 : memref<1x8192xf32, #tpu.memory_space<hbm>> -> memref<8192xf32, #tpu.memory_space<hbm>>
      tpu.wait_dma2 semaphore(%arg9 : memref<!tpu.dma_semaphore, #tpu.memory_space<semaphore_mem>>) src(%dma_wait3A_94 : memref<8192xf32, #tpu.memory_space<hbm>>) dst(%dma_wait3A_91 : memref<8192xf32, #tpu.memory_space<vmem>>)
      %parallel_loop3A = arith.constant 0 : i32
      %parallel_loop3A_95 = arith.constant 8192 : i32
      %parallel_loop3A_96 = arith.constant 16 : i32
      scf.for %parallel_loop3A_186 = %parallel_loop3A to %parallel_loop3A_95 step %parallel_loop3A_96  : i32 {
        %parallel_loop3A_187 = arith.index_cast %parallel_loop3A_186 : i32 to index
        %parallel_loop3A_188 = tpu.vector_load %arg6[%parallel_loop3A_187] {strides = array<i32>} : memref<8192xf32, #tpu.memory_space<vmem>>, vector<16xf32>,
        %parallel_loop3A_189 = arith.constant 7 : i32
        %parallel_loop3A_190 = arith.shrsi %parallel_loop3A_186, %parallel_loop3A_189 : i32
        %parallel_loop3A_191 = arith.constant 896 : i32
        %parallel_loop3A_192 = arith.muli %parallel_loop3A_190, %parallel_loop3A_191 : i32
        %parallel_loop3A_193 = arith.addi %parallel_loop3A_186, %parallel_loop3A_192 : i32
        %parallel_loop3A_194 = arith.constant 0 : i32
        %parallel_loop3A_195 = arith.addi %parallel_loop3A_193, %parallel_loop3A_194 : i32
        %parallel_loop3A_196 = arith.index_cast %parallel_loop3A_195 : i32 to index
        %parallel_loop3A_197 = tpu.vector_load %arg5[%parallel_loop3A_196] {strides = array<i32>} : memref<65536xf32, #tpu.memory_space<vmem>>, vector<16xf32>,
        tpu.vector_store %arg5[%parallel_loop3A_196], %parallel_loop3A_188 {strides = array<i32>} : memref<65536xf32, #tpu.memory_space<vmem>>, vector<16xf32>,
      } {sc.loop_unroll_factor = 8 : i64, sc.parallel_access}
      %dma_start3A_97 = arith.constant 10 : i32
      %dma_start3A_98 = arith.constant 0 : i32
      %dma_start3A_99 = tpu.memref_slice %arg6[%dma_start3A_98] : memref<8192xf32, #tpu.memory_space<vmem>> -> memref<8192xf32, #tpu.memory_space<vmem>>
      %dma_start3A_100 = arith.constant 0 : i32
      %dma_start3A_101 = tpu.memref_slice %arg2[%dma_start3A_97, %dma_start3A_100] : memref<39x16384xf32, #tpu.memory_space<hbm>> -> memref<1x8192xf32, #tpu.memory_space<hbm>>
      %dma_start3A_102 = tpu.memref_squeeze %dma_start3A_101 : memref<1x8192xf32, #tpu.memory_space<hbm>> -> memref<8192xf32, #tpu.memory_space<hbm>>
      %dma_start3A_103 = arith.constant 0 : i32
      %dma_start3A_104 = tpu.memref_slice %arg6[%dma_start3A_103] : memref<8192xf32, #tpu.memory_space<vmem>> -> memref<8192xf32, #tpu.memory_space<vmem>>
      %dma_start3A_105 = arith.constant 0 : i32
      %dma_start3A_106 = tpu.memref_slice %arg2[%dma_start3A_97, %dma_start3A_105] : memref<39x16384xf32, #tpu.memory_space<hbm>> -> memref<1x8192xf32, #tpu.memory_space<hbm>>
      %dma_start3A_107 = tpu.memref_squeeze %dma_start3A_106 : memref<1x8192xf32, #tpu.memory_space<hbm>> -> memref<8192xf32, #tpu.memory_space<hbm>>
      tpu.enqueue_dma source(%dma_start3A_107 : memref<8192xf32, #tpu.memory_space<hbm>>) target(%dma_start3A_104 : memref<8192xf32, #tpu.memory_space<vmem>>) target_semaphore(%arg9 : memref<!tpu.dma_semaphore, #tpu.memory_space<semaphore_mem>>)
      %dma_wait3A_108 = arith.constant 9 : i32
      %dma_wait3A_109 = arith.constant 0 : i32
      %dma_wait3A_110 = tpu.memref_slice %arg7[%dma_wait3A_109] : memref<8192xf32, #tpu.memory_space<vmem>> -> memref<8192xf32, #tpu.memory_space<vmem>>
      %dma_wait3A_111 = arith.constant 0 : i32
      %dma_wait3A_112 = tpu.memref_slice %arg2[%dma_wait3A_108, %dma_wait3A_111] : memref<39x16384xf32, #tpu.memory_space<hbm>> -> memref<1x8192xf32, #tpu.memory_space<hbm>>
      %dma_wait3A_113 = tpu.memref_squeeze %dma_wait3A_112 : memref<1x8192xf32, #tpu.memory_space<hbm>> -> memref<8192xf32, #tpu.memory_space<hbm>>
      %dma_wait3A_114 = arith.constant 0 : i32
      %dma_wait3A_115 = tpu.memref_slice %arg7[%dma_wait3A_114] : memref<8192xf32, #tpu.memory_space<vmem>> -> memref<8192xf32, #tpu.memory_space<vmem>>
      %dma_wait3A_116 = arith.constant 0 : i32
      %dma_wait3A_117 = tpu.memref_slice %arg2[%dma_wait3A_108, %dma_wait3A_116] : memref<39x16384xf32, #tpu.memory_space<hbm>> -> memref<1x8192xf32, #tpu.memory_space<hbm>>
      %dma_wait3A_118 = tpu.memref_squeeze %dma_wait3A_117 : memref<1x8192xf32, #tpu.memory_space<hbm>> -> memref<8192xf32, #tpu.memory_space<hbm>>
      tpu.wait_dma2 semaphore(%arg10 : memref<!tpu.dma_semaphore, #tpu.memory_space<semaphore_mem>>) src(%dma_wait3A_118 : memref<8192xf32, #tpu.memory_space<hbm>>) dst(%dma_wait3A_115 : memref<8192xf32, #tpu.memory_space<vmem>>)
      %parallel_loop3A_119 = arith.constant 0 : i32
      %parallel_loop3A_120 = arith.constant 8192 : i32
      %parallel_loop3A_121 = arith.constant 16 : i32
      scf.for %parallel_loop3A_186 = %parallel_loop3A_119 to %parallel_loop3A_120 step %parallel_loop3A_121  : i32 {
        %parallel_loop3A_187 = arith.index_cast %parallel_loop3A_186 : i32 to index
        %parallel_loop3A_188 = tpu.vector_load %arg7[%parallel_loop3A_187] {strides = array<i32>} : memref<8192xf32, #tpu.memory_space<vmem>>, vector<16xf32>,
        %parallel_loop3A_189 = arith.constant 7 : i32
        %parallel_loop3A_190 = arith.shrsi %parallel_loop3A_186, %parallel_loop3A_189 : i32
        %parallel_loop3A_191 = arith.constant 896 : i32
        %parallel_loop3A_192 = arith.muli %parallel_loop3A_190, %parallel_loop3A_191 : i32
        %parallel_loop3A_193 = arith.addi %parallel_loop3A_186, %parallel_loop3A_192 : i32
        %parallel_loop3A_194 = arith.constant 128 : i32
        %parallel_loop3A_195 = arith.addi %parallel_loop3A_193, %parallel_loop3A_194 : i32
        %parallel_loop3A_196 = arith.index_cast %parallel_loop3A_195 : i32 to index
        %parallel_loop3A_197 = tpu.vector_load %arg5[%parallel_loop3A_196] {strides = array<i32>} : memref<65536xf32, #tpu.memory_space<vmem>>, vector<16xf32>,
        tpu.vector_store %arg5[%parallel_loop3A_196], %parallel_loop3A_188 {strides = array<i32>} : memref<65536xf32, #tpu.memory_space<vmem>>, vector<16xf32>,
      } {sc.loop_unroll_factor = 8 : i64, sc.parallel_access}
      %dma_start3A_122 = arith.constant 11 : i32
      %dma_start3A_123 = arith.constant 0 : i32
      %dma_start3A_124 = tpu.memref_slice %arg7[%dma_start3A_123] : memref<8192xf32, #tpu.memory_space<vmem>> -> memref<8192xf32, #tpu.memory_space<vmem>>
      %dma_start3A_125 = arith.constant 0 : i32
      %dma_start3A_126 = tpu.memref_slice %arg2[%dma_start3A_122, %dma_start3A_125] : memref<39x16384xf32, #tpu.memory_space<hbm>> -> memref<1x8192xf32, #tpu.memory_space<hbm>>
      %dma_start3A_127 = tpu.memref_squeeze %dma_start3A_126 : memref<1x8192xf32, #tpu.memory_space<hbm>> -> memref<8192xf32, #tpu.memory_space<hbm>>
      %dma_start3A_128 = arith.constant 0 : i32
      %dma_start3A_129 = tpu.memref_slice %arg7[%dma_start3A_128] : memref<8192xf32, #tpu.memory_space<vmem>> -> memref<8192xf32, #tpu.memory_space<vmem>>
      %dma_start3A_130 = arith.constant 0 : i32
      %dma_start3A_131 = tpu.memref_slice %arg2[%dma_start3A_122, %dma_start3A_130] : memref<39x16384xf32, #tpu.memory_space<hbm>> -> memref<1x8192xf32, #tpu.memory_space<hbm>>
      %dma_start3A_132 = tpu.memref_squeeze %dma_start3A_131 : memref<1x8192xf32, #tpu.memory_space<hbm>> -> memref<8192xf32, #tpu.memory_space<hbm>>
      tpu.enqueue_dma source(%dma_start3A_132 : memref<8192xf32, #tpu.memory_space<hbm>>) target(%dma_start3A_129 : memref<8192xf32, #tpu.memory_space<vmem>>) target_semaphore(%arg10 : memref<!tpu.dma_semaphore, #tpu.memory_space<semaphore_mem>>)
      %dma_wait3A_133 = arith.constant 10 : i32
      %dma_wait3A_134 = arith.constant 0 : i32
      %dma_wait3A_135 = tpu.memref_slice %arg6[%dma_wait3A_134] : memref<8192xf32, #tpu.memory_space<vmem>> -> memref<8192xf32, #tpu.memory_space<vmem>>
      %dma_wait3A_136 = arith.constant 0 : i32
      %dma_wait3A_137 = tpu.memref_slice %arg2[%dma_wait3A_133, %dma_wait3A_136] : memref<39x16384xf32, #tpu.memory_space<hbm>> -> memref<1x8192xf32, #tpu.memory_space<hbm>>
      %dma_wait3A_138 = tpu.memref_squeeze %dma_wait3A_137 : memref<1x8192xf32, #tpu.memory_space<hbm>> -> memref<8192xf32, #tpu.memory_space<hbm>>
      %dma_wait3A_139 = arith.constant 0 : i32
      %dma_wait3A_140 = tpu.memref_slice %arg6[%dma_wait3A_139] : memref<8192xf32, #tpu.memory_space<vmem>> -> memref<8192xf32, #tpu.memory_space<vmem>>
      %dma_wait3A_141 = arith.constant 0 : i32
      %dma_wait3A_142 = tpu.memref_slice %arg2[%dma_wait3A_133, %dma_wait3A_141] : memref<39x16384xf32, #tpu.memory_space<hbm>> -> memref<1x8192xf32, #tpu.memory_space<hbm>>
      %dma_wait3A_143 = tpu.memref_squeeze %dma_wait3A_142 : memref<1x8192xf32, #tpu.memory_space<hbm>> -> memref<8192xf32, #tpu.memory_space<hbm>>
      tpu.wait_dma2 semaphore(%arg9 : memref<!tpu.dma_semaphore, #tpu.memory_space<semaphore_mem>>) src(%dma_wait3A_143 : memref<8192xf32, #tpu.memory_space<hbm>>) dst(%dma_wait3A_140 : memref<8192xf32, #tpu.memory_space<vmem>>)
      %parallel_loop3A_144 = arith.constant 0 : i32
      %parallel_loop3A_145 = arith.constant 8192 : i32
      %parallel_loop3A_146 = arith.constant 16 : i32
      scf.for %parallel_loop3A_186 = %parallel_loop3A_144 to %parallel_loop3A_145 step %parallel_loop3A_146  : i32 {
        %parallel_loop3A_187 = arith.index_cast %parallel_loop3A_186 : i32 to index
        %parallel_loop3A_188 = tpu.vector_load %arg6[%parallel_loop3A_187] {strides = array<i32>} : memref<8192xf32, #tpu.memory_space<vmem>>, vector<16xf32>,
        %parallel_loop3A_189 = arith.constant 7 : i32
        %parallel_loop3A_190 = arith.shrsi %parallel_loop3A_186, %parallel_loop3A_189 : i32
        %parallel_loop3A_191 = arith.constant 896 : i32
        %parallel_loop3A_192 = arith.muli %parallel_loop3A_190, %parallel_loop3A_191 : i32
        %parallel_loop3A_193 = arith.addi %parallel_loop3A_186, %parallel_loop3A_192 : i32
        %parallel_loop3A_194 = arith.constant 256 : i32
        %parallel_loop3A_195 = arith.addi %parallel_loop3A_193, %parallel_loop3A_194 : i32
        %parallel_loop3A_196 = arith.index_cast %parallel_loop3A_195 : i32 to index
        %parallel_loop3A_197 = tpu.vector_load %arg5[%parallel_loop3A_196] {strides = array<i32>} : memref<65536xf32, #tpu.memory_space<vmem>>, vector<16xf32>,
        tpu.vector_store %arg5[%parallel_loop3A_196], %parallel_loop3A_188 {strides = array<i32>} : memref<65536xf32, #tpu.memory_space<vmem>>, vector<16xf32>,
      } {sc.loop_unroll_factor = 8 : i64, sc.parallel_access}
      %dma_start3A_147 = arith.constant 12 : i32
      %dma_start3A_148 = arith.constant 0 : i32
      %dma_start3A_149 = tpu.memref_slice %arg6[%dma_start3A_148] : memref<8192xf32, #tpu.memory_space<vmem>> -> memref<8192xf32, #tpu.memory_space<vmem>>
      %dma_start3A_150 = arith.constant 0 : i32
      %dma_start3A_151 = tpu.memref_slice %arg2[%dma_start3A_147, %dma_start3A_150] : memref<39x16384xf32, #tpu.memory_space<hbm>> -> memref<1x8192xf32, #tpu.memory_space<hbm>>
      %dma_start3A_152 = tpu.memref_squeeze %dma_start3A_151 : memref<1x8192xf32, #tpu.memory_space<hbm>> -> memref<8192xf32, #tpu.memory_space<hbm>>
      %dma_start3A_153 = arith.constant 0 : i32
      %dma_start3A_154 = tpu.memref_slice %arg6[%dma_start3A_153] : memref<8192xf32, #tpu.memory_space<vmem>> -> memref<8192xf32, #tpu.memory_space<vmem>>
      %dma_start3A_155 = arith.constant 0 : i32
      %dma_start3A_156 = tpu.memref_slice %arg2[%dma_start3A_147, %dma_start3A_155] : memref<39x16384xf32, #tpu.memory_space<hbm>> -> memref<1x8192xf32, #tpu.memory_space<hbm>>
      %dma_start3A_157 = tpu.memref_squeeze %dma_start3A_156 : memref<1x8192xf32, #tpu.memory_space<hbm>> -> memref<8192xf32, #tpu.memory_space<hbm>>
      tpu.enqueue_dma source(%dma_start3A_157 : memref<8192xf32, #tpu.memory_space<hbm>>) target(%dma_start3A_154 : memref<8192xf32, #tpu.memory_space<vmem>>) target_semaphore(%arg9 : memref<!tpu.dma_semaphore, #tpu.memory_space<semaphore_mem>>)
      %dma_wait3A_158 = arith.constant 11 : i32
      %dma_wait3A_159 = arith.constant 0 : i32
      %dma_wait3A_160 = tpu.memref_slice %arg7[%dma_wait3A_159] : memref<8192xf32, #tpu.memory_space<vmem>> -> memref<8192xf32, #tpu.memory_space<vmem>>
      %dma_wait3A_161 = arith.constant 0 : i32
      %dma_wait3A_162 = tpu.memref_slice %arg2[%dma_wait3A_158, %dma_wait3A_161] : memref<39x16384xf32, #tpu.memory_space<hbm>> -> memref<1x8192xf32, #tpu.memory_space<hbm>>
      %dma_wait3A_163 = tpu.memref_squeeze %dma_wait3A_162 : memref<1x8192xf32, #tpu.memory_space<hbm>> -> memref<8192xf32, #tpu.memory_space<hbm>>
      %dma_wait3A_164 = arith.constant 0 : i32
      %dma_wait3A_165 = tpu.memref_slice %arg7[%dma_wait3A_164] : memref<8192xf32, #tpu.memory_space<vmem>> -> memref<8192xf32, #tpu.memory_space<vmem>>
      %dma_wait3A_166 = arith.constant 0 : i32
      %dma_wait3A_167 = tpu.memref_slice %arg2[%dma_wait3A_158, %dma_wait3A_166] : memref<39x16384xf32, #tpu.memory_space<hbm>> -> memref<1x8192xf32, #tpu.memory_space<hbm>>
      %dma_wait3A_168 = tpu.memref_squeeze %dma_wait3A_167 : memref<1x8192xf32, #tpu.memory_space<hbm>> -> memref<8192xf32, #tpu.memory_space<hbm>>
      tpu.wait_dma2 semaphore(%arg10 : memref<!tpu.dma_semaphore, #tpu.memory_space<semaphore_mem>>) src(%dma_wait3A_168 : memref<8192xf32, #tpu.memory_space<hbm>>) dst(%dma_wait3A_165 : memref<8192xf32, #tpu.memory_space<vmem>>)
      %parallel_loop3A_169 = arith.constant 0 : i32
      %parallel_loop3A_170 = arith.constant 8192 : i32
      %parallel_loop3A_171 = arith.constant 16 : i32
      scf.for %parallel_loop3A_186 = %parallel_loop3A_169 to %parallel_loop3A_170 step %parallel_loop3A_171  : i32 {
        %parallel_loop3A_187 = arith.index_cast %parallel_loop3A_186 : i32 to index
        %parallel_loop3A_188 = tpu.vector_load %arg7[%parallel_loop3A_187] {strides = array<i32>} : memref<8192xf32, #tpu.memory_space<vmem>>, vector<16xf32>,
        %parallel_loop3A_189 = arith.constant 7 : i32
        %parallel_loop3A_190 = arith.shrsi %parallel_loop3A_186, %parallel_loop3A_189 : i32
        %parallel_loop3A_191 = arith.constant 896 : i32
        %parallel_loop3A_192 = arith.muli %parallel_loop3A_190, %parallel_loop3A_191 : i32
        %parallel_loop3A_193 = arith.addi %parallel_loop3A_186, %parallel_loop3A_192 : i32
        %parallel_loop3A_194 = arith.constant 384 : i32
        %parallel_loop3A_195 = arith.addi %parallel_loop3A_193, %parallel_loop3A_194 : i32
        %parallel_loop3A_196 = arith.index_cast %parallel_loop3A_195 : i32 to index
        %parallel_loop3A_197 = tpu.vector_load %arg5[%parallel_loop3A_196] {strides = array<i32>} : memref<65536xf32, #tpu.memory_space<vmem>>, vector<16xf32>,
        tpu.vector_store %arg5[%parallel_loop3A_196], %parallel_loop3A_188 {strides = array<i32>} : memref<65536xf32, #tpu.memory_space<vmem>>, vector<16xf32>,
      } {sc.loop_unroll_factor = 8 : i64, sc.parallel_access}
      %dma_wait3A_172 = arith.constant 12 : i32
      %dma_wait3A_173 = arith.constant 0 : i32
      %dma_wait3A_174 = tpu.memref_slice %arg6[%dma_wait3A_173] : memref<8192xf32, #tpu.memory_space<vmem>> -> memref<8192xf32, #tpu.memory_space<vmem>>
      %dma_wait3A_175 = arith.constant 0 : i32
      %dma_wait3A_176 = tpu.memref_slice %arg2[%dma_wait3A_172, %dma_wait3A_175] : memref<39x16384xf32, #tpu.memory_space<hbm>> -> memref<1x8192xf32, #tpu.memory_space<hbm>>
      %dma_wait3A_177 = tpu.memref_squeeze %dma_wait3A_176 : memref<1x8192xf32, #tpu.memory_space<hbm>> -> memref<8192xf32, #tpu.memory_space<hbm>>
      %dma_wait3A_178 = arith.constant 0 : i32
      %dma_wait3A_179 = tpu.memref_slice %arg6[%dma_wait3A_178] : memref<8192xf32, #tpu.memory_space<vmem>> -> memref<8192xf32, #tpu.memory_space<vmem>>
      %dma_wait3A_180 = arith.constant 0 : i32
      %dma_wait3A_181 = tpu.memref_slice %arg2[%dma_wait3A_172, %dma_wait3A_180] : memref<39x16384xf32, #tpu.memory_space<hbm>> -> memref<1x8192xf32, #tpu.memory_space<hbm>>
      %dma_wait3A_182 = tpu.memref_squeeze %dma_wait3A_181 : memref<1x8192xf32, #tpu.memory_space<hbm>> -> memref<8192xf32, #tpu.memory_space<hbm>>
      tpu.wait_dma2 semaphore(%arg9 : memref<!tpu.dma_semaphore, #tpu.memory_space<semaphore_mem>>) src(%dma_wait3A_182 : memref<8192xf32, #tpu.memory_space<hbm>>) dst(%dma_wait3A_179 : memref<8192xf32, #tpu.memory_space<vmem>>)
      %parallel_loop3A_183 = arith.constant 0 : i32
      %parallel_loop3A_184 = arith.constant 8192 : i32
      %parallel_loop3A_185 = arith.constant 16 : i32
      scf.for %parallel_loop3A_186 = %parallel_loop3A_183 to %parallel_loop3A_184 step %parallel_loop3A_185  : i32 {
        %parallel_loop3A_187 = arith.index_cast %parallel_loop3A_186 : i32 to index
        %parallel_loop3A_188 = tpu.vector_load %arg6[%parallel_loop3A_187] {strides = array<i32>} : memref<8192xf32, #tpu.memory_space<vmem>>, vector<16xf32>,
        %parallel_loop3A_189 = arith.constant 7 : i32
        %parallel_loop3A_190 = arith.shrsi %parallel_loop3A_186, %parallel_loop3A_189 : i32
        %parallel_loop3A_191 = arith.constant 896 : i32
        %parallel_loop3A_192 = arith.muli %parallel_loop3A_190, %parallel_loop3A_191 : i32
        %parallel_loop3A_193 = arith.addi %parallel_loop3A_186, %parallel_loop3A_192 : i32
        %parallel_loop3A_194 = arith.constant 512 : i32
        %parallel_loop3A_195 = arith.addi %parallel_loop3A_193, %parallel_loop3A_194 : i32
        %parallel_loop3A_196 = arith.index_cast %parallel_loop3A_195 : i32 to index
        %parallel_loop3A_197 = tpu.vector_load %arg5[%parallel_loop3A_196] {strides = array<i32>} : memref<65536xf32, #tpu.memory_space<vmem>>, vector<16xf32>,
        tpu.vector_store %arg5[%parallel_loop3A_196], %parallel_loop3A_188 {strides = array<i32>} : memref<65536xf32, #tpu.memory_space<vmem>>, vector<16xf32>,
      } {sc.loop_unroll_factor = 8 : i64, sc.parallel_access}
      "tpu.region"() ({
        %run_scoped3A = tpu.sem_alloc : memref<!tpu.dma_semaphore, #tpu.memory_space<semaphore_mem>>
        %dma_start3A_186 = arith.constant 0 : i32
        %dma_start3A_187 = tpu.memref_slice %arg5[%dma_start3A_186] : memref<65536xf32, #tpu.memory_space<vmem>> -> memref<65536xf32, #tpu.memory_space<vmem>>
        %dma_start3A_188 = arith.constant 1835008 : i32
        %dma_start3A_189 = tpu.memref_slice %arg4[%dma_start3A_188] : memref<1966080xf32, #tpu.memory_space<hbm>> -> memref<65536xf32, #tpu.memory_space<hbm>>
        %dma_start3A_190 = arith.constant 1835008 : i32
        %dma_start3A_191 = tpu.memref_slice %arg4[%dma_start3A_190] : memref<1966080xf32, #tpu.memory_space<hbm>> -> memref<65536xf32, #tpu.memory_space<hbm>>
        %dma_start3A_192 = arith.constant 0 : i32
        %dma_start3A_193 = tpu.memref_slice %arg5[%dma_start3A_192] : memref<65536xf32, #tpu.memory_space<vmem>> -> memref<65536xf32, #tpu.memory_space<vmem>>
        tpu.enqueue_dma source(%dma_start3A_193 : memref<65536xf32, #tpu.memory_space<vmem>>) target(%dma_start3A_191 : memref<65536xf32, #tpu.memory_space<hbm>>) target_semaphore(%run_scoped3A : memref<!tpu.dma_semaphore, #tpu.memory_space<semaphore_mem>>)
        %dma_wait3A_194 = arith.constant 0 : i32
        %dma_wait3A_195 = tpu.memref_slice %arg5[%dma_wait3A_194] : memref<65536xf32, #tpu.memory_space<vmem>> -> memref<65536xf32, #tpu.memory_space<vmem>>
        %dma_wait3A_196 = arith.constant 1835008 : i32
        %dma_wait3A_197 = tpu.memref_slice %arg4[%dma_wait3A_196] : memref<1966080xf32, #tpu.memory_space<hbm>> -> memref<65536xf32, #tpu.memory_space<hbm>>
        %dma_wait3A_198 = arith.constant 1835008 : i32
        %dma_wait3A_199 = tpu.memref_slice %arg4[%dma_wait3A_198] : memref<1966080xf32, #tpu.memory_space<hbm>> -> memref<65536xf32, #tpu.memory_space<hbm>>
        %dma_wait3A_200 = arith.constant 0 : i32
        %dma_wait3A_201 = tpu.memref_slice %arg5[%dma_wait3A_200] : memref<65536xf32, #tpu.memory_space<vmem>> -> memref<65536xf32, #tpu.memory_space<vmem>>
        tpu.wait_dma2 semaphore(%run_scoped3A : memref<!tpu.dma_semaphore, #tpu.memory_space<semaphore_mem>>) src(%dma_wait3A_201 : memref<65536xf32, #tpu.memory_space<vmem>>) dst(%dma_wait3A_199 : memref<65536xf32, #tpu.memory_space<hbm>>)
        tpu.yield
      }) : () -> ()
    } else {
    }
    %eq3A_59 = arith.constant 31 : i32
    %eq3A_60 = arith.cmpi eq, %add3A, %eq3A_59 : i32
    %convert_element_type3A_61 = arith.extui %eq3A_60 : i1 to i32
    %cond3A_62 = arith.constant 0 : i32
    %cond3A_63 = arith.cmpi ne, %convert_element_type3A_61, %cond3A_62 : i32
    scf.if %cond3A_63 {
      %dma_start3A = arith.constant 8 : i32
      %dma_start3A_64 = arith.constant 0 : i32
      %dma_start3A_65 = tpu.memref_slice %arg6[%dma_start3A_64] : memref<8192xf32, #tpu.memory_space<vmem>> -> memref<8192xf32, #tpu.memory_space<vmem>>
      %dma_start3A_66 = arith.constant 8192 : i32
      %dma_start3A_67 = tpu.memref_slice %arg2[%dma_start3A, %dma_start3A_66] : memref<39x16384xf32, #tpu.memory_space<hbm>> -> memref<1x8192xf32, #tpu.memory_space<hbm>>
      %dma_start3A_68 = tpu.memref_squeeze %dma_start3A_67 : memref<1x8192xf32, #tpu.memory_space<hbm>> -> memref<8192xf32, #tpu.memory_space<hbm>>
      %dma_start3A_69 = arith.constant 0 : i32
      %dma_start3A_70 = tpu.memref_slice %arg6[%dma_start3A_69] : memref<8192xf32, #tpu.memory_space<vmem>> -> memref<8192xf32, #tpu.memory_space<vmem>>
      %dma_start3A_71 = arith.constant 8192 : i32
      %dma_start3A_72 = tpu.memref_slice %arg2[%dma_start3A, %dma_start3A_71] : memref<39x16384xf32, #tpu.memory_space<hbm>> -> memref<1x8192xf32, #tpu.memory_space<hbm>>
      %dma_start3A_73 = tpu.memref_squeeze %dma_start3A_72 : memref<1x8192xf32, #tpu.memory_space<hbm>> -> memref<8192xf32, #tpu.memory_space<hbm>>
      tpu.enqueue_dma source(%dma_start3A_73 : memref<8192xf32, #tpu.memory_space<hbm>>) target(%dma_start3A_70 : memref<8192xf32, #tpu.memory_space<vmem>>) target_semaphore(%arg9 : memref<!tpu.dma_semaphore, #tpu.memory_space<semaphore_mem>>)
      %dma_start3A_74 = arith.constant 9 : i32
      %dma_start3A_75 = arith.constant 0 : i32
      %dma_start3A_76 = tpu.memref_slice %arg7[%dma_start3A_75] : memref<8192xf32, #tpu.memory_space<vmem>> -> memref<8192xf32, #tpu.memory_space<vmem>>
      %dma_start3A_77 = arith.constant 8192 : i32
      %dma_start3A_78 = tpu.memref_slice %arg2[%dma_start3A_74, %dma_start3A_77] : memref<39x16384xf32, #tpu.memory_space<hbm>> -> memref<1x8192xf32, #tpu.memory_space<hbm>>
      %dma_start3A_79 = tpu.memref_squeeze %dma_start3A_78 : memref<1x8192xf32, #tpu.memory_space<hbm>> -> memref<8192xf32, #tpu.memory_space<hbm>>
      %dma_start3A_80 = arith.constant 0 : i32
      %dma_start3A_81 = tpu.memref_slice %arg7[%dma_start3A_80] : memref<8192xf32, #tpu.memory_space<vmem>> -> memref<8192xf32, #tpu.memory_space<vmem>>
      %dma_start3A_82 = arith.constant 8192 : i32
      %dma_start3A_83 = tpu.memref_slice %arg2[%dma_start3A_74, %dma_start3A_82] : memref<39x16384xf32, #tpu.memory_space<hbm>> -> memref<1x8192xf32, #tpu.memory_space<hbm>>
      %dma_start3A_84 = tpu.memref_squeeze %dma_start3A_83 : memref<1x8192xf32, #tpu.memory_space<hbm>> -> memref<8192xf32, #tpu.memory_space<hbm>>
      tpu.enqueue_dma source(%dma_start3A_84 : memref<8192xf32, #tpu.memory_space<hbm>>) target(%dma_start3A_81 : memref<8192xf32, #tpu.memory_space<vmem>>) target_semaphore(%arg10 : memref<!tpu.dma_semaphore, #tpu.memory_space<semaphore_mem>>)
      %dma_wait3A = arith.constant 8 : i32
      %dma_wait3A_85 = arith.constant 0 : i32
      %dma_wait3A_86 = tpu.memref_slice %arg6[%dma_wait3A_85] : memref<8192xf32, #tpu.memory_space<vmem>> -> memref<8192xf32, #tpu.memory_space<vmem>>
      %dma_wait3A_87 = arith.constant 8192 : i32
      %dma_wait3A_88 = tpu.memref_slice %arg2[%dma_wait3A, %dma_wait3A_87] : memref<39x16384xf32, #tpu.memory_space<hbm>> -> memref<1x8192xf32, #tpu.memory_space<hbm>>
      %dma_wait3A_89 = tpu.memref_squeeze %dma_wait3A_88 : memref<1x8192xf32, #tpu.memory_space<hbm>> -> memref<8192xf32, #tpu.memory_space<hbm>>
      %dma_wait3A_90 = arith.constant 0 : i32
      %dma_wait3A_91 = tpu.memref_slice %arg6[%dma_wait3A_90] : memref<8192xf32, #tpu.memory_space<vmem>> -> memref<8192xf32, #tpu.memory_space<vmem>>
      %dma_wait3A_92 = arith.constant 8192 : i32
      %dma_wait3A_93 = tpu.memref_slice %arg2[%dma_wait3A, %dma_wait3A_92] : memref<39x16384xf32, #tpu.memory_space<hbm>> -> memref<1x8192xf32, #tpu.memory_space<hbm>>
      %dma_wait3A_94 = tpu.memref_squeeze %dma_wait3A_93 : memref<1x8192xf32, #tpu.memory_space<hbm>> -> memref<8192xf32, #tpu.memory_space<hbm>>
      tpu.wait_dma2 semaphore(%arg9 : memref<!tpu.dma_semaphore, #tpu.memory_space<semaphore_mem>>) src(%dma_wait3A_94 : memref<8192xf32, #tpu.memory_space<hbm>>) dst(%dma_wait3A_91 : memref<8192xf32, #tpu.memory_space<vmem>>)
      %parallel_loop3A = arith.constant 0 : i32
      %parallel_loop3A_95 = arith.constant 8192 : i32
      %parallel_loop3A_96 = arith.constant 16 : i32
      scf.for %parallel_loop3A_186 = %parallel_loop3A to %parallel_loop3A_95 step %parallel_loop3A_96  : i32 {
        %parallel_loop3A_187 = arith.index_cast %parallel_loop3A_186 : i32 to index
        %parallel_loop3A_188 = tpu.vector_load %arg6[%parallel_loop3A_187] {strides = array<i32>} : memref<8192xf32, #tpu.memory_space<vmem>>, vector<16xf32>,
        %parallel_loop3A_189 = arith.constant 7 : i32
        %parallel_loop3A_190 = arith.shrsi %parallel_loop3A_186, %parallel_loop3A_189 : i32
        %parallel_loop3A_191 = arith.constant 896 : i32
        %parallel_loop3A_192 = arith.muli %parallel_loop3A_190, %parallel_loop3A_191 : i32
        %parallel_loop3A_193 = arith.addi %parallel_loop3A_186, %parallel_loop3A_192 : i32
        %parallel_loop3A_194 = arith.constant 0 : i32
        %parallel_loop3A_195 = arith.addi %parallel_loop3A_193, %parallel_loop3A_194 : i32
        %parallel_loop3A_196 = arith.index_cast %parallel_loop3A_195 : i32 to index
        %parallel_loop3A_197 = tpu.vector_load %arg5[%parallel_loop3A_196] {strides = array<i32>} : memref<65536xf32, #tpu.memory_space<vmem>>, vector<16xf32>,
        tpu.vector_store %arg5[%parallel_loop3A_196], %parallel_loop3A_188 {strides = array<i32>} : memref<65536xf32, #tpu.memory_space<vmem>>, vector<16xf32>,
      } {sc.loop_unroll_factor = 8 : i64, sc.parallel_access}
      %dma_start3A_97 = arith.constant 10 : i32
      %dma_start3A_98 = arith.constant 0 : i32
      %dma_start3A_99 = tpu.memref_slice %arg6[%dma_start3A_98] : memref<8192xf32, #tpu.memory_space<vmem>> -> memref<8192xf32, #tpu.memory_space<vmem>>
      %dma_start3A_100 = arith.constant 8192 : i32
      %dma_start3A_101 = tpu.memref_slice %arg2[%dma_start3A_97, %dma_start3A_100] : memref<39x16384xf32, #tpu.memory_space<hbm>> -> memref<1x8192xf32, #tpu.memory_space<hbm>>
      %dma_start3A_102 = tpu.memref_squeeze %dma_start3A_101 : memref<1x8192xf32, #tpu.memory_space<hbm>> -> memref<8192xf32, #tpu.memory_space<hbm>>
      %dma_start3A_103 = arith.constant 0 : i32
      %dma_start3A_104 = tpu.memref_slice %arg6[%dma_start3A_103] : memref<8192xf32, #tpu.memory_space<vmem>> -> memref<8192xf32, #tpu.memory_space<vmem>>
      %dma_start3A_105 = arith.constant 8192 : i32
      %dma_start3A_106 = tpu.memref_slice %arg2[%dma_start3A_97, %dma_start3A_105] : memref<39x16384xf32, #tpu.memory_space<hbm>> -> memref<1x8192xf32, #tpu.memory_space<hbm>>
      %dma_start3A_107 = tpu.memref_squeeze %dma_start3A_106 : memref<1x8192xf32, #tpu.memory_space<hbm>> -> memref<8192xf32, #tpu.memory_space<hbm>>
      tpu.enqueue_dma source(%dma_start3A_107 : memref<8192xf32, #tpu.memory_space<hbm>>) target(%dma_start3A_104 : memref<8192xf32, #tpu.memory_space<vmem>>) target_semaphore(%arg9 : memref<!tpu.dma_semaphore, #tpu.memory_space<semaphore_mem>>)
      %dma_wait3A_108 = arith.constant 9 : i32
      %dma_wait3A_109 = arith.constant 0 : i32
      %dma_wait3A_110 = tpu.memref_slice %arg7[%dma_wait3A_109] : memref<8192xf32, #tpu.memory_space<vmem>> -> memref<8192xf32, #tpu.memory_space<vmem>>
      %dma_wait3A_111 = arith.constant 8192 : i32
      %dma_wait3A_112 = tpu.memref_slice %arg2[%dma_wait3A_108, %dma_wait3A_111] : memref<39x16384xf32, #tpu.memory_space<hbm>> -> memref<1x8192xf32, #tpu.memory_space<hbm>>
      %dma_wait3A_113 = tpu.memref_squeeze %dma_wait3A_112 : memref<1x8192xf32, #tpu.memory_space<hbm>> -> memref<8192xf32, #tpu.memory_space<hbm>>
      %dma_wait3A_114 = arith.constant 0 : i32
      %dma_wait3A_115 = tpu.memref_slice %arg7[%dma_wait3A_114] : memref<8192xf32, #tpu.memory_space<vmem>> -> memref<8192xf32, #tpu.memory_space<vmem>>
      %dma_wait3A_116 = arith.constant 8192 : i32
      %dma_wait3A_117 = tpu.memref_slice %arg2[%dma_wait3A_108, %dma_wait3A_116] : memref<39x16384xf32, #tpu.memory_space<hbm>> -> memref<1x8192xf32, #tpu.memory_space<hbm>>
      %dma_wait3A_118 = tpu.memref_squeeze %dma_wait3A_117 : memref<1x8192xf32, #tpu.memory_space<hbm>> -> memref<8192xf32, #tpu.memory_space<hbm>>
      tpu.wait_dma2 semaphore(%arg10 : memref<!tpu.dma_semaphore, #tpu.memory_space<semaphore_mem>>) src(%dma_wait3A_118 : memref<8192xf32, #tpu.memory_space<hbm>>) dst(%dma_wait3A_115 : memref<8192xf32, #tpu.memory_space<vmem>>)
      %parallel_loop3A_119 = arith.constant 0 : i32
      %parallel_loop3A_120 = arith.constant 8192 : i32
      %parallel_loop3A_121 = arith.constant 16 : i32
      scf.for %parallel_loop3A_186 = %parallel_loop3A_119 to %parallel_loop3A_120 step %parallel_loop3A_121  : i32 {
        %parallel_loop3A_187 = arith.index_cast %parallel_loop3A_186 : i32 to index
        %parallel_loop3A_188 = tpu.vector_load %arg7[%parallel_loop3A_187] {strides = array<i32>} : memref<8192xf32, #tpu.memory_space<vmem>>, vector<16xf32>,
        %parallel_loop3A_189 = arith.constant 7 : i32
        %parallel_loop3A_190 = arith.shrsi %parallel_loop3A_186, %parallel_loop3A_189 : i32
        %parallel_loop3A_191 = arith.constant 896 : i32
        %parallel_loop3A_192 = arith.muli %parallel_loop3A_190, %parallel_loop3A_191 : i32
        %parallel_loop3A_193 = arith.addi %parallel_loop3A_186, %parallel_loop3A_192 : i32
        %parallel_loop3A_194 = arith.constant 128 : i32
        %parallel_loop3A_195 = arith.addi %parallel_loop3A_193, %parallel_loop3A_194 : i32
        %parallel_loop3A_196 = arith.index_cast %parallel_loop3A_195 : i32 to index
        %parallel_loop3A_197 = tpu.vector_load %arg5[%parallel_loop3A_196] {strides = array<i32>} : memref<65536xf32, #tpu.memory_space<vmem>>, vector<16xf32>,
        tpu.vector_store %arg5[%parallel_loop3A_196], %parallel_loop3A_188 {strides = array<i32>} : memref<65536xf32, #tpu.memory_space<vmem>>, vector<16xf32>,
      } {sc.loop_unroll_factor = 8 : i64, sc.parallel_access}
      %dma_start3A_122 = arith.constant 11 : i32
      %dma_start3A_123 = arith.constant 0 : i32
      %dma_start3A_124 = tpu.memref_slice %arg7[%dma_start3A_123] : memref<8192xf32, #tpu.memory_space<vmem>> -> memref<8192xf32, #tpu.memory_space<vmem>>
      %dma_start3A_125 = arith.constant 8192 : i32
      %dma_start3A_126 = tpu.memref_slice %arg2[%dma_start3A_122, %dma_start3A_125] : memref<39x16384xf32, #tpu.memory_space<hbm>> -> memref<1x8192xf32, #tpu.memory_space<hbm>>
      %dma_start3A_127 = tpu.memref_squeeze %dma_start3A_126 : memref<1x8192xf32, #tpu.memory_space<hbm>> -> memref<8192xf32, #tpu.memory_space<hbm>>
      %dma_start3A_128 = arith.constant 0 : i32
      %dma_start3A_129 = tpu.memref_slice %arg7[%dma_start3A_128] : memref<8192xf32, #tpu.memory_space<vmem>> -> memref<8192xf32, #tpu.memory_space<vmem>>
      %dma_start3A_130 = arith.constant 8192 : i32
      %dma_start3A_131 = tpu.memref_slice %arg2[%dma_start3A_122, %dma_start3A_130] : memref<39x16384xf32, #tpu.memory_space<hbm>> -> memref<1x8192xf32, #tpu.memory_space<hbm>>
      %dma_start3A_132 = tpu.memref_squeeze %dma_start3A_131 : memref<1x8192xf32, #tpu.memory_space<hbm>> -> memref<8192xf32, #tpu.memory_space<hbm>>
      tpu.enqueue_dma source(%dma_start3A_132 : memref<8192xf32, #tpu.memory_space<hbm>>) target(%dma_start3A_129 : memref<8192xf32, #tpu.memory_space<vmem>>) target_semaphore(%arg10 : memref<!tpu.dma_semaphore, #tpu.memory_space<semaphore_mem>>)
      %dma_wait3A_133 = arith.constant 10 : i32
      %dma_wait3A_134 = arith.constant 0 : i32
      %dma_wait3A_135 = tpu.memref_slice %arg6[%dma_wait3A_134] : memref<8192xf32, #tpu.memory_space<vmem>> -> memref<8192xf32, #tpu.memory_space<vmem>>
      %dma_wait3A_136 = arith.constant 8192 : i32
      %dma_wait3A_137 = tpu.memref_slice %arg2[%dma_wait3A_133, %dma_wait3A_136] : memref<39x16384xf32, #tpu.memory_space<hbm>> -> memref<1x8192xf32, #tpu.memory_space<hbm>>
      %dma_wait3A_138 = tpu.memref_squeeze %dma_wait3A_137 : memref<1x8192xf32, #tpu.memory_space<hbm>> -> memref<8192xf32, #tpu.memory_space<hbm>>
      %dma_wait3A_139 = arith.constant 0 : i32
      %dma_wait3A_140 = tpu.memref_slice %arg6[%dma_wait3A_139] : memref<8192xf32, #tpu.memory_space<vmem>> -> memref<8192xf32, #tpu.memory_space<vmem>>
      %dma_wait3A_141 = arith.constant 8192 : i32
      %dma_wait3A_142 = tpu.memref_slice %arg2[%dma_wait3A_133, %dma_wait3A_141] : memref<39x16384xf32, #tpu.memory_space<hbm>> -> memref<1x8192xf32, #tpu.memory_space<hbm>>
      %dma_wait3A_143 = tpu.memref_squeeze %dma_wait3A_142 : memref<1x8192xf32, #tpu.memory_space<hbm>> -> memref<8192xf32, #tpu.memory_space<hbm>>
      tpu.wait_dma2 semaphore(%arg9 : memref<!tpu.dma_semaphore, #tpu.memory_space<semaphore_mem>>) src(%dma_wait3A_143 : memref<8192xf32, #tpu.memory_space<hbm>>) dst(%dma_wait3A_140 : memref<8192xf32, #tpu.memory_space<vmem>>)
      %parallel_loop3A_144 = arith.constant 0 : i32
      %parallel_loop3A_145 = arith.constant 8192 : i32
      %parallel_loop3A_146 = arith.constant 16 : i32
      scf.for %parallel_loop3A_186 = %parallel_loop3A_144 to %parallel_loop3A_145 step %parallel_loop3A_146  : i32 {
        %parallel_loop3A_187 = arith.index_cast %parallel_loop3A_186 : i32 to index
        %parallel_loop3A_188 = tpu.vector_load %arg6[%parallel_loop3A_187] {strides = array<i32>} : memref<8192xf32, #tpu.memory_space<vmem>>, vector<16xf32>,
        %parallel_loop3A_189 = arith.constant 7 : i32
        %parallel_loop3A_190 = arith.shrsi %parallel_loop3A_186, %parallel_loop3A_189 : i32
        %parallel_loop3A_191 = arith.constant 896 : i32
        %parallel_loop3A_192 = arith.muli %parallel_loop3A_190, %parallel_loop3A_191 : i32
        %parallel_loop3A_193 = arith.addi %parallel_loop3A_186, %parallel_loop3A_192 : i32
        %parallel_loop3A_194 = arith.constant 256 : i32
        %parallel_loop3A_195 = arith.addi %parallel_loop3A_193, %parallel_loop3A_194 : i32
        %parallel_loop3A_196 = arith.index_cast %parallel_loop3A_195 : i32 to index
        %parallel_loop3A_197 = tpu.vector_load %arg5[%parallel_loop3A_196] {strides = array<i32>} : memref<65536xf32, #tpu.memory_space<vmem>>, vector<16xf32>,
        tpu.vector_store %arg5[%parallel_loop3A_196], %parallel_loop3A_188 {strides = array<i32>} : memref<65536xf32, #tpu.memory_space<vmem>>, vector<16xf32>,
      } {sc.loop_unroll_factor = 8 : i64, sc.parallel_access}
      %dma_start3A_147 = arith.constant 12 : i32
      %dma_start3A_148 = arith.constant 0 : i32
      %dma_start3A_149 = tpu.memref_slice %arg6[%dma_start3A_148] : memref<8192xf32, #tpu.memory_space<vmem>> -> memref<8192xf32, #tpu.memory_space<vmem>>
      %dma_start3A_150 = arith.constant 8192 : i32
      %dma_start3A_151 = tpu.memref_slice %arg2[%dma_start3A_147, %dma_start3A_150] : memref<39x16384xf32, #tpu.memory_space<hbm>> -> memref<1x8192xf32, #tpu.memory_space<hbm>>
      %dma_start3A_152 = tpu.memref_squeeze %dma_start3A_151 : memref<1x8192xf32, #tpu.memory_space<hbm>> -> memref<8192xf32, #tpu.memory_space<hbm>>
      %dma_start3A_153 = arith.constant 0 : i32
      %dma_start3A_154 = tpu.memref_slice %arg6[%dma_start3A_153] : memref<8192xf32, #tpu.memory_space<vmem>> -> memref<8192xf32, #tpu.memory_space<vmem>>
      %dma_start3A_155 = arith.constant 8192 : i32
      %dma_start3A_156 = tpu.memref_slice %arg2[%dma_start3A_147, %dma_start3A_155] : memref<39x16384xf32, #tpu.memory_space<hbm>> -> memref<1x8192xf32, #tpu.memory_space<hbm>>
      %dma_start3A_157 = tpu.memref_squeeze %dma_start3A_156 : memref<1x8192xf32, #tpu.memory_space<hbm>> -> memref<8192xf32, #tpu.memory_space<hbm>>
      tpu.enqueue_dma source(%dma_start3A_157 : memref<8192xf32, #tpu.memory_space<hbm>>) target(%dma_start3A_154 : memref<8192xf32, #tpu.memory_space<vmem>>) target_semaphore(%arg9 : memref<!tpu.dma_semaphore, #tpu.memory_space<semaphore_mem>>)
      %dma_wait3A_158 = arith.constant 11 : i32
      %dma_wait3A_159 = arith.constant 0 : i32
      %dma_wait3A_160 = tpu.memref_slice %arg7[%dma_wait3A_159] : memref<8192xf32, #tpu.memory_space<vmem>> -> memref<8192xf32, #tpu.memory_space<vmem>>
      %dma_wait3A_161 = arith.constant 8192 : i32
      %dma_wait3A_162 = tpu.memref_slice %arg2[%dma_wait3A_158, %dma_wait3A_161] : memref<39x16384xf32, #tpu.memory_space<hbm>> -> memref<1x8192xf32, #tpu.memory_space<hbm>>
      %dma_wait3A_163 = tpu.memref_squeeze %dma_wait3A_162 : memref<1x8192xf32, #tpu.memory_space<hbm>> -> memref<8192xf32, #tpu.memory_space<hbm>>
      %dma_wait3A_164 = arith.constant 0 : i32
      %dma_wait3A_165 = tpu.memref_slice %arg7[%dma_wait3A_164] : memref<8192xf32, #tpu.memory_space<vmem>> -> memref<8192xf32, #tpu.memory_space<vmem>>
      %dma_wait3A_166 = arith.constant 8192 : i32
      %dma_wait3A_167 = tpu.memref_slice %arg2[%dma_wait3A_158, %dma_wait3A_166] : memref<39x16384xf32, #tpu.memory_space<hbm>> -> memref<1x8192xf32, #tpu.memory_space<hbm>>
      %dma_wait3A_168 = tpu.memref_squeeze %dma_wait3A_167 : memref<1x8192xf32, #tpu.memory_space<hbm>> -> memref<8192xf32, #tpu.memory_space<hbm>>
      tpu.wait_dma2 semaphore(%arg10 : memref<!tpu.dma_semaphore, #tpu.memory_space<semaphore_mem>>) src(%dma_wait3A_168 : memref<8192xf32, #tpu.memory_space<hbm>>) dst(%dma_wait3A_165 : memref<8192xf32, #tpu.memory_space<vmem>>)
      %parallel_loop3A_169 = arith.constant 0 : i32
      %parallel_loop3A_170 = arith.constant 8192 : i32
      %parallel_loop3A_171 = arith.constant 16 : i32
      scf.for %parallel_loop3A_186 = %parallel_loop3A_169 to %parallel_loop3A_170 step %parallel_loop3A_171  : i32 {
        %parallel_loop3A_187 = arith.index_cast %parallel_loop3A_186 : i32 to index
        %parallel_loop3A_188 = tpu.vector_load %arg7[%parallel_loop3A_187] {strides = array<i32>} : memref<8192xf32, #tpu.memory_space<vmem>>, vector<16xf32>,
        %parallel_loop3A_189 = arith.constant 7 : i32
        %parallel_loop3A_190 = arith.shrsi %parallel_loop3A_186, %parallel_loop3A_189 : i32
        %parallel_loop3A_191 = arith.constant 896 : i32
        %parallel_loop3A_192 = arith.muli %parallel_loop3A_190, %parallel_loop3A_191 : i32
        %parallel_loop3A_193 = arith.addi %parallel_loop3A_186, %parallel_loop3A_192 : i32
        %parallel_loop3A_194 = arith.constant 384 : i32
        %parallel_loop3A_195 = arith.addi %parallel_loop3A_193, %parallel_loop3A_194 : i32
        %parallel_loop3A_196 = arith.index_cast %parallel_loop3A_195 : i32 to index
        %parallel_loop3A_197 = tpu.vector_load %arg5[%parallel_loop3A_196] {strides = array<i32>} : memref<65536xf32, #tpu.memory_space<vmem>>, vector<16xf32>,
        tpu.vector_store %arg5[%parallel_loop3A_196], %parallel_loop3A_188 {strides = array<i32>} : memref<65536xf32, #tpu.memory_space<vmem>>, vector<16xf32>,
      } {sc.loop_unroll_factor = 8 : i64, sc.parallel_access}
      %dma_wait3A_172 = arith.constant 12 : i32
      %dma_wait3A_173 = arith.constant 0 : i32
      %dma_wait3A_174 = tpu.memref_slice %arg6[%dma_wait3A_173] : memref<8192xf32, #tpu.memory_space<vmem>> -> memref<8192xf32, #tpu.memory_space<vmem>>
      %dma_wait3A_175 = arith.constant 8192 : i32
      %dma_wait3A_176 = tpu.memref_slice %arg2[%dma_wait3A_172, %dma_wait3A_175] : memref<39x16384xf32, #tpu.memory_space<hbm>> -> memref<1x8192xf32, #tpu.memory_space<hbm>>
      %dma_wait3A_177 = tpu.memref_squeeze %dma_wait3A_176 : memref<1x8192xf32, #tpu.memory_space<hbm>> -> memref<8192xf32, #tpu.memory_space<hbm>>
      %dma_wait3A_178 = arith.constant 0 : i32
      %dma_wait3A_179 = tpu.memref_slice %arg6[%dma_wait3A_178] : memref<8192xf32, #tpu.memory_space<vmem>> -> memref<8192xf32, #tpu.memory_space<vmem>>
      %dma_wait3A_180 = arith.constant 8192 : i32
      %dma_wait3A_181 = tpu.memref_slice %arg2[%dma_wait3A_172, %dma_wait3A_180] : memref<39x16384xf32, #tpu.memory_space<hbm>> -> memref<1x8192xf32, #tpu.memory_space<hbm>>
      %dma_wait3A_182 = tpu.memref_squeeze %dma_wait3A_181 : memref<1x8192xf32, #tpu.memory_space<hbm>> -> memref<8192xf32, #tpu.memory_space<hbm>>
      tpu.wait_dma2 semaphore(%arg9 : memref<!tpu.dma_semaphore, #tpu.memory_space<semaphore_mem>>) src(%dma_wait3A_182 : memref<8192xf32, #tpu.memory_space<hbm>>) dst(%dma_wait3A_179 : memref<8192xf32, #tpu.memory_space<vmem>>)
      %parallel_loop3A_183 = arith.constant 0 : i32
      %parallel_loop3A_184 = arith.constant 8192 : i32
      %parallel_loop3A_185 = arith.constant 16 : i32
      scf.for %parallel_loop3A_186 = %parallel_loop3A_183 to %parallel_loop3A_184 step %parallel_loop3A_185  : i32 {
        %parallel_loop3A_187 = arith.index_cast %parallel_loop3A_186 : i32 to index
        %parallel_loop3A_188 = tpu.vector_load %arg6[%parallel_loop3A_187] {strides = array<i32>} : memref<8192xf32, #tpu.memory_space<vmem>>, vector<16xf32>,
        %parallel_loop3A_189 = arith.constant 7 : i32
        %parallel_loop3A_190 = arith.shrsi %parallel_loop3A_186, %parallel_loop3A_189 : i32
        %parallel_loop3A_191 = arith.constant 896 : i32
        %parallel_loop3A_192 = arith.muli %parallel_loop3A_190, %parallel_loop3A_191 : i32
        %parallel_loop3A_193 = arith.addi %parallel_loop3A_186, %parallel_loop3A_192 : i32
        %parallel_loop3A_194 = arith.constant 512 : i32
        %parallel_loop3A_195 = arith.addi %parallel_loop3A_193, %parallel_loop3A_194 : i32
        %parallel_loop3A_196 = arith.index_cast %parallel_loop3A_195 : i32 to index
        %parallel_loop3A_197 = tpu.vector_load %arg5[%parallel_loop3A_196] {strides = array<i32>} : memref<65536xf32, #tpu.memory_space<vmem>>, vector<16xf32>,
        tpu.vector_store %arg5[%parallel_loop3A_196], %parallel_loop3A_188 {strides = array<i32>} : memref<65536xf32, #tpu.memory_space<vmem>>, vector<16xf32>,
      } {sc.loop_unroll_factor = 8 : i64, sc.parallel_access}
      "tpu.region"() ({
        %run_scoped3A = tpu.sem_alloc : memref<!tpu.dma_semaphore, #tpu.memory_space<semaphore_mem>>
        %dma_start3A_186 = arith.constant 0 : i32
        %dma_start3A_187 = tpu.memref_slice %arg5[%dma_start3A_186] : memref<65536xf32, #tpu.memory_space<vmem>> -> memref<65536xf32, #tpu.memory_space<vmem>>
        %dma_start3A_188 = arith.constant 1900544 : i32
        %dma_start3A_189 = tpu.memref_slice %arg4[%dma_start3A_188] : memref<1966080xf32, #tpu.memory_space<hbm>> -> memref<65536xf32, #tpu.memory_space<hbm>>
        %dma_start3A_190 = arith.constant 1900544 : i32
        %dma_start3A_191 = tpu.memref_slice %arg4[%dma_start3A_190] : memref<1966080xf32, #tpu.memory_space<hbm>> -> memref<65536xf32, #tpu.memory_space<hbm>>
        %dma_start3A_192 = arith.constant 0 : i32
        %dma_start3A_193 = tpu.memref_slice %arg5[%dma_start3A_192] : memref<65536xf32, #tpu.memory_space<vmem>> -> memref<65536xf32, #tpu.memory_space<vmem>>
        tpu.enqueue_dma source(%dma_start3A_193 : memref<65536xf32, #tpu.memory_space<vmem>>) target(%dma_start3A_191 : memref<65536xf32, #tpu.memory_space<hbm>>) target_semaphore(%run_scoped3A : memref<!tpu.dma_semaphore, #tpu.memory_space<semaphore_mem>>)
        %dma_wait3A_194 = arith.constant 0 : i32
        %dma_wait3A_195 = tpu.memref_slice %arg5[%dma_wait3A_194] : memref<65536xf32, #tpu.memory_space<vmem>> -> memref<65536xf32, #tpu.memory_space<vmem>>
        %dma_wait3A_196 = arith.constant 1900544 : i32
        %dma_wait3A_197 = tpu.memref_slice %arg4[%dma_wait3A_196] : memref<1966080xf32, #tpu.memory_space<hbm>> -> memref<65536xf32, #tpu.memory_space<hbm>>
        %dma_wait3A_198 = arith.constant 1900544 : i32
        %dma_wait3A_199 = tpu.memref_slice %arg4[%dma_wait3A_198] : memref<1966080xf32, #tpu.memory_space<hbm>> -> memref<65536xf32, #tpu.memory_space<hbm>>
        %dma_wait3A_200 = arith.constant 0 : i32
        %dma_wait3A_201 = tpu.memref_slice %arg5[%dma_wait3A_200] : memref<65536xf32, #tpu.memory_space<vmem>> -> memref<65536xf32, #tpu.memory_space<vmem>>
        tpu.wait_dma2 semaphore(%run_scoped3A : memref<!tpu.dma_semaphore, #tpu.memory_space<semaphore_mem>>) src(%dma_wait3A_201 : memref<65536xf32, #tpu.memory_space<vmem>>) dst(%dma_wait3A_199 : memref<65536xf32, #tpu.memory_space<hbm>>)
        tpu.yield
      }) : () -> ()
    } else {
    }
    return
  }
}

</mosaic_0001>

<sc_bundles>
// kernel: kernel.3.cloned.1.call-start
scs
__scs_entry_jumppad:
0x0: {  	(pc) =	sbr.rel $0x88, $3  }
0x1: {  	(tag) =	ssettag $0x0;
	lr =	simm.s32 $0x1  }
0x2: {  	[smem:$0x3F9F] =	sst lr;
	_ =	strace $0xD0000000  }
0x3: {  	_ = 	snop  }
0x4: {  	_ = 	snop  }
0x5: {  	_ = 	snop  }
0x6: {  	_ = 	snop  }
0x7: {  	_ = 	snop  }
__scs_overlays_trampoline_lowered:
0x8: {  	[smem:$0x3FAE] =	sst s0  }
0x9: {  	[smem:$0x3FAF] =	sst s1  }
0xa: {  	[smem:$0x3FB0] =	sst s2  }
0xb: {  	[smem:$0x3FB1] =	sst s3  }
0xc: {  	[smem:$0x3FB2] =	sst s4  }
0xd: {  	[smem:$0x3FB3] =	sst s5  }
0xe: {  	[smem:$0x3FB4] =	sst s6  }
0xf: {  	[smem:$0x3FB5] =	sst s7  }
0x10: {  	[smem:$0x3FB6] =	sst s8  }
0x11: {  	[smem:$0x3FB7] =	sst s9;
	s0 =	simm.s32 @!p0 $0x0  }
0x12: {  	s1 =	sld [smem:$0x3F9D];
	s0 =	simm.s32 @p0 $0x1  }
0x13: {  	[smem:$0x3FB8] =	sst s0;
	s0 =	simm.s32 @!p1 $0x0  }
0x14: {  	s2 =	sld [smem:$0x3F9C];
	s0 =	simm.s32 @p1 $0x1  }
0x15: {  	[smem:$0x3FB9] =	sst s0;
	s0 =	simm.s32 @!p2 $0x0  }
0x16: {  	s3 =	sld [smem:$0x3FDB];
	s0 =	simm.s32 @p2 $0x1  }
0x17: {  	s4 =	simm.s32 $0x1BF5;
	[smem:$0x3FBB] =	sst s0  }
0x18: {  	s0 =	sld [smem:$0x3F9E];
	_ =	swait.ge [sflag:s4], $0x0  }
0x19: {  	s7 =	sld [smem:$0x3F9F]  }
0x1a: {  	s8 =	sadd.s32 $0xFFFFE003, lr  }
0x1b: {  	s9 =	sadd.s32 $0xFFFFFEF7, lr;
	s5 =	simm.s32 $0xFFFFFFFF;
	p2 =	slt.u32 s8, $0xFFFFF086  }
0x1c: {  	p1 =	slt.u32 s9, $0xF7A;
	s5 =	simm.s32 @!p2 $0x0  }
0x1d: {  	s5 =	simm.s32 @p1 $0x1;
	p0 =	seq.s32 s7, s2  }
0x1e: {  	s7 =	smul.u32 @!p0 $0xF7A, s2;
	p2 =	seq.s32 @!p0 s5, $0x0  }
0x1f: {  	s9 =	smul.u32 $0xF7A, s1;
	s8 =	simm.s32 @!p0 $0x1BF5;
	p2 =	por !p2, p0  }
0x20: {  	[sflag:s8] =	ssyncset.s32 @!p0 $0xFFFFF086;
	s6 =	sadd.s32 @!p0 s3, s7;
	s7 =	simm.s32 @!p0 $0x108  }
0x21: {  	s3 =	sadd.s32 s3, s9;
	s6 =	sadd.s32 @!p0 $0x88, s6;
	s7 =	simm.s32 @p2 $0x1082  }
0x22: {  	[simem:s7], [sflag:s8] =	dma.local @!p0 [hbm:s6], $0xF7A  }
0x23: {  	s9 =	sor.u32 $0xD0000000, s2;
	s6 =	simm.s32 $0x108;
	_ =	swait.ge @!p0 [sflag:s8], $0x0  }
0x24: {  	s3 =	sadd.s32 $0x88, s3;
	s6 =	simm.s32 @!p1 $0x1082;
	[sflag:s4] =	ssyncset.s32 $0xFFFFF086  }
0x25: {  	[simem:s6], [sflag:s4] =	dma.local [hbm:s3], $0xF7A  }
0x26: {  	[smem:$0x3F9F] =	sst s1;
	(tag) =	ssettag s2;
	_ =	strace s9  }
0x27: {  	s1 =	sld [smem:$0x3FAF]  }
0x28: {  	s2 =	sld [smem:$0x3FB0]  }
0x29: {  	s4 =	sld [smem:$0x3FB2]  }
0x2a: {  	p0 =	seq.s32 s5, $0x0;
	s5 =	sld [smem:$0x3FB3]  }
0x2b: {  	s6 =	sld [smem:$0x3FB4]  }
0x2c: {  	s7 =	sld [smem:$0x3FB5]  }
0x2d: {  	s3 =	simm.s32 $0x108;
	s8 =	sld [smem:$0x3FB6]  }
0x2e: {  	s3 =	simm.s32 @!p0 $0x1082;
	s9 =	sld [smem:$0x3FB7]  }
0x2f: {  	lr =	sadd.s32 s0, s3;
	s0 =	sld [smem:$0x3FAE]  }
0x30: {  	s3 =	sld [smem:$0x3FB1]  }
0x31: {  	[smem:$0x3FBA] =	sst s10  }
0x32: {  	s10 =	sld [smem:$0x3FB8];
	_ =	sdelay $0x3  }
0x33: {  	p0 =	seq.s32 s10, $0x1;
	s10 =	sld [smem:$0x3FBA];
	_ =	sdelay $0x3  }
0x34: {  	[smem:$0x3FBA] =	sst s10  }
0x35: {  	s10 =	sld [smem:$0x3FB9];
	_ =	sdelay $0x3  }
0x36: {  	p1 =	seq.s32 s10, $0x1;
	s10 =	sld [smem:$0x3FBA];
	_ =	sdelay $0x3  }
0x37: {  	[smem:$0x3FBA] =	sst s10  }
0x38: {  	s10 =	sld [smem:$0x3FBB]  }
0x39: {  	_ = 	snop;
	(pc) =	sbr.ind lr, $3  }
0x3a: {  	_ = 	snop  }
0x3b: {  	_ = 	snop  }
0x3c: {  	p2 =	seq.s32 s10, $0x1;
	s10 =	sld [smem:$0x3FBA]  }
0x3d: {  	_ =	shalt  }
0x3e: {  	_ =	shalt  }
0x3f: {  	_ =	shalt  }
0x40: {  	_ =	shalt  }
0x41: {  	_ =	shalt  }
0x42: {  	_ =	shalt  }
0x43: {  	_ =	shalt  }
0x44: {  	_ =	shalt  }
0x45: {  	_ =	shalt  }
0x46: {  	_ =	shalt  }
0x47: {  	_ =	shalt  }
0x48: {  	_ =	shalt  }
0x49: {  	_ =	shalt  }
0x4a: {  	_ =	shalt  }
0x4b: {  	_ =	shalt  }
0x4c: {  	_ =	shalt  }
0x4d: {  	_ =	shalt  }
0x4e: {  	_ =	shalt  }
0x4f: {  	_ =	shalt  }
0x50: {  	_ =	shalt  }
0x51: {  	_ =	shalt  }
0x52: {  	_ =	shalt  }
0x53: {  	_ =	shalt  }
0x54: {  	_ =	shalt  }
0x55: {  	_ =	shalt  }
0x56: {  	_ =	shalt  }
0x57: {  	_ =	shalt  }
0x58: {  	_ =	shalt  }
0x59: {  	_ =	shalt  }
0x5a: {  	_ =	shalt  }
0x5b: {  	_ =	shalt  }
0x5c: {  	_ =	shalt  }
0x5d: {  	_ =	shalt  }
0x5e: {  	_ =	shalt  }
0x5f: {  	_ =	shalt  }
0x60: {  	_ =	shalt  }
0x61: {  	_ =	shalt  }
0x62: {  	_ =	shalt  }
0x63: {  	_ =	shalt  }
0x64: {  	_ =	shalt  }
0x65: {  	_ =	shalt  }
0x66: {  	_ =	shalt  }
0x67: {  	_ =	shalt  }
0x68: {  	_ =	shalt  }
0x69: {  	_ =	shalt  }
0x6a: {  	_ =	shalt  }
0x6b: {  	_ =	shalt  }
0x6c: {  	_ =	shalt  }
0x6d: {  	_ =	shalt  }
0x6e: {  	_ =	shalt  }
0x6f: {  	_ =	shalt  }
0x70: {  	_ =	shalt  }
0x71: {  	_ =	shalt  }
0x72: {  	_ =	shalt  }
0x73: {  	_ =	shalt  }
0x74: {  	_ =	shalt  }
0x75: {  	_ =	shalt  }
0x76: {  	_ =	shalt  }
0x77: {  	_ =	shalt  }
0x78: {  	_ =	shalt  }
0x79: {  	_ =	shalt  }
0x7a: {  	_ =	shalt  }
0x7b: {  	_ =	shalt  }
0x7c: {  	_ =	shalt  }
0x7d: {  	_ =	shalt  }
0x7e: {  	_ =	shalt  }
0x7f: {  	_ =	shalt  }
0x80: {  	_ =	shalt  }
0x81: {  	_ =	shalt  }
0x82: {  	_ =	shalt  }
0x83: {  	_ =	shalt  }
0x84: {  	_ =	shalt  }
0x85: {  	_ =	shalt  }
0x86: {  	_ =	shalt  }
0x87: {  	_ =	shalt  }
.Lfunc_end0:
.L_simem_size_0:
called_computation_lowered:
.L_overlay_start_0:
0x88: {  	s2 =	sld [smem:$0x3FD9]  }
0x89: {  	s3 =	sld [smem:$0x3FFE];
	_ =	sdelay $0x1  }
0x8a: {  	s1 =	srdreg.scid  }
0x8b: {  	s0 =	sand.u32 $0x1, s1  }
0x8c: {  	s17 =	sshll.u32 s0, $0xA;
	s2 =	sadd.s32 s3, s2  }
0x8d: {  	s2 =	sadd.s32 s2, s17  }
0x8e: {  	[smem:$0x3FC6] =	sst s2  }
0x8f: {  	_ = 	snop  }
0x90: {  	s2 =	sld [smem:$0x3FC9]  }
0x91: {  	s18 =	sld [smem:$0x3FD0];
	(tm) =	ssettm $0x1  }
0x92: {  	s4 =	sld [smem:$0x3FFB];
	_ =	sdelay $0x3  }
0x93: {  	_ =	strace s4  }
0x94: {  	s4 =	sld [smem:$0x3FFC];
	_ =	sdelay $0x3  }
0x95: {  	_ =	strace s4  }
0x96: {  	s4 =	sld [smem:$0x3FFD];
	_ =	sdelay $0x3  }
0x97: {  	_ =	strace s4  }
0x98: {  	_ =	strace $0x8FFFFFFF  }
0x99: {  	s19 =	sld [smem:$0x3FDB];
	_ =	sdelay $0x1  }
0x9a: {  	s5 =	simm.s32 $_scs_section_size  }
0x9b: {  	s6 =	simm.s32 $_size__tile_overlayer_lowered;
	s7 =	simm.s32 $_tile_overlayer_lowered  }
0x9c: {  	s22 =	simm.s32 $0x1BFF;
	s21 =	sshll.u32 s7, $0x1;
	s4 =	sadd.s32 s5, s19  }
0x9d: {  	s8 =	simm.s32 $0x0;
	s20 =	sshll.u32 s6, $0x1;
	s6 =	sadd.s32 s21, s4  }
0x9e: {  	[timem:s8], [sflag:s22] =	dma.local [hbm:s6], s20  }
0x9f: {  	_ =	swait.ge [sflag:s22], s20  }
0xa0: {  	s5 =	ssub.s32 $0x0, s20;
	[sflag:s22] =	ssyncset.done $0x0  }
0xa1: {  	[sflag:s22] =	ssyncadd.s32 s5;
	_ =	sdelay $0x1  }
0xa2: {  	s23 =	simm.s32 $0x1B8B  }
0xa3: {  	_ =	swait.ge [sflag:s23], $0x1  }
0xa4: {  	[sflag:s23] =	ssyncset.done $0x0  }
0xa5: {  	s25 =	simm.s32 $0x1B8E;
	s24 =	sld [smem:$0x3FFE];
	[sflag:s23] =	ssyncadd.s32 $0xFFFFFFFF  }
0xa6: {  	s26 =	simm.s32 $execute0_lowered;
	[smem:$0x3FD2] =	sst s25  }
0xa7: {  	s6 =	sshll.u32 s26, $0x1;
	_ =	strace $0x80000046;
	[dreg:$0x1] =	wrdreg $0xFFFFFFFF  }
0xa8: {  	s28 =	simm.s32 $_size_execute0_lowered;
	s4 =	sadd.s32 s4, s6;
	[dreg:$0x0] =	wrdreg $0x0  }
0xa9: {  	s6 =	sshll.u32 s28, $0x1;
	[dreg:$0x2] =	wrdreg s4  }
0xaa: {  	[dreg:$0x3] =	wrdreg s6  }
0xab: {  	[dreg:$0x4] =	wrdreg $0xC0  }
0xac: {  	_ =	task [dreg:s8], $0x5FFFF  }
0xad: {  	[dreg:$0x1] =	wrdreg $0xFFFFFFFF  }
0xae: {  	[dreg:$0x0] =	wrdreg $0x60  }
0xaf: {  	[dreg:$0x2] =	wrdreg s2  }
0xb0: {  	[dreg:$0x3] =	wrdreg s24  }
0xb1: {  	[dreg:$0x4] =	wrdreg s18  }
0xb2: {  	[dreg:$0x5] =	wrdreg $0x9  }
0xb3: {  	_ =	task.clear_ibuf [dreg:s8], $0x6FFFF;
	_ =	strace $0x90000046  }
0xb4: {  	s29 =	simm.s32 $0x9;
	_ =	strace $0x80000048  }
0xb5: {  	_ =	swait.ge [sflag:s29], $0x1  }
0xb6: {  	[sflag:s29] =	ssyncadd.s32 $0xFFFFFFFF  }
0xb7: {  	_ =	strace $0x90000048  }
0xb8: {  	_ =	sfence  }
0xb9: {  	s30 =	sld [smem:$0x0];
	_ =	sdelay $0x2  }
0xba: {  	s31 =	sshll.u32 s1, $0xD;
	s1 =	sshrl.u32 s1, $0x2  }
0xbb: {  	s3 =	sand.u32 $0x4000, s31;
	s1 =	sadd.s32 s1, s30  }
0xbc: {  	s0 =	sor.u32 s3, s0;
	s1 =	sshll.u32 s1, $0x11  }
0xbd: {  	s0 =	sor.u32 s1, s0  }
0xbe: {  	s0 =	sadd.s32 $0x8F2B, s0  }
0xbf: {  	[sflag:s0] =	ssyncadd.remote.s32 $0x1  }
0xc0: {  	_ =	sfence.sel $0xFFFF  }
0xc1: {  	[dreg:$0x0] =	wrdreg $0xFFFFFFFF;
	(pc) =	sbr.abs _section_cstart, $3  }
0xc2: {  	[dreg:$0x1] =	wrdreg $0xFFFFFFFF  }
0xc3: {  	_ =	task.clear_ibuf [dreg:s8], $0x2FFFF;
	_ =	strace $0x9FFFFFFF  }
0xc4: {  	(tm) =	ssettm $0x7FFFFFFF  }
0xc5: {  	_ =	shalt  }
tec
execute0_lowered:
.L_overlay_start_1:
0x0: {  	(tag) =	ssettag $0x1  }
0x1: {  	s0 =	srdreg.scid;
	s1 =	rddreg [dreg:$0x0]  }
0x2: {  	s15 =	stileid.u32;
	s5 =	rddreg [dreg:$0x1]  }
0x3: {  	s4 =	simm.s32 $0x1;
	s2 =	rddreg [dreg:$0x2];
	s3 =	simm.s32 $0x0  }
0x4: {  	s28 =	simm.s32 $0x2;
	s29 =	simm.s32 $0x8000;
	s30 =	simm.s32 $0x3  }
0x5: {  	s31 =	simm.s32 $0x4;
	s8 =	sand.u32 $0x1, s0;
	s16 =	sshll.u32 s15, $0x1  }
0x6: {  	[smem:$0x7FF] =	sst s3;
	s23 =	sadd.s32 $0x1000, s1;
	s24 =	sadd.s32 $0x1010, s1  }
0x7: {  	s25 =	sadd.s32 $0x1020, s1;
	_ =	strace $0x80000047;
	[dreg:$0x4] =	wrdreg s23  }
0x8: {  	s26 =	sadd.s32 $0x1030, s1;
	s0 =	sor.u32 s8, s16;
	[dreg:$0x5] =	wrdreg s24  }
0x9: {  	p1 =	seq.s32 s8, $0x1;
	s11 =	ssub.s32 $0x2, s8;
	[dreg:$0x6] =	wrdreg s25  }
0xa: {  	s12 =	sshll.u32 s8, $0x10;
	[dreg:$0x7] =	wrdreg s26;
	s16 =	sadd.s32 $0x1050, s1  }
0xb: {  	s23 =	sadd.s32 $0x34000, s2;
	s24 =	sadd.s32 $0x1070, s1;
	[dreg:$0x9] =	wrdreg s16  }
0xc: {  	s26 =	sadd.s32 $0x2000, s1;
	p0 =	seq.s32 s0, $0x0;
	[dreg:$0x10] =	wrdreg s23  }
0xd: {  	s17 =	sshrl.u32 s11, $0x1;
	s19 =	sor.u32 $0x8000, s12;
	[dreg:$0x11] =	wrdreg s24  }
0xe: {  	p2 =	seq.s32 s0, $0x1B;
	[dreg:$0x12] =	wrdreg s26;
	s16 =	sadd.s32 $0x2060, s1  }
0xf: {  	p3 =	seq.s32 s0, $0x1C;
	s23 =	sadd.s32 $0x3050, s1;
	[dreg:$0x18] =	wrdreg s16  }
0x10: {  	p4 =	seq.s32 s0, $0x1D;
	s24 =	sadd.s32 $0x3060, s1;
	[dreg:$0x1f] =	wrdreg s23  }
0x11: {  	p5 =	seq.s32 s0, $0x1E;
	s26 =	sadd.s32 $0x3070, s1;
	[smem:$0x7ED] =	sst s24  }
0x12: {  	s13 =	ssub.s32 s11, s17;
	s17 =	sadd.s32 $0x1060, s1;
	[smem:$0x7EE] =	sst s26  }
0x13: {  	p0 =	por !p0, !p1;
	s16 =	sadd.s32 $0x6000, s1;
	[dreg:$0xa] =	wrdreg s17  }
0x14: {  	p1 =	seq.s32 s0, $0x1A;
	s23 =	sadd.s32 $0x30, s1;
	[smem:$0x7F4] =	sst s16  }
0x15: {  	s24 =	sadd.s32 $0x40, s1;
	s26 =	sadd.s32 $0x50, s1;
	[smem:$0x7FB] =	sst s23  }
0x16: {  	p0 =	por !p0, !p0;
	s25 =	smax.u32 s13, $0x1;
	[smem:$0x7FC] =	sst s24  }
0x17: {  	s13 =	sadd.s32 $0x2030, s1;
	s17 =	sadd.s32 $0x2070, s1;
	[smem:$0x7FD] =	sst s26  }
0x18: {  	s23 =	simm.s32 $0x11000;
	s24 =	simm.s32 $0x12000;
	[dreg:$0x15] =	wrdreg s13  }
0x19: {  	s26 =	simm.s32 $0x13000;
	[dreg:$0x19] =	wrdreg s17;
	s13 =	sadd.s32 $0x4020, s1  }
0x1a: {  	s4 =	simm.s32 @!p0 $0x0;
	s17 =	sadd.s32 $0x6010, s1;
	[smem:$0x7F1] =	sst s13  }
0x1b: {  	p0 =	sgt.s32 s0, $0x1C;
	s4 =	ssub.s32 s15, s4;
	[smem:$0x7F5] =	sst s17  }
0x1c: {  	s17 =	sadd.s32 $0x60, s1;
	s9 =	sshll.u32 s4, $0x1;
	s6 =	smul.u32 $0x1F40, s4  }
0x1d: {  	s7 =	sadd.s32 $0xD, s9;
	s20 =	sadd.s32 $0xE, s9;
	s8 =	sor.u32 s8, s9  }
0x1e: {  	s10 =	sshll.u32 s7, $0xE;
	s7 =	sshll.u32 s7, $0x7;
	s6 =	sshrl.u32 s6, $0x3  }
0x1f: {  	s14 =	sshll.u32 s20, $0xE;
	s11 =	sshll.u32 s20, $0x7;
	s8 =	sshll.u32 s8, $0xD  }
0x20: {  	s20 =	sadd.s32 $0x37000, s2;
	s10 =	sand.u32 $0x7FFE0000, s10;
	s7 =	sand.u32 $0x380, s7  }
0x21: {  	s5 =	sadd.s32 s6, s5;
	s14 =	sand.u32 $0x7FFE0000, s14;
	s11 =	sand.u32 $0x300, s11  }
0x22: {  	[dreg:$0xd] =	wrdreg s20;
	s20 =	sadd.s32 $0x3020, s1;
	s7 =	sor.u32 s10, s7  }
0x23: {  	s11 =	sor.u32 s14, s11;
	s14 =	sadd.s32 $0x1040, s1;
	[dreg:$0x1c] =	wrdreg s20  }
0x24: {  	s20 =	sadd.s32 $0x6040, s1;
	s10 =	sor.u32 s12, s7;
	s7 =	sor.u32 s19, s7  }
0x25: {  	s21 =	sor.u32 s12, s11;
	[dreg:$0x8] =	wrdreg s14;
	s12 =	simm.s32 @!p3 $0x0  }
0x26: {  	s14 =	sadd.s32 $0x2040, s1;
	[smem:$0x7F8] =	sst s20;
	s18 =	sshrl.u32 s10, $0x3  }
0x27: {  	s10 =	sor.u32 s19, s11;
	s19 =	sadd.s32 $0x36000, s2;
	[dreg:$0x16] =	wrdreg s14  }
0x28: {  	s9 =	sshrl.u32 s21, $0x3;
	s21 =	sadd.s32 $0x38000, s2;
	[dreg:$0xc] =	wrdreg s19  }
0x29: {  	s22 =	sand.u32 $0x1FFFE000, s8;
	s12 =	simm.s32 @p3 $0x1;
	[dreg:$0xe] =	wrdreg s21  }
0x2a: {  	p3 =	seq.s32 s0, $0x1F;
	s14 =	sadd.s32 $0x4030, s1;
	[smem:$0x7EB] =	sst s12  }
0x2b: {  	s6 =	sadd.s32 s1, s18;
	s18 =	sadd.s32 $0x35000, s2;
	[smem:$0x7F2] =	sst s14  }
0x2c: {  	s10 =	sshrl.u32 s10, $0x3;
	s12 =	sadd.s32 $0x2020, s1;
	[dreg:$0xb] =	wrdreg s18  }
0x2d: {  	s8 =	sadd.s32 s1, s9;
	s19 =	sadd.s32 $0x3010, s1;
	[dreg:$0x14] =	wrdreg s12  }
0x2e: {  	s0 =	simm.s32 @!p3 $0x0;
	s21 =	sadd.s32 $0x3030, s1;
	[dreg:$0x1b] =	wrdreg s19  }
0x2f: {  	s9 =	sadd.s32 s1, s10;
	s0 =	simm.s32 @p3 $0x1;
	[dreg:$0x1d] =	wrdreg s21  }
0x30: {  	s10 =	sadd.s32 s2, s22;
	s22 =	sadd.s32 $0x3A000, s2;
	[smem:$0x7EC] =	sst s0  }
0x31: {  	s4 =	simm.s32 $0x1;
	s2 =	sadd.s32 $0x2010, s1;
	[dreg:$0xf] =	wrdreg s22  }
0x32: {  	p3 =	sgt.u32 s15, $0xC;
	s15 =	sadd.s32 $0x2050, s1;
	[dreg:$0x13] =	wrdreg s2  }
0x33: {  	s5 =	sadd.s32 $0x400, s5;
	s18 =	sadd.s32 $0x3000, s1;
	[dreg:$0x17] =	wrdreg s15  }
0x34: {  	s20 =	simm.s32 $0x80;
	s12 =	sadd.s32 $0x4010, s1;
	[dreg:$0x1a] =	wrdreg s18  }
0x35: {  	s7 =	sshrl.u32 s7, $0x3;
	s19 =	sadd.s32 $0x6030, s1;
	[smem:$0x7F0] =	sst s12  }
0x36: {  	s7 =	sadd.s32 s1, s7;
	s21 =	sadd.s32 $0x10, s1;
	[smem:$0x7F7] =	sst s19  }
0x37: {  	s11 =	sadd.s32 $0x1000, s10;
	s22 =	sadd.s32 $0x3040, s1;
	[smem:$0x7F9] =	sst s21  }
.Ltmp0:
0x38: {  	s2 =	sadd.s32 $0x4000, s1;
	[dreg:$0x1e] =	wrdreg s22;
	(pc) =	sbr.rel .LBB2_1-.Ltmp0, $4  }
0x39: {  	s15 =	sadd.s32 $0x4040, s1;
	s18 =	sadd.s32 $0x6020, s1;
	[smem:$0x7EF] =	sst s2  }
0x3a: {  	s19 =	simm.s32 $0x14000;
	s21 =	simm.s32 $0x400;
	[smem:$0x7F3] =	sst s15  }
0x3b: {  	[smem:$0x7F6] =	sst s18;
	s22 =	sadd.s32 $0x20, s1;
	s18 =	sadd.s32 $0x70, s1  }
0x3c: {  	s2 =	simm.s32 $0x0;
	[smem:$0x7FA] =	sst s22;
	s22 =	simm.s32 $0x10000  }
.LBB2_104:
0x3d: {  	s2 =	sadd.s32 $0x1, s2  }
0x3e: {  	p6 =	sne.s32 s2, s25  }
.Ltmp1:
0x3f: {  	_ = 	snop;
	(pc) =	sbr.rel @!p6 .LBB2_105-.Ltmp1, $1  }
0x40: {  	_ =	sdelay $0x3  }
.LBB2_1:
.Ltmp2:
0x41: {  	(pc) =	sbr.rel @p3 .LBB2_7-.Ltmp2, $1  }
0x42: {  	_ =	sdelay $0x3  }
0x43: {  	[tilespmem:s19], [sflag:$0x1] =	stream.linear.gather [hbm4b:s5+s3], $0x1F40, $0x38;
	[tilespmem:$0x15F80] =	vst v63  }
0x44: {  	_ = 	snop  }
0x45: {  	[tilespmem:s22], [sflag:$0x1] =	stream.strided.gather [hbm4b:s6+s20], $0x1000, s21, s20, $0x38;
	[tilespmem:$0x15F80] =	vst v63  }
0x46: {  	_ = 	snop  }
0x47: {  	[tilespmem:s23], [sflag:$0x2] =	stream.strided.gather [hbm4b:s7+s20], $0x1000, s21, s20, $0x38;
	[tilespmem:$0x15F80] =	vst v63  }
0x48: {  	_ = 	snop  }
0x49: {  	[tilespmem:s24], [sflag:$0x1] =	stream.strided.gather [hbm4b:s8+s20], $0x1000, s21, s20, $0x38;
	[tilespmem:$0x15F80] =	vst v63  }
0x4a: {  	_ = 	snop  }
0x4b: {  	[tilespmem:s26], [sflag:$0x2] =	stream.strided.gather [hbm4b:s9+s20], $0x1000, s21, s20, $0x38;
	[tilespmem:$0x15F80] =	vst v63  }
0x4c: {  	_ =	swait.ge [sflag:s4], $0x1F40  }
0x4d: {  	[sflag:s4] =	ssyncset.done $0x0  }
0x4e: {  	[sflag:s4] =	ssyncadd.s32 $0xFFFFE0C0  }
0x4f: {  	_ =	swait.ge [sflag:s4], $0x1000  }
0x50: {  	[sflag:s4] =	ssyncset.done $0x0  }
0x51: {  	[sflag:s4] =	ssyncadd.s32 $0xFFFFF000  }
0x52: {  	_ =	swait.ge [sflag:s4], $0x1000  }
0x53: {  	[sflag:s4] =	ssyncset.done $0x0  }
0x54: {  	s0 =	simm.s32 $0x10040;
	[sflag:s4] =	ssyncadd.s32 $0xFFFFF000  }
0x55: {  	v0 =	vld [tilespmem:s0+$0x30]  }
0x56: {  	v1 =	vld [tilespmem:s0+$0xFFFFFFD0]  }
0x57: {  	v2 =	vld [tilespmem:s0+$0xFFFFFFE0]  }
0x58: {  	v3 =	vld [tilespmem:s0+$0xFFFFFFF0]  }
0x59: {  	v4 =	vld [tilespmem:s0+$0x0]  }
0x5a: {  	v5 =	vld [tilespmem:s0+$0x10];
	v0 =	vtrunc.f32 v0  }
0x5b: {  	v6 =	vld [tilespmem:s0+$0x20];
	v1 =	vtrunc.f32 v1;
	v0 =	vcvt.f32.s32 v0  }
0x5c: {  	v7 =	vld [tilespmem:s0+$0xFFFFFFC0];
	v2 =	vtrunc.f32 v2;
	v1 =	vcvt.f32.s32 v1  }
0x5d: {  	v3 =	vtrunc.f32 v3;
	v2 =	vcvt.f32.s32 v2  }
0x5e: {  	v4 =	vtrunc.f32 v4;
	v3 =	vcvt.f32.s32 v3  }
0x5f: {  	v5 =	vtrunc.f32 v5;
	v4 =	vcvt.f32.s32 v4  }
0x60: {  	v6 =	vtrunc.f32 v6;
	v5 =	vcvt.f32.s32 v5  }
0x61: {  	v7 =	vtrunc.f32 v7;
	v6 =	vcvt.f32.s32 v6;
	v8 =	vld.idx.msk [tilespmem:v0+s19+$0x0], $0xffff  }
0x62: {  	v7 =	vcvt.f32.s32 v7;
	v9 =	vld.idx.msk [tilespmem:v1+s19+$0x0], $0xffff  }
0x63: {  	v10 =	vld.idx.msk [tilespmem:v2+s19+$0x0], $0xffff  }
0x64: {  	v11 =	vadd.s32 $0x3E8, v0;
	v12 =	vld.idx.msk [tilespmem:v3+s19+$0x0], $0xffff  }
0x65: {  	v13 =	vadd.s32 $0x3E8, v1;
	v14 =	vld.idx.msk [tilespmem:v4+s19+$0x0], $0xffff  }
0x66: {  	s0 =	simm.s32 $0x200;
	v15 =	vadd.s32 $0x3E8, v2;
	v16 =	vld.idx.msk [tilespmem:v5+s19+$0x0], $0xffff  }
0x67: {  	v17 =	vadd.s32 $0x3E8, v3;
	v18 =	vld.idx.msk [tilespmem:v6+s19+$0x0], $0xffff;
	[tilespmem:s0+$0xFFFFFE70] =	vst v8  }
0x68: {  	v19 =	vadd.s32 $0x3E8, v5;
	[tilespmem:s0+$0xFFFFFE10] =	vst v9;
	v9 =	vld.idx.msk [tilespmem:v7+s19+$0x0], $0xffff  }
0x69: {  	v8 =	vadd.s32 $0x3E8, v4;
	[tilespmem:s0+$0xFFFFFE20] =	vst v10;
	v11 =	vld.idx.msk [tilespmem:v11+s19+$0x0], $0xffff  }
0x6a: {  	v20 =	vadd.s32 $0x3E8, v7;
	[tilespmem:s0+$0xFFFFFE30] =	vst v12;
	v10 =	vld.idx.msk [tilespmem:v13+s19+$0x0], $0xffff  }
0x6b: {  	[tilespmem:s0+$0xFFFFFE40] =	vst v14;
	v12 =	vld.idx.msk [tilespmem:v15+s19+$0x0], $0xffff;
	v15 =	vadd.s32 $0x3E8, v6  }
0x6c: {  	[tilespmem:s0+$0xFFFFFE50] =	vst v16;
	v13 =	vadd.s32 $0x7D0, v0;
	v14 =	vld.idx.msk [tilespmem:v17+s19+$0x0], $0xffff  }
0x6d: {  	v52 =	vadd.s32 $0x7D0, v1;
	[tilespmem:s0+$0xFFFFFE60] =	vst v18;
	v19 =	vld.idx.msk [tilespmem:v19+s19+$0x0], $0xffff  }
0x6e: {  	v53 =	vadd.s32 $0x7D0, v2;
	v8 =	vld.idx.msk [tilespmem:v8+s19+$0x0], $0xffff;
	[tilespmem:s0+$0xFFFFFE00] =	vst v9  }
0x6f: {  	[tilespmem:s0+$0xFFFFFEF0] =	vst v11;
	v11 =	vadd.s32 $0x7D0, v3;
	v54 =	vld.idx.msk [tilespmem:v20+s19+$0x0], $0xffff  }
0x70: {  	v55 =	vadd.s32 $0x7D0, v5;
	[tilespmem:s0+$0xFFFFFE90] =	vst v10;
	v10 =	vld.idx.msk [tilespmem:v15+s19+$0x0], $0xffff  }
0x71: {  	[tilespmem:s0+$0xFFFFFEA0] =	vst v12;
	v9 =	vld.idx.msk [tilespmem:v13+s19+$0x0], $0xffff;
	v13 =	vadd.s32 $0x7D0, v4  }
0x72: {  	v15 =	vadd.s32 $0x7D0, v7;
	[tilespmem:s0+$0xFFFFFEB0] =	vst v14;
	v12 =	vld.idx.msk [tilespmem:v52+s19+$0x0], $0xffff  }
0x73: {  	v56 =	vadd.s32 $0x7D0, v6;
	[tilespmem:s0+$0xFFFFFED0] =	vst v19;
	v14 =	vld.idx.msk [tilespmem:v53+s19+$0x0], $0xffff  }
0x74: {  	v0 =	vadd.s32 $0xBB8, v0;
	[tilespmem:s0+$0xFFFFFEC0] =	vst v8;
	v8 =	vld.idx.msk [tilespmem:v11+s19+$0x0], $0xffff  }
0x75: {  	v1 =	vadd.s32 $0xBB8, v1;
	[tilespmem:s0+$0xFFFFFEE0] =	vst v10;
	v10 =	vld.idx.msk [tilespmem:v55+s19+$0x0], $0xffff  }
0x76: {  	v2 =	vadd.s32 $0xBB8, v2;
	[tilespmem:s0+$0xFFFFFE80] =	vst v54;
	v11 =	vld.idx.msk [tilespmem:v13+s19+$0x0], $0xffff  }
0x77: {  	v3 =	vadd.s32 $0xBB8, v3;
	[tilespmem:s0+$0xFFFFFF70] =	vst v9;
	v9 =	vld.idx.msk [tilespmem:v15+s19+$0x0], $0xffff  }
0x78: {  	v5 =	vadd.s32 $0xBB8, v5;
	[tilespmem:s0+$0xFFFFFF10] =	vst v12;
	v12 =	vld.idx.msk [tilespmem:v56+s19+$0x0], $0xffff  }
0x79: {  	v7 =	vadd.s32 $0xBB8, v7;
	[tilespmem:s0+$0xFFFFFF20] =	vst v14;
	v0 =	vld.idx.msk [tilespmem:v0+s19+$0x0], $0xffff  }
0x7a: {  	v4 =	vadd.s32 $0xBB8, v4;
	v1 =	vld.idx.msk [tilespmem:v1+s19+$0x0], $0xffff;
	[tilespmem:s0+$0xFFFFFF30] =	vst v8  }
0x7b: {  	v6 =	vadd.s32 $0xBB8, v6;
	v2 =	vld.idx.msk [tilespmem:v2+s19+$0x0], $0xffff;
	[tilespmem:s0+$0xFFFFFF50] =	vst v10  }
0x7c: {  	v3 =	vld.idx.msk [tilespmem:v3+s19+$0x0], $0xffff;
	[tilespmem:s0+$0xFFFFFF00] =	vst v9  }
0x7d: {  	[tilespmem:s0+$0xFFFFFF40] =	vst v11;
	v5 =	vld.idx.msk [tilespmem:v5+s19+$0x0], $0xffff  }
0x7e: {  	[tilespmem:s0+$0xFFFFFF60] =	vst v12;
	v7 =	vld.idx.msk [tilespmem:v7+s19+$0x0], $0xffff  }
0x7f: {  	[tilespmem:s0+$0xFFFFFFF0] =	vst v0;
	v4 =	vld.idx.msk [tilespmem:v4+s19+$0x0], $0xffff  }
0x80: {  	s12 =	simm.s32 $0x12040;
	[tilespmem:s0+$0xFFFFFF90] =	vst v1;
	v1 =	vld.idx.msk [tilespmem:v6+s19+$0x0], $0xffff  }
0x81: {  	[tilespmem:s0+$0xFFFFFFA0] =	vst v2;
	v0 =	vld [tilespmem:s12+$0x30]  }
0x82: {  	v2 =	vld [tilespmem:s12+$0xFFFFFFD0];
	[tilespmem:s0+$0xFFFFFFB0] =	vst v3  }
0x83: {  	v6 =	vld [tilespmem:s12+$0xFFFFFFE0];
	[tilespmem:s0+$0xFFFFFFD0] =	vst v5  }
0x84: {  	[tilespmem:s0+$0xFFFFFF80] =	vst v7;
	v7 =	vld [tilespmem:s12+$0xFFFFFFF0]  }
0x85: {  	v5 =	vld [tilespmem:s12+$0x10]  }
0x86: {  	[tilespmem:s0+$0xFFFFFFC0] =	vst v4;
	v0 =	vtrunc.f32 v0;
	v3 =	vld [tilespmem:s12+$0xFFFFFFC0]  }
0x87: {  	[tilespmem:s0+$0xFFFFFFE0] =	vst v1;
	v8 =	vld [tilespmem:s12+$0x0];
	v2 =	vtrunc.f32 v2;
	v0 =	vcvt.f32.s32 v0  }
0x88: {  	v1 =	vcvt.f32.s32 v2;
	v2 =	vtrunc.f32 v6;
	v6 =	vld [tilespmem:s12+$0x20]  }
0x89: {  	v2 =	vcvt.f32.s32 v2;
	v4 =	vadd.s32 $0xFA0, v0  }
0x8a: {  	v9 =	vadd.s32 $0xFA0, v1;
	v7 =	vtrunc.f32 v7;
	v5 =	vtrunc.f32 v5  }
0x8b: {  	v3 =	vtrunc.f32 v3;
	v13 =	vcvt.f32.s32 v7  }
0x8c: {  	v10 =	vadd.s32 $0xFA0, v2;
	v7 =	vtrunc.f32 v8;
	v3 =	vcvt.f32.s32 v3  }
0x8d: {  	v15 =	vcvt.f32.s32 v5;
	v5 =	vtrunc.f32 v6;
	v6 =	vadd.s32 $0xFA0, v13  }
0x8e: {  	v14 =	vcvt.f32.s32 v7;
	v4 =	vld.idx.msk [tilespmem:v4+s19+$0x0], $0xffff;
	v7 =	vadd.s32 $0xFA0, v3  }
0x8f: {  	v57 =	vcvt.f32.s32 v5;
	v5 =	vld.idx.msk [tilespmem:v9+s19+$0x0], $0xffff;
	v9 =	vadd.s32 $0xFA0, v15  }
0x90: {  	v8 =	vadd.s32 $0x1388, v0  }
0x91: {  	v11 =	vadd.s32 $0xFA0, v14;
	v10 =	vld.idx.msk [tilespmem:v10+s19+$0x0], $0xffff  }
0x92: {  	v12 =	vadd.s32 $0x1388, v1;
	v6 =	vld.idx.msk [tilespmem:v6+s19+$0x0], $0xffff  }
0x93: {  	v60 =	vadd.s32 $0x1388, v2;
	[tilespmem:s0+$0x70] =	vst v4;
	v7 =	vld.idx.msk [tilespmem:v7+s19+$0x0], $0xffff  }
0x94: {  	v4 =	vadd.s32 $0xFA0, v57;
	[tilespmem:s0+$0x10] =	vst v5;
	v5 =	vld.idx.msk [tilespmem:v9+s19+$0x0], $0xffff  }
0x95: {  	v9 =	vadd.s32 $0x1388, v13;
	v8 =	vld.idx.msk [tilespmem:v8+s19+$0x0], $0xffff  }
0x96: {  	v58 =	vadd.s32 $0x1770, v0;
	v11 =	vld.idx.msk [tilespmem:v11+s19+$0x0], $0xffff  }
0x97: {  	v59 =	vadd.s32 $0x1388, v3;
	[tilespmem:s0+$0x20] =	vst v10;
	v12 =	vld.idx.msk [tilespmem:v12+s19+$0x0], $0xffff  }
0x98: {  	v10 =	vadd.s32 $0x1388, v14;
	[tilespmem:s0+$0x30] =	vst v6;
	v6 =	vld.idx.msk [tilespmem:v60+s19+$0x0], $0xffff  }
0x99: {  	v4 =	vld.idx.msk [tilespmem:v4+s19+$0x0], $0xffff;
	[tilespmem:s0+$0x50] =	vst v5;
	v5 =	vadd.s32 $0x1770, v1  }
0x9a: {  	v63 =	vld.idx.msk [tilespmem:v9+s19+$0x0], $0xffff;
	[tilespmem:s0+$0xF0] =	vst v8;
	v8 =	vadd.s32 $0x1388, v15  }
0x9b: {  	v61 =	vadd.s32 $0x1388, v57;
	[tilespmem:s0+$0x0] =	vst v7;
	v7 =	vld.idx.msk [tilespmem:v58+s19+$0x0], $0xffff  }
0x9c: {  	v0 =	vadd.s32 $0x1B58, v0;
	[tilespmem:s0+$0x40] =	vst v11;
	v18 =	vld.idx.msk [tilespmem:v59+s19+$0x0], $0xffff  }
0x9d: {  	v62 =	vadd.s32 $0x1770, v3;
	v21 =	vld.idx.msk [tilespmem:v10+s19+$0x0], $0xffff;
	[tilespmem:s0+$0x90] =	vst v12  }
0x9e: {  	v24 =	vadd.s32 $0x1770, v14;
	[tilespmem:s0+$0xA0] =	vst v6;
	v10 =	vld.idx.msk [tilespmem:v5+s19+$0x0], $0xffff  }
0x9f: {  	[tilespmem:s0+$0x60] =	vst v4;
	v4 =	vadd.s32 $0x1770, v2;
	v22 =	vld.idx.msk [tilespmem:v8+s19+$0x0], $0xffff  }
0xa0: {  	v23 =	vadd.s32 $0x1770, v13;
	v17 =	vld.idx.msk [tilespmem:v61+s19+$0x0], $0xffff;
	[tilespmem:s0+$0x170] =	vst v7  }
0xa1: {  	[tilespmem:s0+$0x80] =	vst v18;
	v11 =	vld.idx.msk [tilespmem:v0+s19+$0x0], $0xffff  }
0xa2: {  	[tilespmem:s0+$0xC0] =	vst v21;
	v9 =	vld.idx.msk [tilespmem:v62+s19+$0x0], $0xffff  }
0xa3: {  	v6 =	vadd.s32 $0x1B58, v1;
	[tilespmem:s0+$0xB0] =	vst v63;
	v5 =	vadd.s32 $0x1B58, v3;
	v3 =	vadd.s32 $0x1B58, v14;
	v14 =	vld.idx.msk [tilespmem:v24+s19+$0x0], $0xffff  }
0xa4: {  	v1 =	vadd.s32 $0x1B58, v15;
	v8 =	vadd.s32 $0x1770, v15;
	v7 =	vadd.s32 $0x1770, v57;
	v12 =	vld.idx.msk [tilespmem:v4+s19+$0x0], $0xffff;
	[tilespmem:s0+$0xD0] =	vst v22  }
0xa5: {  	s14 =	simm.s32 $0x0;
	s15 =	simm.s32 $0x100C0;
	s13 =	simm.s32 $0x200;
	v0 =	vadd.s32 $0x1B58, v57;
	v4 =	vadd.s32 $0x1B58, v2;
	v2 =	vadd.s32 $0x1B58, v13;
	v13 =	vld.idx.msk [tilespmem:v23+s19+$0x0], $0xffff;
	[tilespmem:s0+$0xE0] =	vst v17  }
.LBB2_3:
0xa6: {  	v15 =	vld [tilespmem:s15+$0x30];
	s14 =	sadd.s32 $0x80, s14;
	[tilespmem:s0+$0x1F0] =	vst v11  }
0xa7: {  	v11 =	vld [tilespmem:s15+$0xFFFFFFD0];
	p6 =	slt.u32 s14, $0xF80;
	[tilespmem:s0+$0x100] =	vst v9  }
0xa8: {  	v9 =	vld [tilespmem:s15+$0xFFFFFFE0];
	[tilespmem:s0+$0x110] =	vst v10  }
0xa9: {  	v10 =	vld [tilespmem:s15+$0xFFFFFFF0];
	[tilespmem:s0+$0x120] =	vst v12  }
0xaa: {  	v12 =	vld [tilespmem:s15+$0x0];
	[tilespmem:s0+$0x130] =	vst v13  }
0xab: {  	v13 =	vld [tilespmem:s15+$0x10];
	v15 =	vtrunc.f32 v15;
	[tilespmem:s0+$0x140] =	vst v14  }
0xac: {  	v11 =	vtrunc.f32 v11;
	v14 =	vld [tilespmem:s15+$0x20];
	v15 =	vcvt.f32.s32 v15  }
0xad: {  	v16 =	vld [tilespmem:s15+$0xFFFFFFC0];
	v11 =	vcvt.f32.s32 v11;
	v9 =	vtrunc.f32 v9  }
0xae: {  	v9 =	vcvt.f32.s32 v9;
	v10 =	vtrunc.f32 v10;
	v8 =	vld.idx.msk [tilespmem:v8+s19+$0x0], $0xffff  }
0xaf: {  	v17 =	vadd.s32 $0x3E8, v11;
	v10 =	vcvt.f32.s32 v10;
	v12 =	vtrunc.f32 v12;
	v7 =	vld.idx.msk [tilespmem:v7+s19+$0x0], $0xffff  }
0xb0: {  	v18 =	vadd.s32 $0x3E8, v9;
	v12 =	vcvt.f32.s32 v12;
	v13 =	vtrunc.f32 v13;
	v5 =	vld.idx.msk [tilespmem:v5+s19+$0x0], $0xffff  }
0xb1: {  	v19 =	vadd.s32 $0x3E8, v10;
	v13 =	vcvt.f32.s32 v13;
	v14 =	vtrunc.f32 v14;
	v6 =	vld.idx.msk [tilespmem:v6+s19+$0x0], $0xffff  }
0xb2: {  	v16 =	vtrunc.f32 v16;
	v20 =	vadd.s32 $0x3E8, v12;
	v14 =	vcvt.f32.s32 v14;
	v21 =	vld.idx.msk [tilespmem:v15+s19+$0x0], $0xffff  }
0xb3: {  	v23 =	vadd.s32 $0x7D0, v11;
	v16 =	vcvt.f32.s32 v16;
	v22 =	vld.idx.msk [tilespmem:v11+s19+$0x0], $0xffff;
	v24 =	vadd.s32 $0x3E8, v13  }
0xb4: {  	v28 =	vadd.s32 $0x3E8, v15;
	v26 =	vadd.s32 $0x7D0, v9;
	v25 =	vld.idx.msk [tilespmem:v9+s19+$0x0], $0xffff;
	v27 =	vadd.s32 $0x3E8, v14;
	[tilespmem:s0+$0x150] =	vst v8  }
0xb5: {  	v31 =	vadd.s32 $0x7D0, v10;
	v8 =	vadd.s32 $0x3E8, v16;
	v29 =	vadd.s32 $0x7D0, v16;
	v30 =	vld.idx.msk [tilespmem:v10+s19+$0x0], $0xffff;
	[tilespmem:s0+$0x160] =	vst v7  }
0xb6: {  	v32 =	vadd.s32 $0x7D0, v12;
	v33 =	vadd.s32 $0x7D0, v13;
	v34 =	vadd.s32 $0x7D0, v14;
	v7 =	vld.idx.msk [tilespmem:v12+s19+$0x0], $0xffff;
	[tilespmem:s0+$0x180] =	vst v5  }
0xb7: {  	v11 =	vadd.s32 $0xBB8, v11;
	v9 =	vadd.s32 $0xBB8, v9;
	v5 =	vadd.s32 $0xBB8, v16;
	s0 =	sadd.s32 $0x400, s0;
	v35 =	vld.idx.msk [tilespmem:v13+s19+$0x0], $0xffff;
	[tilespmem:s13+$0x190] =	vst v6  }
0xb8: {  	v6 =	vadd.s32 $0xBB8, v10;
	v10 =	vadd.s32 $0xBB8, v12;
	v12 =	vadd.s32 $0xBB8, v13;
	v13 =	vld.idx.msk [tilespmem:v14+s19+$0x0], $0xffff;
	[tilespmem:s0+$0xFFFFFE70] =	vst v21  }
0xb9: {  	v14 =	vadd.s32 $0xBB8, v14;
	[tilespmem:s0+$0xFFFFFE10] =	vst v22;
	v21 =	vld.idx.msk [tilespmem:v28+s19+$0x0], $0xffff  }
0xba: {  	v16 =	vld.idx.msk [tilespmem:v16+s19+$0x0], $0xffff;
	[tilespmem:s0+$0xFFFFFE20] =	vst v25  }
0xbb: {  	v22 =	vadd.s32 $0x7D0, v15;
	v17 =	vld.idx.msk [tilespmem:v17+s19+$0x0], $0xffff;
	[tilespmem:s0+$0xFFFFFE30] =	vst v30  }
0xbc: {  	v18 =	vld.idx.msk [tilespmem:v18+s19+$0x0], $0xffff;
	[tilespmem:s0+$0xFFFFFE40] =	vst v7  }
0xbd: {  	v7 =	vld.idx.msk [tilespmem:v19+s19+$0x0], $0xffff;
	[tilespmem:s0+$0xFFFFFE50] =	vst v35  }
0xbe: {  	v19 =	vld.idx.msk [tilespmem:v20+s19+$0x0], $0xffff;
	[tilespmem:s0+$0xFFFFFE60] =	vst v13  }
0xbf: {  	v13 =	vld.idx.msk [tilespmem:v24+s19+$0x0], $0xffff;
	[tilespmem:s0+$0xFFFFFEF0] =	vst v21  }
0xc0: {  	[tilespmem:s0+$0xFFFFFE00] =	vst v16;
	v16 =	vld.idx.msk [tilespmem:v22+s19+$0x0], $0xffff  }
0xc1: {  	v8 =	vld.idx.msk [tilespmem:v8+s19+$0x0], $0xffff;
	[tilespmem:s0+$0xFFFFFE90] =	vst v17  }
0xc2: {  	v15 =	vadd.s32 $0xBB8, v15;
	[tilespmem:s0+$0xFFFFFEA0] =	vst v18;
	v17 =	vld.idx.msk [tilespmem:v27+s19+$0x0], $0xffff  }
0xc3: {  	v18 =	vld.idx.msk [tilespmem:v23+s19+$0x0], $0xffff;
	[tilespmem:s0+$0xFFFFFEB0] =	vst v7  }
0xc4: {  	v7 =	vld.idx.msk [tilespmem:v26+s19+$0x0], $0xffff;
	[tilespmem:s0+$0xFFFFFEC0] =	vst v19  }
0xc5: {  	v19 =	vld.idx.msk [tilespmem:v31+s19+$0x0], $0xffff;
	[tilespmem:s0+$0xFFFFFED0] =	vst v13  }
0xc6: {  	v13 =	vld.idx.msk [tilespmem:v32+s19+$0x0], $0xffff;
	[tilespmem:s0+$0xFFFFFF70] =	vst v16  }
0xc7: {  	[tilespmem:s0+$0xFFFFFE80] =	vst v8;
	v8 =	vld.idx.msk [tilespmem:v15+s19+$0x0], $0xffff  }
0xc8: {  	v15 =	vld.idx.msk [tilespmem:v29+s19+$0x0], $0xffff;
	[tilespmem:s0+$0xFFFFFEE0] =	vst v17  }
0xc9: {  	[tilespmem:s0+$0xFFFFFF10] =	vst v18;
	v16 =	vld.idx.msk [tilespmem:v33+s19+$0x0], $0xffff  }
0xca: {  	[tilespmem:s0+$0xFFFFFF20] =	vst v7;
	v7 =	vld.idx.msk [tilespmem:v34+s19+$0x0], $0xffff  }
0xcb: {  	v11 =	vld.idx.msk [tilespmem:v11+s19+$0x0], $0xffff;
	[tilespmem:s0+$0xFFFFFF30] =	vst v19  }
0xcc: {  	v9 =	vld.idx.msk [tilespmem:v9+s19+$0x0], $0xffff;
	[tilespmem:s0+$0xFFFFFF40] =	vst v13  }
0xcd: {  	s12 =	sadd.s32 $0x80, s12;
	v6 =	vld.idx.msk [tilespmem:v6+s19+$0x0], $0xffff;
	[tilespmem:s0+$0xFFFFFFF0] =	vst v8  }
0xce: {  	[tilespmem:s0+$0xFFFFFF00] =	vst v15;
	v8 =	vld [tilespmem:s12+$0x30]  }
0xcf: {  	v5 =	vld.idx.msk [tilespmem:v5+s19+$0x0], $0xffff;
	[tilespmem:s0+$0xFFFFFF50] =	vst v16  }
0xd0: {  	v10 =	vld.idx.msk [tilespmem:v10+s19+$0x0], $0xffff;
	[tilespmem:s0+$0xFFFFFF60] =	vst v7  }
0xd1: {  	[tilespmem:s0+$0xFFFFFF90] =	vst v11;
	v7 =	vld.idx.msk [tilespmem:v12+s19+$0x0], $0xffff  }
0xd2: {  	[tilespmem:s0+$0xFFFFFFA0] =	vst v9;
	v9 =	vld.idx.msk [tilespmem:v14+s19+$0x0], $0xffff  }
0xd3: {  	v11 =	vld [tilespmem:s12+$0xFFFFFFD0];
	[tilespmem:s0+$0xFFFFFFB0] =	vst v6;
	v6 =	vtrunc.f32 v8  }
0xd4: {  	v8 =	vld [tilespmem:s12+$0xFFFFFFE0];
	v12 =	vcvt.f32.s32 v6  }
0xd5: {  	[tilespmem:s0+$0xFFFFFF80] =	vst v5;
	v5 =	vld [tilespmem:s12+$0xFFFFFFF0]  }
0xd6: {  	v6 =	vld [tilespmem:s12+$0xFFFFFFC0];
	[tilespmem:s0+$0xFFFFFFC0] =	vst v10;
	v10 =	vadd.s32 $0xFA0, v12  }
0xd7: {  	v13 =	vld [tilespmem:s12+$0x0];
	[tilespmem:s0+$0xFFFFFFD0] =	vst v7  }
0xd8: {  	v7 =	vtrunc.f32 v11;
	v11 =	vld [tilespmem:s12+$0x10];
	[tilespmem:s0+$0xFFFFFFE0] =	vst v9  }
0xd9: {  	v9 =	vcvt.f32.s32 v7;
	v7 =	vtrunc.f32 v8;
	v8 =	vld [tilespmem:s12+$0x20]  }
0xda: {  	v14 =	vcvt.f32.s32 v7;
	v5 =	vtrunc.f32 v5;
	v4 =	vld.idx.msk [tilespmem:v4+s19+$0x0], $0xffff  }
0xdb: {  	v6 =	vtrunc.f32 v6;
	v7 =	vadd.s32 $0xFA0, v9;
	v15 =	vcvt.f32.s32 v5;
	v5 =	vld.idx.msk [tilespmem:v10+s19+$0x0], $0xffff  }
0xdc: {  	v6 =	vcvt.f32.s32 v6;
	v10 =	vadd.s32 $0xFA0, v14;
	v13 =	vtrunc.f32 v13;
	v2 =	vld.idx.msk [tilespmem:v2+s19+$0x0], $0xffff  }
0xdd: {  	v16 =	vadd.s32 $0x1388, v12;
	v13 =	vcvt.f32.s32 v13;
	v11 =	vtrunc.f32 v11;
	v3 =	vld.idx.msk [tilespmem:v3+s19+$0x0], $0xffff  }
0xde: {  	v17 =	vadd.s32 $0xFA0, v6;
	v11 =	vcvt.f32.s32 v11;
	v8 =	vtrunc.f32 v8;
	v1 =	vld.idx.msk [tilespmem:v1+s19+$0x0], $0xffff  }
0xdf: {  	v18 =	vadd.s32 $0xFA0, v15;
	v19 =	vadd.s32 $0xFA0, v13;
	v20 =	vcvt.f32.s32 v8;
	v0 =	vld.idx.msk [tilespmem:v0+s19+$0x0], $0xffff  }
0xe0: {  	v23 =	vadd.s32 $0x1388, v9;
	v21 =	vadd.s32 $0x1388, v6;
	v22 =	vld.idx.msk [tilespmem:v7+s19+$0x0], $0xffff;
	v24 =	vadd.s32 $0xFA0, v11;
	[tilespmem:s13+$0x1A0] =	vst v4  }
0xe1: {  	v25 =	vadd.s32 $0x1388, v14;
	v26 =	vadd.s32 $0x1388, v15;
	v10 =	vld.idx.msk [tilespmem:v10+s19+$0x0], $0xffff;
	v27 =	vadd.s32 $0xFA0, v20;
	[tilespmem:s0+$0x70] =	vst v5  }
0xe2: {  	v28 =	vadd.s32 $0x1388, v13;
	v29 =	vadd.s32 $0x1388, v11;
	v30 =	vadd.s32 $0x1388, v20;
	v16 =	vld.idx.msk [tilespmem:v16+s19+$0x0], $0xffff;
	[tilespmem:s13+$0x1B0] =	vst v2  }
0xe3: {  	v32 =	vadd.s32 $0x1770, v9;
	v33 =	vadd.s32 $0x1770, v14;
	v31 =	vadd.s32 $0x1770, v6;
	v17 =	vld.idx.msk [tilespmem:v17+s19+$0x0], $0xffff;
	[tilespmem:s13+$0x1C0] =	vst v3  }
0xe4: {  	v36 =	vadd.s32 $0x1770, v12;
	v34 =	vadd.s32 $0x1770, v15;
	v35 =	vadd.s32 $0x1770, v13;
	v18 =	vld.idx.msk [tilespmem:v18+s19+$0x0], $0xffff;
	[tilespmem:s13+$0x1D0] =	vst v1  }
0xe5: {  	v8 =	vadd.s32 $0x1770, v11;
	v5 =	vadd.s32 $0x1B58, v6;
	v7 =	vadd.s32 $0x1770, v20;
	v19 =	vld.idx.msk [tilespmem:v19+s19+$0x0], $0xffff;
	[tilespmem:s13+$0x1E0] =	vst v0;
	s13 =	smov.u32 s0  }
0xe6: {  	v4 =	vadd.s32 $0x1B58, v14;
	v6 =	vadd.s32 $0x1B58, v9;
	v2 =	vadd.s32 $0x1B58, v15;
	[tilespmem:s0+$0x10] =	vst v22;
	v9 =	vld.idx.msk [tilespmem:v24+s19+$0x0], $0xffff  }
0xe7: {  	v3 =	vadd.s32 $0x1B58, v13;
	v1 =	vadd.s32 $0x1B58, v11;
	v0 =	vadd.s32 $0x1B58, v20;
	[tilespmem:s0+$0x20] =	vst v10;
	v10 =	vld.idx.msk [tilespmem:v27+s19+$0x0], $0xffff  }
0xe8: {  	v11 =	vld.idx.msk [tilespmem:v23+s19+$0x0], $0xffff;
	[tilespmem:s0+$0xF0] =	vst v16  }
0xe9: {  	[tilespmem:s0+$0x0] =	vst v17;
	v13 =	vld.idx.msk [tilespmem:v36+s19+$0x0], $0xffff  }
0xea: {  	v14 =	vld.idx.msk [tilespmem:v21+s19+$0x0], $0xffff;
	[tilespmem:s0+$0x30] =	vst v18  }
0xeb: {  	v12 =	vadd.s32 $0x1B58, v12;
	v15 =	vld.idx.msk [tilespmem:v25+s19+$0x0], $0xffff;
	[tilespmem:s0+$0x40] =	vst v19  }
0xec: {  	v16 =	vld.idx.msk [tilespmem:v26+s19+$0x0], $0xffff;
	[tilespmem:s0+$0x50] =	vst v9  }
0xed: {  	v17 =	vld.idx.msk [tilespmem:v28+s19+$0x0], $0xffff;
	[tilespmem:s0+$0x60] =	vst v10  }
0xee: {  	[tilespmem:s0+$0x90] =	vst v11;
	v18 =	vld.idx.msk [tilespmem:v29+s19+$0x0], $0xffff  }
0xef: {  	v19 =	vld.idx.msk [tilespmem:v30+s19+$0x0], $0xffff;
	[tilespmem:s0+$0x170] =	vst v13  }
0xf0: {  	[tilespmem:s0+$0x80] =	vst v14;
	v11 =	vld.idx.msk [tilespmem:v12+s19+$0x0], $0xffff  }
.Ltmp3:
0xf1: {  	v9 =	vld.idx.msk [tilespmem:v31+s19+$0x0], $0xffff;
	[tilespmem:s0+$0xA0] =	vst v15;
	(pc) =	sbr.rel @p6 .LBB2_3-.Ltmp3, $4  }
0xf2: {  	v10 =	vld.idx.msk [tilespmem:v32+s19+$0x0], $0xffff;
	[tilespmem:s0+$0xB0] =	vst v16  }
0xf3: {  	v12 =	vld.idx.msk [tilespmem:v33+s19+$0x0], $0xffff;
	[tilespmem:s0+$0xC0] =	vst v17  }
0xf4: {  	v13 =	vld.idx.msk [tilespmem:v34+s19+$0x0], $0xffff;
	[tilespmem:s0+$0xD0] =	vst v18  }
0xf5: {  	s15 =	sadd.s32 $0x80, s15;
	v14 =	vld.idx.msk [tilespmem:v35+s19+$0x0], $0xffff;
	[tilespmem:s0+$0xE0] =	vst v19  }
0xf6: {  	_ =	sdelay $0x2  }
0xf7: {  	[tilespmem:s0+$0x1F0] =	vst v11  }
0xf8: {  	[tilespmem:s0+$0x100] =	vst v9;
	v8 =	vld.idx.msk [tilespmem:v8+s19+$0x0], $0xffff  }
0xf9: {  	v7 =	vld.idx.msk [tilespmem:v7+s19+$0x0], $0xffff;
	[tilespmem:s0+$0x110] =	vst v10  }
0xfa: {  	v5 =	vld.idx.msk [tilespmem:v5+s19+$0x0], $0xffff;
	[tilespmem:s0+$0x120] =	vst v12  }
0xfb: {  	v6 =	vld.idx.msk [tilespmem:v6+s19+$0x0], $0xffff;
	[tilespmem:s0+$0x130] =	vst v13  }
0xfc: {  	v4 =	vld.idx.msk [tilespmem:v4+s19+$0x0], $0xffff;
	[tilespmem:s0+$0x140] =	vst v14  }
0xfd: {  	v2 =	vld.idx.msk [tilespmem:v2+s19+$0x0], $0xffff;
	[tilespmem:s0+$0x150] =	vst v8  }
0xfe: {  	[tilespmem:s0+$0x160] =	vst v7;
	v3 =	vld.idx.msk [tilespmem:v3+s19+$0x0], $0xffff  }
0xff: {  	[tilespmem:s0+$0x180] =	vst v5;
	v1 =	vld.idx.msk [tilespmem:v1+s19+$0x0], $0xffff  }
0x100: {  	v0 =	vld.idx.msk [tilespmem:v0+s19+$0x0], $0xffff;
	[tilespmem:s13+$0x190] =	vst v6  }
0x101: {  	[tilespmem:s13+$0x1A0] =	vst v4  }
0x102: {  	[tilespmem:s13+$0x1B0] =	vst v2  }
0x103: {  	[tilespmem:s13+$0x1C0] =	vst v3  }
0x104: {  	[tilespmem:s13+$0x1D0] =	vst v1  }
0x105: {  	s0 =	simm.s32 $0x0;
	[tilespmem:s13+$0x1E0] =	vst v0  }
0x106: {  	[hbm4b:s10+s0] =	stream.linear.scatter [tilespmem:s0], [sflag:$0x3], $0x8000, $0x38;
	[tilespmem:$0x15F80] =	vst v63  }
0x107: {  	_ =	swait.ge [sflag:s28], $0x1000  }
0x108: {  	[sflag:s28] =	ssyncset.done $0x0  }
0x109: {  	[sflag:s28] =	ssyncadd.s32 $0xFFFFF000  }
0x10a: {  	_ =	swait.ge [sflag:s28], $0x1000  }
0x10b: {  	[sflag:s28] =	ssyncset.done $0x0  }
0x10c: {  	s16 =	simm.s32 $0x1000;
	[sflag:s28] =	ssyncadd.s32 $0xFFFFF000  }
0x10d: {  	v0 =	vld [tilespmem:s16+$0x10070]  }
0x10e: {  	v1 =	vld [tilespmem:s16+$0x10000]  }
0x10f: {  	v2 =	vld [tilespmem:s16+$0x10010]  }
0x110: {  	v3 =	vld [tilespmem:s16+$0x10020]  }
0x111: {  	v4 =	vld [tilespmem:s16+$0x10030]  }
0x112: {  	v5 =	vld [tilespmem:s16+$0x10040];
	v0 =	vtrunc.f32 v0  }
0x113: {  	v6 =	vld [tilespmem:s16+$0x10050];
	v1 =	vtrunc.f32 v1;
	v0 =	vcvt.f32.s32 v0  }
0x114: {  	v7 =	vld [tilespmem:s16+$0x10060];
	v2 =	vtrunc.f32 v2;
	v1 =	vcvt.f32.s32 v1  }
0x115: {  	v3 =	vtrunc.f32 v3;
	v2 =	vcvt.f32.s32 v2  }
0x116: {  	v4 =	vtrunc.f32 v4;
	v3 =	vcvt.f32.s32 v3  }
0x117: {  	v5 =	vtrunc.f32 v5;
	v4 =	vcvt.f32.s32 v4  }
0x118: {  	v6 =	vtrunc.f32 v6;
	v5 =	vcvt.f32.s32 v5  }
0x119: {  	v7 =	vtrunc.f32 v7;
	v6 =	vcvt.f32.s32 v6;
	v8 =	vld.idx.msk [tilespmem:v0+s19+$0x0], $0xffff  }
0x11a: {  	v7 =	vcvt.f32.s32 v7;
	v9 =	vld.idx.msk [tilespmem:v1+s19+$0x0], $0xffff  }
0x11b: {  	v10 =	vld.idx.msk [tilespmem:v2+s19+$0x0], $0xffff  }
0x11c: {  	v11 =	vadd.s32 $0x3E8, v0;
	v12 =	vld.idx.msk [tilespmem:v3+s19+$0x0], $0xffff  }
0x11d: {  	v13 =	vadd.s32 $0x3E8, v1;
	v14 =	vld.idx.msk [tilespmem:v4+s19+$0x0], $0xffff  }
0x11e: {  	s12 =	simm.s32 $0x0;
	v15 =	vadd.s32 $0x3E8, v2;
	v16 =	vld.idx.msk [tilespmem:v5+s19+$0x0], $0xffff  }
0x11f: {  	v17 =	vadd.s32 $0x3E8, v3;
	v18 =	vld.idx.msk [tilespmem:v6+s19+$0x0], $0xffff;
	[tilespmem:s12+$0x8070] =	vst v8  }
0x120: {  	v19 =	vadd.s32 $0x3E8, v5;
	[tilespmem:s12+$0x8000] =	vst v9;
	v9 =	vld.idx.msk [tilespmem:v7+s19+$0x0], $0xffff  }
0x121: {  	v8 =	vadd.s32 $0x3E8, v4;
	[tilespmem:s12+$0x8010] =	vst v10;
	v11 =	vld.idx.msk [tilespmem:v11+s19+$0x0], $0xffff  }
0x122: {  	v20 =	vadd.s32 $0x3E8, v6;
	[tilespmem:s12+$0x8020] =	vst v12;
	v10 =	vld.idx.msk [tilespmem:v13+s19+$0x0], $0xffff  }
0x123: {  	[tilespmem:s12+$0x8030] =	vst v14;
	v12 =	vld.idx.msk [tilespmem:v15+s19+$0x0], $0xffff;
	v15 =	vadd.s32 $0x3E8, v7  }
0x124: {  	[tilespmem:s12+$0x8040] =	vst v16;
	v13 =	vadd.s32 $0x7D0, v0;
	v14 =	vld.idx.msk [tilespmem:v17+s19+$0x0], $0xffff  }
0x125: {  	[tilespmem:s12+$0x8050] =	vst v18;
	v17 =	vadd.s32 $0x7D0, v1;
	v19 =	vld.idx.msk [tilespmem:v19+s19+$0x0], $0xffff  }
0x126: {  	v16 =	vadd.s32 $0x7D0, v2;
	v8 =	vld.idx.msk [tilespmem:v8+s19+$0x0], $0xffff;
	[tilespmem:s12+$0x8060] =	vst v9  }
0x127: {  	v9 =	vld.idx.msk [tilespmem:v20+s19+$0x0], $0xffff;
	[tilespmem:s12+$0x80F0] =	vst v11;
	v11 =	vadd.s32 $0x7D0, v3  }
0x128: {  	v59 =	vadd.s32 $0x7D0, v4;
	[tilespmem:s12+$0x8080] =	vst v10;
	v10 =	vld.idx.msk [tilespmem:v15+s19+$0x0], $0xffff  }
0x129: {  	v15 =	vadd.s32 $0x7D0, v5;
	[tilespmem:s12+$0x8090] =	vst v12;
	v13 =	vld.idx.msk [tilespmem:v13+s19+$0x0], $0xffff  }
0x12a: {  	[tilespmem:s12+$0x80A0] =	vst v14;
	v12 =	vld.idx.msk [tilespmem:v17+s19+$0x0], $0xffff;
	v17 =	vadd.s32 $0x7D0, v6  }
0x12b: {  	[tilespmem:s12+$0x80C0] =	vst v19;
	v14 =	vld.idx.msk [tilespmem:v16+s19+$0x0], $0xffff;
	v16 =	vadd.s32 $0x7D0, v7  }
0x12c: {  	v0 =	vadd.s32 $0xBB8, v0;
	[tilespmem:s12+$0x80B0] =	vst v8;
	v8 =	vld.idx.msk [tilespmem:v11+s19+$0x0], $0xffff  }
0x12d: {  	v1 =	vadd.s32 $0xBB8, v1;
	[tilespmem:s12+$0x80D0] =	vst v9;
	v11 =	vld.idx.msk [tilespmem:v59+s19+$0x0], $0xffff  }
0x12e: {  	v2 =	vadd.s32 $0xBB8, v2;
	v9 =	vld.idx.msk [tilespmem:v15+s19+$0x0], $0xffff;
	[tilespmem:s12+$0x80E0] =	vst v10  }
0x12f: {  	v3 =	vadd.s32 $0xBB8, v3;
	[tilespmem:s12+$0x8170] =	vst v13;
	v10 =	vld.idx.msk [tilespmem:v17+s19+$0x0], $0xffff  }
0x130: {  	v4 =	vadd.s32 $0xBB8, v4;
	[tilespmem:s12+$0x8100] =	vst v12;
	v12 =	vld.idx.msk [tilespmem:v16+s19+$0x0], $0xffff  }
0x131: {  	v5 =	vadd.s32 $0xBB8, v5;
	[tilespmem:s12+$0x8110] =	vst v14;
	v0 =	vld.idx.msk [tilespmem:v0+s19+$0x0], $0xffff  }
0x132: {  	v6 =	vadd.s32 $0xBB8, v6;
	v1 =	vld.idx.msk [tilespmem:v1+s19+$0x0], $0xffff;
	[tilespmem:s12+$0x8120] =	vst v8  }
0x133: {  	v7 =	vadd.s32 $0xBB8, v7;
	v2 =	vld.idx.msk [tilespmem:v2+s19+$0x0], $0xffff;
	[tilespmem:s12+$0x8130] =	vst v11  }
0x134: {  	[tilespmem:s12+$0x8140] =	vst v9;
	v3 =	vld.idx.msk [tilespmem:v3+s19+$0x0], $0xffff  }
0x135: {  	v4 =	vld.idx.msk [tilespmem:v4+s19+$0x0], $0xffff;
	[tilespmem:s12+$0x8150] =	vst v10  }
0x136: {  	v5 =	vld.idx.msk [tilespmem:v5+s19+$0x0], $0xffff;
	[tilespmem:s12+$0x8160] =	vst v12  }
0x137: {  	[tilespmem:s12+$0x81F0] =	vst v0;
	v6 =	vld.idx.msk [tilespmem:v6+s19+$0x0], $0xffff  }
0x138: {  	[tilespmem:s12+$0x8180] =	vst v1;
	v1 =	vld.idx.msk [tilespmem:v7+s19+$0x0], $0xffff  }
0x139: {  	v0 =	vld [tilespmem:s16+$0x12070]  }
0x13a: {  	[tilespmem:s12+$0x8190] =	vst v2;
	v2 =	vld [tilespmem:s16+$0x12000]  }
0x13b: {  	v7 =	vld [tilespmem:s16+$0x12010];
	[tilespmem:s12+$0x81A0] =	vst v3  }
0x13c: {  	[tilespmem:s12+$0x81B0] =	vst v4;
	v3 =	vld [tilespmem:s16+$0x12020]  }
0x13d: {  	[tilespmem:s12+$0x81C0] =	vst v5;
	v4 =	vld [tilespmem:s16+$0x12030]  }
0x13e: {  	v8 =	vld [tilespmem:s16+$0x12040];
	[tilespmem:s12+$0x81D0] =	vst v6;
	v0 =	vtrunc.f32 v0  }
0x13f: {  	[tilespmem:s12+$0x81E0] =	vst v1;
	v2 =	vtrunc.f32 v2;
	v6 =	vld [tilespmem:s16+$0x12050];
	v0 =	vcvt.f32.s32 v0  }
0x140: {  	v1 =	vcvt.f32.s32 v2;
	v2 =	vtrunc.f32 v7;
	v7 =	vld [tilespmem:s16+$0x12060]  }
0x141: {  	v2 =	vcvt.f32.s32 v2;
	v5 =	vadd.s32 $0xFA0, v0;
	v3 =	vtrunc.f32 v3  }
0x142: {  	v9 =	vadd.s32 $0xFA0, v1;
	v4 =	vtrunc.f32 v4;
	v3 =	vcvt.f32.s32 v3  }
0x143: {  	v10 =	vadd.s32 $0xFA0, v2;
	v14 =	vcvt.f32.s32 v4;
	v4 =	vtrunc.f32 v8  }
0x144: {  	v15 =	vcvt.f32.s32 v4;
	v4 =	vtrunc.f32 v6;
	v6 =	vadd.s32 $0xFA0, v3  }
0x145: {  	v16 =	vcvt.f32.s32 v4;
	v4 =	vtrunc.f32 v7;
	v7 =	vadd.s32 $0xFA0, v14  }
0x146: {  	v5 =	vld.idx.msk [tilespmem:v5+s19+$0x0], $0xffff;
	v11 =	vadd.s32 $0xFA0, v15  }
0x147: {  	v8 =	vadd.s32 $0x1388, v0;
	v17 =	vcvt.f32.s32 v4;
	v4 =	vld.idx.msk [tilespmem:v9+s19+$0x0], $0xffff  }
0x148: {  	v9 =	vadd.s32 $0xFA0, v16;
	v10 =	vld.idx.msk [tilespmem:v10+s19+$0x0], $0xffff  }
0x149: {  	v12 =	vadd.s32 $0x1388, v1;
	v6 =	vld.idx.msk [tilespmem:v6+s19+$0x0], $0xffff  }
0x14a: {  	v60 =	vadd.s32 $0x1388, v2;
	v7 =	vld.idx.msk [tilespmem:v7+s19+$0x0], $0xffff  }
0x14b: {  	[tilespmem:s12+$0x8270] =	vst v5;
	v5 =	vadd.s32 $0xFA0, v17;
	v11 =	vld.idx.msk [tilespmem:v11+s19+$0x0], $0xffff  }
0x14c: {  	v61 =	vadd.s32 $0x1388, v3;
	v8 =	vld.idx.msk [tilespmem:v8+s19+$0x0], $0xffff  }
0x14d: {  	v13 =	vadd.s32 $0x1770, v0;
	[tilespmem:s12+$0x8200] =	vst v4;
	v4 =	vld.idx.msk [tilespmem:v9+s19+$0x0], $0xffff  }
0x14e: {  	v9 =	vadd.s32 $0x1388, v14;
	[tilespmem:s12+$0x8210] =	vst v10;
	v12 =	vld.idx.msk [tilespmem:v12+s19+$0x0], $0xffff  }
0x14f: {  	v10 =	vadd.s32 $0x1388, v15;
	v18 =	vld.idx.msk [tilespmem:v60+s19+$0x0], $0xffff;
	[tilespmem:s12+$0x8220] =	vst v6  }
0x150: {  	v62 =	vadd.s32 $0x1770, v1;
	[tilespmem:s12+$0x8230] =	vst v7;
	v5 =	vld.idx.msk [tilespmem:v5+s19+$0x0], $0xffff  }
0x151: {  	v7 =	vld.idx.msk [tilespmem:v61+s19+$0x0], $0xffff;
	[tilespmem:s12+$0x82F0] =	vst v8;
	v8 =	vadd.s32 $0x1388, v16  }
0x152: {  	[tilespmem:s12+$0x8240] =	vst v11;
	v6 =	vld.idx.msk [tilespmem:v13+s19+$0x0], $0xffff;
	v13 =	vadd.s32 $0x1388, v17  }
0x153: {  	v0 =	vadd.s32 $0x1B58, v0;
	v63 =	vld.idx.msk [tilespmem:v9+s19+$0x0], $0xffff;
	[tilespmem:s12+$0x8250] =	vst v4  }
0x154: {  	v4 =	vadd.s32 $0x1770, v2;
	v21 =	vld.idx.msk [tilespmem:v10+s19+$0x0], $0xffff;
	[tilespmem:s12+$0x8280] =	vst v12  }
0x155: {  	v22 =	vadd.s32 $0x1770, v3;
	[tilespmem:s12+$0x8290] =	vst v18;
	v12 =	vld.idx.msk [tilespmem:v62+s19+$0x0], $0xffff  }
0x156: {  	v24 =	vadd.s32 $0x1770, v14;
	[tilespmem:s12+$0x8260] =	vst v5;
	v23 =	vld.idx.msk [tilespmem:v8+s19+$0x0], $0xffff  }
0x157: {  	v9 =	vadd.s32 $0x1770, v15;
	v10 =	vld.idx.msk [tilespmem:v13+s19+$0x0], $0xffff;
	[tilespmem:s12+$0x8370] =	vst v6  }
0x158: {  	[tilespmem:s12+$0x82A0] =	vst v7;
	v11 =	vld.idx.msk [tilespmem:v0+s19+$0x0], $0xffff  }
0x159: {  	v5 =	vadd.s32 $0x1B58, v1;
	v7 =	vadd.s32 $0x1770, v17;
	v1 =	vadd.s32 $0x1B58, v16;
	[tilespmem:s12+$0x82B0] =	vst v63;
	v13 =	vld.idx.msk [tilespmem:v4+s19+$0x0], $0xffff  }
0x15a: {  	v8 =	vadd.s32 $0x1770, v16;
	[tilespmem:s12+$0x82C0] =	vst v21;
	v6 =	vadd.s32 $0x1B58, v2;
	v2 =	vadd.s32 $0x1B58, v14;
	v14 =	vld.idx.msk [tilespmem:v22+s19+$0x0], $0xffff  }
0x15b: {  	s14 =	simm.s32 $0x4200;
	s13 =	simm.s32 $0x1000;
	v4 =	vadd.s32 $0x1B58, v3;
	v3 =	vadd.s32 $0x1B58, v15;
	v15 =	vld.idx.msk [tilespmem:v24+s19+$0x0], $0xffff;
	v0 =	vadd.s32 $0x1B58, v17;
	[tilespmem:s12+$0x82D0] =	vst v23  }
.LBB2_5:
0x15c: {  	s15 =	sshra.s32 s14, $0x2;
	s13 =	sadd.s32 $0x80, s13;
	v9 =	vld.idx.msk [tilespmem:v9+s19+$0x0], $0xffff;
	[tilespmem:s12+$0x82E0] =	vst v10  }
0x15d: {  	v10 =	vld [tilespmem:s15+$0x10070];
	p6 =	slt.u32 s13, $0x1F80;
	[tilespmem:s12+$0x83F0] =	vst v11  }
0x15e: {  	v11 =	vld [tilespmem:s15+$0x10000];
	[tilespmem:s12+$0x8300] =	vst v12  }
0x15f: {  	v12 =	vld [tilespmem:s15+$0x10010];
	[tilespmem:s12+$0x8310] =	vst v13  }
0x160: {  	v13 =	vld [tilespmem:s15+$0x10020];
	[tilespmem:s12+$0x8320] =	vst v14  }
0x161: {  	v14 =	vld [tilespmem:s15+$0x10030];
	[tilespmem:s12+$0x8330] =	vst v15  }
0x162: {  	v15 =	vld [tilespmem:s15+$0x10040];
	v10 =	vtrunc.f32 v10;
	[tilespmem:s12+$0x8340] =	vst v9  }
0x163: {  	v9 =	vtrunc.f32 v11;
	v11 =	vld [tilespmem:s15+$0x10050];
	v10 =	vcvt.f32.s32 v10  }
0x164: {  	v9 =	vcvt.f32.s32 v9;
	v12 =	vtrunc.f32 v12;
	v16 =	vld [tilespmem:s15+$0x10060]  }
0x165: {  	v12 =	vcvt.f32.s32 v12;
	v13 =	vtrunc.f32 v13;
	v8 =	vld.idx.msk [tilespmem:v8+s19+$0x0], $0xffff  }
0x166: {  	v17 =	vadd.s32 $0x3E8, v9;
	v13 =	vcvt.f32.s32 v13;
	v14 =	vtrunc.f32 v14;
	v7 =	vld.idx.msk [tilespmem:v7+s19+$0x0], $0xffff  }
0x167: {  	v18 =	vadd.s32 $0x3E8, v12;
	v14 =	vcvt.f32.s32 v14;
	v15 =	vtrunc.f32 v15;
	v5 =	vld.idx.msk [tilespmem:v5+s19+$0x0], $0xffff  }
0x168: {  	v19 =	vadd.s32 $0x3E8, v13;
	v15 =	vcvt.f32.s32 v15;
	v11 =	vtrunc.f32 v11;
	v6 =	vld.idx.msk [tilespmem:v6+s19+$0x0], $0xffff  }
0x169: {  	v20 =	vadd.s32 $0x3E8, v14;
	v11 =	vcvt.f32.s32 v11;
	v16 =	vtrunc.f32 v16;
	v21 =	vld.idx.msk [tilespmem:v10+s19+$0x0], $0xffff  }
0x16a: {  	v23 =	vadd.s32 $0x7D0, v9;
	v22 =	vld.idx.msk [tilespmem:v9+s19+$0x0], $0xffff;
	v24 =	vadd.s32 $0x3E8, v15;
	v16 =	vcvt.f32.s32 v16  }
0x16b: {  	v28 =	vadd.s32 $0x3E8, v10;
	v26 =	vadd.s32 $0x7D0, v12;
	v25 =	vld.idx.msk [tilespmem:v12+s19+$0x0], $0xffff;
	v27 =	vadd.s32 $0x3E8, v11;
	[tilespmem:s12+$0x8350] =	vst v8  }
0x16c: {  	v29 =	vadd.s32 $0x7D0, v13;
	v30 =	vadd.s32 $0x7D0, v14;
	v8 =	vld.idx.msk [tilespmem:v13+s19+$0x0], $0xffff;
	v31 =	vadd.s32 $0x3E8, v16;
	[tilespmem:s12+$0x8360] =	vst v7  }
0x16d: {  	s0 =	sadd.s32 $0x1000, s0;
	v32 =	vadd.s32 $0x7D0, v15;
	v33 =	vadd.s32 $0x7D0, v11;
	v34 =	vadd.s32 $0x7D0, v16;
	v7 =	vld.idx.msk [tilespmem:v14+s19+$0x0], $0xffff;
	[tilespmem:s12+$0x8380] =	vst v5  }
0x16e: {  	s16 =	sshra.s32 s0, $0x2;
	v5 =	vadd.s32 $0xBB8, v9;
	v9 =	vadd.s32 $0xBB8, v12;
	v12 =	vadd.s32 $0xBB8, v13;
	v13 =	vld.idx.msk [tilespmem:v15+s19+$0x0], $0xffff;
	[tilespmem:s12+$0x8390] =	vst v6  }
0x16f: {  	v6 =	vadd.s32 $0xBB8, v14;
	v14 =	vadd.s32 $0xBB8, v15;
	v15 =	vld.idx.msk [tilespmem:v11+s19+$0x0], $0xffff;
	v11 =	vadd.s32 $0xBB8, v11;
	[tilespmem:s16+$0x8070] =	vst v21  }
0x170: {  	v21 =	vadd.s32 $0xBB8, v16;
	[tilespmem:s16+$0x8000] =	vst v22;
	v22 =	vld.idx.msk [tilespmem:v28+s19+$0x0], $0xffff  }
0x171: {  	[tilespmem:s16+$0x8010] =	vst v25;
	v16 =	vld.idx.msk [tilespmem:v16+s19+$0x0], $0xffff  }
0x172: {  	v17 =	vld.idx.msk [tilespmem:v17+s19+$0x0], $0xffff;
	[tilespmem:s16+$0x8020] =	vst v8;
	v8 =	vadd.s32 $0x7D0, v10  }
0x173: {  	v18 =	vld.idx.msk [tilespmem:v18+s19+$0x0], $0xffff;
	[tilespmem:s16+$0x8030] =	vst v7  }
0x174: {  	v7 =	vld.idx.msk [tilespmem:v19+s19+$0x0], $0xffff;
	[tilespmem:s16+$0x8040] =	vst v13  }
0x175: {  	v13 =	vld.idx.msk [tilespmem:v20+s19+$0x0], $0xffff;
	[tilespmem:s16+$0x8050] =	vst v15  }
0x176: {  	v15 =	vld.idx.msk [tilespmem:v24+s19+$0x0], $0xffff;
	[tilespmem:s16+$0x80F0] =	vst v22  }
0x177: {  	[tilespmem:s16+$0x8060] =	vst v16;
	v8 =	vld.idx.msk [tilespmem:v8+s19+$0x0], $0xffff  }
0x178: {  	[tilespmem:s16+$0x8080] =	vst v17;
	v16 =	vld.idx.msk [tilespmem:v27+s19+$0x0], $0xffff  }
0x179: {  	v10 =	vadd.s32 $0xBB8, v10;
	[tilespmem:s16+$0x8090] =	vst v18;
	v17 =	vld.idx.msk [tilespmem:v31+s19+$0x0], $0xffff  }
0x17a: {  	v18 =	vld.idx.msk [tilespmem:v23+s19+$0x0], $0xffff;
	[tilespmem:s16+$0x80A0] =	vst v7  }
0x17b: {  	v7 =	vld.idx.msk [tilespmem:v26+s19+$0x0], $0xffff;
	[tilespmem:s16+$0x80B0] =	vst v13  }
0x17c: {  	v13 =	vld.idx.msk [tilespmem:v29+s19+$0x0], $0xffff;
	[tilespmem:s16+$0x80C0] =	vst v15  }
0x17d: {  	v15 =	vld.idx.msk [tilespmem:v30+s19+$0x0], $0xffff;
	[tilespmem:s16+$0x8170] =	vst v8  }
0x17e: {  	[tilespmem:s16+$0x80D0] =	vst v16;
	v8 =	vld.idx.msk [tilespmem:v10+s19+$0x0], $0xffff  }
0x17f: {  	v10 =	vld.idx.msk [tilespmem:v32+s19+$0x0], $0xffff;
	[tilespmem:s16+$0x80E0] =	vst v17  }
0x180: {  	[tilespmem:s16+$0x8100] =	vst v18;
	v16 =	vld.idx.msk [tilespmem:v33+s19+$0x0], $0xffff  }
0x181: {  	[tilespmem:s16+$0x8110] =	vst v7;
	v7 =	vld.idx.msk [tilespmem:v34+s19+$0x0], $0xffff  }
0x182: {  	v5 =	vld.idx.msk [tilespmem:v5+s19+$0x0], $0xffff;
	[tilespmem:s16+$0x8120] =	vst v13  }
0x183: {  	v9 =	vld.idx.msk [tilespmem:v9+s19+$0x0], $0xffff;
	[tilespmem:s16+$0x8130] =	vst v15  }
0x184: {  	v12 =	vld.idx.msk [tilespmem:v12+s19+$0x0], $0xffff;
	[tilespmem:s16+$0x81F0] =	vst v8  }
0x185: {  	[tilespmem:s16+$0x8140] =	vst v10;
	v8 =	vld [tilespmem:s15+$0x12070]  }
0x186: {  	v6 =	vld.idx.msk [tilespmem:v6+s19+$0x0], $0xffff;
	[tilespmem:s16+$0x8150] =	vst v16  }
0x187: {  	v10 =	vld.idx.msk [tilespmem:v14+s19+$0x0], $0xffff;
	[tilespmem:s16+$0x8160] =	vst v7  }
0x188: {  	[tilespmem:s16+$0x8180] =	vst v5;
	v5 =	vld.idx.msk [tilespmem:v11+s19+$0x0], $0xffff  }
0x189: {  	[tilespmem:s16+$0x8190] =	vst v9;
	v7 =	vld.idx.msk [tilespmem:v21+s19+$0x0], $0xffff  }
0x18a: {  	v9 =	vld [tilespmem:s15+$0x12000];
	[tilespmem:s16+$0x81A0] =	vst v12;
	v8 =	vtrunc.f32 v8  }
0x18b: {  	v11 =	vld [tilespmem:s15+$0x12010];
	v12 =	vcvt.f32.s32 v8  }
0x18c: {  	v8 =	vld [tilespmem:s15+$0x12020];
	[tilespmem:s16+$0x81B0] =	vst v6  }
0x18d: {  	v6 =	vld [tilespmem:s15+$0x12030];
	[tilespmem:s16+$0x81C0] =	vst v10;
	v10 =	vadd.s32 $0xFA0, v12  }
0x18e: {  	v13 =	vld [tilespmem:s15+$0x12040];
	[tilespmem:s16+$0x81D0] =	vst v5  }
0x18f: {  	v5 =	vtrunc.f32 v9;
	v9 =	vld [tilespmem:s15+$0x12050];
	[tilespmem:s16+$0x81E0] =	vst v7  }
0x190: {  	v5 =	vcvt.f32.s32 v5;
	v7 =	vtrunc.f32 v11;
	v11 =	vld [tilespmem:s15+$0x12060]  }
0x191: {  	v14 =	vcvt.f32.s32 v7;
	v7 =	vtrunc.f32 v8;
	v4 =	vld.idx.msk [tilespmem:v4+s19+$0x0], $0xffff  }
0x192: {  	v8 =	vadd.s32 $0xFA0, v5;
	v15 =	vcvt.f32.s32 v7;
	v6 =	vtrunc.f32 v6;
	v7 =	vld.idx.msk [tilespmem:v10+s19+$0x0], $0xffff  }
0x193: {  	v10 =	vadd.s32 $0xFA0, v14;
	v16 =	vcvt.f32.s32 v6;
	v6 =	vtrunc.f32 v13;
	v2 =	vld.idx.msk [tilespmem:v2+s19+$0x0], $0xffff  }
0x194: {  	v13 =	vcvt.f32.s32 v6;
	v6 =	vtrunc.f32 v9;
	v9 =	vadd.s32 $0x1388, v12;
	v3 =	vld.idx.msk [tilespmem:v3+s19+$0x0], $0xffff  }
0x195: {  	v17 =	vadd.s32 $0xFA0, v15;
	v18 =	vcvt.f32.s32 v6;
	v6 =	vtrunc.f32 v11;
	v1 =	vld.idx.msk [tilespmem:v1+s19+$0x0], $0xffff  }
0x196: {  	v11 =	vadd.s32 $0xFA0, v16;
	v19 =	vadd.s32 $0xFA0, v13;
	v20 =	vcvt.f32.s32 v6;
	v0 =	vld.idx.msk [tilespmem:v0+s19+$0x0], $0xffff  }
0x197: {  	v21 =	vadd.s32 $0x1388, v5;
	v22 =	vadd.s32 $0x1388, v14;
	v6 =	vld.idx.msk [tilespmem:v8+s19+$0x0], $0xffff;
	v23 =	vadd.s32 $0xFA0, v18;
	[tilespmem:s12+$0x83A0] =	vst v4  }
0x198: {  	v24 =	vadd.s32 $0x1388, v15;
	v25 =	vadd.s32 $0x1388, v16;
	v10 =	vld.idx.msk [tilespmem:v10+s19+$0x0], $0xffff;
	v26 =	vadd.s32 $0xFA0, v20;
	[tilespmem:s16+$0x8270] =	vst v7  }
0x199: {  	v27 =	vadd.s32 $0x1388, v13;
	v28 =	vadd.s32 $0x1388, v18;
	v29 =	vadd.s32 $0x1388, v20;
	v30 =	vld.idx.msk [tilespmem:v9+s19+$0x0], $0xffff;
	[tilespmem:s12+$0x83B0] =	vst v2  }
0x19a: {  	v31 =	vadd.s32 $0x1770, v5;
	v32 =	vadd.s32 $0x1770, v14;
	v33 =	vadd.s32 $0x1770, v15;
	v17 =	vld.idx.msk [tilespmem:v17+s19+$0x0], $0xffff;
	[tilespmem:s12+$0x83C0] =	vst v3  }
0x19b: {  	v35 =	vadd.s32 $0x1770, v12;
	v34 =	vadd.s32 $0x1770, v16;
	v9 =	vadd.s32 $0x1770, v13;
	v11 =	vld.idx.msk [tilespmem:v11+s19+$0x0], $0xffff;
	[tilespmem:s12+$0x83D0] =	vst v1  }
0x19c: {  	v5 =	vadd.s32 $0x1B58, v5;
	v8 =	vadd.s32 $0x1770, v18;
	v7 =	vadd.s32 $0x1770, v20;
	v19 =	vld.idx.msk [tilespmem:v19+s19+$0x0], $0xffff;
	[tilespmem:s12+$0x83E0] =	vst v0;
	s12 =	smov.u32 s16  }
0x19d: {  	v4 =	vadd.s32 $0x1B58, v15;
	v2 =	vadd.s32 $0x1B58, v16;
	[tilespmem:s12+$0x8200] =	vst v6;
	v6 =	vadd.s32 $0x1B58, v14;
	v14 =	vld.idx.msk [tilespmem:v23+s19+$0x0], $0xffff  }
0x19e: {  	v3 =	vadd.s32 $0x1B58, v13;
	v1 =	vadd.s32 $0x1B58, v18;
	v0 =	vadd.s32 $0x1B58, v20;
	[tilespmem:s12+$0x8210] =	vst v10;
	v10 =	vld.idx.msk [tilespmem:v26+s19+$0x0], $0xffff  }
0x19f: {  	v13 =	vld.idx.msk [tilespmem:v21+s19+$0x0], $0xffff;
	[tilespmem:s12+$0x82F0] =	vst v30  }
0x1a0: {  	[tilespmem:s12+$0x8220] =	vst v17;
	v15 =	vld.idx.msk [tilespmem:v35+s19+$0x0], $0xffff  }
0x1a1: {  	v16 =	vld.idx.msk [tilespmem:v22+s19+$0x0], $0xffff;
	[tilespmem:s12+$0x8230] =	vst v11  }
0x1a2: {  	v11 =	vadd.s32 $0x1B58, v12;
	v17 =	vld.idx.msk [tilespmem:v24+s19+$0x0], $0xffff;
	[tilespmem:s12+$0x8240] =	vst v19  }
0x1a3: {  	v18 =	vld.idx.msk [tilespmem:v25+s19+$0x0], $0xffff;
	[tilespmem:s12+$0x8250] =	vst v14  }
0x1a4: {  	v19 =	vld.idx.msk [tilespmem:v27+s19+$0x0], $0xffff;
	[tilespmem:s12+$0x8260] =	vst v10  }
0x1a5: {  	[tilespmem:s12+$0x8280] =	vst v13;
	v20 =	vld.idx.msk [tilespmem:v28+s19+$0x0], $0xffff  }
0x1a6: {  	v10 =	vld.idx.msk [tilespmem:v29+s19+$0x0], $0xffff;
	[tilespmem:s12+$0x8370] =	vst v15  }
.Ltmp4:
0x1a7: {  	[tilespmem:s12+$0x8290] =	vst v16;
	v11 =	vld.idx.msk [tilespmem:v11+s19+$0x0], $0xffff;
	(pc) =	sbr.rel @p6 .LBB2_5-.Ltmp4, $4  }
0x1a8: {  	v12 =	vld.idx.msk [tilespmem:v31+s19+$0x0], $0xffff;
	[tilespmem:s12+$0x82A0] =	vst v17  }
0x1a9: {  	v13 =	vld.idx.msk [tilespmem:v32+s19+$0x0], $0xffff;
	[tilespmem:s12+$0x82B0] =	vst v18  }
0x1aa: {  	v14 =	vld.idx.msk [tilespmem:v33+s19+$0x0], $0xffff;
	[tilespmem:s12+$0x82C0] =	vst v19  }
0x1ab: {  	s14 =	sadd.s32 $0x200, s14;
	v15 =	vld.idx.msk [tilespmem:v34+s19+$0x0], $0xffff;
	[tilespmem:s12+$0x82D0] =	vst v20  }
0x1ac: {  	_ =	sdelay $0x2  }
0x1ad: {  	[tilespmem:s12+$0x82E0] =	vst v10  }
0x1ae: {  	v9 =	vld.idx.msk [tilespmem:v9+s19+$0x0], $0xffff;
	[tilespmem:s12+$0x83F0] =	vst v11  }
0x1af: {  	v8 =	vld.idx.msk [tilespmem:v8+s19+$0x0], $0xffff;
	[tilespmem:s12+$0x8300] =	vst v12  }
0x1b0: {  	v7 =	vld.idx.msk [tilespmem:v7+s19+$0x0], $0xffff;
	[tilespmem:s12+$0x8310] =	vst v13  }
0x1b1: {  	v5 =	vld.idx.msk [tilespmem:v5+s19+$0x0], $0xffff;
	[tilespmem:s12+$0x8320] =	vst v14  }
0x1b2: {  	v6 =	vld.idx.msk [tilespmem:v6+s19+$0x0], $0xffff;
	[tilespmem:s12+$0x8330] =	vst v15  }
0x1b3: {  	v4 =	vld.idx.msk [tilespmem:v4+s19+$0x0], $0xffff;
	[tilespmem:s12+$0x8340] =	vst v9  }
0x1b4: {  	[tilespmem:s12+$0x8350] =	vst v8;
	v2 =	vld.idx.msk [tilespmem:v2+s19+$0x0], $0xffff  }
0x1b5: {  	[tilespmem:s12+$0x8360] =	vst v7;
	v3 =	vld.idx.msk [tilespmem:v3+s19+$0x0], $0xffff  }
0x1b6: {  	v1 =	vld.idx.msk [tilespmem:v1+s19+$0x0], $0xffff;
	[tilespmem:s12+$0x8380] =	vst v5  }
0x1b7: {  	v0 =	vld.idx.msk [tilespmem:v0+s19+$0x0], $0xffff;
	[tilespmem:s12+$0x8390] =	vst v6  }
0x1b8: {  	[tilespmem:s12+$0x83A0] =	vst v4  }
0x1b9: {  	[tilespmem:s12+$0x83B0] =	vst v2  }
0x1ba: {  	[tilespmem:s12+$0x83C0] =	vst v3  }
0x1bb: {  	[tilespmem:s12+$0x83D0] =	vst v1  }
0x1bc: {  	[tilespmem:s12+$0x83E0] =	vst v0  }
0x1bd: {  	[hbm4b:s11+s3] =	stream.linear.scatter [tilespmem:s29], [sflag:$0x3], $0x8000, $0x38;
	[tilespmem:$0x15F80] =	vst v63  }
0x1be: {  	_ =	swait.ge [sflag:s30], $0x8000  }
0x1bf: {  	[sflag:s30] =	ssyncset.done $0x0  }
0x1c0: {  	[sflag:s30] =	ssyncadd.s32 $0xFFFF8000  }
0x1c1: {  	_ =	swait.ge [sflag:s30], $0x8000  }
0x1c2: {  	[sflag:s30] =	ssyncset.done $0x0  }
0x1c3: {  	[sflag:s30] =	ssyncadd.s32 $0xFFFF8000  }
.LBB2_7:
.Ltmp5:
0x1c4: {  	(pc) =	sbr.rel @p0 .LBB2_28-.Ltmp5, $1  }
0x1c5: {  	_ =	sdelay $0x3  }
.Ltmp6:
0x1c6: {  	(pc) =	sbr.rel @p1 .LBB2_42-.Ltmp6, $1  }
0x1c7: {  	_ =	sdelay $0x3  }
.Ltmp7:
0x1c8: {  	(pc) =	sbr.rel @p2 .LBB2_59-.Ltmp7, $1  }
0x1c9: {  	_ =	sdelay $0x3  }
0x1ca: {  	s0 =	sld [smem:$0x7EB];
	_ =	sdelay $0x2  }
0x1cb: {  	p6 =	seq.s32 s0, $0x1  }
.Ltmp8:
0x1cc: {  	_ = 	snop;
	(pc) =	sbr.rel @!p6 .LBB2_104-.Ltmp8, $1  }
0x1cd: {  	_ =	sdelay $0x3  }
0x1ce: {  	s0 =	rddreg [dreg:$0x12]  }
0x1cf: {  	[tilespmem:s22], [sflag:$0x1] =	stream.strided.gather [hbm4b:s0+s20], $0x1000, s21, s20, $0x38;
	[tilespmem:$0x15F80] =	vst v63  }
0x1d0: {  	s16 =	rddreg [dreg:$0x13]  }
0x1d1: {  	[tilespmem:s24], [sflag:$0x2] =	stream.strided.gather [hbm4b:s16+s20], $0x1000, s21, s20, $0x38;
	[tilespmem:$0x15F80] =	vst v63  }
0x1d2: {  	_ =	swait.ge [sflag:s4], $0x1000  }
0x1d3: {  	[sflag:s4] =	ssyncset.done $0x0  }
0x1d4: {  	s13 =	simm.s32 $0x10040;
	[sflag:s4] =	ssyncadd.s32 $0xFFFFF000  }
0x1d5: {  	v3 =	vld [tilespmem:s13+$0x30]  }
0x1d6: {  	v4 =	vld [tilespmem:s13+$0xFFFFFFD0]  }
0x1d7: {  	v5 =	vld [tilespmem:s13+$0xFFFFFFE0]  }
0x1d8: {  	v0 =	vld [tilespmem:s13+$0xFFFFFFF0]  }
0x1d9: {  	s0 =	simm.s32 $0x40;
	v1 =	vld [tilespmem:s13+$0x0]  }
0x1da: {  	v2 =	vld [tilespmem:s13+$0x10];
	[tilespmem:s0+$0x30] =	vst v3  }
0x1db: {  	[tilespmem:s0+$0xFFFFFFD0] =	vst v4;
	v3 =	vld [tilespmem:s13+$0x20]  }
0x1dc: {  	s12 =	simm.s32 $0x0;
	v4 =	vld [tilespmem:s13+$0xFFFFFFC0];
	[tilespmem:s0+$0xFFFFFFE0] =	vst v5;
	s13 =	simm.s32 $0x100C0  }
.LBB2_12:
0x1dd: {  	v5 =	vld [tilespmem:s13+$0x30];
	s12 =	sadd.s32 $0x80, s12;
	[tilespmem:s0+$0xFFFFFFF0] =	vst v0  }
0x1de: {  	v6 =	vld [tilespmem:s13+$0xFFFFFFD0];
	p6 =	slt.u32 s12, $0xF80;
	[tilespmem:s0+$0x0] =	vst v1  }
0x1df: {  	v7 =	vld [tilespmem:s13+$0xFFFFFFE0];
	[tilespmem:s0+$0x10] =	vst v2  }
.Ltmp9:
0x1e0: {  	v0 =	vld [tilespmem:s13+$0xFFFFFFF0];
	[tilespmem:s0+$0x20] =	vst v3;
	(pc) =	sbr.rel @p6 .LBB2_12-.Ltmp9, $4  }
0x1e1: {  	v1 =	vld [tilespmem:s13+$0x0];
	[tilespmem:s0+$0xFFFFFFC0] =	vst v4;
	s0 =	sadd.s32 $0x400, s0  }
0x1e2: {  	v2 =	vld [tilespmem:s13+$0x10];
	[tilespmem:s0+$0x30] =	vst v5  }
0x1e3: {  	[tilespmem:s0+$0xFFFFFFD0] =	vst v6;
	v3 =	vld [tilespmem:s13+$0x20]  }
0x1e4: {  	v4 =	vld [tilespmem:s13+$0xFFFFFFC0];
	[tilespmem:s0+$0xFFFFFFE0] =	vst v7;
	s13 =	sadd.s32 $0x80, s13  }
0x1e5: {  	[tilespmem:s0+$0xFFFFFFF0] =	vst v0  }
0x1e6: {  	[tilespmem:s0+$0x0] =	vst v1  }
0x1e7: {  	[tilespmem:s0+$0x10] =	vst v2  }
0x1e8: {  	[tilespmem:s0+$0x20] =	vst v3  }
0x1e9: {  	[tilespmem:s0+$0xFFFFFFC0] =	vst v4  }
0x1ea: {  	s0 =	rddreg [dreg:$0x14]  }
0x1eb: {  	[tilespmem:s22], [sflag:$0x1] =	stream.strided.gather [hbm4b:s0+s20], $0x1000, s21, s20, $0x38;
	[tilespmem:$0x15F80] =	vst v63  }
0x1ec: {  	_ =	swait.ge [sflag:s28], $0x1000  }
0x1ed: {  	[sflag:s28] =	ssyncset.done $0x0  }
0x1ee: {  	s13 =	simm.s32 $0x12040;
	[sflag:s28] =	ssyncadd.s32 $0xFFFFF000  }
0x1ef: {  	v3 =	vld [tilespmem:s13+$0x30]  }
0x1f0: {  	v4 =	vld [tilespmem:s13+$0xFFFFFFD0]  }
0x1f1: {  	v5 =	vld [tilespmem:s13+$0xFFFFFFE0]  }
0x1f2: {  	v0 =	vld [tilespmem:s13+$0xFFFFFFF0]  }
0x1f3: {  	s0 =	simm.s32 $0xF0;
	v1 =	vld [tilespmem:s13+$0x0]  }
0x1f4: {  	v2 =	vld [tilespmem:s13+$0x10];
	[tilespmem:s0+$0x0] =	vst v3  }
0x1f5: {  	[tilespmem:s0+$0xFFFFFFA0] =	vst v4;
	v3 =	vld [tilespmem:s13+$0x20]  }
0x1f6: {  	s12 =	simm.s32 $0x0;
	v4 =	vld [tilespmem:s13+$0xFFFFFFC0];
	[tilespmem:s0+$0xFFFFFFB0] =	vst v5;
	s13 =	simm.s32 $0x120C0  }
.LBB2_14:
0x1f7: {  	v5 =	vld [tilespmem:s13+$0x30];
	s12 =	sadd.s32 $0x80, s12;
	[tilespmem:s0+$0xFFFFFFC0] =	vst v0  }
0x1f8: {  	v6 =	vld [tilespmem:s13+$0xFFFFFFD0];
	p6 =	slt.u32 s12, $0xF80;
	[tilespmem:s0+$0xFFFFFFD0] =	vst v1  }
0x1f9: {  	v7 =	vld [tilespmem:s13+$0xFFFFFFE0];
	[tilespmem:s0+$0xFFFFFFE0] =	vst v2  }
.Ltmp10:
0x1fa: {  	v0 =	vld [tilespmem:s13+$0xFFFFFFF0];
	[tilespmem:s0+$0xFFFFFFF0] =	vst v3;
	(pc) =	sbr.rel @p6 .LBB2_14-.Ltmp10, $4  }
0x1fb: {  	v1 =	vld [tilespmem:s13+$0x0];
	[tilespmem:s0+$0xFFFFFF90] =	vst v4;
	s0 =	sadd.s32 $0x400, s0  }
0x1fc: {  	v2 =	vld [tilespmem:s13+$0x10];
	[tilespmem:s0+$0x0] =	vst v5  }
0x1fd: {  	[tilespmem:s0+$0xFFFFFFA0] =	vst v6;
	v3 =	vld [tilespmem:s13+$0x20]  }
0x1fe: {  	v4 =	vld [tilespmem:s13+$0xFFFFFFC0];
	[tilespmem:s0+$0xFFFFFFB0] =	vst v7;
	s13 =	sadd.s32 $0x80, s13  }
0x1ff: {  	[tilespmem:s0+$0xFFFFFFC0] =	vst v0  }
0x200: {  	[tilespmem:s0+$0xFFFFFFD0] =	vst v1  }
0x201: {  	[tilespmem:s0+$0xFFFFFFE0] =	vst v2  }
0x202: {  	[tilespmem:s0+$0xFFFFFFF0] =	vst v3  }
0x203: {  	[tilespmem:s0+$0xFFFFFF90] =	vst v4  }
0x204: {  	s0 =	rddreg [dreg:$0x15]  }
0x205: {  	[tilespmem:s24], [sflag:$0x2] =	stream.strided.gather [hbm4b:s0+s20], $0x1000, s21, s20, $0x38;
	[tilespmem:$0x15F80] =	vst v63  }
0x206: {  	_ =	swait.ge [sflag:s4], $0x1000  }
0x207: {  	[sflag:s4] =	ssyncset.done $0x0  }
0x208: {  	s13 =	simm.s32 $0x10040;
	[sflag:s4] =	ssyncadd.s32 $0xFFFFF000  }
0x209: {  	v3 =	vld [tilespmem:s13+$0x30]  }
0x20a: {  	v4 =	vld [tilespmem:s13+$0xFFFFFFD0]  }
0x20b: {  	v5 =	vld [tilespmem:s13+$0xFFFFFFE0]  }
0x20c: {  	v0 =	vld [tilespmem:s13+$0xFFFFFFF0]  }
0x20d: {  	s0 =	simm.s32 $0x170;
	v1 =	vld [tilespmem:s13+$0x0]  }
0x20e: {  	v2 =	vld [tilespmem:s13+$0x10];
	[tilespmem:s0+$0x0] =	vst v3  }
0x20f: {  	[tilespmem:s0+$0xFFFFFFA0] =	vst v4;
	v3 =	vld [tilespmem:s13+$0x20]  }
0x210: {  	s12 =	simm.s32 $0x0;
	v4 =	vld [tilespmem:s13+$0xFFFFFFC0];
	[tilespmem:s0+$0xFFFFFFB0] =	vst v5;
	s13 =	simm.s32 $0x100C0  }
.LBB2_16:
0x211: {  	v5 =	vld [tilespmem:s13+$0x30];
	s12 =	sadd.s32 $0x80, s12;
	[tilespmem:s0+$0xFFFFFFC0] =	vst v0  }
0x212: {  	v6 =	vld [tilespmem:s13+$0xFFFFFFD0];
	p6 =	slt.u32 s12, $0xF80;
	[tilespmem:s0+$0xFFFFFFD0] =	vst v1  }
0x213: {  	v7 =	vld [tilespmem:s13+$0xFFFFFFE0];
	[tilespmem:s0+$0xFFFFFFE0] =	vst v2  }
.Ltmp11:
0x214: {  	v0 =	vld [tilespmem:s13+$0xFFFFFFF0];
	[tilespmem:s0+$0xFFFFFFF0] =	vst v3;
	(pc) =	sbr.rel @p6 .LBB2_16-.Ltmp11, $4  }
0x215: {  	v1 =	vld [tilespmem:s13+$0x0];
	[tilespmem:s0+$0xFFFFFF90] =	vst v4;
	s0 =	sadd.s32 $0x400, s0  }
0x216: {  	v2 =	vld [tilespmem:s13+$0x10];
	[tilespmem:s0+$0x0] =	vst v5  }
0x217: {  	[tilespmem:s0+$0xFFFFFFA0] =	vst v6;
	v3 =	vld [tilespmem:s13+$0x20]  }
0x218: {  	v4 =	vld [tilespmem:s13+$0xFFFFFFC0];
	[tilespmem:s0+$0xFFFFFFB0] =	vst v7;
	s13 =	sadd.s32 $0x80, s13  }
0x219: {  	[tilespmem:s0+$0xFFFFFFC0] =	vst v0  }
0x21a: {  	[tilespmem:s0+$0xFFFFFFD0] =	vst v1  }
0x21b: {  	[tilespmem:s0+$0xFFFFFFE0] =	vst v2  }
0x21c: {  	[tilespmem:s0+$0xFFFFFFF0] =	vst v3  }
0x21d: {  	[tilespmem:s0+$0xFFFFFF90] =	vst v4  }
0x21e: {  	s0 =	rddreg [dreg:$0x16]  }
0x21f: {  	[tilespmem:s22], [sflag:$0x1] =	stream.strided.gather [hbm4b:s0+s20], $0x1000, s21, s20, $0x38;
	[tilespmem:$0x15F80] =	vst v63  }
0x220: {  	_ =	swait.ge [sflag:s28], $0x1000  }
0x221: {  	[sflag:s28] =	ssyncset.done $0x0  }
0x222: {  	s13 =	simm.s32 $0x12040;
	[sflag:s28] =	ssyncadd.s32 $0xFFFFF000  }
0x223: {  	v3 =	vld [tilespmem:s13+$0x30]  }
0x224: {  	v4 =	vld [tilespmem:s13+$0xFFFFFFD0]  }
0x225: {  	v5 =	vld [tilespmem:s13+$0xFFFFFFE0]  }
0x226: {  	v0 =	vld [tilespmem:s13+$0xFFFFFFF0]  }
0x227: {  	s0 =	simm.s32 $0x1F0;
	v1 =	vld [tilespmem:s13+$0x0]  }
0x228: {  	v2 =	vld [tilespmem:s13+$0x10];
	[tilespmem:s0+$0x0] =	vst v3  }
0x229: {  	[tilespmem:s0+$0xFFFFFFA0] =	vst v4;
	v3 =	vld [tilespmem:s13+$0x20]  }
0x22a: {  	s12 =	simm.s32 $0x0;
	v4 =	vld [tilespmem:s13+$0xFFFFFFC0];
	[tilespmem:s0+$0xFFFFFFB0] =	vst v5;
	s13 =	simm.s32 $0x120C0  }
.LBB2_18:
0x22b: {  	v5 =	vld [tilespmem:s13+$0x30];
	s12 =	sadd.s32 $0x80, s12;
	[tilespmem:s0+$0xFFFFFFC0] =	vst v0  }
0x22c: {  	v6 =	vld [tilespmem:s13+$0xFFFFFFD0];
	p6 =	slt.u32 s12, $0xF80;
	[tilespmem:s0+$0xFFFFFFD0] =	vst v1  }
0x22d: {  	v7 =	vld [tilespmem:s13+$0xFFFFFFE0];
	[tilespmem:s0+$0xFFFFFFE0] =	vst v2  }
.Ltmp12:
0x22e: {  	v0 =	vld [tilespmem:s13+$0xFFFFFFF0];
	[tilespmem:s0+$0xFFFFFFF0] =	vst v3;
	(pc) =	sbr.rel @p6 .LBB2_18-.Ltmp12, $4  }
0x22f: {  	v1 =	vld [tilespmem:s13+$0x0];
	[tilespmem:s0+$0xFFFFFF90] =	vst v4;
	s0 =	sadd.s32 $0x400, s0  }
0x230: {  	v2 =	vld [tilespmem:s13+$0x10];
	[tilespmem:s0+$0x0] =	vst v5  }
0x231: {  	[tilespmem:s0+$0xFFFFFFA0] =	vst v6;
	v3 =	vld [tilespmem:s13+$0x20]  }
0x232: {  	v4 =	vld [tilespmem:s13+$0xFFFFFFC0];
	[tilespmem:s0+$0xFFFFFFB0] =	vst v7;
	s13 =	sadd.s32 $0x80, s13  }
0x233: {  	[tilespmem:s0+$0xFFFFFFC0] =	vst v0  }
0x234: {  	[tilespmem:s0+$0xFFFFFFD0] =	vst v1  }
0x235: {  	[tilespmem:s0+$0xFFFFFFE0] =	vst v2  }
0x236: {  	[tilespmem:s0+$0xFFFFFFF0] =	vst v3  }
0x237: {  	[tilespmem:s0+$0xFFFFFF90] =	vst v4  }
0x238: {  	s0 =	rddreg [dreg:$0x17]  }
0x239: {  	[tilespmem:s24], [sflag:$0x2] =	stream.strided.gather [hbm4b:s0+s20], $0x1000, s21, s20, $0x38;
	[tilespmem:$0x15F80] =	vst v63  }
0x23a: {  	_ =	swait.ge [sflag:s4], $0x1000  }
0x23b: {  	[sflag:s4] =	ssyncset.done $0x0  }
0x23c: {  	s13 =	simm.s32 $0x10040;
	[sflag:s4] =	ssyncadd.s32 $0xFFFFF000  }
0x23d: {  	v3 =	vld [tilespmem:s13+$0x30]  }
0x23e: {  	v4 =	vld [tilespmem:s13+$0xFFFFFFD0]  }
0x23f: {  	v5 =	vld [tilespmem:s13+$0xFFFFFFE0]  }
0x240: {  	v0 =	vld [tilespmem:s13+$0xFFFFFFF0]  }
0x241: {  	s0 =	simm.s32 $0x270;
	v1 =	vld [tilespmem:s13+$0x0]  }
0x242: {  	v2 =	vld [tilespmem:s13+$0x10];
	[tilespmem:s0+$0x0] =	vst v3  }
0x243: {  	[tilespmem:s0+$0xFFFFFFA0] =	vst v4;
	v3 =	vld [tilespmem:s13+$0x20]  }
0x244: {  	s12 =	simm.s32 $0x0;
	v4 =	vld [tilespmem:s13+$0xFFFFFFC0];
	[tilespmem:s0+$0xFFFFFFB0] =	vst v5;
	s13 =	simm.s32 $0x100C0  }
.LBB2_20:
0x245: {  	v5 =	vld [tilespmem:s13+$0x30];
	s12 =	sadd.s32 $0x80, s12;
	[tilespmem:s0+$0xFFFFFFC0] =	vst v0  }
0x246: {  	v6 =	vld [tilespmem:s13+$0xFFFFFFD0];
	p6 =	slt.u32 s12, $0xF80;
	[tilespmem:s0+$0xFFFFFFD0] =	vst v1  }
0x247: {  	v7 =	vld [tilespmem:s13+$0xFFFFFFE0];
	[tilespmem:s0+$0xFFFFFFE0] =	vst v2  }
.Ltmp13:
0x248: {  	v0 =	vld [tilespmem:s13+$0xFFFFFFF0];
	[tilespmem:s0+$0xFFFFFFF0] =	vst v3;
	(pc) =	sbr.rel @p6 .LBB2_20-.Ltmp13, $4  }
0x249: {  	v1 =	vld [tilespmem:s13+$0x0];
	[tilespmem:s0+$0xFFFFFF90] =	vst v4;
	s0 =	sadd.s32 $0x400, s0  }
0x24a: {  	v2 =	vld [tilespmem:s13+$0x10];
	[tilespmem:s0+$0x0] =	vst v5  }
0x24b: {  	[tilespmem:s0+$0xFFFFFFA0] =	vst v6;
	v3 =	vld [tilespmem:s13+$0x20]  }
0x24c: {  	v4 =	vld [tilespmem:s13+$0xFFFFFFC0];
	[tilespmem:s0+$0xFFFFFFB0] =	vst v7;
	s13 =	sadd.s32 $0x80, s13  }
0x24d: {  	[tilespmem:s0+$0xFFFFFFC0] =	vst v0  }
0x24e: {  	[tilespmem:s0+$0xFFFFFFD0] =	vst v1  }
0x24f: {  	[tilespmem:s0+$0xFFFFFFE0] =	vst v2  }
0x250: {  	[tilespmem:s0+$0xFFFFFFF0] =	vst v3  }
0x251: {  	[tilespmem:s0+$0xFFFFFF90] =	vst v4  }
0x252: {  	s0 =	rddreg [dreg:$0x18]  }
0x253: {  	[tilespmem:s22], [sflag:$0x1] =	stream.strided.gather [hbm4b:s0+s20], $0x1000, s21, s20, $0x38;
	[tilespmem:$0x15F80] =	vst v63  }
0x254: {  	_ =	swait.ge [sflag:s28], $0x1000  }
0x255: {  	[sflag:s28] =	ssyncset.done $0x0  }
0x256: {  	s13 =	simm.s32 $0x12040;
	[sflag:s28] =	ssyncadd.s32 $0xFFFFF000  }
0x257: {  	v3 =	vld [tilespmem:s13+$0x30]  }
0x258: {  	v4 =	vld [tilespmem:s13+$0xFFFFFFD0]  }
0x259: {  	v5 =	vld [tilespmem:s13+$0xFFFFFFE0]  }
0x25a: {  	v0 =	vld [tilespmem:s13+$0xFFFFFFF0]  }
0x25b: {  	s0 =	simm.s32 $0x2F0;
	v1 =	vld [tilespmem:s13+$0x0]  }
0x25c: {  	v2 =	vld [tilespmem:s13+$0x10];
	[tilespmem:s0+$0x0] =	vst v3  }
0x25d: {  	[tilespmem:s0+$0xFFFFFFA0] =	vst v4;
	v3 =	vld [tilespmem:s13+$0x20]  }
0x25e: {  	s12 =	simm.s32 $0x0;
	v4 =	vld [tilespmem:s13+$0xFFFFFFC0];
	[tilespmem:s0+$0xFFFFFFB0] =	vst v5;
	s13 =	simm.s32 $0x120C0  }
.LBB2_22:
0x25f: {  	v5 =	vld [tilespmem:s13+$0x30];
	s12 =	sadd.s32 $0x80, s12;
	[tilespmem:s0+$0xFFFFFFC0] =	vst v0  }
0x260: {  	v6 =	vld [tilespmem:s13+$0xFFFFFFD0];
	p6 =	slt.u32 s12, $0xF80;
	[tilespmem:s0+$0xFFFFFFD0] =	vst v1  }
0x261: {  	v7 =	vld [tilespmem:s13+$0xFFFFFFE0];
	[tilespmem:s0+$0xFFFFFFE0] =	vst v2  }
.Ltmp14:
0x262: {  	v0 =	vld [tilespmem:s13+$0xFFFFFFF0];
	[tilespmem:s0+$0xFFFFFFF0] =	vst v3;
	(pc) =	sbr.rel @p6 .LBB2_22-.Ltmp14, $4  }
0x263: {  	v1 =	vld [tilespmem:s13+$0x0];
	[tilespmem:s0+$0xFFFFFF90] =	vst v4;
	s0 =	sadd.s32 $0x400, s0  }
0x264: {  	v2 =	vld [tilespmem:s13+$0x10];
	[tilespmem:s0+$0x0] =	vst v5  }
0x265: {  	[tilespmem:s0+$0xFFFFFFA0] =	vst v6;
	v3 =	vld [tilespmem:s13+$0x20]  }
0x266: {  	v4 =	vld [tilespmem:s13+$0xFFFFFFC0];
	[tilespmem:s0+$0xFFFFFFB0] =	vst v7;
	s13 =	sadd.s32 $0x80, s13  }
0x267: {  	[tilespmem:s0+$0xFFFFFFC0] =	vst v0  }
0x268: {  	[tilespmem:s0+$0xFFFFFFD0] =	vst v1  }
0x269: {  	[tilespmem:s0+$0xFFFFFFE0] =	vst v2  }
0x26a: {  	[tilespmem:s0+$0xFFFFFFF0] =	vst v3  }
0x26b: {  	[tilespmem:s0+$0xFFFFFF90] =	vst v4  }
0x26c: {  	s0 =	rddreg [dreg:$0x19]  }
0x26d: {  	[tilespmem:s24], [sflag:$0x2] =	stream.strided.gather [hbm4b:s0+s20], $0x1000, s21, s20, $0x38;
	[tilespmem:$0x15F80] =	vst v63  }
0x26e: {  	_ =	swait.ge [sflag:s4], $0x1000  }
0x26f: {  	[sflag:s4] =	ssyncset.done $0x0  }
0x270: {  	s13 =	simm.s32 $0x10040;
	[sflag:s4] =	ssyncadd.s32 $0xFFFFF000  }
0x271: {  	v3 =	vld [tilespmem:s13+$0x30]  }
0x272: {  	v4 =	vld [tilespmem:s13+$0xFFFFFFD0]  }
0x273: {  	v5 =	vld [tilespmem:s13+$0xFFFFFFE0]  }
0x274: {  	v0 =	vld [tilespmem:s13+$0xFFFFFFF0]  }
0x275: {  	s0 =	simm.s32 $0x370;
	v1 =	vld [tilespmem:s13+$0x0]  }
0x276: {  	v2 =	vld [tilespmem:s13+$0x10];
	[tilespmem:s0+$0x0] =	vst v3  }
0x277: {  	[tilespmem:s0+$0xFFFFFFA0] =	vst v4;
	v3 =	vld [tilespmem:s13+$0x20]  }
0x278: {  	s12 =	simm.s32 $0x0;
	v4 =	vld [tilespmem:s13+$0xFFFFFFC0];
	[tilespmem:s0+$0xFFFFFFB0] =	vst v5;
	s13 =	simm.s32 $0x100C0  }
.LBB2_24:
0x279: {  	v5 =	vld [tilespmem:s13+$0x30];
	s12 =	sadd.s32 $0x80, s12;
	[tilespmem:s0+$0xFFFFFFC0] =	vst v0  }
0x27a: {  	v6 =	vld [tilespmem:s13+$0xFFFFFFD0];
	p6 =	slt.u32 s12, $0xF80;
	[tilespmem:s0+$0xFFFFFFD0] =	vst v1  }
0x27b: {  	v7 =	vld [tilespmem:s13+$0xFFFFFFE0];
	[tilespmem:s0+$0xFFFFFFE0] =	vst v2  }
.Ltmp15:
0x27c: {  	v0 =	vld [tilespmem:s13+$0xFFFFFFF0];
	[tilespmem:s0+$0xFFFFFFF0] =	vst v3;
	(pc) =	sbr.rel @p6 .LBB2_24-.Ltmp15, $4  }
0x27d: {  	v1 =	vld [tilespmem:s13+$0x0];
	[tilespmem:s0+$0xFFFFFF90] =	vst v4;
	s0 =	sadd.s32 $0x400, s0  }
0x27e: {  	v2 =	vld [tilespmem:s13+$0x10];
	[tilespmem:s0+$0x0] =	vst v5  }
0x27f: {  	[tilespmem:s0+$0xFFFFFFA0] =	vst v6;
	v3 =	vld [tilespmem:s13+$0x20]  }
0x280: {  	v4 =	vld [tilespmem:s13+$0xFFFFFFC0];
	[tilespmem:s0+$0xFFFFFFB0] =	vst v7;
	s13 =	sadd.s32 $0x80, s13  }
0x281: {  	[tilespmem:s0+$0xFFFFFFC0] =	vst v0  }
0x282: {  	[tilespmem:s0+$0xFFFFFFD0] =	vst v1  }
0x283: {  	[tilespmem:s0+$0xFFFFFFE0] =	vst v2  }
0x284: {  	[tilespmem:s0+$0xFFFFFFF0] =	vst v3  }
0x285: {  	[tilespmem:s0+$0xFFFFFF90] =	vst v4  }
0x286: {  	_ =	swait.ge [sflag:s28], $0x1000  }
0x287: {  	[sflag:s28] =	ssyncset.done $0x0  }
0x288: {  	s13 =	simm.s32 $0x12040;
	[sflag:s28] =	ssyncadd.s32 $0xFFFFF000  }
0x289: {  	v3 =	vld [tilespmem:s13+$0x30]  }
0x28a: {  	v4 =	vld [tilespmem:s13+$0xFFFFFFD0]  }
0x28b: {  	v5 =	vld [tilespmem:s13+$0xFFFFFFE0]  }
0x28c: {  	v0 =	vld [tilespmem:s13+$0xFFFFFFF0]  }
0x28d: {  	s0 =	simm.s32 $0x3F0;
	v1 =	vld [tilespmem:s13+$0x0]  }
0x28e: {  	v2 =	vld [tilespmem:s13+$0x10];
	[tilespmem:s0+$0x0] =	vst v3  }
0x28f: {  	[tilespmem:s0+$0xFFFFFFA0] =	vst v4;
	v3 =	vld [tilespmem:s13+$0x20]  }
0x290: {  	s12 =	simm.s32 $0x0;
	v4 =	vld [tilespmem:s13+$0xFFFFFFC0];
	[tilespmem:s0+$0xFFFFFFB0] =	vst v5;
	s13 =	simm.s32 $0x120C0  }
.LBB2_26:
0x291: {  	v5 =	vld [tilespmem:s13+$0x30];
	s12 =	sadd.s32 $0x80, s12;
	[tilespmem:s0+$0xFFFFFFC0] =	vst v0  }
0x292: {  	v6 =	vld [tilespmem:s13+$0xFFFFFFD0];
	p6 =	slt.u32 s12, $0xF80;
	[tilespmem:s0+$0xFFFFFFD0] =	vst v1  }
0x293: {  	v7 =	vld [tilespmem:s13+$0xFFFFFFE0];
	[tilespmem:s0+$0xFFFFFFE0] =	vst v2  }
.Ltmp16:
0x294: {  	v0 =	vld [tilespmem:s13+$0xFFFFFFF0];
	[tilespmem:s0+$0xFFFFFFF0] =	vst v3;
	(pc) =	sbr.rel @p6 .LBB2_26-.Ltmp16, $4  }
0x295: {  	v1 =	vld [tilespmem:s13+$0x0];
	[tilespmem:s0+$0xFFFFFF90] =	vst v4;
	s0 =	sadd.s32 $0x400, s0  }
0x296: {  	v2 =	vld [tilespmem:s13+$0x10];
	[tilespmem:s0+$0x0] =	vst v5  }
0x297: {  	[tilespmem:s0+$0xFFFFFFA0] =	vst v6;
	v3 =	vld [tilespmem:s13+$0x20]  }
0x298: {  	v4 =	vld [tilespmem:s13+$0xFFFFFFC0];
	[tilespmem:s0+$0xFFFFFFB0] =	vst v7;
	s13 =	sadd.s32 $0x80, s13  }
0x299: {  	[tilespmem:s0+$0xFFFFFFC0] =	vst v0  }
0x29a: {  	[tilespmem:s0+$0xFFFFFFD0] =	vst v1  }
0x29b: {  	[tilespmem:s0+$0xFFFFFFE0] =	vst v2  }
0x29c: {  	[tilespmem:s0+$0xFFFFFFF0] =	vst v3  }
0x29d: {  	[tilespmem:s0+$0xFFFFFF90] =	vst v4  }
.Ltmp17:
0x29e: {  	s0 =	rddreg [dreg:$0xc];
	(pc) =	sbr.rel .LBB2_104-.Ltmp17, $4  }
0x29f: {  	[hbm4b:s0+s3] =	stream.linear.scatter [tilespmem:s3], [sflag:$0x4], $0x8000, $0x38;
	[tilespmem:$0x15F80] =	vst v63  }
0x2a0: {  	_ =	swait.ge [sflag:s31], $0x8000  }
0x2a1: {  	[sflag:s31] =	ssyncset.done $0x0  }
0x2a2: {  	[sflag:s31] =	ssyncadd.s32 $0xFFFF8000  }
.LBB2_28:
.Ltmp18:
0x2a3: {  	(pc) =	sbr.rel @p4 .LBB2_76-.Ltmp18, $1  }
0x2a4: {  	_ =	sdelay $0x3  }
.Ltmp19:
0x2a5: {  	(pc) =	sbr.rel @p5 .LBB2_93-.Ltmp19, $1  }
0x2a6: {  	_ =	sdelay $0x3  }
0x2a7: {  	s0 =	sld [smem:$0x7EC];
	_ =	sdelay $0x2  }
0x2a8: {  	p6 =	seq.s32 s0, $0x1  }
.Ltmp20:
0x2a9: {  	_ = 	snop;
	(pc) =	sbr.rel @!p6 .LBB2_104-.Ltmp20, $1  }
0x2aa: {  	_ =	sdelay $0x3  }
0x2ab: {  	s0 =	sld [smem:$0x7F4];
	_ =	sdelay $0x1  }
0x2ac: {  	s16 =	sld [smem:$0x7F5]  }
0x2ad: {  	[tilespmem:s22], [sflag:$0x1] =	stream.strided.gather [hbm4b:s0+s20], $0x2000, s21, s20, $0x38;
	[tilespmem:$0x15F80] =	vst v63  }
0x2ae: {  	_ = 	snop  }
0x2af: {  	[tilespmem:s24], [sflag:$0x2] =	stream.strided.gather [hbm4b:s16+s20], $0x2000, s21, s20, $0x38;
	[tilespmem:$0x15F80] =	vst v63  }
0x2b0: {  	_ =	swait.ge [sflag:s4], $0x2000  }
0x2b1: {  	[sflag:s4] =	ssyncset.done $0x0  }
0x2b2: {  	s13 =	simm.s32 $0x10040;
	[sflag:s4] =	ssyncadd.s32 $0xFFFFE000  }
0x2b3: {  	v3 =	vld [tilespmem:s13+$0x30]  }
0x2b4: {  	v4 =	vld [tilespmem:s13+$0xFFFFFFD0]  }
0x2b5: {  	v5 =	vld [tilespmem:s13+$0xFFFFFFE0]  }
0x2b6: {  	v0 =	vld [tilespmem:s13+$0xFFFFFFF0]  }
0x2b7: {  	s0 =	simm.s32 $0x40;
	v1 =	vld [tilespmem:s13+$0x0]  }
0x2b8: {  	v2 =	vld [tilespmem:s13+$0x10];
	[tilespmem:s0+$0x30] =	vst v3  }
0x2b9: {  	[tilespmem:s0+$0xFFFFFFD0] =	vst v4;
	v3 =	vld [tilespmem:s13+$0x20]  }
0x2ba: {  	s12 =	simm.s32 $0x0;
	v4 =	vld [tilespmem:s13+$0xFFFFFFC0];
	[tilespmem:s0+$0xFFFFFFE0] =	vst v5;
	s13 =	simm.s32 $0x100C0  }
.LBB2_32:
0x2bb: {  	v5 =	vld [tilespmem:s13+$0x30];
	s12 =	sadd.s32 $0x80, s12;
	[tilespmem:s0+$0xFFFFFFF0] =	vst v0  }
0x2bc: {  	v6 =	vld [tilespmem:s13+$0xFFFFFFD0];
	p6 =	slt.u32 s12, $0x1F80;
	[tilespmem:s0+$0x0] =	vst v1  }
0x2bd: {  	v7 =	vld [tilespmem:s13+$0xFFFFFFE0];
	[tilespmem:s0+$0x10] =	vst v2  }
.Ltmp21:
0x2be: {  	v0 =	vld [tilespmem:s13+$0xFFFFFFF0];
	[tilespmem:s0+$0x20] =	vst v3;
	(pc) =	sbr.rel @p6 .LBB2_32-.Ltmp21, $4  }
0x2bf: {  	v1 =	vld [tilespmem:s13+$0x0];
	[tilespmem:s0+$0xFFFFFFC0] =	vst v4;
	s0 =	sadd.s32 $0x400, s0  }
0x2c0: {  	v2 =	vld [tilespmem:s13+$0x10];
	[tilespmem:s0+$0x30] =	vst v5  }
0x2c1: {  	[tilespmem:s0+$0xFFFFFFD0] =	vst v6;
	v3 =	vld [tilespmem:s13+$0x20]  }
0x2c2: {  	v4 =	vld [tilespmem:s13+$0xFFFFFFC0];
	[tilespmem:s0+$0xFFFFFFE0] =	vst v7;
	s13 =	sadd.s32 $0x80, s13  }
0x2c3: {  	[tilespmem:s0+$0xFFFFFFF0] =	vst v0  }
0x2c4: {  	[tilespmem:s0+$0x0] =	vst v1  }
0x2c5: {  	[tilespmem:s0+$0x10] =	vst v2  }
0x2c6: {  	[tilespmem:s0+$0x20] =	vst v3  }
0x2c7: {  	[tilespmem:s0+$0xFFFFFFC0] =	vst v4  }
0x2c8: {  	s0 =	sld [smem:$0x7F6];
	_ =	sdelay $0x2  }
0x2c9: {  	[tilespmem:s22], [sflag:$0x1] =	stream.strided.gather [hbm4b:s0+s20], $0x2000, s21, s20, $0x38;
	[tilespmem:$0x15F80] =	vst v63  }
0x2ca: {  	_ =	swait.ge [sflag:s28], $0x2000  }
0x2cb: {  	[sflag:s28] =	ssyncset.done $0x0  }
0x2cc: {  	s13 =	simm.s32 $0x12040;
	[sflag:s28] =	ssyncadd.s32 $0xFFFFE000  }
0x2cd: {  	v3 =	vld [tilespmem:s13+$0x30]  }
0x2ce: {  	v4 =	vld [tilespmem:s13+$0xFFFFFFD0]  }
0x2cf: {  	v5 =	vld [tilespmem:s13+$0xFFFFFFE0]  }
0x2d0: {  	v0 =	vld [tilespmem:s13+$0xFFFFFFF0]  }
0x2d1: {  	s0 =	simm.s32 $0xF0;
	v1 =	vld [tilespmem:s13+$0x0]  }
0x2d2: {  	v2 =	vld [tilespmem:s13+$0x10];
	[tilespmem:s0+$0x0] =	vst v3  }
0x2d3: {  	[tilespmem:s0+$0xFFFFFFA0] =	vst v4;
	v3 =	vld [tilespmem:s13+$0x20]  }
0x2d4: {  	s12 =	simm.s32 $0x0;
	v4 =	vld [tilespmem:s13+$0xFFFFFFC0];
	[tilespmem:s0+$0xFFFFFFB0] =	vst v5;
	s13 =	simm.s32 $0x120C0  }
.LBB2_34:
0x2d5: {  	v5 =	vld [tilespmem:s13+$0x30];
	s12 =	sadd.s32 $0x80, s12;
	[tilespmem:s0+$0xFFFFFFC0] =	vst v0  }
0x2d6: {  	v6 =	vld [tilespmem:s13+$0xFFFFFFD0];
	p6 =	slt.u32 s12, $0x1F80;
	[tilespmem:s0+$0xFFFFFFD0] =	vst v1  }
0x2d7: {  	v7 =	vld [tilespmem:s13+$0xFFFFFFE0];
	[tilespmem:s0+$0xFFFFFFE0] =	vst v2  }
.Ltmp22:
0x2d8: {  	v0 =	vld [tilespmem:s13+$0xFFFFFFF0];
	[tilespmem:s0+$0xFFFFFFF0] =	vst v3;
	(pc) =	sbr.rel @p6 .LBB2_34-.Ltmp22, $4  }
0x2d9: {  	v1 =	vld [tilespmem:s13+$0x0];
	[tilespmem:s0+$0xFFFFFF90] =	vst v4;
	s0 =	sadd.s32 $0x400, s0  }
0x2da: {  	v2 =	vld [tilespmem:s13+$0x10];
	[tilespmem:s0+$0x0] =	vst v5  }
0x2db: {  	[tilespmem:s0+$0xFFFFFFA0] =	vst v6;
	v3 =	vld [tilespmem:s13+$0x20]  }
0x2dc: {  	v4 =	vld [tilespmem:s13+$0xFFFFFFC0];
	[tilespmem:s0+$0xFFFFFFB0] =	vst v7;
	s13 =	sadd.s32 $0x80, s13  }
0x2dd: {  	[tilespmem:s0+$0xFFFFFFC0] =	vst v0  }
0x2de: {  	[tilespmem:s0+$0xFFFFFFD0] =	vst v1  }
0x2df: {  	[tilespmem:s0+$0xFFFFFFE0] =	vst v2  }
0x2e0: {  	[tilespmem:s0+$0xFFFFFFF0] =	vst v3  }
0x2e1: {  	[tilespmem:s0+$0xFFFFFF90] =	vst v4  }
0x2e2: {  	s0 =	sld [smem:$0x7F7];
	_ =	sdelay $0x2  }
0x2e3: {  	[tilespmem:s24], [sflag:$0x2] =	stream.strided.gather [hbm4b:s0+s20], $0x2000, s21, s20, $0x38;
	[tilespmem:$0x15F80] =	vst v63  }
0x2e4: {  	_ =	swait.ge [sflag:s4], $0x2000  }
0x2e5: {  	[sflag:s4] =	ssyncset.done $0x0  }
0x2e6: {  	s13 =	simm.s32 $0x10040;
	[sflag:s4] =	ssyncadd.s32 $0xFFFFE000  }
0x2e7: {  	v3 =	vld [tilespmem:s13+$0x30]  }
0x2e8: {  	v4 =	vld [tilespmem:s13+$0xFFFFFFD0]  }
0x2e9: {  	v5 =	vld [tilespmem:s13+$0xFFFFFFE0]  }
0x2ea: {  	v0 =	vld [tilespmem:s13+$0xFFFFFFF0]  }
0x2eb: {  	s0 =	simm.s32 $0x170;
	v1 =	vld [tilespmem:s13+$0x0]  }
0x2ec: {  	v2 =	vld [tilespmem:s13+$0x10];
	[tilespmem:s0+$0x0] =	vst v3  }
0x2ed: {  	[tilespmem:s0+$0xFFFFFFA0] =	vst v4;
	v3 =	vld [tilespmem:s13+$0x20]  }
0x2ee: {  	s12 =	simm.s32 $0x0;
	v4 =	vld [tilespmem:s13+$0xFFFFFFC0];
	[tilespmem:s0+$0xFFFFFFB0] =	vst v5;
	s13 =	simm.s32 $0x100C0  }
.LBB2_36:
0x2ef: {  	v5 =	vld [tilespmem:s13+$0x30];
	s12 =	sadd.s32 $0x80, s12;
	[tilespmem:s0+$0xFFFFFFC0] =	vst v0  }
0x2f0: {  	v6 =	vld [tilespmem:s13+$0xFFFFFFD0];
	p6 =	slt.u32 s12, $0x1F80;
	[tilespmem:s0+$0xFFFFFFD0] =	vst v1  }
0x2f1: {  	v7 =	vld [tilespmem:s13+$0xFFFFFFE0];
	[tilespmem:s0+$0xFFFFFFE0] =	vst v2  }
.Ltmp23:
0x2f2: {  	v0 =	vld [tilespmem:s13+$0xFFFFFFF0];
	[tilespmem:s0+$0xFFFFFFF0] =	vst v3;
	(pc) =	sbr.rel @p6 .LBB2_36-.Ltmp23, $4  }
0x2f3: {  	v1 =	vld [tilespmem:s13+$0x0];
	[tilespmem:s0+$0xFFFFFF90] =	vst v4;
	s0 =	sadd.s32 $0x400, s0  }
0x2f4: {  	v2 =	vld [tilespmem:s13+$0x10];
	[tilespmem:s0+$0x0] =	vst v5  }
0x2f5: {  	[tilespmem:s0+$0xFFFFFFA0] =	vst v6;
	v3 =	vld [tilespmem:s13+$0x20]  }
0x2f6: {  	v4 =	vld [tilespmem:s13+$0xFFFFFFC0];
	[tilespmem:s0+$0xFFFFFFB0] =	vst v7;
	s13 =	sadd.s32 $0x80, s13  }
0x2f7: {  	[tilespmem:s0+$0xFFFFFFC0] =	vst v0  }
0x2f8: {  	[tilespmem:s0+$0xFFFFFFD0] =	vst v1  }
0x2f9: {  	[tilespmem:s0+$0xFFFFFFE0] =	vst v2  }
0x2fa: {  	[tilespmem:s0+$0xFFFFFFF0] =	vst v3  }
0x2fb: {  	[tilespmem:s0+$0xFFFFFF90] =	vst v4  }
0x2fc: {  	s0 =	sld [smem:$0x7F8];
	_ =	sdelay $0x2  }
0x2fd: {  	[tilespmem:s22], [sflag:$0x1] =	stream.strided.gather [hbm4b:s0+s20], $0x2000, s21, s20, $0x38;
	[tilespmem:$0x15F80] =	vst v63  }
0x2fe: {  	_ =	swait.ge [sflag:s28], $0x2000  }
0x2ff: {  	[sflag:s28] =	ssyncset.done $0x0  }
0x300: {  	s13 =	simm.s32 $0x12040;
	[sflag:s28] =	ssyncadd.s32 $0xFFFFE000  }
0x301: {  	v3 =	vld [tilespmem:s13+$0x30]  }
0x302: {  	v4 =	vld [tilespmem:s13+$0xFFFFFFD0]  }
0x303: {  	v5 =	vld [tilespmem:s13+$0xFFFFFFE0]  }
0x304: {  	v0 =	vld [tilespmem:s13+$0xFFFFFFF0]  }
0x305: {  	s0 =	simm.s32 $0x1F0;
	v1 =	vld [tilespmem:s13+$0x0]  }
0x306: {  	v2 =	vld [tilespmem:s13+$0x10];
	[tilespmem:s0+$0x0] =	vst v3  }
0x307: {  	[tilespmem:s0+$0xFFFFFFA0] =	vst v4;
	v3 =	vld [tilespmem:s13+$0x20]  }
0x308: {  	s12 =	simm.s32 $0x0;
	v4 =	vld [tilespmem:s13+$0xFFFFFFC0];
	[tilespmem:s0+$0xFFFFFFB0] =	vst v5;
	s13 =	simm.s32 $0x120C0  }
.LBB2_38:
0x309: {  	v5 =	vld [tilespmem:s13+$0x30];
	s12 =	sadd.s32 $0x80, s12;
	[tilespmem:s0+$0xFFFFFFC0] =	vst v0  }
0x30a: {  	v6 =	vld [tilespmem:s13+$0xFFFFFFD0];
	p6 =	slt.u32 s12, $0x1F80;
	[tilespmem:s0+$0xFFFFFFD0] =	vst v1  }
0x30b: {  	v7 =	vld [tilespmem:s13+$0xFFFFFFE0];
	[tilespmem:s0+$0xFFFFFFE0] =	vst v2  }
.Ltmp24:
0x30c: {  	v0 =	vld [tilespmem:s13+$0xFFFFFFF0];
	[tilespmem:s0+$0xFFFFFFF0] =	vst v3;
	(pc) =	sbr.rel @p6 .LBB2_38-.Ltmp24, $4  }
0x30d: {  	v1 =	vld [tilespmem:s13+$0x0];
	[tilespmem:s0+$0xFFFFFF90] =	vst v4;
	s0 =	sadd.s32 $0x400, s0  }
0x30e: {  	v2 =	vld [tilespmem:s13+$0x10];
	[tilespmem:s0+$0x0] =	vst v5  }
0x30f: {  	[tilespmem:s0+$0xFFFFFFA0] =	vst v6;
	v3 =	vld [tilespmem:s13+$0x20]  }
0x310: {  	v4 =	vld [tilespmem:s13+$0xFFFFFFC0];
	[tilespmem:s0+$0xFFFFFFB0] =	vst v7;
	s13 =	sadd.s32 $0x80, s13  }
0x311: {  	[tilespmem:s0+$0xFFFFFFC0] =	vst v0  }
0x312: {  	[tilespmem:s0+$0xFFFFFFD0] =	vst v1  }
0x313: {  	[tilespmem:s0+$0xFFFFFFE0] =	vst v2  }
0x314: {  	[tilespmem:s0+$0xFFFFFFF0] =	vst v3  }
0x315: {  	[tilespmem:s0+$0xFFFFFF90] =	vst v4  }
0x316: {  	_ =	swait.ge [sflag:s4], $0x2000  }
0x317: {  	[sflag:s4] =	ssyncset.done $0x0  }
0x318: {  	s13 =	simm.s32 $0x10040;
	[sflag:s4] =	ssyncadd.s32 $0xFFFFE000  }
0x319: {  	v3 =	vld [tilespmem:s13+$0x30]  }
0x31a: {  	v4 =	vld [tilespmem:s13+$0xFFFFFFD0]  }
0x31b: {  	v5 =	vld [tilespmem:s13+$0xFFFFFFE0]  }
0x31c: {  	v0 =	vld [tilespmem:s13+$0xFFFFFFF0]  }
0x31d: {  	s0 =	simm.s32 $0x270;
	v1 =	vld [tilespmem:s13+$0x0]  }
0x31e: {  	v2 =	vld [tilespmem:s13+$0x10];
	[tilespmem:s0+$0x0] =	vst v3  }
0x31f: {  	[tilespmem:s0+$0xFFFFFFA0] =	vst v4;
	v3 =	vld [tilespmem:s13+$0x20]  }
0x320: {  	s12 =	simm.s32 $0x0;
	v4 =	vld [tilespmem:s13+$0xFFFFFFC0];
	[tilespmem:s0+$0xFFFFFFB0] =	vst v5;
	s13 =	simm.s32 $0x100C0  }
.LBB2_40:
0x321: {  	v5 =	vld [tilespmem:s13+$0x30];
	s12 =	sadd.s32 $0x80, s12;
	[tilespmem:s0+$0xFFFFFFC0] =	vst v0  }
0x322: {  	v6 =	vld [tilespmem:s13+$0xFFFFFFD0];
	p6 =	slt.u32 s12, $0x1F80;
	[tilespmem:s0+$0xFFFFFFD0] =	vst v1  }
0x323: {  	v7 =	vld [tilespmem:s13+$0xFFFFFFE0];
	[tilespmem:s0+$0xFFFFFFE0] =	vst v2  }
.Ltmp25:
0x324: {  	v0 =	vld [tilespmem:s13+$0xFFFFFFF0];
	[tilespmem:s0+$0xFFFFFFF0] =	vst v3;
	(pc) =	sbr.rel @p6 .LBB2_40-.Ltmp25, $4  }
0x325: {  	v1 =	vld [tilespmem:s13+$0x0];
	[tilespmem:s0+$0xFFFFFF90] =	vst v4;
	s0 =	sadd.s32 $0x400, s0  }
0x326: {  	v2 =	vld [tilespmem:s13+$0x10];
	[tilespmem:s0+$0x0] =	vst v5  }
0x327: {  	[tilespmem:s0+$0xFFFFFFA0] =	vst v6;
	v3 =	vld [tilespmem:s13+$0x20]  }
0x328: {  	v4 =	vld [tilespmem:s13+$0xFFFFFFC0];
	[tilespmem:s0+$0xFFFFFFB0] =	vst v7;
	s13 =	sadd.s32 $0x80, s13  }
0x329: {  	[tilespmem:s0+$0xFFFFFFC0] =	vst v0  }
0x32a: {  	[tilespmem:s0+$0xFFFFFFD0] =	vst v1  }
0x32b: {  	[tilespmem:s0+$0xFFFFFFE0] =	vst v2  }
0x32c: {  	[tilespmem:s0+$0xFFFFFFF0] =	vst v3  }
0x32d: {  	[tilespmem:s0+$0xFFFFFF90] =	vst v4  }
.Ltmp26:
0x32e: {  	s0 =	rddreg [dreg:$0xf];
	(pc) =	sbr.rel .LBB2_104-.Ltmp26, $4  }
0x32f: {  	[hbm4b:s0+s3] =	stream.linear.scatter [tilespmem:s3], [sflag:$0x4], $0x10000, $0x38;
	[tilespmem:$0x15F80] =	vst v63  }
0x330: {  	_ =	swait.ge [sflag:s31], $0x10000  }
0x331: {  	[sflag:s31] =	ssyncset.done $0x0  }
0x332: {  	[sflag:s31] =	ssyncadd.s32 $0xFFFF0000  }
.LBB2_42:
0x333: {  	s0 =	sld [smem:$0x7F9]  }
0x334: {  	[tilespmem:s22], [sflag:$0x1] =	stream.strided.gather [hbm4b:s1+s20], $0x1000, s21, s20, $0x38;
	[tilespmem:$0x15F80] =	vst v63  }
0x335: {  	_ = 	snop  }
0x336: {  	[tilespmem:s24], [sflag:$0x2] =	stream.strided.gather [hbm4b:s0+s20], $0x1000, s21, s20, $0x38;
	[tilespmem:$0x15F80] =	vst v63  }
0x337: {  	_ =	swait.ge [sflag:s4], $0x1000  }
0x338: {  	[sflag:s4] =	ssyncset.done $0x0  }
0x339: {  	s13 =	simm.s32 $0x10040;
	[sflag:s4] =	ssyncadd.s32 $0xFFFFF000  }
0x33a: {  	v3 =	vld [tilespmem:s13+$0x30]  }
0x33b: {  	v4 =	vld [tilespmem:s13+$0xFFFFFFD0]  }
0x33c: {  	v5 =	vld [tilespmem:s13+$0xFFFFFFE0]  }
0x33d: {  	v0 =	vld [tilespmem:s13+$0xFFFFFFF0]  }
0x33e: {  	s0 =	simm.s32 $0x40;
	v1 =	vld [tilespmem:s13+$0x0]  }
0x33f: {  	v2 =	vld [tilespmem:s13+$0x10];
	[tilespmem:s0+$0x30] =	vst v3  }
0x340: {  	[tilespmem:s0+$0xFFFFFFD0] =	vst v4;
	v3 =	vld [tilespmem:s13+$0x20]  }
0x341: {  	s12 =	simm.s32 $0x0;
	v4 =	vld [tilespmem:s13+$0xFFFFFFC0];
	[tilespmem:s0+$0xFFFFFFE0] =	vst v5;
	s13 =	simm.s32 $0x100C0  }
.LBB2_43:
0x342: {  	v5 =	vld [tilespmem:s13+$0x30];
	s12 =	sadd.s32 $0x80, s12;
	[tilespmem:s0+$0xFFFFFFF0] =	vst v0  }
0x343: {  	v6 =	vld [tilespmem:s13+$0xFFFFFFD0];
	p6 =	slt.u32 s12, $0xF80;
	[tilespmem:s0+$0x0] =	vst v1  }
0x344: {  	v7 =	vld [tilespmem:s13+$0xFFFFFFE0];
	[tilespmem:s0+$0x10] =	vst v2  }
.Ltmp27:
0x345: {  	v0 =	vld [tilespmem:s13+$0xFFFFFFF0];
	[tilespmem:s0+$0x20] =	vst v3;
	(pc) =	sbr.rel @p6 .LBB2_43-.Ltmp27, $4  }
0x346: {  	v1 =	vld [tilespmem:s13+$0x0];
	[tilespmem:s0+$0xFFFFFFC0] =	vst v4;
	s0 =	sadd.s32 $0x400, s0  }
0x347: {  	v2 =	vld [tilespmem:s13+$0x10];
	[tilespmem:s0+$0x30] =	vst v5  }
0x348: {  	[tilespmem:s0+$0xFFFFFFD0] =	vst v6;
	v3 =	vld [tilespmem:s13+$0x20]  }
0x349: {  	v4 =	vld [tilespmem:s13+$0xFFFFFFC0];
	[tilespmem:s0+$0xFFFFFFE0] =	vst v7;
	s13 =	sadd.s32 $0x80, s13  }
0x34a: {  	[tilespmem:s0+$0xFFFFFFF0] =	vst v0  }
0x34b: {  	[tilespmem:s0+$0x0] =	vst v1  }
0x34c: {  	[tilespmem:s0+$0x10] =	vst v2  }
0x34d: {  	[tilespmem:s0+$0x20] =	vst v3  }
0x34e: {  	[tilespmem:s0+$0xFFFFFFC0] =	vst v4  }
0x34f: {  	s0 =	sld [smem:$0x7FA];
	_ =	sdelay $0x2  }
0x350: {  	[tilespmem:s22], [sflag:$0x1] =	stream.strided.gather [hbm4b:s0+s20], $0x1000, s21, s20, $0x38;
	[tilespmem:$0x15F80] =	vst v63  }
0x351: {  	_ =	swait.ge [sflag:s28], $0x1000  }
0x352: {  	[sflag:s28] =	ssyncset.done $0x0  }
0x353: {  	s13 =	simm.s32 $0x12040;
	[sflag:s28] =	ssyncadd.s32 $0xFFFFF000  }
0x354: {  	v3 =	vld [tilespmem:s13+$0x30]  }
0x355: {  	v4 =	vld [tilespmem:s13+$0xFFFFFFD0]  }
0x356: {  	v5 =	vld [tilespmem:s13+$0xFFFFFFE0]  }
0x357: {  	v0 =	vld [tilespmem:s13+$0xFFFFFFF0]  }
0x358: {  	s0 =	simm.s32 $0xF0;
	v1 =	vld [tilespmem:s13+$0x0]  }
0x359: {  	v2 =	vld [tilespmem:s13+$0x10];
	[tilespmem:s0+$0x0] =	vst v3  }
0x35a: {  	[tilespmem:s0+$0xFFFFFFA0] =	vst v4;
	v3 =	vld [tilespmem:s13+$0x20]  }
0x35b: {  	s12 =	simm.s32 $0x0;
	v4 =	vld [tilespmem:s13+$0xFFFFFFC0];
	[tilespmem:s0+$0xFFFFFFB0] =	vst v5;
	s13 =	simm.s32 $0x120C0  }
.LBB2_45:
0x35c: {  	v5 =	vld [tilespmem:s13+$0x30];
	s12 =	sadd.s32 $0x80, s12;
	[tilespmem:s0+$0xFFFFFFC0] =	vst v0  }
0x35d: {  	v6 =	vld [tilespmem:s13+$0xFFFFFFD0];
	p6 =	slt.u32 s12, $0xF80;
	[tilespmem:s0+$0xFFFFFFD0] =	vst v1  }
0x35e: {  	v7 =	vld [tilespmem:s13+$0xFFFFFFE0];
	[tilespmem:s0+$0xFFFFFFE0] =	vst v2  }
.Ltmp28:
0x35f: {  	v0 =	vld [tilespmem:s13+$0xFFFFFFF0];
	[tilespmem:s0+$0xFFFFFFF0] =	vst v3;
	(pc) =	sbr.rel @p6 .LBB2_45-.Ltmp28, $4  }
0x360: {  	v1 =	vld [tilespmem:s13+$0x0];
	[tilespmem:s0+$0xFFFFFF90] =	vst v4;
	s0 =	sadd.s32 $0x400, s0  }
0x361: {  	v2 =	vld [tilespmem:s13+$0x10];
	[tilespmem:s0+$0x0] =	vst v5  }
0x362: {  	[tilespmem:s0+$0xFFFFFFA0] =	vst v6;
	v3 =	vld [tilespmem:s13+$0x20]  }
0x363: {  	v4 =	vld [tilespmem:s13+$0xFFFFFFC0];
	[tilespmem:s0+$0xFFFFFFB0] =	vst v7;
	s13 =	sadd.s32 $0x80, s13  }
0x364: {  	[tilespmem:s0+$0xFFFFFFC0] =	vst v0  }
0x365: {  	[tilespmem:s0+$0xFFFFFFD0] =	vst v1  }
0x366: {  	[tilespmem:s0+$0xFFFFFFE0] =	vst v2  }
0x367: {  	[tilespmem:s0+$0xFFFFFFF0] =	vst v3  }
0x368: {  	[tilespmem:s0+$0xFFFFFF90] =	vst v4  }
0x369: {  	s0 =	sld [smem:$0x7FB];
	_ =	sdelay $0x2  }
0x36a: {  	[tilespmem:s24], [sflag:$0x2] =	stream.strided.gather [hbm4b:s0+s20], $0x1000, s21, s20, $0x38;
	[tilespmem:$0x15F80] =	vst v63  }
0x36b: {  	_ =	swait.ge [sflag:s4], $0x1000  }
0x36c: {  	[sflag:s4] =	ssyncset.done $0x0  }
0x36d: {  	s13 =	simm.s32 $0x10040;
	[sflag:s4] =	ssyncadd.s32 $0xFFFFF000  }
0x36e: {  	v3 =	vld [tilespmem:s13+$0x30]  }
0x36f: {  	v4 =	vld [tilespmem:s13+$0xFFFFFFD0]  }
0x370: {  	v5 =	vld [tilespmem:s13+$0xFFFFFFE0]  }
0x371: {  	v0 =	vld [tilespmem:s13+$0xFFFFFFF0]  }
0x372: {  	s0 =	simm.s32 $0x170;
	v1 =	vld [tilespmem:s13+$0x0]  }
0x373: {  	v2 =	vld [tilespmem:s13+$0x10];
	[tilespmem:s0+$0x0] =	vst v3  }
0x374: {  	[tilespmem:s0+$0xFFFFFFA0] =	vst v4;
	v3 =	vld [tilespmem:s13+$0x20]  }
0x375: {  	s12 =	simm.s32 $0x0;
	v4 =	vld [tilespmem:s13+$0xFFFFFFC0];
	[tilespmem:s0+$0xFFFFFFB0] =	vst v5;
	s13 =	simm.s32 $0x100C0  }
.LBB2_47:
0x376: {  	v5 =	vld [tilespmem:s13+$0x30];
	s12 =	sadd.s32 $0x80, s12;
	[tilespmem:s0+$0xFFFFFFC0] =	vst v0  }
0x377: {  	v6 =	vld [tilespmem:s13+$0xFFFFFFD0];
	p6 =	slt.u32 s12, $0xF80;
	[tilespmem:s0+$0xFFFFFFD0] =	vst v1  }
0x378: {  	v7 =	vld [tilespmem:s13+$0xFFFFFFE0];
	[tilespmem:s0+$0xFFFFFFE0] =	vst v2  }
.Ltmp29:
0x379: {  	v0 =	vld [tilespmem:s13+$0xFFFFFFF0];
	[tilespmem:s0+$0xFFFFFFF0] =	vst v3;
	(pc) =	sbr.rel @p6 .LBB2_47-.Ltmp29, $4  }
0x37a: {  	v1 =	vld [tilespmem:s13+$0x0];
	[tilespmem:s0+$0xFFFFFF90] =	vst v4;
	s0 =	sadd.s32 $0x400, s0  }
0x37b: {  	v2 =	vld [tilespmem:s13+$0x10];
	[tilespmem:s0+$0x0] =	vst v5  }
0x37c: {  	[tilespmem:s0+$0xFFFFFFA0] =	vst v6;
	v3 =	vld [tilespmem:s13+$0x20]  }
0x37d: {  	v4 =	vld [tilespmem:s13+$0xFFFFFFC0];
	[tilespmem:s0+$0xFFFFFFB0] =	vst v7;
	s13 =	sadd.s32 $0x80, s13  }
0x37e: {  	[tilespmem:s0+$0xFFFFFFC0] =	vst v0  }
0x37f: {  	[tilespmem:s0+$0xFFFFFFD0] =	vst v1  }
0x380: {  	[tilespmem:s0+$0xFFFFFFE0] =	vst v2  }
0x381: {  	[tilespmem:s0+$0xFFFFFFF0] =	vst v3  }
0x382: {  	[tilespmem:s0+$0xFFFFFF90] =	vst v4  }
0x383: {  	s0 =	sld [smem:$0x7FC];
	_ =	sdelay $0x2  }
0x384: {  	[tilespmem:s22], [sflag:$0x1] =	stream.strided.gather [hbm4b:s0+s20], $0x1000, s21, s20, $0x38;
	[tilespmem:$0x15F80] =	vst v63  }
0x385: {  	_ =	swait.ge [sflag:s28], $0x1000  }
0x386: {  	[sflag:s28] =	ssyncset.done $0x0  }
0x387: {  	s13 =	simm.s32 $0x12040;
	[sflag:s28] =	ssyncadd.s32 $0xFFFFF000  }
0x388: {  	v3 =	vld [tilespmem:s13+$0x30]  }
0x389: {  	v4 =	vld [tilespmem:s13+$0xFFFFFFD0]  }
0x38a: {  	v5 =	vld [tilespmem:s13+$0xFFFFFFE0]  }
0x38b: {  	v0 =	vld [tilespmem:s13+$0xFFFFFFF0]  }
0x38c: {  	s0 =	simm.s32 $0x1F0;
	v1 =	vld [tilespmem:s13+$0x0]  }
0x38d: {  	v2 =	vld [tilespmem:s13+$0x10];
	[tilespmem:s0+$0x0] =	vst v3  }
0x38e: {  	[tilespmem:s0+$0xFFFFFFA0] =	vst v4;
	v3 =	vld [tilespmem:s13+$0x20]  }
0x38f: {  	s12 =	simm.s32 $0x0;
	v4 =	vld [tilespmem:s13+$0xFFFFFFC0];
	[tilespmem:s0+$0xFFFFFFB0] =	vst v5;
	s13 =	simm.s32 $0x120C0  }
.LBB2_49:
0x390: {  	v5 =	vld [tilespmem:s13+$0x30];
	s12 =	sadd.s32 $0x80, s12;
	[tilespmem:s0+$0xFFFFFFC0] =	vst v0  }
0x391: {  	v6 =	vld [tilespmem:s13+$0xFFFFFFD0];
	p6 =	slt.u32 s12, $0xF80;
	[tilespmem:s0+$0xFFFFFFD0] =	vst v1  }
0x392: {  	v7 =	vld [tilespmem:s13+$0xFFFFFFE0];
	[tilespmem:s0+$0xFFFFFFE0] =	vst v2  }
.Ltmp30:
0x393: {  	v0 =	vld [tilespmem:s13+$0xFFFFFFF0];
	[tilespmem:s0+$0xFFFFFFF0] =	vst v3;
	(pc) =	sbr.rel @p6 .LBB2_49-.Ltmp30, $4  }
0x394: {  	v1 =	vld [tilespmem:s13+$0x0];
	[tilespmem:s0+$0xFFFFFF90] =	vst v4;
	s0 =	sadd.s32 $0x400, s0  }
0x395: {  	v2 =	vld [tilespmem:s13+$0x10];
	[tilespmem:s0+$0x0] =	vst v5  }
0x396: {  	[tilespmem:s0+$0xFFFFFFA0] =	vst v6;
	v3 =	vld [tilespmem:s13+$0x20]  }
0x397: {  	v4 =	vld [tilespmem:s13+$0xFFFFFFC0];
	[tilespmem:s0+$0xFFFFFFB0] =	vst v7;
	s13 =	sadd.s32 $0x80, s13  }
0x398: {  	[tilespmem:s0+$0xFFFFFFC0] =	vst v0  }
0x399: {  	[tilespmem:s0+$0xFFFFFFD0] =	vst v1  }
0x39a: {  	[tilespmem:s0+$0xFFFFFFE0] =	vst v2  }
0x39b: {  	[tilespmem:s0+$0xFFFFFFF0] =	vst v3  }
0x39c: {  	[tilespmem:s0+$0xFFFFFF90] =	vst v4  }
0x39d: {  	s0 =	sld [smem:$0x7FD];
	_ =	sdelay $0x2  }
0x39e: {  	[tilespmem:s24], [sflag:$0x2] =	stream.strided.gather [hbm4b:s0+s20], $0x1000, s21, s20, $0x38;
	[tilespmem:$0x15F80] =	vst v63  }
0x39f: {  	_ =	swait.ge [sflag:s4], $0x1000  }
0x3a0: {  	[sflag:s4] =	ssyncset.done $0x0  }
0x3a1: {  	s13 =	simm.s32 $0x10040;
	[sflag:s4] =	ssyncadd.s32 $0xFFFFF000  }
0x3a2: {  	v3 =	vld [tilespmem:s13+$0x30]  }
0x3a3: {  	v4 =	vld [tilespmem:s13+$0xFFFFFFD0]  }
0x3a4: {  	v5 =	vld [tilespmem:s13+$0xFFFFFFE0]  }
0x3a5: {  	v0 =	vld [tilespmem:s13+$0xFFFFFFF0]  }
0x3a6: {  	s0 =	simm.s32 $0x270;
	v1 =	vld [tilespmem:s13+$0x0]  }
0x3a7: {  	v2 =	vld [tilespmem:s13+$0x10];
	[tilespmem:s0+$0x0] =	vst v3  }
0x3a8: {  	[tilespmem:s0+$0xFFFFFFA0] =	vst v4;
	v3 =	vld [tilespmem:s13+$0x20]  }
0x3a9: {  	s12 =	simm.s32 $0x0;
	v4 =	vld [tilespmem:s13+$0xFFFFFFC0];
	[tilespmem:s0+$0xFFFFFFB0] =	vst v5;
	s13 =	simm.s32 $0x100C0  }
.LBB2_51:
0x3aa: {  	v5 =	vld [tilespmem:s13+$0x30];
	s12 =	sadd.s32 $0x80, s12;
	[tilespmem:s0+$0xFFFFFFC0] =	vst v0  }
0x3ab: {  	v6 =	vld [tilespmem:s13+$0xFFFFFFD0];
	p6 =	slt.u32 s12, $0xF80;
	[tilespmem:s0+$0xFFFFFFD0] =	vst v1  }
0x3ac: {  	v7 =	vld [tilespmem:s13+$0xFFFFFFE0];
	[tilespmem:s0+$0xFFFFFFE0] =	vst v2  }
.Ltmp31:
0x3ad: {  	v0 =	vld [tilespmem:s13+$0xFFFFFFF0];
	[tilespmem:s0+$0xFFFFFFF0] =	vst v3;
	(pc) =	sbr.rel @p6 .LBB2_51-.Ltmp31, $4  }
0x3ae: {  	v1 =	vld [tilespmem:s13+$0x0];
	[tilespmem:s0+$0xFFFFFF90] =	vst v4;
	s0 =	sadd.s32 $0x400, s0  }
0x3af: {  	v2 =	vld [tilespmem:s13+$0x10];
	[tilespmem:s0+$0x0] =	vst v5  }
0x3b0: {  	[tilespmem:s0+$0xFFFFFFA0] =	vst v6;
	v3 =	vld [tilespmem:s13+$0x20]  }
0x3b1: {  	v4 =	vld [tilespmem:s13+$0xFFFFFFC0];
	[tilespmem:s0+$0xFFFFFFB0] =	vst v7;
	s13 =	sadd.s32 $0x80, s13  }
0x3b2: {  	[tilespmem:s0+$0xFFFFFFC0] =	vst v0  }
0x3b3: {  	[tilespmem:s0+$0xFFFFFFD0] =	vst v1  }
0x3b4: {  	[tilespmem:s0+$0xFFFFFFE0] =	vst v2  }
0x3b5: {  	[tilespmem:s0+$0xFFFFFFF0] =	vst v3  }
0x3b6: {  	[tilespmem:s0+$0xFFFFFF90] =	vst v4  }
0x3b7: {  	[tilespmem:s22], [sflag:$0x1] =	stream.strided.gather [hbm4b:s17+s20], $0x1000, s21, s20, $0x38;
	[tilespmem:$0x15F80] =	vst v63  }
0x3b8: {  	_ =	swait.ge [sflag:s28], $0x1000  }
0x3b9: {  	[sflag:s28] =	ssyncset.done $0x0  }
0x3ba: {  	s13 =	simm.s32 $0x12040;
	[sflag:s28] =	ssyncadd.s32 $0xFFFFF000  }
0x3bb: {  	v3 =	vld [tilespmem:s13+$0x30]  }
0x3bc: {  	v4 =	vld [tilespmem:s13+$0xFFFFFFD0]  }
0x3bd: {  	v5 =	vld [tilespmem:s13+$0xFFFFFFE0]  }
0x3be: {  	v0 =	vld [tilespmem:s13+$0xFFFFFFF0]  }
0x3bf: {  	s0 =	simm.s32 $0x2F0;
	v1 =	vld [tilespmem:s13+$0x0]  }
0x3c0: {  	v2 =	vld [tilespmem:s13+$0x10];
	[tilespmem:s0+$0x0] =	vst v3  }
0x3c1: {  	[tilespmem:s0+$0xFFFFFFA0] =	vst v4;
	v3 =	vld [tilespmem:s13+$0x20]  }
0x3c2: {  	s12 =	simm.s32 $0x0;
	v4 =	vld [tilespmem:s13+$0xFFFFFFC0];
	[tilespmem:s0+$0xFFFFFFB0] =	vst v5;
	s13 =	simm.s32 $0x120C0  }
.LBB2_53:
0x3c3: {  	v5 =	vld [tilespmem:s13+$0x30];
	s12 =	sadd.s32 $0x80, s12;
	[tilespmem:s0+$0xFFFFFFC0] =	vst v0  }
0x3c4: {  	v6 =	vld [tilespmem:s13+$0xFFFFFFD0];
	p6 =	slt.u32 s12, $0xF80;
	[tilespmem:s0+$0xFFFFFFD0] =	vst v1  }
0x3c5: {  	v7 =	vld [tilespmem:s13+$0xFFFFFFE0];
	[tilespmem:s0+$0xFFFFFFE0] =	vst v2  }
.Ltmp32:
0x3c6: {  	v0 =	vld [tilespmem:s13+$0xFFFFFFF0];
	[tilespmem:s0+$0xFFFFFFF0] =	vst v3;
	(pc) =	sbr.rel @p6 .LBB2_53-.Ltmp32, $4  }
0x3c7: {  	v1 =	vld [tilespmem:s13+$0x0];
	[tilespmem:s0+$0xFFFFFF90] =	vst v4;
	s0 =	sadd.s32 $0x400, s0  }
0x3c8: {  	v2 =	vld [tilespmem:s13+$0x10];
	[tilespmem:s0+$0x0] =	vst v5  }
0x3c9: {  	[tilespmem:s0+$0xFFFFFFA0] =	vst v6;
	v3 =	vld [tilespmem:s13+$0x20]  }
0x3ca: {  	v4 =	vld [tilespmem:s13+$0xFFFFFFC0];
	[tilespmem:s0+$0xFFFFFFB0] =	vst v7;
	s13 =	sadd.s32 $0x80, s13  }
0x3cb: {  	[tilespmem:s0+$0xFFFFFFC0] =	vst v0  }
0x3cc: {  	[tilespmem:s0+$0xFFFFFFD0] =	vst v1  }
0x3cd: {  	[tilespmem:s0+$0xFFFFFFE0] =	vst v2  }
0x3ce: {  	[tilespmem:s0+$0xFFFFFFF0] =	vst v3  }
0x3cf: {  	[tilespmem:s0+$0xFFFFFF90] =	vst v4  }
0x3d0: {  	[tilespmem:s24], [sflag:$0x2] =	stream.strided.gather [hbm4b:s18+s20], $0x1000, s21, s20, $0x38;
	[tilespmem:$0x15F80] =	vst v63  }
0x3d1: {  	_ =	swait.ge [sflag:s4], $0x1000  }
0x3d2: {  	[sflag:s4] =	ssyncset.done $0x0  }
0x3d3: {  	s13 =	simm.s32 $0x10040;
	[sflag:s4] =	ssyncadd.s32 $0xFFFFF000  }
0x3d4: {  	v3 =	vld [tilespmem:s13+$0x30]  }
0x3d5: {  	v4 =	vld [tilespmem:s13+$0xFFFFFFD0]  }
0x3d6: {  	v5 =	vld [tilespmem:s13+$0xFFFFFFE0]  }
0x3d7: {  	v0 =	vld [tilespmem:s13+$0xFFFFFFF0]  }
0x3d8: {  	s0 =	simm.s32 $0x370;
	v1 =	vld [tilespmem:s13+$0x0]  }
0x3d9: {  	v2 =	vld [tilespmem:s13+$0x10];
	[tilespmem:s0+$0x0] =	vst v3  }
0x3da: {  	[tilespmem:s0+$0xFFFFFFA0] =	vst v4;
	v3 =	vld [tilespmem:s13+$0x20]  }
0x3db: {  	s12 =	simm.s32 $0x0;
	v4 =	vld [tilespmem:s13+$0xFFFFFFC0];
	[tilespmem:s0+$0xFFFFFFB0] =	vst v5;
	s13 =	simm.s32 $0x100C0  }
.LBB2_55:
0x3dc: {  	v5 =	vld [tilespmem:s13+$0x30];
	s12 =	sadd.s32 $0x80, s12;
	[tilespmem:s0+$0xFFFFFFC0] =	vst v0  }
0x3dd: {  	v6 =	vld [tilespmem:s13+$0xFFFFFFD0];
	p6 =	slt.u32 s12, $0xF80;
	[tilespmem:s0+$0xFFFFFFD0] =	vst v1  }
0x3de: {  	v7 =	vld [tilespmem:s13+$0xFFFFFFE0];
	[tilespmem:s0+$0xFFFFFFE0] =	vst v2  }
.Ltmp33:
0x3df: {  	v0 =	vld [tilespmem:s13+$0xFFFFFFF0];
	[tilespmem:s0+$0xFFFFFFF0] =	vst v3;
	(pc) =	sbr.rel @p6 .LBB2_55-.Ltmp33, $4  }
0x3e0: {  	v1 =	vld [tilespmem:s13+$0x0];
	[tilespmem:s0+$0xFFFFFF90] =	vst v4;
	s0 =	sadd.s32 $0x400, s0  }
0x3e1: {  	v2 =	vld [tilespmem:s13+$0x10];
	[tilespmem:s0+$0x0] =	vst v5  }
0x3e2: {  	[tilespmem:s0+$0xFFFFFFA0] =	vst v6;
	v3 =	vld [tilespmem:s13+$0x20]  }
0x3e3: {  	v4 =	vld [tilespmem:s13+$0xFFFFFFC0];
	[tilespmem:s0+$0xFFFFFFB0] =	vst v7;
	s13 =	sadd.s32 $0x80, s13  }
0x3e4: {  	[tilespmem:s0+$0xFFFFFFC0] =	vst v0  }
0x3e5: {  	[tilespmem:s0+$0xFFFFFFD0] =	vst v1  }
0x3e6: {  	[tilespmem:s0+$0xFFFFFFE0] =	vst v2  }
0x3e7: {  	[tilespmem:s0+$0xFFFFFFF0] =	vst v3  }
0x3e8: {  	[tilespmem:s0+$0xFFFFFF90] =	vst v4  }
0x3e9: {  	_ =	swait.ge [sflag:s28], $0x1000  }
0x3ea: {  	[sflag:s28] =	ssyncset.done $0x0  }
0x3eb: {  	s13 =	simm.s32 $0x12040;
	[sflag:s28] =	ssyncadd.s32 $0xFFFFF000  }
0x3ec: {  	v3 =	vld [tilespmem:s13+$0x30]  }
0x3ed: {  	v4 =	vld [tilespmem:s13+$0xFFFFFFD0]  }
0x3ee: {  	v5 =	vld [tilespmem:s13+$0xFFFFFFE0]  }
0x3ef: {  	v0 =	vld [tilespmem:s13+$0xFFFFFFF0]  }
0x3f0: {  	s0 =	simm.s32 $0x3F0;
	v1 =	vld [tilespmem:s13+$0x0]  }
0x3f1: {  	v2 =	vld [tilespmem:s13+$0x10];
	[tilespmem:s0+$0x0] =	vst v3  }
0x3f2: {  	[tilespmem:s0+$0xFFFFFFA0] =	vst v4;
	v3 =	vld [tilespmem:s13+$0x20]  }
0x3f3: {  	s12 =	simm.s32 $0x0;
	v4 =	vld [tilespmem:s13+$0xFFFFFFC0];
	[tilespmem:s0+$0xFFFFFFB0] =	vst v5;
	s13 =	simm.s32 $0x120C0  }
.LBB2_57:
0x3f4: {  	v5 =	vld [tilespmem:s13+$0x30];
	s12 =	sadd.s32 $0x80, s12;
	[tilespmem:s0+$0xFFFFFFC0] =	vst v0  }
0x3f5: {  	v6 =	vld [tilespmem:s13+$0xFFFFFFD0];
	p6 =	slt.u32 s12, $0xF80;
	[tilespmem:s0+$0xFFFFFFD0] =	vst v1  }
0x3f6: {  	v7 =	vld [tilespmem:s13+$0xFFFFFFE0];
	[tilespmem:s0+$0xFFFFFFE0] =	vst v2  }
.Ltmp34:
0x3f7: {  	v0 =	vld [tilespmem:s13+$0xFFFFFFF0];
	[tilespmem:s0+$0xFFFFFFF0] =	vst v3;
	(pc) =	sbr.rel @p6 .LBB2_57-.Ltmp34, $4  }
0x3f8: {  	v1 =	vld [tilespmem:s13+$0x0];
	[tilespmem:s0+$0xFFFFFF90] =	vst v4;
	s0 =	sadd.s32 $0x400, s0  }
0x3f9: {  	v2 =	vld [tilespmem:s13+$0x10];
	[tilespmem:s0+$0x0] =	vst v5  }
0x3fa: {  	[tilespmem:s0+$0xFFFFFFA0] =	vst v6;
	v3 =	vld [tilespmem:s13+$0x20]  }
0x3fb: {  	v4 =	vld [tilespmem:s13+$0xFFFFFFC0];
	[tilespmem:s0+$0xFFFFFFB0] =	vst v7;
	s13 =	sadd.s32 $0x80, s13  }
0x3fc: {  	[tilespmem:s0+$0xFFFFFFC0] =	vst v0  }
0x3fd: {  	[tilespmem:s0+$0xFFFFFFD0] =	vst v1  }
0x3fe: {  	[tilespmem:s0+$0xFFFFFFE0] =	vst v2  }
0x3ff: {  	[tilespmem:s0+$0xFFFFFFF0] =	vst v3  }
0x400: {  	[tilespmem:s0+$0xFFFFFF90] =	vst v4  }
.Ltmp35:
0x401: {  	s0 =	rddreg [dreg:$0x10];
	(pc) =	sbr.rel .LBB2_104-.Ltmp35, $4  }
0x402: {  	[hbm4b:s0+s3] =	stream.linear.scatter [tilespmem:s3], [sflag:$0x4], $0x8000, $0x38;
	[tilespmem:$0x15F80] =	vst v63  }
0x403: {  	_ =	swait.ge [sflag:s31], $0x8000  }
0x404: {  	[sflag:s31] =	ssyncset.done $0x0  }
0x405: {  	[sflag:s31] =	ssyncadd.s32 $0xFFFF8000  }
.LBB2_76:
0x406: {  	s0 =	rddreg [dreg:$0x1a]  }
0x407: {  	[tilespmem:s22], [sflag:$0x1] =	stream.strided.gather [hbm4b:s0+s20], $0x1000, s21, s20, $0x38;
	[tilespmem:$0x15F80] =	vst v63  }
0x408: {  	s16 =	rddreg [dreg:$0x1b]  }
0x409: {  	[tilespmem:s24], [sflag:$0x2] =	stream.strided.gather [hbm4b:s16+s20], $0x1000, s21, s20, $0x38;
	[tilespmem:$0x15F80] =	vst v63  }
0x40a: {  	_ =	swait.ge [sflag:s4], $0x1000  }
0x40b: {  	[sflag:s4] =	ssyncset.done $0x0  }
0x40c: {  	s13 =	simm.s32 $0x10040;
	[sflag:s4] =	ssyncadd.s32 $0xFFFFF000  }
0x40d: {  	v3 =	vld [tilespmem:s13+$0x30]  }
0x40e: {  	v4 =	vld [tilespmem:s13+$0xFFFFFFD0]  }
0x40f: {  	v5 =	vld [tilespmem:s13+$0xFFFFFFE0]  }
0x410: {  	v0 =	vld [tilespmem:s13+$0xFFFFFFF0]  }
0x411: {  	s0 =	simm.s32 $0x40;
	v1 =	vld [tilespmem:s13+$0x0]  }
0x412: {  	v2 =	vld [tilespmem:s13+$0x10];
	[tilespmem:s0+$0x30] =	vst v3  }
0x413: {  	[tilespmem:s0+$0xFFFFFFD0] =	vst v4;
	v3 =	vld [tilespmem:s13+$0x20]  }
0x414: {  	s12 =	simm.s32 $0x0;
	v4 =	vld [tilespmem:s13+$0xFFFFFFC0];
	[tilespmem:s0+$0xFFFFFFE0] =	vst v5;
	s13 =	simm.s32 $0x100C0  }
.LBB2_77:
0x415: {  	v5 =	vld [tilespmem:s13+$0x30];
	s12 =	sadd.s32 $0x80, s12;
	[tilespmem:s0+$0xFFFFFFF0] =	vst v0  }
0x416: {  	v6 =	vld [tilespmem:s13+$0xFFFFFFD0];
	p6 =	slt.u32 s12, $0xF80;
	[tilespmem:s0+$0x0] =	vst v1  }
0x417: {  	v7 =	vld [tilespmem:s13+$0xFFFFFFE0];
	[tilespmem:s0+$0x10] =	vst v2  }
.Ltmp36:
0x418: {  	v0 =	vld [tilespmem:s13+$0xFFFFFFF0];
	[tilespmem:s0+$0x20] =	vst v3;
	(pc) =	sbr.rel @p6 .LBB2_77-.Ltmp36, $4  }
0x419: {  	v1 =	vld [tilespmem:s13+$0x0];
	[tilespmem:s0+$0xFFFFFFC0] =	vst v4;
	s0 =	sadd.s32 $0x400, s0  }
0x41a: {  	v2 =	vld [tilespmem:s13+$0x10];
	[tilespmem:s0+$0x30] =	vst v5  }
0x41b: {  	[tilespmem:s0+$0xFFFFFFD0] =	vst v6;
	v3 =	vld [tilespmem:s13+$0x20]  }
0x41c: {  	v4 =	vld [tilespmem:s13+$0xFFFFFFC0];
	[tilespmem:s0+$0xFFFFFFE0] =	vst v7;
	s13 =	sadd.s32 $0x80, s13  }
0x41d: {  	[tilespmem:s0+$0xFFFFFFF0] =	vst v0  }
0x41e: {  	[tilespmem:s0+$0x0] =	vst v1  }
0x41f: {  	[tilespmem:s0+$0x10] =	vst v2  }
0x420: {  	[tilespmem:s0+$0x20] =	vst v3  }
0x421: {  	[tilespmem:s0+$0xFFFFFFC0] =	vst v4  }
0x422: {  	s0 =	rddreg [dreg:$0x1c]  }
0x423: {  	[tilespmem:s22], [sflag:$0x1] =	stream.strided.gather [hbm4b:s0+s20], $0x1000, s21, s20, $0x38;
	[tilespmem:$0x15F80] =	vst v63  }
0x424: {  	_ =	swait.ge [sflag:s28], $0x1000  }
0x425: {  	[sflag:s28] =	ssyncset.done $0x0  }
0x426: {  	s13 =	simm.s32 $0x12040;
	[sflag:s28] =	ssyncadd.s32 $0xFFFFF000  }
0x427: {  	v3 =	vld [tilespmem:s13+$0x30]  }
0x428: {  	v4 =	vld [tilespmem:s13+$0xFFFFFFD0]  }
0x429: {  	v5 =	vld [tilespmem:s13+$0xFFFFFFE0]  }
0x42a: {  	v0 =	vld [tilespmem:s13+$0xFFFFFFF0]  }
0x42b: {  	s0 =	simm.s32 $0xF0;
	v1 =	vld [tilespmem:s13+$0x0]  }
0x42c: {  	v2 =	vld [tilespmem:s13+$0x10];
	[tilespmem:s0+$0x0] =	vst v3  }
0x42d: {  	[tilespmem:s0+$0xFFFFFFA0] =	vst v4;
	v3 =	vld [tilespmem:s13+$0x20]  }
0x42e: {  	s12 =	simm.s32 $0x0;
	v4 =	vld [tilespmem:s13+$0xFFFFFFC0];
	[tilespmem:s0+$0xFFFFFFB0] =	vst v5;
	s13 =	simm.s32 $0x120C0  }
.LBB2_79:
0x42f: {  	v5 =	vld [tilespmem:s13+$0x30];
	s12 =	sadd.s32 $0x80, s12;
	[tilespmem:s0+$0xFFFFFFC0] =	vst v0  }
0x430: {  	v6 =	vld [tilespmem:s13+$0xFFFFFFD0];
	p6 =	slt.u32 s12, $0xF80;
	[tilespmem:s0+$0xFFFFFFD0] =	vst v1  }
0x431: {  	v7 =	vld [tilespmem:s13+$0xFFFFFFE0];
	[tilespmem:s0+$0xFFFFFFE0] =	vst v2  }
.Ltmp37:
0x432: {  	v0 =	vld [tilespmem:s13+$0xFFFFFFF0];
	[tilespmem:s0+$0xFFFFFFF0] =	vst v3;
	(pc) =	sbr.rel @p6 .LBB2_79-.Ltmp37, $4  }
0x433: {  	v1 =	vld [tilespmem:s13+$0x0];
	[tilespmem:s0+$0xFFFFFF90] =	vst v4;
	s0 =	sadd.s32 $0x400, s0  }
0x434: {  	v2 =	vld [tilespmem:s13+$0x10];
	[tilespmem:s0+$0x0] =	vst v5  }
0x435: {  	[tilespmem:s0+$0xFFFFFFA0] =	vst v6;
	v3 =	vld [tilespmem:s13+$0x20]  }
0x436: {  	v4 =	vld [tilespmem:s13+$0xFFFFFFC0];
	[tilespmem:s0+$0xFFFFFFB0] =	vst v7;
	s13 =	sadd.s32 $0x80, s13  }
0x437: {  	[tilespmem:s0+$0xFFFFFFC0] =	vst v0  }
0x438: {  	[tilespmem:s0+$0xFFFFFFD0] =	vst v1  }
0x439: {  	[tilespmem:s0+$0xFFFFFFE0] =	vst v2  }
0x43a: {  	[tilespmem:s0+$0xFFFFFFF0] =	vst v3  }
0x43b: {  	[tilespmem:s0+$0xFFFFFF90] =	vst v4  }
0x43c: {  	s0 =	rddreg [dreg:$0x1d]  }
0x43d: {  	[tilespmem:s24], [sflag:$0x2] =	stream.strided.gather [hbm4b:s0+s20], $0x1000, s21, s20, $0x38;
	[tilespmem:$0x15F80] =	vst v63  }
0x43e: {  	_ =	swait.ge [sflag:s4], $0x1000  }
0x43f: {  	[sflag:s4] =	ssyncset.done $0x0  }
0x440: {  	s13 =	simm.s32 $0x10040;
	[sflag:s4] =	ssyncadd.s32 $0xFFFFF000  }
0x441: {  	v3 =	vld [tilespmem:s13+$0x30]  }
0x442: {  	v4 =	vld [tilespmem:s13+$0xFFFFFFD0]  }
0x443: {  	v5 =	vld [tilespmem:s13+$0xFFFFFFE0]  }
0x444: {  	v0 =	vld [tilespmem:s13+$0xFFFFFFF0]  }
0x445: {  	s0 =	simm.s32 $0x170;
	v1 =	vld [tilespmem:s13+$0x0]  }
0x446: {  	v2 =	vld [tilespmem:s13+$0x10];
	[tilespmem:s0+$0x0] =	vst v3  }
0x447: {  	[tilespmem:s0+$0xFFFFFFA0] =	vst v4;
	v3 =	vld [tilespmem:s13+$0x20]  }
0x448: {  	s12 =	simm.s32 $0x0;
	v4 =	vld [tilespmem:s13+$0xFFFFFFC0];
	[tilespmem:s0+$0xFFFFFFB0] =	vst v5;
	s13 =	simm.s32 $0x100C0  }
.LBB2_81:
0x449: {  	v5 =	vld [tilespmem:s13+$0x30];
	s12 =	sadd.s32 $0x80, s12;
	[tilespmem:s0+$0xFFFFFFC0] =	vst v0  }
0x44a: {  	v6 =	vld [tilespmem:s13+$0xFFFFFFD0];
	p6 =	slt.u32 s12, $0xF80;
	[tilespmem:s0+$0xFFFFFFD0] =	vst v1  }
0x44b: {  	v7 =	vld [tilespmem:s13+$0xFFFFFFE0];
	[tilespmem:s0+$0xFFFFFFE0] =	vst v2  }
.Ltmp38:
0x44c: {  	v0 =	vld [tilespmem:s13+$0xFFFFFFF0];
	[tilespmem:s0+$0xFFFFFFF0] =	vst v3;
	(pc) =	sbr.rel @p6 .LBB2_81-.Ltmp38, $4  }
0x44d: {  	v1 =	vld [tilespmem:s13+$0x0];
	[tilespmem:s0+$0xFFFFFF90] =	vst v4;
	s0 =	sadd.s32 $0x400, s0  }
0x44e: {  	v2 =	vld [tilespmem:s13+$0x10];
	[tilespmem:s0+$0x0] =	vst v5  }
0x44f: {  	[tilespmem:s0+$0xFFFFFFA0] =	vst v6;
	v3 =	vld [tilespmem:s13+$0x20]  }
0x450: {  	v4 =	vld [tilespmem:s13+$0xFFFFFFC0];
	[tilespmem:s0+$0xFFFFFFB0] =	vst v7;
	s13 =	sadd.s32 $0x80, s13  }
0x451: {  	[tilespmem:s0+$0xFFFFFFC0] =	vst v0  }
0x452: {  	[tilespmem:s0+$0xFFFFFFD0] =	vst v1  }
0x453: {  	[tilespmem:s0+$0xFFFFFFE0] =	vst v2  }
0x454: {  	[tilespmem:s0+$0xFFFFFFF0] =	vst v3  }
0x455: {  	[tilespmem:s0+$0xFFFFFF90] =	vst v4  }
0x456: {  	s0 =	rddreg [dreg:$0x1e]  }
0x457: {  	[tilespmem:s22], [sflag:$0x1] =	stream.strided.gather [hbm4b:s0+s20], $0x1000, s21, s20, $0x38;
	[tilespmem:$0x15F80] =	vst v63  }
0x458: {  	_ =	swait.ge [sflag:s28], $0x1000  }
0x459: {  	[sflag:s28] =	ssyncset.done $0x0  }
0x45a: {  	s13 =	simm.s32 $0x12040;
	[sflag:s28] =	ssyncadd.s32 $0xFFFFF000  }
0x45b: {  	v3 =	vld [tilespmem:s13+$0x30]  }
0x45c: {  	v4 =	vld [tilespmem:s13+$0xFFFFFFD0]  }
0x45d: {  	v5 =	vld [tilespmem:s13+$0xFFFFFFE0]  }
0x45e: {  	v0 =	vld [tilespmem:s13+$0xFFFFFFF0]  }
0x45f: {  	s0 =	simm.s32 $0x1F0;
	v1 =	vld [tilespmem:s13+$0x0]  }
0x460: {  	v2 =	vld [tilespmem:s13+$0x10];
	[tilespmem:s0+$0x0] =	vst v3  }
0x461: {  	[tilespmem:s0+$0xFFFFFFA0] =	vst v4;
	v3 =	vld [tilespmem:s13+$0x20]  }
0x462: {  	s12 =	simm.s32 $0x0;
	v4 =	vld [tilespmem:s13+$0xFFFFFFC0];
	[tilespmem:s0+$0xFFFFFFB0] =	vst v5;
	s13 =	simm.s32 $0x120C0  }
.LBB2_83:
0x463: {  	v5 =	vld [tilespmem:s13+$0x30];
	s12 =	sadd.s32 $0x80, s12;
	[tilespmem:s0+$0xFFFFFFC0] =	vst v0  }
0x464: {  	v6 =	vld [tilespmem:s13+$0xFFFFFFD0];
	p6 =	slt.u32 s12, $0xF80;
	[tilespmem:s0+$0xFFFFFFD0] =	vst v1  }
0x465: {  	v7 =	vld [tilespmem:s13+$0xFFFFFFE0];
	[tilespmem:s0+$0xFFFFFFE0] =	vst v2  }
.Ltmp39:
0x466: {  	v0 =	vld [tilespmem:s13+$0xFFFFFFF0];
	[tilespmem:s0+$0xFFFFFFF0] =	vst v3;
	(pc) =	sbr.rel @p6 .LBB2_83-.Ltmp39, $4  }
0x467: {  	v1 =	vld [tilespmem:s13+$0x0];
	[tilespmem:s0+$0xFFFFFF90] =	vst v4;
	s0 =	sadd.s32 $0x400, s0  }
0x468: {  	v2 =	vld [tilespmem:s13+$0x10];
	[tilespmem:s0+$0x0] =	vst v5  }
0x469: {  	[tilespmem:s0+$0xFFFFFFA0] =	vst v6;
	v3 =	vld [tilespmem:s13+$0x20]  }
0x46a: {  	v4 =	vld [tilespmem:s13+$0xFFFFFFC0];
	[tilespmem:s0+$0xFFFFFFB0] =	vst v7;
	s13 =	sadd.s32 $0x80, s13  }
0x46b: {  	[tilespmem:s0+$0xFFFFFFC0] =	vst v0  }
0x46c: {  	[tilespmem:s0+$0xFFFFFFD0] =	vst v1  }
0x46d: {  	[tilespmem:s0+$0xFFFFFFE0] =	vst v2  }
0x46e: {  	[tilespmem:s0+$0xFFFFFFF0] =	vst v3  }
0x46f: {  	[tilespmem:s0+$0xFFFFFF90] =	vst v4  }
0x470: {  	s0 =	rddreg [dreg:$0x1f]  }
0x471: {  	[tilespmem:s24], [sflag:$0x2] =	stream.strided.gather [hbm4b:s0+s20], $0x1000, s21, s20, $0x38;
	[tilespmem:$0x15F80] =	vst v63  }
0x472: {  	_ =	swait.ge [sflag:s4], $0x1000  }
0x473: {  	[sflag:s4] =	ssyncset.done $0x0  }
0x474: {  	s13 =	simm.s32 $0x10040;
	[sflag:s4] =	ssyncadd.s32 $0xFFFFF000  }
0x475: {  	v3 =	vld [tilespmem:s13+$0x30]  }
0x476: {  	v4 =	vld [tilespmem:s13+$0xFFFFFFD0]  }
0x477: {  	v5 =	vld [tilespmem:s13+$0xFFFFFFE0]  }
0x478: {  	v0 =	vld [tilespmem:s13+$0xFFFFFFF0]  }
0x479: {  	s0 =	simm.s32 $0x270;
	v1 =	vld [tilespmem:s13+$0x0]  }
0x47a: {  	v2 =	vld [tilespmem:s13+$0x10];
	[tilespmem:s0+$0x0] =	vst v3  }
0x47b: {  	[tilespmem:s0+$0xFFFFFFA0] =	vst v4;
	v3 =	vld [tilespmem:s13+$0x20]  }
0x47c: {  	s12 =	simm.s32 $0x0;
	v4 =	vld [tilespmem:s13+$0xFFFFFFC0];
	[tilespmem:s0+$0xFFFFFFB0] =	vst v5;
	s13 =	simm.s32 $0x100C0  }
.LBB2_85:
0x47d: {  	v5 =	vld [tilespmem:s13+$0x30];
	s12 =	sadd.s32 $0x80, s12;
	[tilespmem:s0+$0xFFFFFFC0] =	vst v0  }
0x47e: {  	v6 =	vld [tilespmem:s13+$0xFFFFFFD0];
	p6 =	slt.u32 s12, $0xF80;
	[tilespmem:s0+$0xFFFFFFD0] =	vst v1  }
0x47f: {  	v7 =	vld [tilespmem:s13+$0xFFFFFFE0];
	[tilespmem:s0+$0xFFFFFFE0] =	vst v2  }
.Ltmp40:
0x480: {  	v0 =	vld [tilespmem:s13+$0xFFFFFFF0];
	[tilespmem:s0+$0xFFFFFFF0] =	vst v3;
	(pc) =	sbr.rel @p6 .LBB2_85-.Ltmp40, $4  }
0x481: {  	v1 =	vld [tilespmem:s13+$0x0];
	[tilespmem:s0+$0xFFFFFF90] =	vst v4;
	s0 =	sadd.s32 $0x400, s0  }
0x482: {  	v2 =	vld [tilespmem:s13+$0x10];
	[tilespmem:s0+$0x0] =	vst v5  }
0x483: {  	[tilespmem:s0+$0xFFFFFFA0] =	vst v6;
	v3 =	vld [tilespmem:s13+$0x20]  }
0x484: {  	v4 =	vld [tilespmem:s13+$0xFFFFFFC0];
	[tilespmem:s0+$0xFFFFFFB0] =	vst v7;
	s13 =	sadd.s32 $0x80, s13  }
0x485: {  	[tilespmem:s0+$0xFFFFFFC0] =	vst v0  }
0x486: {  	[tilespmem:s0+$0xFFFFFFD0] =	vst v1  }
0x487: {  	[tilespmem:s0+$0xFFFFFFE0] =	vst v2  }
0x488: {  	[tilespmem:s0+$0xFFFFFFF0] =	vst v3  }
0x489: {  	[tilespmem:s0+$0xFFFFFF90] =	vst v4  }
0x48a: {  	s0 =	sld [smem:$0x7ED];
	_ =	sdelay $0x2  }
0x48b: {  	[tilespmem:s22], [sflag:$0x1] =	stream.strided.gather [hbm4b:s0+s20], $0x1000, s21, s20, $0x38;
	[tilespmem:$0x15F80] =	vst v63  }
0x48c: {  	_ =	swait.ge [sflag:s28], $0x1000  }
0x48d: {  	[sflag:s28] =	ssyncset.done $0x0  }
0x48e: {  	s13 =	simm.s32 $0x12040;
	[sflag:s28] =	ssyncadd.s32 $0xFFFFF000  }
0x48f: {  	v3 =	vld [tilespmem:s13+$0x30]  }
0x490: {  	v4 =	vld [tilespmem:s13+$0xFFFFFFD0]  }
0x491: {  	v5 =	vld [tilespmem:s13+$0xFFFFFFE0]  }
0x492: {  	v0 =	vld [tilespmem:s13+$0xFFFFFFF0]  }
0x493: {  	s0 =	simm.s32 $0x2F0;
	v1 =	vld [tilespmem:s13+$0x0]  }
0x494: {  	v2 =	vld [tilespmem:s13+$0x10];
	[tilespmem:s0+$0x0] =	vst v3  }
0x495: {  	[tilespmem:s0+$0xFFFFFFA0] =	vst v4;
	v3 =	vld [tilespmem:s13+$0x20]  }
0x496: {  	s12 =	simm.s32 $0x0;
	v4 =	vld [tilespmem:s13+$0xFFFFFFC0];
	[tilespmem:s0+$0xFFFFFFB0] =	vst v5;
	s13 =	simm.s32 $0x120C0  }
.LBB2_87:
0x497: {  	v5 =	vld [tilespmem:s13+$0x30];
	s12 =	sadd.s32 $0x80, s12;
	[tilespmem:s0+$0xFFFFFFC0] =	vst v0  }
0x498: {  	v6 =	vld [tilespmem:s13+$0xFFFFFFD0];
	p6 =	slt.u32 s12, $0xF80;
	[tilespmem:s0+$0xFFFFFFD0] =	vst v1  }
0x499: {  	v7 =	vld [tilespmem:s13+$0xFFFFFFE0];
	[tilespmem:s0+$0xFFFFFFE0] =	vst v2  }
.Ltmp41:
0x49a: {  	v0 =	vld [tilespmem:s13+$0xFFFFFFF0];
	[tilespmem:s0+$0xFFFFFFF0] =	vst v3;
	(pc) =	sbr.rel @p6 .LBB2_87-.Ltmp41, $4  }
0x49b: {  	v1 =	vld [tilespmem:s13+$0x0];
	[tilespmem:s0+$0xFFFFFF90] =	vst v4;
	s0 =	sadd.s32 $0x400, s0  }
0x49c: {  	v2 =	vld [tilespmem:s13+$0x10];
	[tilespmem:s0+$0x0] =	vst v5  }
0x49d: {  	[tilespmem:s0+$0xFFFFFFA0] =	vst v6;
	v3 =	vld [tilespmem:s13+$0x20]  }
0x49e: {  	v4 =	vld [tilespmem:s13+$0xFFFFFFC0];
	[tilespmem:s0+$0xFFFFFFB0] =	vst v7;
	s13 =	sadd.s32 $0x80, s13  }
0x49f: {  	[tilespmem:s0+$0xFFFFFFC0] =	vst v0  }
0x4a0: {  	[tilespmem:s0+$0xFFFFFFD0] =	vst v1  }
0x4a1: {  	[tilespmem:s0+$0xFFFFFFE0] =	vst v2  }
0x4a2: {  	[tilespmem:s0+$0xFFFFFFF0] =	vst v3  }
0x4a3: {  	[tilespmem:s0+$0xFFFFFF90] =	vst v4  }
0x4a4: {  	s0 =	sld [smem:$0x7EE];
	_ =	sdelay $0x2  }
0x4a5: {  	[tilespmem:s24], [sflag:$0x2] =	stream.strided.gather [hbm4b:s0+s20], $0x1000, s21, s20, $0x38;
	[tilespmem:$0x15F80] =	vst v63  }
0x4a6: {  	_ =	swait.ge [sflag:s4], $0x1000  }
0x4a7: {  	[sflag:s4] =	ssyncset.done $0x0  }
0x4a8: {  	s13 =	simm.s32 $0x10040;
	[sflag:s4] =	ssyncadd.s32 $0xFFFFF000  }
0x4a9: {  	v3 =	vld [tilespmem:s13+$0x30]  }
0x4aa: {  	v4 =	vld [tilespmem:s13+$0xFFFFFFD0]  }
0x4ab: {  	v5 =	vld [tilespmem:s13+$0xFFFFFFE0]  }
0x4ac: {  	v0 =	vld [tilespmem:s13+$0xFFFFFFF0]  }
0x4ad: {  	s0 =	simm.s32 $0x370;
	v1 =	vld [tilespmem:s13+$0x0]  }
0x4ae: {  	v2 =	vld [tilespmem:s13+$0x10];
	[tilespmem:s0+$0x0] =	vst v3  }
0x4af: {  	[tilespmem:s0+$0xFFFFFFA0] =	vst v4;
	v3 =	vld [tilespmem:s13+$0x20]  }
0x4b0: {  	s12 =	simm.s32 $0x0;
	v4 =	vld [tilespmem:s13+$0xFFFFFFC0];
	[tilespmem:s0+$0xFFFFFFB0] =	vst v5;
	s13 =	simm.s32 $0x100C0  }
.LBB2_89:
0x4b1: {  	v5 =	vld [tilespmem:s13+$0x30];
	s12 =	sadd.s32 $0x80, s12;
	[tilespmem:s0+$0xFFFFFFC0] =	vst v0  }
0x4b2: {  	v6 =	vld [tilespmem:s13+$0xFFFFFFD0];
	p6 =	slt.u32 s12, $0xF80;
	[tilespmem:s0+$0xFFFFFFD0] =	vst v1  }
0x4b3: {  	v7 =	vld [tilespmem:s13+$0xFFFFFFE0];
	[tilespmem:s0+$0xFFFFFFE0] =	vst v2  }
.Ltmp42:
0x4b4: {  	v0 =	vld [tilespmem:s13+$0xFFFFFFF0];
	[tilespmem:s0+$0xFFFFFFF0] =	vst v3;
	(pc) =	sbr.rel @p6 .LBB2_89-.Ltmp42, $4  }
0x4b5: {  	v1 =	vld [tilespmem:s13+$0x0];
	[tilespmem:s0+$0xFFFFFF90] =	vst v4;
	s0 =	sadd.s32 $0x400, s0  }
0x4b6: {  	v2 =	vld [tilespmem:s13+$0x10];
	[tilespmem:s0+$0x0] =	vst v5  }
0x4b7: {  	[tilespmem:s0+$0xFFFFFFA0] =	vst v6;
	v3 =	vld [tilespmem:s13+$0x20]  }
0x4b8: {  	v4 =	vld [tilespmem:s13+$0xFFFFFFC0];
	[tilespmem:s0+$0xFFFFFFB0] =	vst v7;
	s13 =	sadd.s32 $0x80, s13  }
0x4b9: {  	[tilespmem:s0+$0xFFFFFFC0] =	vst v0  }
0x4ba: {  	[tilespmem:s0+$0xFFFFFFD0] =	vst v1  }
0x4bb: {  	[tilespmem:s0+$0xFFFFFFE0] =	vst v2  }
0x4bc: {  	[tilespmem:s0+$0xFFFFFFF0] =	vst v3  }
0x4bd: {  	[tilespmem:s0+$0xFFFFFF90] =	vst v4  }
0x4be: {  	_ =	swait.ge [sflag:s28], $0x1000  }
0x4bf: {  	[sflag:s28] =	ssyncset.done $0x0  }
0x4c0: {  	s13 =	simm.s32 $0x12040;
	[sflag:s28] =	ssyncadd.s32 $0xFFFFF000  }
0x4c1: {  	v3 =	vld [tilespmem:s13+$0x30]  }
0x4c2: {  	v4 =	vld [tilespmem:s13+$0xFFFFFFD0]  }
0x4c3: {  	v5 =	vld [tilespmem:s13+$0xFFFFFFE0]  }
0x4c4: {  	v0 =	vld [tilespmem:s13+$0xFFFFFFF0]  }
0x4c5: {  	s0 =	simm.s32 $0x3F0;
	v1 =	vld [tilespmem:s13+$0x0]  }
0x4c6: {  	v2 =	vld [tilespmem:s13+$0x10];
	[tilespmem:s0+$0x0] =	vst v3  }
0x4c7: {  	[tilespmem:s0+$0xFFFFFFA0] =	vst v4;
	v3 =	vld [tilespmem:s13+$0x20]  }
0x4c8: {  	s12 =	simm.s32 $0x0;
	v4 =	vld [tilespmem:s13+$0xFFFFFFC0];
	[tilespmem:s0+$0xFFFFFFB0] =	vst v5;
	s13 =	simm.s32 $0x120C0  }
.LBB2_91:
0x4c9: {  	v5 =	vld [tilespmem:s13+$0x30];
	s12 =	sadd.s32 $0x80, s12;
	[tilespmem:s0+$0xFFFFFFC0] =	vst v0  }
0x4ca: {  	v6 =	vld [tilespmem:s13+$0xFFFFFFD0];
	p6 =	slt.u32 s12, $0xF80;
	[tilespmem:s0+$0xFFFFFFD0] =	vst v1  }
0x4cb: {  	v7 =	vld [tilespmem:s13+$0xFFFFFFE0];
	[tilespmem:s0+$0xFFFFFFE0] =	vst v2  }
.Ltmp43:
0x4cc: {  	v0 =	vld [tilespmem:s13+$0xFFFFFFF0];
	[tilespmem:s0+$0xFFFFFFF0] =	vst v3;
	(pc) =	sbr.rel @p6 .LBB2_91-.Ltmp43, $4  }
0x4cd: {  	v1 =	vld [tilespmem:s13+$0x0];
	[tilespmem:s0+$0xFFFFFF90] =	vst v4;
	s0 =	sadd.s32 $0x400, s0  }
0x4ce: {  	v2 =	vld [tilespmem:s13+$0x10];
	[tilespmem:s0+$0x0] =	vst v5  }
0x4cf: {  	[tilespmem:s0+$0xFFFFFFA0] =	vst v6;
	v3 =	vld [tilespmem:s13+$0x20]  }
0x4d0: {  	v4 =	vld [tilespmem:s13+$0xFFFFFFC0];
	[tilespmem:s0+$0xFFFFFFB0] =	vst v7;
	s13 =	sadd.s32 $0x80, s13  }
0x4d1: {  	[tilespmem:s0+$0xFFFFFFC0] =	vst v0  }
0x4d2: {  	[tilespmem:s0+$0xFFFFFFD0] =	vst v1  }
0x4d3: {  	[tilespmem:s0+$0xFFFFFFE0] =	vst v2  }
0x4d4: {  	[tilespmem:s0+$0xFFFFFFF0] =	vst v3  }
0x4d5: {  	[tilespmem:s0+$0xFFFFFF90] =	vst v4  }
.Ltmp44:
0x4d6: {  	s0 =	rddreg [dreg:$0xd];
	(pc) =	sbr.rel .LBB2_104-.Ltmp44, $4  }
0x4d7: {  	[hbm4b:s0+s3] =	stream.linear.scatter [tilespmem:s3], [sflag:$0x4], $0x8000, $0x38;
	[tilespmem:$0x15F80] =	vst v63  }
0x4d8: {  	_ =	swait.ge [sflag:s31], $0x8000  }
0x4d9: {  	[sflag:s31] =	ssyncset.done $0x0  }
0x4da: {  	[sflag:s31] =	ssyncadd.s32 $0xFFFF8000  }
.LBB2_59:
0x4db: {  	s0 =	rddreg [dreg:$0x4]  }
0x4dc: {  	[tilespmem:s22], [sflag:$0x1] =	stream.strided.gather [hbm4b:s0+s20], $0x1000, s21, s20, $0x38;
	[tilespmem:$0x15F80] =	vst v63  }
0x4dd: {  	s16 =	rddreg [dreg:$0x5]  }
0x4de: {  	[tilespmem:s24], [sflag:$0x2] =	stream.strided.gather [hbm4b:s16+s20], $0x1000, s21, s20, $0x38;
	[tilespmem:$0x15F80] =	vst v63  }
0x4df: {  	_ =	swait.ge [sflag:s4], $0x1000  }
0x4e0: {  	[sflag:s4] =	ssyncset.done $0x0  }
0x4e1: {  	s13 =	simm.s32 $0x10040;
	[sflag:s4] =	ssyncadd.s32 $0xFFFFF000  }
0x4e2: {  	v3 =	vld [tilespmem:s13+$0x30]  }
0x4e3: {  	v4 =	vld [tilespmem:s13+$0xFFFFFFD0]  }
0x4e4: {  	v5 =	vld [tilespmem:s13+$0xFFFFFFE0]  }
0x4e5: {  	v0 =	vld [tilespmem:s13+$0xFFFFFFF0]  }
0x4e6: {  	s0 =	simm.s32 $0x40;
	v1 =	vld [tilespmem:s13+$0x0]  }
0x4e7: {  	v2 =	vld [tilespmem:s13+$0x10];
	[tilespmem:s0+$0x30] =	vst v3  }
0x4e8: {  	[tilespmem:s0+$0xFFFFFFD0] =	vst v4;
	v3 =	vld [tilespmem:s13+$0x20]  }
0x4e9: {  	s12 =	simm.s32 $0x0;
	v4 =	vld [tilespmem:s13+$0xFFFFFFC0];
	[tilespmem:s0+$0xFFFFFFE0] =	vst v5;
	s13 =	simm.s32 $0x100C0  }
.LBB2_60:
0x4ea: {  	v5 =	vld [tilespmem:s13+$0x30];
	s12 =	sadd.s32 $0x80, s12;
	[tilespmem:s0+$0xFFFFFFF0] =	vst v0  }
0x4eb: {  	v6 =	vld [tilespmem:s13+$0xFFFFFFD0];
	p6 =	slt.u32 s12, $0xF80;
	[tilespmem:s0+$0x0] =	vst v1  }
0x4ec: {  	v7 =	vld [tilespmem:s13+$0xFFFFFFE0];
	[tilespmem:s0+$0x10] =	vst v2  }
.Ltmp45:
0x4ed: {  	v0 =	vld [tilespmem:s13+$0xFFFFFFF0];
	[tilespmem:s0+$0x20] =	vst v3;
	(pc) =	sbr.rel @p6 .LBB2_60-.Ltmp45, $4  }
0x4ee: {  	v1 =	vld [tilespmem:s13+$0x0];
	[tilespmem:s0+$0xFFFFFFC0] =	vst v4;
	s0 =	sadd.s32 $0x400, s0  }
0x4ef: {  	v2 =	vld [tilespmem:s13+$0x10];
	[tilespmem:s0+$0x30] =	vst v5  }
0x4f0: {  	[tilespmem:s0+$0xFFFFFFD0] =	vst v6;
	v3 =	vld [tilespmem:s13+$0x20]  }
0x4f1: {  	v4 =	vld [tilespmem:s13+$0xFFFFFFC0];
	[tilespmem:s0+$0xFFFFFFE0] =	vst v7;
	s13 =	sadd.s32 $0x80, s13  }
0x4f2: {  	[tilespmem:s0+$0xFFFFFFF0] =	vst v0  }
0x4f3: {  	[tilespmem:s0+$0x0] =	vst v1  }
0x4f4: {  	[tilespmem:s0+$0x10] =	vst v2  }
0x4f5: {  	[tilespmem:s0+$0x20] =	vst v3  }
0x4f6: {  	[tilespmem:s0+$0xFFFFFFC0] =	vst v4  }
0x4f7: {  	s0 =	rddreg [dreg:$0x6]  }
0x4f8: {  	[tilespmem:s22], [sflag:$0x1] =	stream.strided.gather [hbm4b:s0+s20], $0x1000, s21, s20, $0x38;
	[tilespmem:$0x15F80] =	vst v63  }
0x4f9: {  	_ =	swait.ge [sflag:s28], $0x1000  }
0x4fa: {  	[sflag:s28] =	ssyncset.done $0x0  }
0x4fb: {  	s13 =	simm.s32 $0x12040;
	[sflag:s28] =	ssyncadd.s32 $0xFFFFF000  }
0x4fc: {  	v3 =	vld [tilespmem:s13+$0x30]  }
0x4fd: {  	v4 =	vld [tilespmem:s13+$0xFFFFFFD0]  }
0x4fe: {  	v5 =	vld [tilespmem:s13+$0xFFFFFFE0]  }
0x4ff: {  	v0 =	vld [tilespmem:s13+$0xFFFFFFF0]  }
0x500: {  	s0 =	simm.s32 $0xF0;
	v1 =	vld [tilespmem:s13+$0x0]  }
0x501: {  	v2 =	vld [tilespmem:s13+$0x10];
	[tilespmem:s0+$0x0] =	vst v3  }
0x502: {  	[tilespmem:s0+$0xFFFFFFA0] =	vst v4;
	v3 =	vld [tilespmem:s13+$0x20]  }
0x503: {  	s12 =	simm.s32 $0x0;
	v4 =	vld [tilespmem:s13+$0xFFFFFFC0];
	[tilespmem:s0+$0xFFFFFFB0] =	vst v5;
	s13 =	simm.s32 $0x120C0  }
.LBB2_62:
0x504: {  	v5 =	vld [tilespmem:s13+$0x30];
	s12 =	sadd.s32 $0x80, s12;
	[tilespmem:s0+$0xFFFFFFC0] =	vst v0  }
0x505: {  	v6 =	vld [tilespmem:s13+$0xFFFFFFD0];
	p6 =	slt.u32 s12, $0xF80;
	[tilespmem:s0+$0xFFFFFFD0] =	vst v1  }
0x506: {  	v7 =	vld [tilespmem:s13+$0xFFFFFFE0];
	[tilespmem:s0+$0xFFFFFFE0] =	vst v2  }
.Ltmp46:
0x507: {  	v0 =	vld [tilespmem:s13+$0xFFFFFFF0];
	[tilespmem:s0+$0xFFFFFFF0] =	vst v3;
	(pc) =	sbr.rel @p6 .LBB2_62-.Ltmp46, $4  }
0x508: {  	v1 =	vld [tilespmem:s13+$0x0];
	[tilespmem:s0+$0xFFFFFF90] =	vst v4;
	s0 =	sadd.s32 $0x400, s0  }
0x509: {  	v2 =	vld [tilespmem:s13+$0x10];
	[tilespmem:s0+$0x0] =	vst v5  }
0x50a: {  	[tilespmem:s0+$0xFFFFFFA0] =	vst v6;
	v3 =	vld [tilespmem:s13+$0x20]  }
0x50b: {  	v4 =	vld [tilespmem:s13+$0xFFFFFFC0];
	[tilespmem:s0+$0xFFFFFFB0] =	vst v7;
	s13 =	sadd.s32 $0x80, s13  }
0x50c: {  	[tilespmem:s0+$0xFFFFFFC0] =	vst v0  }
0x50d: {  	[tilespmem:s0+$0xFFFFFFD0] =	vst v1  }
0x50e: {  	[tilespmem:s0+$0xFFFFFFE0] =	vst v2  }
0x50f: {  	[tilespmem:s0+$0xFFFFFFF0] =	vst v3  }
0x510: {  	[tilespmem:s0+$0xFFFFFF90] =	vst v4  }
0x511: {  	s0 =	rddreg [dreg:$0x7]  }
0x512: {  	[tilespmem:s24], [sflag:$0x2] =	stream.strided.gather [hbm4b:s0+s20], $0x1000, s21, s20, $0x38;
	[tilespmem:$0x15F80] =	vst v63  }
0x513: {  	_ =	swait.ge [sflag:s4], $0x1000  }
0x514: {  	[sflag:s4] =	ssyncset.done $0x0  }
0x515: {  	s13 =	simm.s32 $0x10040;
	[sflag:s4] =	ssyncadd.s32 $0xFFFFF000  }
0x516: {  	v3 =	vld [tilespmem:s13+$0x30]  }
0x517: {  	v4 =	vld [tilespmem:s13+$0xFFFFFFD0]  }
0x518: {  	v5 =	vld [tilespmem:s13+$0xFFFFFFE0]  }
0x519: {  	v0 =	vld [tilespmem:s13+$0xFFFFFFF0]  }
0x51a: {  	s0 =	simm.s32 $0x170;
	v1 =	vld [tilespmem:s13+$0x0]  }
0x51b: {  	v2 =	vld [tilespmem:s13+$0x10];
	[tilespmem:s0+$0x0] =	vst v3  }
0x51c: {  	[tilespmem:s0+$0xFFFFFFA0] =	vst v4;
	v3 =	vld [tilespmem:s13+$0x20]  }
0x51d: {  	s12 =	simm.s32 $0x0;
	v4 =	vld [tilespmem:s13+$0xFFFFFFC0];
	[tilespmem:s0+$0xFFFFFFB0] =	vst v5;
	s13 =	simm.s32 $0x100C0  }
.LBB2_64:
0x51e: {  	v5 =	vld [tilespmem:s13+$0x30];
	s12 =	sadd.s32 $0x80, s12;
	[tilespmem:s0+$0xFFFFFFC0] =	vst v0  }
0x51f: {  	v6 =	vld [tilespmem:s13+$0xFFFFFFD0];
	p6 =	slt.u32 s12, $0xF80;
	[tilespmem:s0+$0xFFFFFFD0] =	vst v1  }
0x520: {  	v7 =	vld [tilespmem:s13+$0xFFFFFFE0];
	[tilespmem:s0+$0xFFFFFFE0] =	vst v2  }
.Ltmp47:
0x521: {  	v0 =	vld [tilespmem:s13+$0xFFFFFFF0];
	[tilespmem:s0+$0xFFFFFFF0] =	vst v3;
	(pc) =	sbr.rel @p6 .LBB2_64-.Ltmp47, $4  }
0x522: {  	v1 =	vld [tilespmem:s13+$0x0];
	[tilespmem:s0+$0xFFFFFF90] =	vst v4;
	s0 =	sadd.s32 $0x400, s0  }
0x523: {  	v2 =	vld [tilespmem:s13+$0x10];
	[tilespmem:s0+$0x0] =	vst v5  }
0x524: {  	[tilespmem:s0+$0xFFFFFFA0] =	vst v6;
	v3 =	vld [tilespmem:s13+$0x20]  }
0x525: {  	v4 =	vld [tilespmem:s13+$0xFFFFFFC0];
	[tilespmem:s0+$0xFFFFFFB0] =	vst v7;
	s13 =	sadd.s32 $0x80, s13  }
0x526: {  	[tilespmem:s0+$0xFFFFFFC0] =	vst v0  }
0x527: {  	[tilespmem:s0+$0xFFFFFFD0] =	vst v1  }
0x528: {  	[tilespmem:s0+$0xFFFFFFE0] =	vst v2  }
0x529: {  	[tilespmem:s0+$0xFFFFFFF0] =	vst v3  }
0x52a: {  	[tilespmem:s0+$0xFFFFFF90] =	vst v4  }
0x52b: {  	s0 =	rddreg [dreg:$0x8]  }
0x52c: {  	[tilespmem:s22], [sflag:$0x1] =	stream.strided.gather [hbm4b:s0+s20], $0x1000, s21, s20, $0x38;
	[tilespmem:$0x15F80] =	vst v63  }
0x52d: {  	_ =	swait.ge [sflag:s28], $0x1000  }
0x52e: {  	[sflag:s28] =	ssyncset.done $0x0  }
0x52f: {  	s13 =	simm.s32 $0x12040;
	[sflag:s28] =	ssyncadd.s32 $0xFFFFF000  }
0x530: {  	v3 =	vld [tilespmem:s13+$0x30]  }
0x531: {  	v4 =	vld [tilespmem:s13+$0xFFFFFFD0]  }
0x532: {  	v5 =	vld [tilespmem:s13+$0xFFFFFFE0]  }
0x533: {  	v0 =	vld [tilespmem:s13+$0xFFFFFFF0]  }
0x534: {  	s0 =	simm.s32 $0x1F0;
	v1 =	vld [tilespmem:s13+$0x0]  }
0x535: {  	v2 =	vld [tilespmem:s13+$0x10];
	[tilespmem:s0+$0x0] =	vst v3  }
0x536: {  	[tilespmem:s0+$0xFFFFFFA0] =	vst v4;
	v3 =	vld [tilespmem:s13+$0x20]  }
0x537: {  	s12 =	simm.s32 $0x0;
	v4 =	vld [tilespmem:s13+$0xFFFFFFC0];
	[tilespmem:s0+$0xFFFFFFB0] =	vst v5;
	s13 =	simm.s32 $0x120C0  }
.LBB2_66:
0x538: {  	v5 =	vld [tilespmem:s13+$0x30];
	s12 =	sadd.s32 $0x80, s12;
	[tilespmem:s0+$0xFFFFFFC0] =	vst v0  }
0x539: {  	v6 =	vld [tilespmem:s13+$0xFFFFFFD0];
	p6 =	slt.u32 s12, $0xF80;
	[tilespmem:s0+$0xFFFFFFD0] =	vst v1  }
0x53a: {  	v7 =	vld [tilespmem:s13+$0xFFFFFFE0];
	[tilespmem:s0+$0xFFFFFFE0] =	vst v2  }
.Ltmp48:
0x53b: {  	v0 =	vld [tilespmem:s13+$0xFFFFFFF0];
	[tilespmem:s0+$0xFFFFFFF0] =	vst v3;
	(pc) =	sbr.rel @p6 .LBB2_66-.Ltmp48, $4  }
0x53c: {  	v1 =	vld [tilespmem:s13+$0x0];
	[tilespmem:s0+$0xFFFFFF90] =	vst v4;
	s0 =	sadd.s32 $0x400, s0  }
0x53d: {  	v2 =	vld [tilespmem:s13+$0x10];
	[tilespmem:s0+$0x0] =	vst v5  }
0x53e: {  	[tilespmem:s0+$0xFFFFFFA0] =	vst v6;
	v3 =	vld [tilespmem:s13+$0x20]  }
0x53f: {  	v4 =	vld [tilespmem:s13+$0xFFFFFFC0];
	[tilespmem:s0+$0xFFFFFFB0] =	vst v7;
	s13 =	sadd.s32 $0x80, s13  }
0x540: {  	[tilespmem:s0+$0xFFFFFFC0] =	vst v0  }
0x541: {  	[tilespmem:s0+$0xFFFFFFD0] =	vst v1  }
0x542: {  	[tilespmem:s0+$0xFFFFFFE0] =	vst v2  }
0x543: {  	[tilespmem:s0+$0xFFFFFFF0] =	vst v3  }
0x544: {  	[tilespmem:s0+$0xFFFFFF90] =	vst v4  }
0x545: {  	s0 =	rddreg [dreg:$0x9]  }
0x546: {  	[tilespmem:s24], [sflag:$0x2] =	stream.strided.gather [hbm4b:s0+s20], $0x1000, s21, s20, $0x38;
	[tilespmem:$0x15F80] =	vst v63  }
0x547: {  	_ =	swait.ge [sflag:s4], $0x1000  }
0x548: {  	[sflag:s4] =	ssyncset.done $0x0  }
0x549: {  	s13 =	simm.s32 $0x10040;
	[sflag:s4] =	ssyncadd.s32 $0xFFFFF000  }
0x54a: {  	v3 =	vld [tilespmem:s13+$0x30]  }
0x54b: {  	v4 =	vld [tilespmem:s13+$0xFFFFFFD0]  }
0x54c: {  	v5 =	vld [tilespmem:s13+$0xFFFFFFE0]  }
0x54d: {  	v0 =	vld [tilespmem:s13+$0xFFFFFFF0]  }
0x54e: {  	s0 =	simm.s32 $0x270;
	v1 =	vld [tilespmem:s13+$0x0]  }
0x54f: {  	v2 =	vld [tilespmem:s13+$0x10];
	[tilespmem:s0+$0x0] =	vst v3  }
0x550: {  	[tilespmem:s0+$0xFFFFFFA0] =	vst v4;
	v3 =	vld [tilespmem:s13+$0x20]  }
0x551: {  	s12 =	simm.s32 $0x0;
	v4 =	vld [tilespmem:s13+$0xFFFFFFC0];
	[tilespmem:s0+$0xFFFFFFB0] =	vst v5;
	s13 =	simm.s32 $0x100C0  }
.LBB2_68:
0x552: {  	v5 =	vld [tilespmem:s13+$0x30];
	s12 =	sadd.s32 $0x80, s12;
	[tilespmem:s0+$0xFFFFFFC0] =	vst v0  }
0x553: {  	v6 =	vld [tilespmem:s13+$0xFFFFFFD0];
	p6 =	slt.u32 s12, $0xF80;
	[tilespmem:s0+$0xFFFFFFD0] =	vst v1  }
0x554: {  	v7 =	vld [tilespmem:s13+$0xFFFFFFE0];
	[tilespmem:s0+$0xFFFFFFE0] =	vst v2  }
.Ltmp49:
0x555: {  	v0 =	vld [tilespmem:s13+$0xFFFFFFF0];
	[tilespmem:s0+$0xFFFFFFF0] =	vst v3;
	(pc) =	sbr.rel @p6 .LBB2_68-.Ltmp49, $4  }
0x556: {  	v1 =	vld [tilespmem:s13+$0x0];
	[tilespmem:s0+$0xFFFFFF90] =	vst v4;
	s0 =	sadd.s32 $0x400, s0  }
0x557: {  	v2 =	vld [tilespmem:s13+$0x10];
	[tilespmem:s0+$0x0] =	vst v5  }
0x558: {  	[tilespmem:s0+$0xFFFFFFA0] =	vst v6;
	v3 =	vld [tilespmem:s13+$0x20]  }
0x559: {  	v4 =	vld [tilespmem:s13+$0xFFFFFFC0];
	[tilespmem:s0+$0xFFFFFFB0] =	vst v7;
	s13 =	sadd.s32 $0x80, s13  }
0x55a: {  	[tilespmem:s0+$0xFFFFFFC0] =	vst v0  }
0x55b: {  	[tilespmem:s0+$0xFFFFFFD0] =	vst v1  }
0x55c: {  	[tilespmem:s0+$0xFFFFFFE0] =	vst v2  }
0x55d: {  	[tilespmem:s0+$0xFFFFFFF0] =	vst v3  }
0x55e: {  	[tilespmem:s0+$0xFFFFFF90] =	vst v4  }
0x55f: {  	s0 =	rddreg [dreg:$0xa]  }
0x560: {  	[tilespmem:s22], [sflag:$0x1] =	stream.strided.gather [hbm4b:s0+s20], $0x1000, s21, s20, $0x38;
	[tilespmem:$0x15F80] =	vst v63  }
0x561: {  	_ =	swait.ge [sflag:s28], $0x1000  }
0x562: {  	[sflag:s28] =	ssyncset.done $0x0  }
0x563: {  	s13 =	simm.s32 $0x12040;
	[sflag:s28] =	ssyncadd.s32 $0xFFFFF000  }
0x564: {  	v3 =	vld [tilespmem:s13+$0x30]  }
0x565: {  	v4 =	vld [tilespmem:s13+$0xFFFFFFD0]  }
0x566: {  	v5 =	vld [tilespmem:s13+$0xFFFFFFE0]  }
0x567: {  	v0 =	vld [tilespmem:s13+$0xFFFFFFF0]  }
0x568: {  	s0 =	simm.s32 $0x2F0;
	v1 =	vld [tilespmem:s13+$0x0]  }
0x569: {  	v2 =	vld [tilespmem:s13+$0x10];
	[tilespmem:s0+$0x0] =	vst v3  }
0x56a: {  	[tilespmem:s0+$0xFFFFFFA0] =	vst v4;
	v3 =	vld [tilespmem:s13+$0x20]  }
0x56b: {  	s12 =	simm.s32 $0x0;
	v4 =	vld [tilespmem:s13+$0xFFFFFFC0];
	[tilespmem:s0+$0xFFFFFFB0] =	vst v5;
	s13 =	simm.s32 $0x120C0  }
.LBB2_70:
0x56c: {  	v5 =	vld [tilespmem:s13+$0x30];
	s12 =	sadd.s32 $0x80, s12;
	[tilespmem:s0+$0xFFFFFFC0] =	vst v0  }
0x56d: {  	v6 =	vld [tilespmem:s13+$0xFFFFFFD0];
	p6 =	slt.u32 s12, $0xF80;
	[tilespmem:s0+$0xFFFFFFD0] =	vst v1  }
0x56e: {  	v7 =	vld [tilespmem:s13+$0xFFFFFFE0];
	[tilespmem:s0+$0xFFFFFFE0] =	vst v2  }
.Ltmp50:
0x56f: {  	v0 =	vld [tilespmem:s13+$0xFFFFFFF0];
	[tilespmem:s0+$0xFFFFFFF0] =	vst v3;
	(pc) =	sbr.rel @p6 .LBB2_70-.Ltmp50, $4  }
0x570: {  	v1 =	vld [tilespmem:s13+$0x0];
	[tilespmem:s0+$0xFFFFFF90] =	vst v4;
	s0 =	sadd.s32 $0x400, s0  }
0x571: {  	v2 =	vld [tilespmem:s13+$0x10];
	[tilespmem:s0+$0x0] =	vst v5  }
0x572: {  	[tilespmem:s0+$0xFFFFFFA0] =	vst v6;
	v3 =	vld [tilespmem:s13+$0x20]  }
0x573: {  	v4 =	vld [tilespmem:s13+$0xFFFFFFC0];
	[tilespmem:s0+$0xFFFFFFB0] =	vst v7;
	s13 =	sadd.s32 $0x80, s13  }
0x574: {  	[tilespmem:s0+$0xFFFFFFC0] =	vst v0  }
0x575: {  	[tilespmem:s0+$0xFFFFFFD0] =	vst v1  }
0x576: {  	[tilespmem:s0+$0xFFFFFFE0] =	vst v2  }
0x577: {  	[tilespmem:s0+$0xFFFFFFF0] =	vst v3  }
0x578: {  	[tilespmem:s0+$0xFFFFFF90] =	vst v4  }
0x579: {  	s0 =	rddreg [dreg:$0x11]  }
0x57a: {  	[tilespmem:s24], [sflag:$0x2] =	stream.strided.gather [hbm4b:s0+s20], $0x1000, s21, s20, $0x38;
	[tilespmem:$0x15F80] =	vst v63  }
0x57b: {  	_ =	swait.ge [sflag:s4], $0x1000  }
0x57c: {  	[sflag:s4] =	ssyncset.done $0x0  }
0x57d: {  	s13 =	simm.s32 $0x10040;
	[sflag:s4] =	ssyncadd.s32 $0xFFFFF000  }
0x57e: {  	v3 =	vld [tilespmem:s13+$0x30]  }
0x57f: {  	v4 =	vld [tilespmem:s13+$0xFFFFFFD0]  }
0x580: {  	v5 =	vld [tilespmem:s13+$0xFFFFFFE0]  }
0x581: {  	v0 =	vld [tilespmem:s13+$0xFFFFFFF0]  }
0x582: {  	s0 =	simm.s32 $0x370;
	v1 =	vld [tilespmem:s13+$0x0]  }
0x583: {  	v2 =	vld [tilespmem:s13+$0x10];
	[tilespmem:s0+$0x0] =	vst v3  }
0x584: {  	[tilespmem:s0+$0xFFFFFFA0] =	vst v4;
	v3 =	vld [tilespmem:s13+$0x20]  }
0x585: {  	s12 =	simm.s32 $0x0;
	v4 =	vld [tilespmem:s13+$0xFFFFFFC0];
	[tilespmem:s0+$0xFFFFFFB0] =	vst v5;
	s13 =	simm.s32 $0x100C0  }
.LBB2_72:
0x586: {  	v5 =	vld [tilespmem:s13+$0x30];
	s12 =	sadd.s32 $0x80, s12;
	[tilespmem:s0+$0xFFFFFFC0] =	vst v0  }
0x587: {  	v6 =	vld [tilespmem:s13+$0xFFFFFFD0];
	p6 =	slt.u32 s12, $0xF80;
	[tilespmem:s0+$0xFFFFFFD0] =	vst v1  }
0x588: {  	v7 =	vld [tilespmem:s13+$0xFFFFFFE0];
	[tilespmem:s0+$0xFFFFFFE0] =	vst v2  }
.Ltmp51:
0x589: {  	v0 =	vld [tilespmem:s13+$0xFFFFFFF0];
	[tilespmem:s0+$0xFFFFFFF0] =	vst v3;
	(pc) =	sbr.rel @p6 .LBB2_72-.Ltmp51, $4  }
0x58a: {  	v1 =	vld [tilespmem:s13+$0x0];
	[tilespmem:s0+$0xFFFFFF90] =	vst v4;
	s0 =	sadd.s32 $0x400, s0  }
0x58b: {  	v2 =	vld [tilespmem:s13+$0x10];
	[tilespmem:s0+$0x0] =	vst v5  }
0x58c: {  	[tilespmem:s0+$0xFFFFFFA0] =	vst v6;
	v3 =	vld [tilespmem:s13+$0x20]  }
0x58d: {  	v4 =	vld [tilespmem:s13+$0xFFFFFFC0];
	[tilespmem:s0+$0xFFFFFFB0] =	vst v7;
	s13 =	sadd.s32 $0x80, s13  }
0x58e: {  	[tilespmem:s0+$0xFFFFFFC0] =	vst v0  }
0x58f: {  	[tilespmem:s0+$0xFFFFFFD0] =	vst v1  }
0x590: {  	[tilespmem:s0+$0xFFFFFFE0] =	vst v2  }
0x591: {  	[tilespmem:s0+$0xFFFFFFF0] =	vst v3  }
0x592: {  	[tilespmem:s0+$0xFFFFFF90] =	vst v4  }
0x593: {  	_ =	swait.ge [sflag:s28], $0x1000  }
0x594: {  	[sflag:s28] =	ssyncset.done $0x0  }
0x595: {  	s13 =	simm.s32 $0x12040;
	[sflag:s28] =	ssyncadd.s32 $0xFFFFF000  }
0x596: {  	v3 =	vld [tilespmem:s13+$0x30]  }
0x597: {  	v4 =	vld [tilespmem:s13+$0xFFFFFFD0]  }
0x598: {  	v5 =	vld [tilespmem:s13+$0xFFFFFFE0]  }
0x599: {  	v0 =	vld [tilespmem:s13+$0xFFFFFFF0]  }
0x59a: {  	s0 =	simm.s32 $0x3F0;
	v1 =	vld [tilespmem:s13+$0x0]  }
0x59b: {  	v2 =	vld [tilespmem:s13+$0x10];
	[tilespmem:s0+$0x0] =	vst v3  }
0x59c: {  	[tilespmem:s0+$0xFFFFFFA0] =	vst v4;
	v3 =	vld [tilespmem:s13+$0x20]  }
0x59d: {  	s12 =	simm.s32 $0x0;
	v4 =	vld [tilespmem:s13+$0xFFFFFFC0];
	[tilespmem:s0+$0xFFFFFFB0] =	vst v5;
	s13 =	simm.s32 $0x120C0  }
.LBB2_74:
0x59e: {  	v5 =	vld [tilespmem:s13+$0x30];
	s12 =	sadd.s32 $0x80, s12;
	[tilespmem:s0+$0xFFFFFFC0] =	vst v0  }
0x59f: {  	v6 =	vld [tilespmem:s13+$0xFFFFFFD0];
	p6 =	slt.u32 s12, $0xF80;
	[tilespmem:s0+$0xFFFFFFD0] =	vst v1  }
0x5a0: {  	v7 =	vld [tilespmem:s13+$0xFFFFFFE0];
	[tilespmem:s0+$0xFFFFFFE0] =	vst v2  }
.Ltmp52:
0x5a1: {  	v0 =	vld [tilespmem:s13+$0xFFFFFFF0];
	[tilespmem:s0+$0xFFFFFFF0] =	vst v3;
	(pc) =	sbr.rel @p6 .LBB2_74-.Ltmp52, $4  }
0x5a2: {  	v1 =	vld [tilespmem:s13+$0x0];
	[tilespmem:s0+$0xFFFFFF90] =	vst v4;
	s0 =	sadd.s32 $0x400, s0  }
0x5a3: {  	v2 =	vld [tilespmem:s13+$0x10];
	[tilespmem:s0+$0x0] =	vst v5  }
0x5a4: {  	[tilespmem:s0+$0xFFFFFFA0] =	vst v6;
	v3 =	vld [tilespmem:s13+$0x20]  }
0x5a5: {  	v4 =	vld [tilespmem:s13+$0xFFFFFFC0];
	[tilespmem:s0+$0xFFFFFFB0] =	vst v7;
	s13 =	sadd.s32 $0x80, s13  }
0x5a6: {  	[tilespmem:s0+$0xFFFFFFC0] =	vst v0  }
0x5a7: {  	[tilespmem:s0+$0xFFFFFFD0] =	vst v1  }
0x5a8: {  	[tilespmem:s0+$0xFFFFFFE0] =	vst v2  }
0x5a9: {  	[tilespmem:s0+$0xFFFFFFF0] =	vst v3  }
0x5aa: {  	[tilespmem:s0+$0xFFFFFF90] =	vst v4  }
.Ltmp53:
0x5ab: {  	s0 =	rddreg [dreg:$0xb];
	(pc) =	sbr.rel .LBB2_104-.Ltmp53, $4  }
0x5ac: {  	[hbm4b:s0+s3] =	stream.linear.scatter [tilespmem:s3], [sflag:$0x4], $0x8000, $0x38;
	[tilespmem:$0x15F80] =	vst v63  }
0x5ad: {  	_ =	swait.ge [sflag:s31], $0x8000  }
0x5ae: {  	[sflag:s31] =	ssyncset.done $0x0  }
0x5af: {  	[sflag:s31] =	ssyncadd.s32 $0xFFFF8000  }
.LBB2_93:
0x5b0: {  	s0 =	sld [smem:$0x7EF];
	_ =	sdelay $0x1  }
0x5b1: {  	s16 =	sld [smem:$0x7F0]  }
0x5b2: {  	[tilespmem:s22], [sflag:$0x1] =	stream.strided.gather [hbm4b:s0+s20], $0x2000, s21, s20, $0x38;
	[tilespmem:$0x15F80] =	vst v63  }
0x5b3: {  	_ = 	snop  }
0x5b4: {  	[tilespmem:s24], [sflag:$0x2] =	stream.strided.gather [hbm4b:s16+s20], $0x2000, s21, s20, $0x38;
	[tilespmem:$0x15F80] =	vst v63  }
0x5b5: {  	_ =	swait.ge [sflag:s4], $0x2000  }
0x5b6: {  	[sflag:s4] =	ssyncset.done $0x0  }
0x5b7: {  	s13 =	simm.s32 $0x10040;
	[sflag:s4] =	ssyncadd.s32 $0xFFFFE000  }
0x5b8: {  	v3 =	vld [tilespmem:s13+$0x30]  }
0x5b9: {  	v4 =	vld [tilespmem:s13+$0xFFFFFFD0]  }
0x5ba: {  	v5 =	vld [tilespmem:s13+$0xFFFFFFE0]  }
0x5bb: {  	v0 =	vld [tilespmem:s13+$0xFFFFFFF0]  }
0x5bc: {  	s0 =	simm.s32 $0x40;
	v1 =	vld [tilespmem:s13+$0x0]  }
0x5bd: {  	v2 =	vld [tilespmem:s13+$0x10];
	[tilespmem:s0+$0x30] =	vst v3  }
0x5be: {  	[tilespmem:s0+$0xFFFFFFD0] =	vst v4;
	v3 =	vld [tilespmem:s13+$0x20]  }
0x5bf: {  	s12 =	simm.s32 $0x0;
	v4 =	vld [tilespmem:s13+$0xFFFFFFC0];
	[tilespmem:s0+$0xFFFFFFE0] =	vst v5;
	s13 =	simm.s32 $0x100C0  }
.LBB2_94:
0x5c0: {  	v5 =	vld [tilespmem:s13+$0x30];
	s12 =	sadd.s32 $0x80, s12;
	[tilespmem:s0+$0xFFFFFFF0] =	vst v0  }
0x5c1: {  	v6 =	vld [tilespmem:s13+$0xFFFFFFD0];
	p6 =	slt.u32 s12, $0x1F80;
	[tilespmem:s0+$0x0] =	vst v1  }
0x5c2: {  	v7 =	vld [tilespmem:s13+$0xFFFFFFE0];
	[tilespmem:s0+$0x10] =	vst v2  }
.Ltmp54:
0x5c3: {  	v0 =	vld [tilespmem:s13+$0xFFFFFFF0];
	[tilespmem:s0+$0x20] =	vst v3;
	(pc) =	sbr.rel @p6 .LBB2_94-.Ltmp54, $4  }
0x5c4: {  	v1 =	vld [tilespmem:s13+$0x0];
	[tilespmem:s0+$0xFFFFFFC0] =	vst v4;
	s0 =	sadd.s32 $0x400, s0  }
0x5c5: {  	v2 =	vld [tilespmem:s13+$0x10];
	[tilespmem:s0+$0x30] =	vst v5  }
0x5c6: {  	[tilespmem:s0+$0xFFFFFFD0] =	vst v6;
	v3 =	vld [tilespmem:s13+$0x20]  }
0x5c7: {  	v4 =	vld [tilespmem:s13+$0xFFFFFFC0];
	[tilespmem:s0+$0xFFFFFFE0] =	vst v7;
	s13 =	sadd.s32 $0x80, s13  }
0x5c8: {  	[tilespmem:s0+$0xFFFFFFF0] =	vst v0  }
0x5c9: {  	[tilespmem:s0+$0x0] =	vst v1  }
0x5ca: {  	[tilespmem:s0+$0x10] =	vst v2  }
0x5cb: {  	[tilespmem:s0+$0x20] =	vst v3  }
0x5cc: {  	[tilespmem:s0+$0xFFFFFFC0] =	vst v4  }
0x5cd: {  	s0 =	sld [smem:$0x7F1];
	_ =	sdelay $0x2  }
0x5ce: {  	[tilespmem:s22], [sflag:$0x1] =	stream.strided.gather [hbm4b:s0+s20], $0x2000, s21, s20, $0x38;
	[tilespmem:$0x15F80] =	vst v63  }
0x5cf: {  	_ =	swait.ge [sflag:s28], $0x2000  }
0x5d0: {  	[sflag:s28] =	ssyncset.done $0x0  }
0x5d1: {  	s13 =	simm.s32 $0x12040;
	[sflag:s28] =	ssyncadd.s32 $0xFFFFE000  }
0x5d2: {  	v3 =	vld [tilespmem:s13+$0x30]  }
0x5d3: {  	v4 =	vld [tilespmem:s13+$0xFFFFFFD0]  }
0x5d4: {  	v5 =	vld [tilespmem:s13+$0xFFFFFFE0]  }
0x5d5: {  	v0 =	vld [tilespmem:s13+$0xFFFFFFF0]  }
0x5d6: {  	s0 =	simm.s32 $0xF0;
	v1 =	vld [tilespmem:s13+$0x0]  }
0x5d7: {  	v2 =	vld [tilespmem:s13+$0x10];
	[tilespmem:s0+$0x0] =	vst v3  }
0x5d8: {  	[tilespmem:s0+$0xFFFFFFA0] =	vst v4;
	v3 =	vld [tilespmem:s13+$0x20]  }
0x5d9: {  	s12 =	simm.s32 $0x0;
	v4 =	vld [tilespmem:s13+$0xFFFFFFC0];
	[tilespmem:s0+$0xFFFFFFB0] =	vst v5;
	s13 =	simm.s32 $0x120C0  }
.LBB2_96:
0x5da: {  	v5 =	vld [tilespmem:s13+$0x30];
	s12 =	sadd.s32 $0x80, s12;
	[tilespmem:s0+$0xFFFFFFC0] =	vst v0  }
0x5db: {  	v6 =	vld [tilespmem:s13+$0xFFFFFFD0];
	p6 =	slt.u32 s12, $0x1F80;
	[tilespmem:s0+$0xFFFFFFD0] =	vst v1  }
0x5dc: {  	v7 =	vld [tilespmem:s13+$0xFFFFFFE0];
	[tilespmem:s0+$0xFFFFFFE0] =	vst v2  }
.Ltmp55:
0x5dd: {  	v0 =	vld [tilespmem:s13+$0xFFFFFFF0];
	[tilespmem:s0+$0xFFFFFFF0] =	vst v3;
	(pc) =	sbr.rel @p6 .LBB2_96-.Ltmp55, $4  }
0x5de: {  	v1 =	vld [tilespmem:s13+$0x0];
	[tilespmem:s0+$0xFFFFFF90] =	vst v4;
	s0 =	sadd.s32 $0x400, s0  }
0x5df: {  	v2 =	vld [tilespmem:s13+$0x10];
	[tilespmem:s0+$0x0] =	vst v5  }
0x5e0: {  	[tilespmem:s0+$0xFFFFFFA0] =	vst v6;
	v3 =	vld [tilespmem:s13+$0x20]  }
0x5e1: {  	v4 =	vld [tilespmem:s13+$0xFFFFFFC0];
	[tilespmem:s0+$0xFFFFFFB0] =	vst v7;
	s13 =	sadd.s32 $0x80, s13  }
0x5e2: {  	[tilespmem:s0+$0xFFFFFFC0] =	vst v0  }
0x5e3: {  	[tilespmem:s0+$0xFFFFFFD0] =	vst v1  }
0x5e4: {  	[tilespmem:s0+$0xFFFFFFE0] =	vst v2  }
0x5e5: {  	[tilespmem:s0+$0xFFFFFFF0] =	vst v3  }
0x5e6: {  	[tilespmem:s0+$0xFFFFFF90] =	vst v4  }
0x5e7: {  	s0 =	sld [smem:$0x7F2];
	_ =	sdelay $0x2  }
0x5e8: {  	[tilespmem:s24], [sflag:$0x2] =	stream.strided.gather [hbm4b:s0+s20], $0x2000, s21, s20, $0x38;
	[tilespmem:$0x15F80] =	vst v63  }
0x5e9: {  	_ =	swait.ge [sflag:s4], $0x2000  }
0x5ea: {  	[sflag:s4] =	ssyncset.done $0x0  }
0x5eb: {  	s13 =	simm.s32 $0x10040;
	[sflag:s4] =	ssyncadd.s32 $0xFFFFE000  }
0x5ec: {  	v3 =	vld [tilespmem:s13+$0x30]  }
0x5ed: {  	v4 =	vld [tilespmem:s13+$0xFFFFFFD0]  }
0x5ee: {  	v5 =	vld [tilespmem:s13+$0xFFFFFFE0]  }
0x5ef: {  	v0 =	vld [tilespmem:s13+$0xFFFFFFF0]  }
0x5f0: {  	s0 =	simm.s32 $0x170;
	v1 =	vld [tilespmem:s13+$0x0]  }
0x5f1: {  	v2 =	vld [tilespmem:s13+$0x10];
	[tilespmem:s0+$0x0] =	vst v3  }
0x5f2: {  	[tilespmem:s0+$0xFFFFFFA0] =	vst v4;
	v3 =	vld [tilespmem:s13+$0x20]  }
0x5f3: {  	s12 =	simm.s32 $0x0;
	v4 =	vld [tilespmem:s13+$0xFFFFFFC0];
	[tilespmem:s0+$0xFFFFFFB0] =	vst v5;
	s13 =	simm.s32 $0x100C0  }
.LBB2_98:
0x5f4: {  	v5 =	vld [tilespmem:s13+$0x30];
	s12 =	sadd.s32 $0x80, s12;
	[tilespmem:s0+$0xFFFFFFC0] =	vst v0  }
0x5f5: {  	v6 =	vld [tilespmem:s13+$0xFFFFFFD0];
	p6 =	slt.u32 s12, $0x1F80;
	[tilespmem:s0+$0xFFFFFFD0] =	vst v1  }
0x5f6: {  	v7 =	vld [tilespmem:s13+$0xFFFFFFE0];
	[tilespmem:s0+$0xFFFFFFE0] =	vst v2  }
.Ltmp56:
0x5f7: {  	v0 =	vld [tilespmem:s13+$0xFFFFFFF0];
	[tilespmem:s0+$0xFFFFFFF0] =	vst v3;
	(pc) =	sbr.rel @p6 .LBB2_98-.Ltmp56, $4  }
0x5f8: {  	v1 =	vld [tilespmem:s13+$0x0];
	[tilespmem:s0+$0xFFFFFF90] =	vst v4;
	s0 =	sadd.s32 $0x400, s0  }
0x5f9: {  	v2 =	vld [tilespmem:s13+$0x10];
	[tilespmem:s0+$0x0] =	vst v5  }
0x5fa: {  	[tilespmem:s0+$0xFFFFFFA0] =	vst v6;
	v3 =	vld [tilespmem:s13+$0x20]  }
0x5fb: {  	v4 =	vld [tilespmem:s13+$0xFFFFFFC0];
	[tilespmem:s0+$0xFFFFFFB0] =	vst v7;
	s13 =	sadd.s32 $0x80, s13  }
0x5fc: {  	[tilespmem:s0+$0xFFFFFFC0] =	vst v0  }
0x5fd: {  	[tilespmem:s0+$0xFFFFFFD0] =	vst v1  }
0x5fe: {  	[tilespmem:s0+$0xFFFFFFE0] =	vst v2  }
0x5ff: {  	[tilespmem:s0+$0xFFFFFFF0] =	vst v3  }
0x600: {  	[tilespmem:s0+$0xFFFFFF90] =	vst v4  }
0x601: {  	s0 =	sld [smem:$0x7F3];
	_ =	sdelay $0x2  }
0x602: {  	[tilespmem:s22], [sflag:$0x1] =	stream.strided.gather [hbm4b:s0+s20], $0x2000, s21, s20, $0x38;
	[tilespmem:$0x15F80] =	vst v63  }
0x603: {  	_ =	swait.ge [sflag:s28], $0x2000  }
0x604: {  	[sflag:s28] =	ssyncset.done $0x0  }
0x605: {  	s13 =	simm.s32 $0x12040;
	[sflag:s28] =	ssyncadd.s32 $0xFFFFE000  }
0x606: {  	v3 =	vld [tilespmem:s13+$0x30]  }
0x607: {  	v4 =	vld [tilespmem:s13+$0xFFFFFFD0]  }
0x608: {  	v5 =	vld [tilespmem:s13+$0xFFFFFFE0]  }
0x609: {  	v0 =	vld [tilespmem:s13+$0xFFFFFFF0]  }
0x60a: {  	s0 =	simm.s32 $0x1F0;
	v1 =	vld [tilespmem:s13+$0x0]  }
0x60b: {  	v2 =	vld [tilespmem:s13+$0x10];
	[tilespmem:s0+$0x0] =	vst v3  }
0x60c: {  	[tilespmem:s0+$0xFFFFFFA0] =	vst v4;
	v3 =	vld [tilespmem:s13+$0x20]  }
0x60d: {  	s12 =	simm.s32 $0x0;
	v4 =	vld [tilespmem:s13+$0xFFFFFFC0];
	[tilespmem:s0+$0xFFFFFFB0] =	vst v5;
	s13 =	simm.s32 $0x120C0  }
.LBB2_100:
0x60e: {  	v5 =	vld [tilespmem:s13+$0x30];
	s12 =	sadd.s32 $0x80, s12;
	[tilespmem:s0+$0xFFFFFFC0] =	vst v0  }
0x60f: {  	v6 =	vld [tilespmem:s13+$0xFFFFFFD0];
	p6 =	slt.u32 s12, $0x1F80;
	[tilespmem:s0+$0xFFFFFFD0] =	vst v1  }
0x610: {  	v7 =	vld [tilespmem:s13+$0xFFFFFFE0];
	[tilespmem:s0+$0xFFFFFFE0] =	vst v2  }
.Ltmp57:
0x611: {  	v0 =	vld [tilespmem:s13+$0xFFFFFFF0];
	[tilespmem:s0+$0xFFFFFFF0] =	vst v3;
	(pc) =	sbr.rel @p6 .LBB2_100-.Ltmp57, $4  }
0x612: {  	v1 =	vld [tilespmem:s13+$0x0];
	[tilespmem:s0+$0xFFFFFF90] =	vst v4;
	s0 =	sadd.s32 $0x400, s0  }
0x613: {  	v2 =	vld [tilespmem:s13+$0x10];
	[tilespmem:s0+$0x0] =	vst v5  }
0x614: {  	[tilespmem:s0+$0xFFFFFFA0] =	vst v6;
	v3 =	vld [tilespmem:s13+$0x20]  }
0x615: {  	v4 =	vld [tilespmem:s13+$0xFFFFFFC0];
	[tilespmem:s0+$0xFFFFFFB0] =	vst v7;
	s13 =	sadd.s32 $0x80, s13  }
0x616: {  	[tilespmem:s0+$0xFFFFFFC0] =	vst v0  }
0x617: {  	[tilespmem:s0+$0xFFFFFFD0] =	vst v1  }
0x618: {  	[tilespmem:s0+$0xFFFFFFE0] =	vst v2  }
0x619: {  	[tilespmem:s0+$0xFFFFFFF0] =	vst v3  }
0x61a: {  	[tilespmem:s0+$0xFFFFFF90] =	vst v4  }
0x61b: {  	_ =	swait.ge [sflag:s4], $0x2000  }
0x61c: {  	[sflag:s4] =	ssyncset.done $0x0  }
0x61d: {  	s13 =	simm.s32 $0x10040;
	[sflag:s4] =	ssyncadd.s32 $0xFFFFE000  }
0x61e: {  	v3 =	vld [tilespmem:s13+$0x30]  }
0x61f: {  	v4 =	vld [tilespmem:s13+$0xFFFFFFD0]  }
0x620: {  	v5 =	vld [tilespmem:s13+$0xFFFFFFE0]  }
0x621: {  	v0 =	vld [tilespmem:s13+$0xFFFFFFF0]  }
0x622: {  	s0 =	simm.s32 $0x270;
	v1 =	vld [tilespmem:s13+$0x0]  }
0x623: {  	v2 =	vld [tilespmem:s13+$0x10];
	[tilespmem:s0+$0x0] =	vst v3  }
0x624: {  	[tilespmem:s0+$0xFFFFFFA0] =	vst v4;
	v3 =	vld [tilespmem:s13+$0x20]  }
0x625: {  	s12 =	simm.s32 $0x0;
	v4 =	vld [tilespmem:s13+$0xFFFFFFC0];
	[tilespmem:s0+$0xFFFFFFB0] =	vst v5;
	s13 =	simm.s32 $0x100C0  }
.LBB2_102:
0x626: {  	v5 =	vld [tilespmem:s13+$0x30];
	s12 =	sadd.s32 $0x80, s12;
	[tilespmem:s0+$0xFFFFFFC0] =	vst v0  }
0x627: {  	v6 =	vld [tilespmem:s13+$0xFFFFFFD0];
	p6 =	slt.u32 s12, $0x1F80;
	[tilespmem:s0+$0xFFFFFFD0] =	vst v1  }
0x628: {  	v7 =	vld [tilespmem:s13+$0xFFFFFFE0];
	[tilespmem:s0+$0xFFFFFFE0] =	vst v2  }
.Ltmp58:
0x629: {  	v0 =	vld [tilespmem:s13+$0xFFFFFFF0];
	[tilespmem:s0+$0xFFFFFFF0] =	vst v3;
	(pc) =	sbr.rel @p6 .LBB2_102-.Ltmp58, $4  }
0x62a: {  	v1 =	vld [tilespmem:s13+$0x0];
	[tilespmem:s0+$0xFFFFFF90] =	vst v4;
	s0 =	sadd.s32 $0x400, s0  }
0x62b: {  	v2 =	vld [tilespmem:s13+$0x10];
	[tilespmem:s0+$0x0] =	vst v5  }
0x62c: {  	[tilespmem:s0+$0xFFFFFFA0] =	vst v6;
	v3 =	vld [tilespmem:s13+$0x20]  }
0x62d: {  	v4 =	vld [tilespmem:s13+$0xFFFFFFC0];
	[tilespmem:s0+$0xFFFFFFB0] =	vst v7;
	s13 =	sadd.s32 $0x80, s13  }
0x62e: {  	[tilespmem:s0+$0xFFFFFFC0] =	vst v0  }
0x62f: {  	[tilespmem:s0+$0xFFFFFFD0] =	vst v1  }
0x630: {  	[tilespmem:s0+$0xFFFFFFE0] =	vst v2  }
0x631: {  	[tilespmem:s0+$0xFFFFFFF0] =	vst v3  }
0x632: {  	[tilespmem:s0+$0xFFFFFF90] =	vst v4  }
.Ltmp59:
0x633: {  	s0 =	rddreg [dreg:$0xe];
	(pc) =	sbr.rel .LBB2_104-.Ltmp59, $4  }
0x634: {  	[hbm4b:s0+s3] =	stream.linear.scatter [tilespmem:s3], [sflag:$0x4], $0x10000, $0x38;
	[tilespmem:$0x15F80] =	vst v63  }
0x635: {  	_ =	swait.ge [sflag:s31], $0x10000  }
0x636: {  	[sflag:s31] =	ssyncset.done $0x0  }
0x637: {  	[sflag:s31] =	ssyncadd.s32 $0xFFFF0000  }
.LBB2_105:
0x638: {  	_ =	sfence.sel $0x180000  }
0x639: {  	[bflag:$0x0] =	sbarrier.arrive $0xFFFF  }
0x63a: {  	_ =	strace $0x90000047  }
0x63b: {  	s0 =	stileid.u32;
	[bflag:$0x2] =	sbarrier.arrive $0xFFFF  }
0x63c: {  	p0 =	sne.s32 s0, $0x0;
	s0 =	rddreg [dreg:$0x3]  }
0x63d: {  	s0 =	sadd.s32 @!p0 $0x100000, s0  }
0x63e: {  	[sflag:s0] =	ssyncadd.tile.s32 @!p0 $0x1;
	_ =	shalt  }
.Lfunc_end2:
_tile_overlayer_lowered:
.L_overlay_start_2:
0x63f: {  	(tag) =	ssettag $0x2  }
0x640: {  	s0 =	rddreg [dreg:$0x0];
	s2 =	stileid.u32  }
0x641: {  	s1 =	rddreg [dreg:$0x1];
	p0 =	sne.s32 s2, $0x0  }
0x642: {  	s3 =	rddreg [dreg:$0x2];
	[bflag:$0x3] =	sbarrier.arrive $0xFFFF;
	s2 =	simm.s32 @!p0 $0x1C04  }
0x643: {  	[timem:s3], [sflag:s2] =	dma.local @!p0 [hbm:s0], s1  }
0x644: {  	s0 =	simm.s32 @!p0 $0x4  }
0x645: {  	_ =	swait.ge @!p0 [sflag:s0], s1  }
0x646: {  	s1 =	ssub.s32 @!p0 $0x0, s1;
	[sflag:s0] =	ssyncset.done @!p0 $0x0  }
0x647: {  	[sflag:s0] =	ssyncadd.s32 @!p0 s1  }
0x648: {  	[bflag:$0x3] =	sbarrier.arrive $0xFFFF  }
0x649: {  	_ =	shalt  }

</sc_bundles>
